<compile_context>
chip_gen: v7x
topology: tpu7x:2x2x1
jax: 0.10.2.dev20260603
libtpu: 0.0.44.dev20260713+nightly
codegen_flags: <defaults>
</compile_context>

<pallas_src>
import jax
import jax.numpy as jnp
from jax import lax
from jax.experimental import pallas as pl
from jax.experimental.pallas import tpu as pltpu
from jax.experimental.pallas import tpu_sc as plsc

N = 10000
E = 320000
EL = E + N
F_IN = 128
H1, C1 = 8, 8
D1 = H1 * C1
NUM_CLASSES = 40
D2 = 48

NC, NS, L = 2, 16, 16
CH = 128
N1 = 10016
TRASH = N
N_CHUNKS = 2592
EPAD = N_CHUNKS * CH
CHUNKS_W = N_CHUNKS // (NS * NC)
ROWS_PER_TILE = N1 // NS
UNROLL = 4



def _prep1_body(x_ref, w1_ref, ms_ref, md_ref, has_ref, ad_ref):
    h = jnp.dot(x_ref[...], w1_ref[...], preferred_element_type=jnp.float32)
    hs = jnp.dot(h, ms_ref[...], preferred_element_type=jnp.float32)
    has_ref[...] = jnp.concatenate([h, hs], axis=1)
    ad_ref[...] = jnp.dot(h, md_ref[...], preferred_element_type=jnp.float32)


def _prep2_body(acc_ref, b1_ref, rsel_ref, w2_ref, ms_ref, md_ref,
                has_ref, ad_ref):
    o = acc_ref[0] + acc_ref[1]
    num = o[:, :D1]
    srec = 1.0 / (o[:, D1:D1 + H1] + 1e-16)
    sexp = jnp.dot(srec, rsel_ref[...], preferred_element_type=jnp.float32)
    o1 = num * sexp + b1_ref[...]
    x2 = jnp.where(o1 > 0, o1, jnp.exp(o1) - 1.0)
    h2 = jnp.dot(x2, w2_ref[...], preferred_element_type=jnp.float32)
    ones_col = (lax.broadcasted_iota(jnp.int32, (1, D2), 1)
                == NUM_CLASSES).astype(jnp.float32)
    h2 = h2 + ones_col
    hs = jnp.dot(h2, ms_ref[...], preferred_element_type=jnp.float32)
    has_ref[...] = jnp.concatenate([h2, hs], axis=1)
    ad_ref[...] = jnp.dot(h2, md_ref[...], preferred_element_type=jnp.float32)


def _final_body(acc_ref, b2_ref, lsm_ref, out_ref):
    o = acc_ref[0] + acc_ref[1]
    num = o[:N, :NUM_CLASSES]
    sden = o[:N, NUM_CLASSES:NUM_CLASSES + 1]
    res = num / (sden + 1e-16) + b2_ref[...]
    m = jnp.max(res, axis=1, keepdims=True)
    ex = jnp.exp(res - m)
    ssum = jnp.sum(ex, axis=1, keepdims=True)
    lsm_ref[...] = res - m - jnp.log(ssum)
    out_ref[...] = res



def _make_sc_layer(DH, multi_head):
    GW = DH + L
    DT = DH + L if multi_head else DH
    mesh = plsc.VectorSubcoreMesh(core_axis_name="c", subcore_axis_name="s")
    nj = DH // L

    assert CHUNKS_W % 3 == 0

    def body(ei_hbm, has_hbm, ad_hbm, outp,
             idx0, idx1, idx2, has0, has1, has2, ad0, ad1, ad2, alf,
             msg0, msg1, msg2, acc_sh,
             semg0, semg1, semg2, sems0, sems1, sems2):
        c = lax.axis_index("c")
        s = lax.axis_index("s")
        wid = c * NS + s
        zero16 = jnp.zeros((L,), jnp.float32)
        idxv = [idx0, idx1, idx2]
        hasv = [has0, has1, has2]
        adv = [ad0, ad1, ad2]
        msgv = [msg0, msg1, msg2]
        semg = [semg0, semg1, semg2]
        sems = [sems0, sems1, sems2]

        pltpu.sync_copy(ei_hbm.at[wid * CHUNKS_W], idx0)
        pltpu.async_copy(has_hbm.at[idx0.at[0]], has0, semg0)
        pltpu.async_copy(ad_hbm.at[idx0.at[1]], ad0, semg0)

        def _zmsg(i, _):
            for j in range(DT // L):
                msg0[i, pl.ds(j * L, L)] = zero16
            return 0
        lax.fori_loop(0, CH, _zmsg, 0)

        for t in range(-(-ROWS_PER_TILE // CH)):
            r = s * ROWS_PER_TILE + t * CH
            rows = min(CH, ROWS_PER_TILE - t * CH)
            pltpu.sync_copy(msg0.at[pl.ds(0, rows)],
                            acc_sh.at[pl.ds(r, rows)])
        plsc.subcore_barrier()

        def start_load(b, k):
            pltpu.sync_copy(ei_hbm.at[wid * CHUNKS_W + k], idxv[b])
            pltpu.async_copy(has_hbm.at[idxv[b].at[0]], hasv[b], semg[b])
            pltpu.async_copy(ad_hbm.at[idxv[b].at[1]], adv[b], semg[b])

        def wait_load(b):
            pltpu.make_async_copy(has_hbm.at[idxv[b].at[0]], hasv[b],
                                  semg[b]).wait()
            pltpu.make_async_copy(ad_hbm.at[idxv[b].at[1]], adv[b],
                                  semg[b]).wait()

        def start_scatter(b):
            pltpu.async_copy(msgv[b], acc_sh.at[idxv[b].at[1]], sems[b],
                             add=True)

        def wait_scatter(b):
            pltpu.make_async_copy(msgv[b], acc_sh.at[idxv[b].at[1]],
                                  sems[b]).wait()

        def compute(b):
            def group(g, _):
                i0 = g * UNROLL
                if multi_head:
                    for u in range(UNROLL):
                        i = i0 + u
                        v = hasv[b][i, pl.ds(DH, L)] + adv[b][i]
                        v = jnp.maximum(v, v * 0.2)
                        ex = jnp.exp(v)
                        alf[pl.ds(u * L, L)] = ex
                        msgv[b][i, pl.ds(DH, L)] = ex
                    lane = lax.broadcasted_iota(jnp.int32, (L,), 0)
                    half = lane // 8
                    for u in range(UNROLL):
                        i = i0 + u
                        for j in range(nj):
                            aej = plsc.load_gather(
                                alf, [half + (u * L + 2 * j)])
                            msgv[b][i, pl.ds(j * L, L)] = (
                                hasv[b][i, pl.ds(j * L, L)] * aej)
                else:
                    for u in range(UNROLL):
                        i = i0 + u
                        v = hasv[b][i, pl.ds(DH, L)] + adv[b][i]
                        v = jnp.maximum(v, v * 0.2)
                        ex = jnp.exp(v)
                        for j in range(nj):
                            msgv[b][i, pl.ds(j * L, L)] = (
                                hasv[b][i, pl.ds(j * L, L)] * ex)
                return 0
            lax.fori_loop(0, CH // UNROLL, group, 0)

        def triple(t, _):
            for b in range(3):
                k = 3 * t + b
                bn = (b + 1) % 3
                if b == 2:
                    wait_scatter(bn)
                else:
                    @pl.when(t > 0)
                    def _():
                        wait_scatter(bn)
                if b == 2:
                    @pl.when(t < CHUNKS_W // 3 - 1)
                    def _():
                        start_load(bn, k + 1)
                else:
                    start_load(bn, k + 1)
                wait_load(b)
                compute(b)
                start_scatter(b)
            return 0
        lax.fori_loop(0, CHUNKS_W // 3, triple, 0)
        wait_scatter((CHUNKS_W - 2) % 3)
        wait_scatter((CHUNKS_W - 1) % 3)
        plsc.subcore_barrier()

        for t in range(-(-ROWS_PER_TILE // CH)):
            r = s * ROWS_PER_TILE + t * CH
            rows = min(CH, ROWS_PER_TILE - t * CH)
            pltpu.sync_copy(acc_sh.at[pl.ds(r, rows)],
                            outp.at[c].at[pl.ds(r, rows)])

    return pl.kernel(
        body,
        out_type=jax.ShapeDtypeStruct((NC, N1, DT), jnp.float32),
        mesh=mesh,
        scratch_types=(
            [pltpu.VMEM((2, CH), jnp.int32)] * 3
            + [pltpu.VMEM((CH, GW), jnp.float32)] * 3
            + [pltpu.VMEM((CH, L), jnp.float32)] * 3
            + [pltpu.VMEM((UNROLL * L,), jnp.float32)]
            + [pltpu.VMEM((CH, DT), jnp.float32)] * 3
            + [pltpu.VMEM_SHARED((N1, DT), jnp.float32)]
            + [pltpu.SemaphoreType.DMA] * 6
        ),
        compiler_params=pltpu.CompilerParams(
            use_tc_tiling_on_sc=False, needs_layout_passes=False),
    )


_sc_layer1 = _make_sc_layer(D1, True)
_sc_layer2 = _make_sc_layer(D2, False)


def _dup_att_matrix(att_vec, d_in):
    k = jnp.arange(d_in)[:, None]
    l = jnp.arange(L)[None, :]
    if d_in == D1:
        mask = (k // C1) == (l % H1)
    else:
        mask = jnp.ones((d_in, L), bool)
    return att_vec[:, None] * mask.astype(jnp.float32)


def kernel(x, edge_index, W1, att_src1, att_dst1, b1, W2, att_src2, att_dst2, b2):
    ei = edge_index.astype(jnp.int32)
    loops = jnp.arange(N, dtype=jnp.int32)
    padi = jnp.full((EPAD - EL,), TRASH, jnp.int32)
    src = jnp.concatenate([ei[0], loops, padi])
    dst = jnp.concatenate([ei[1], loops, padi])
    ei3 = jnp.stack([src.reshape(N_CHUNKS, CH), dst.reshape(N_CHUNKS, CH)],
                    axis=1)

    xp = jnp.pad(x, ((0, N1 - N), (0, 0)))
    ms1 = _dup_att_matrix(att_src1.reshape(D1), D1)
    md1 = _dup_att_matrix(att_dst1.reshape(D1), D1)
    w2p = jnp.pad(W2, ((0, 0), (0, D2 - NUM_CLASSES)))
    a2s = jnp.pad(att_src2.reshape(NUM_CLASSES), (0, D2 - NUM_CLASSES))
    a2d = jnp.pad(att_dst2.reshape(NUM_CLASSES), (0, D2 - NUM_CLASSES))
    ms2 = _dup_att_matrix(a2s, D2)
    md2 = _dup_att_matrix(a2d, D2)
    rsel = (jnp.arange(D1)[None, :] // C1 == jnp.arange(H1)[:, None])
    rsel = rsel.astype(jnp.float32)

    has1, ad1 = pl.pallas_call(
        _prep1_body,
        out_shape=[
            jax.ShapeDtypeStruct((N1, D1 + L), jnp.float32),
            jax.ShapeDtypeStruct((N1, L), jnp.float32),
        ],
    )(xp, W1, ms1, md1)

    acc1 = _sc_layer1(ei3, has1, ad1)

    has2, ad2 = pl.pallas_call(
        _prep2_body,
        out_shape=[
            jax.ShapeDtypeStruct((N1, D2 + L), jnp.float32),
            jax.ShapeDtypeStruct((N1, L), jnp.float32),
        ],
    )(acc1, b1.reshape(1, D1), rsel, w2p, ms2, md2)

    acc2 = _sc_layer2(ei3, has2, ad2)

    lsm, out = pl.pallas_call(
        _final_body,
        out_shape=[
            jax.ShapeDtypeStruct((N, NUM_CLASSES), jnp.float32),
            jax.ShapeDtypeStruct((N, NUM_CLASSES), jnp.float32),
        ],
    )(acc2, b2.reshape(1, NUM_CLASSES))

    return (lsm, out)

# --- scband reference (transcript-rebuilt; emitter-appended) ---
"""Pipeline reference for scband-gat-40424232190065 (READ-ONLY COPY).

The authoritative reference and input builder live on the scoring server;
editing this copy changes nothing except your own understanding.
"""

import jax, jax.numpy as jnp
import numpy as np

N = 10000
E = 320000
F_IN = 128
H1, C1 = 8, 8
NUM_CLASSES = 40


def setup_inputs(seed: int = 0) -> dict:
    key = jax.random.key(seed)
    ks = jax.random.split(key, 10)
    x = jax.random.normal(ks[0], (N, F_IN), dtype=jnp.float32)
    edge_index = jax.random.randint(ks[1], (2, E), 0, N)
    W1 = jax.random.normal(ks[2], (F_IN, H1 * C1), dtype=jnp.float32) * 0.1
    att_src1 = jax.random.normal(ks[3], (1, H1, C1), dtype=jnp.float32) * 0.1
    att_dst1 = jax.random.normal(ks[4], (1, H1, C1), dtype=jnp.float32) * 0.1
    b1 = jnp.zeros((H1 * C1,), dtype=jnp.float32)
    W2 = jax.random.normal(ks[5], (H1 * C1, NUM_CLASSES), dtype=jnp.float32) * 0.1
    att_src2 = jax.random.normal(ks[6], (1, 1, NUM_CLASSES), dtype=jnp.float32) * 0.1
    att_dst2 = jax.random.normal(ks[7], (1, 1, NUM_CLASSES), dtype=jnp.float32) * 0.1
    b2 = jnp.zeros((NUM_CLASSES,), dtype=jnp.float32)
    return {"x": x, "edge_index": edge_index, "W1": W1, "att_src1": att_src1, "att_dst1": att_dst1, "b1": b1, "W2": W2, "att_src2": att_src2, "att_dst2": att_dst2, "b2": b2}


def _gat_conv(x, src, dst, W, att_src, att_dst, bias, heads, out_ch, concat):
    h = (x @ W).reshape(N, heads, out_ch)
    a_src = (h * att_src).sum(-1)
    a_dst = (h * att_dst).sum(-1)
    e = jax.nn.leaky_relu(a_src[src] + a_dst[dst], 0.2)
    m = jax.ops.segment_max(e, dst, num_segments=N)
    m = jnp.where(jnp.isfinite(m), m, 0.0)
    ex = jnp.exp(e - m[dst])
    s = jax.ops.segment_sum(ex, dst, num_segments=N)
    alpha = ex / (s[dst] + 1e-16)
    out = jax.ops.segment_sum(h[src] * alpha[:, :, None], dst, num_segments=N)
    if concat:
        out = out.reshape(N, heads * out_ch)
    else:
        out = out.mean(axis=1)
    return out + bias


def reference(x, edge_index, W1, att_src1, att_dst1, b1, W2, att_src2, att_dst2, b2):
    # eval mode: dropout is identity. PyG GATConv adds self-loops by default.
    loops = jnp.arange(N, dtype=edge_index.dtype)
    ei = jnp.concatenate([edge_index, jnp.stack([loops, loops])], axis=1)
    src, dst = ei[0], ei[1]
    h = _gat_conv(x, src, dst, W1, att_src1, att_dst1, b1, H1, C1, True)
    h = jax.nn.elu(h)
    out = _gat_conv(h, src, dst, W2, att_src2, att_dst2, b2, 1, NUM_CLASSES, False)
    return (jax.nn.log_softmax(out, axis=1), out)

if __name__ == "__main__":
    import jax
    _d = setup_inputs()
    print(jax.jit(kernel)(*tuple(_d.values())))

</pallas_src>

<mosaic_0001>
#map = affine_map<(d0, d1) -> (0, 0, 0)>
#map1 = affine_map<(d0, d1) -> (0, 0)>
module attributes {stable_mosaic.version = 14 : i64} {
  func.func @body(%arg0: i32, %arg1: i32, %arg2: memref<2592x2x128xi32, #tpu.memory_space<hbm>>, %arg3: memref<10016x80xf32, #tpu.memory_space<hbm>>, %arg4: memref<10016x16xf32, #tpu.memory_space<hbm>>, %arg5: memref<2x10016x80xf32, #tpu.memory_space<hbm>>, %arg6: memref<2x128xi32, #tpu.memory_space<vmem>>, %arg7: memref<2x128xi32, #tpu.memory_space<vmem>>, %arg8: memref<2x128xi32, #tpu.memory_space<vmem>>, %arg9: memref<128x80xf32, #tpu.memory_space<vmem>>, %arg10: memref<128x80xf32, #tpu.memory_space<vmem>>, %arg11: memref<128x80xf32, #tpu.memory_space<vmem>>, %arg12: memref<128x16xf32, #tpu.memory_space<vmem>>, %arg13: memref<128x16xf32, #tpu.memory_space<vmem>>, %arg14: memref<128x16xf32, #tpu.memory_space<vmem>>, %arg15: memref<64xf32, #tpu.memory_space<vmem>>, %arg16: memref<128x80xf32, #tpu.memory_space<vmem>>, %arg17: memref<128x80xf32, #tpu.memory_space<vmem>>, %arg18: memref<128x80xf32, #tpu.memory_space<vmem>>, %arg19: memref<10016x80xf32, #tpu.memory_space<vmem_shared>>, %arg20: memref<!tpu.dma_semaphore, #tpu.memory_space<semaphore_mem>>, %arg21: memref<!tpu.dma_semaphore, #tpu.memory_space<semaphore_mem>>, %arg22: memref<!tpu.dma_semaphore, #tpu.memory_space<semaphore_mem>>, %arg23: memref<!tpu.dma_semaphore, #tpu.memory_space<semaphore_mem>>, %arg24: memref<!tpu.dma_semaphore, #tpu.memory_space<semaphore_mem>>, %arg25: memref<!tpu.dma_semaphore, #tpu.memory_space<semaphore_mem>>) attributes {dimension_semantics = [#tpu.dimension_semantics<core_parallel>, #tpu.dimension_semantics<subcore_parallel>], iteration_bounds = array<i64: 2, 16>, scalar_prefetch = 0 : i64, scratch_operands = 20 : i64, tpu.core_type = #tpu.core_type<sc_vector_subcore>, window_params = [{transform_indices = #map}, {transform_indices = #map1}, {transform_indices = #map1}, {transform_indices = #map}]} {
    %mul3A = arith.constant 16 : i32
    %mul3A_0 = arith.muli %arg0, %mul3A : i32
    %add3A = arith.addi %mul3A_0, %arg1 : i32
    %broadcast_in_dim3A = arith.constant 0.000000e+00 : f32
    %broadcast_in_dim3A_1 = vector.broadcast %broadcast_in_dim3A : f32 to vector<16xf32>
    %mul3A_2 = arith.constant 81 : i32
    %mul3A_3 = arith.muli %add3A, %mul3A_2 : i32
    "tpu.region"() ({
      %run_scoped3A = tpu.sem_alloc : memref<!tpu.dma_semaphore, #tpu.memory_space<semaphore_mem>>
      %dma_start3A_84 = arith.constant 0 : i32
      %dma_start3A_85 = arith.constant 0 : i32
      %dma_start3A_86 = tpu.memref_slice %arg2[%mul3A_3, %dma_start3A_84, %dma_start3A_85] : memref<2592x2x128xi32, #tpu.memory_space<hbm>> -> memref<1x2x128xi32, #tpu.memory_space<hbm>>
      %dma_start3A_87 = tpu.memref_squeeze %dma_start3A_86 : memref<1x2x128xi32, #tpu.memory_space<hbm>> -> memref<2x128xi32, #tpu.memory_space<hbm>>
      %dma_start3A_88 = arith.constant 0 : i32
      %dma_start3A_89 = arith.constant 0 : i32
      %dma_start3A_90 = tpu.memref_slice %arg2[%mul3A_3, %dma_start3A_88, %dma_start3A_89] : memref<2592x2x128xi32, #tpu.memory_space<hbm>> -> memref<1x2x128xi32, #tpu.memory_space<hbm>>
      %dma_start3A_91 = tpu.memref_squeeze %dma_start3A_90 : memref<1x2x128xi32, #tpu.memory_space<hbm>> -> memref<2x128xi32, #tpu.memory_space<hbm>>
      tpu.enqueue_dma source(%dma_start3A_91 : memref<2x128xi32, #tpu.memory_space<hbm>>) target(%arg6 : memref<2x128xi32, #tpu.memory_space<vmem>>) target_semaphore(%run_scoped3A : memref<!tpu.dma_semaphore, #tpu.memory_space<semaphore_mem>>)
      %dma_wait3A_92 = arith.constant 0 : i32
      %dma_wait3A_93 = arith.constant 0 : i32
      %dma_wait3A_94 = tpu.memref_slice %arg2[%mul3A_3, %dma_wait3A_92, %dma_wait3A_93] : memref<2592x2x128xi32, #tpu.memory_space<hbm>> -> memref<1x2x128xi32, #tpu.memory_space<hbm>>
      %dma_wait3A_95 = tpu.memref_squeeze %dma_wait3A_94 : memref<1x2x128xi32, #tpu.memory_space<hbm>> -> memref<2x128xi32, #tpu.memory_space<hbm>>
      %dma_wait3A_96 = arith.constant 0 : i32
      %dma_wait3A_97 = arith.constant 0 : i32
      %dma_wait3A_98 = tpu.memref_slice %arg2[%mul3A_3, %dma_wait3A_96, %dma_wait3A_97] : memref<2592x2x128xi32, #tpu.memory_space<hbm>> -> memref<1x2x128xi32, #tpu.memory_space<hbm>>
      %dma_wait3A_99 = tpu.memref_squeeze %dma_wait3A_98 : memref<1x2x128xi32, #tpu.memory_space<hbm>> -> memref<2x128xi32, #tpu.memory_space<hbm>>
      tpu.wait_dma2 semaphore(%run_scoped3A : memref<!tpu.dma_semaphore, #tpu.memory_space<semaphore_mem>>) src(%dma_wait3A_99 : memref<2x128xi32, #tpu.memory_space<hbm>>) dst(%arg6 : memref<2x128xi32, #tpu.memory_space<vmem>>)
      tpu.yield
    }) : () -> ()
    %dma_start3A = arith.constant 0 : i32
    %dma_start3A_4 = arith.constant 0 : i32
    %dma_start3A_5 = tpu.memref_slice %arg6[%dma_start3A, %dma_start3A_4] : memref<2x128xi32, #tpu.memory_space<vmem>> -> memref<1x128xi32, #tpu.memory_space<vmem>>
    %dma_start3A_6 = tpu.memref_squeeze %dma_start3A_5 : memref<1x128xi32, #tpu.memory_space<vmem>> -> memref<128xi32, #tpu.memory_space<vmem>>
    %dma_start3A_7 = arith.constant 0 : i32
    %dma_start3A_8 = arith.constant 0 : i32
    %dma_start3A_9 = tpu.memref_slice %arg3[%dma_start3A_7, %dma_start3A_8] : memref<10016x80xf32, #tpu.memory_space<hbm>> -> memref<10016x80xf32, #tpu.memory_space<hbm>>
    tpu.enqueue_indirect_dma source(%dma_start3A_9 : memref<10016x80xf32, #tpu.memory_space<hbm>>) target(%arg9 : memref<128x80xf32, #tpu.memory_space<vmem>>) offsets(%dma_start3A_6 : memref<128xi32, #tpu.memory_space<vmem>>) semaphore(%arg20 : memref<!tpu.dma_semaphore, #tpu.memory_space<semaphore_mem>>)
    %dma_start3A_10 = arith.constant 1 : i32
    %dma_start3A_11 = arith.constant 0 : i32
    %dma_start3A_12 = tpu.memref_slice %arg6[%dma_start3A_10, %dma_start3A_11] : memref<2x128xi32, #tpu.memory_space<vmem>> -> memref<1x128xi32, #tpu.memory_space<vmem>>
    %dma_start3A_13 = tpu.memref_squeeze %dma_start3A_12 : memref<1x128xi32, #tpu.memory_space<vmem>> -> memref<128xi32, #tpu.memory_space<vmem>>
    %dma_start3A_14 = arith.constant 0 : i32
    %dma_start3A_15 = arith.constant 0 : i32
    %dma_start3A_16 = tpu.memref_slice %arg4[%dma_start3A_14, %dma_start3A_15] : memref<10016x16xf32, #tpu.memory_space<hbm>> -> memref<10016x16xf32, #tpu.memory_space<hbm>>
    tpu.enqueue_indirect_dma source(%dma_start3A_16 : memref<10016x16xf32, #tpu.memory_space<hbm>>) target(%arg12 : memref<128x16xf32, #tpu.memory_space<vmem>>) offsets(%dma_start3A_13 : memref<128xi32, #tpu.memory_space<vmem>>) semaphore(%arg20 : memref<!tpu.dma_semaphore, #tpu.memory_space<semaphore_mem>>)
    %scan3A = arith.constant 0 : i32
    %scan3A_17 = arith.constant 0 : i32
    %scan3A_18 = arith.constant 128 : i32
    %scan3A_19 = arith.addi %scan3A_17, %scan3A_18 : i32
    %scan3A_20 = arith.constant 1 : i32
    %scan3A_21 = scf.for %scan3A_84 = %scan3A_17 to %scan3A_19 step %scan3A_20 iter_args(%scan3A_85 = %scan3A) -> (i32)  : i32 {
      %swap3A = arith.index_cast %scan3A_84 : i32 to index
      %swap3A_86 = arith.constant 0 : index
      %swap3A_87 = tpu.vector_load %arg16[%swap3A, %swap3A_86] {strides = array<i32>} : memref<128x80xf32, #tpu.memory_space<vmem>>, vector<16xf32>,
      tpu.vector_store %arg16[%swap3A, %swap3A_86], %broadcast_in_dim3A_1 {strides = array<i32>} : memref<128x80xf32, #tpu.memory_space<vmem>>, vector<16xf32>,
      %swap3A_88 = arith.index_cast %scan3A_84 : i32 to index
      %swap3A_89 = arith.constant 16 : index
      %swap3A_90 = tpu.vector_load %arg16[%swap3A_88, %swap3A_89] {strides = array<i32>} : memref<128x80xf32, #tpu.memory_space<vmem>>, vector<16xf32>,
      tpu.vector_store %arg16[%swap3A_88, %swap3A_89], %broadcast_in_dim3A_1 {strides = array<i32>} : memref<128x80xf32, #tpu.memory_space<vmem>>, vector<16xf32>,
      %swap3A_91 = arith.index_cast %scan3A_84 : i32 to index
      %swap3A_92 = arith.constant 32 : index
      %swap3A_93 = tpu.vector_load %arg16[%swap3A_91, %swap3A_92] {strides = array<i32>} : memref<128x80xf32, #tpu.memory_space<vmem>>, vector<16xf32>,
      tpu.vector_store %arg16[%swap3A_91, %swap3A_92], %broadcast_in_dim3A_1 {strides = array<i32>} : memref<128x80xf32, #tpu.memory_space<vmem>>, vector<16xf32>,
      %swap3A_94 = arith.index_cast %scan3A_84 : i32 to index
      %swap3A_95 = arith.constant 48 : index
      %swap3A_96 = tpu.vector_load %arg16[%swap3A_94, %swap3A_95] {strides = array<i32>} : memref<128x80xf32, #tpu.memory_space<vmem>>, vector<16xf32>,
      tpu.vector_store %arg16[%swap3A_94, %swap3A_95], %broadcast_in_dim3A_1 {strides = array<i32>} : memref<128x80xf32, #tpu.memory_space<vmem>>, vector<16xf32>,
      %swap3A_97 = arith.index_cast %scan3A_84 : i32 to index
      %swap3A_98 = arith.constant 64 : index
      %swap3A_99 = tpu.vector_load %arg16[%swap3A_97, %swap3A_98] {strides = array<i32>} : memref<128x80xf32, #tpu.memory_space<vmem>>, vector<16xf32>,
      tpu.vector_store %arg16[%swap3A_97, %swap3A_98], %broadcast_in_dim3A_1 {strides = array<i32>} : memref<128x80xf32, #tpu.memory_space<vmem>>, vector<16xf32>,
      %scan3A_100 = arith.constant 0 : i32
      scf.yield %scan3A_100 : i32
    }
    %scan3A_22 = arith.constant 128 : i32
    %mul3A_23 = arith.constant 626 : i32
    %mul3A_24 = arith.muli %arg1, %mul3A_23 : i32
    %add3A_25 = arith.constant 0 : i32
    %add3A_26 = arith.addi %mul3A_24, %add3A_25 : i32
    "tpu.region"() ({
      %run_scoped3A = tpu.sem_alloc : memref<!tpu.dma_semaphore, #tpu.memory_space<semaphore_mem>>
      %dma_start3A_84 = arith.constant 0 : i32
      %dma_start3A_85 = arith.constant 0 : i32
      %dma_start3A_86 = tpu.memref_slice %arg16[%dma_start3A_84, %dma_start3A_85] : memref<128x80xf32, #tpu.memory_space<vmem>> -> memref<128x80xf32, #tpu.memory_space<vmem>>
      %dma_start3A_87 = arith.constant 0 : i32
      %dma_start3A_88 = tpu.memref_slice %arg19[%add3A_26, %dma_start3A_87] : memref<10016x80xf32, #tpu.memory_space<vmem_shared>> -> memref<128x80xf32, #tpu.memory_space<vmem_shared>>
      %dma_start3A_89 = arith.constant 0 : i32
      %dma_start3A_90 = tpu.memref_slice %arg19[%add3A_26, %dma_start3A_89] : memref<10016x80xf32, #tpu.memory_space<vmem_shared>> -> memref<128x80xf32, #tpu.memory_space<vmem_shared>>
      %dma_start3A_91 = arith.constant 0 : i32
      %dma_start3A_92 = arith.constant 0 : i32
      %dma_start3A_93 = tpu.memref_slice %arg16[%dma_start3A_91, %dma_start3A_92] : memref<128x80xf32, #tpu.memory_space<vmem>> -> memref<128x80xf32, #tpu.memory_space<vmem>>
      tpu.enqueue_dma source(%dma_start3A_93 : memref<128x80xf32, #tpu.memory_space<vmem>>) target(%dma_start3A_90 : memref<128x80xf32, #tpu.memory_space<vmem_shared>>) target_semaphore(%run_scoped3A : memref<!tpu.dma_semaphore, #tpu.memory_space<semaphore_mem>>)
      %dma_wait3A_94 = arith.constant 0 : i32
      %dma_wait3A_95 = arith.constant 0 : i32
      %dma_wait3A_96 = tpu.memref_slice %arg16[%dma_wait3A_94, %dma_wait3A_95] : memref<128x80xf32, #tpu.memory_space<vmem>> -> memref<128x80xf32, #tpu.memory_space<vmem>>
      %dma_wait3A_97 = arith.constant 0 : i32
      %dma_wait3A_98 = tpu.memref_slice %arg19[%add3A_26, %dma_wait3A_97] : memref<10016x80xf32, #tpu.memory_space<vmem_shared>> -> memref<128x80xf32, #tpu.memory_space<vmem_shared>>
      %dma_wait3A_99 = arith.constant 0 : i32
      %dma_wait3A_100 = tpu.memref_slice %arg19[%add3A_26, %dma_wait3A_99] : memref<10016x80xf32, #tpu.memory_space<vmem_shared>> -> memref<128x80xf32, #tpu.memory_space<vmem_shared>>
      %dma_wait3A_101 = arith.constant 0 : i32
      %dma_wait3A_102 = arith.constant 0 : i32
      %dma_wait3A_103 = tpu.memref_slice %arg16[%dma_wait3A_101, %dma_wait3A_102] : memref<128x80xf32, #tpu.memory_space<vmem>> -> memref<128x80xf32, #tpu.memory_space<vmem>>
      tpu.wait_dma2 semaphore(%run_scoped3A : memref<!tpu.dma_semaphore, #tpu.memory_space<semaphore_mem>>) src(%dma_wait3A_103 : memref<128x80xf32, #tpu.memory_space<vmem>>) dst(%dma_wait3A_100 : memref<128x80xf32, #tpu.memory_space<vmem_shared>>)
      tpu.yield
    }) : () -> ()
    %mul3A_27 = arith.constant 626 : i32
    %mul3A_28 = arith.muli %arg1, %mul3A_27 : i32
    %add3A_29 = arith.constant 128 : i32
    %add3A_30 = arith.addi %mul3A_28, %add3A_29 : i32
    "tpu.region"() ({
      %run_scoped3A = tpu.sem_alloc : memref<!tpu.dma_semaphore, #tpu.memory_space<semaphore_mem>>
      %dma_start3A_84 = arith.constant 0 : i32
      %dma_start3A_85 = arith.constant 0 : i32
      %dma_start3A_86 = tpu.memref_slice %arg16[%dma_start3A_84, %dma_start3A_85] : memref<128x80xf32, #tpu.memory_space<vmem>> -> memref<128x80xf32, #tpu.memory_space<vmem>>
      %dma_start3A_87 = arith.constant 0 : i32
      %dma_start3A_88 = tpu.memref_slice %arg19[%add3A_30, %dma_start3A_87] : memref<10016x80xf32, #tpu.memory_space<vmem_shared>> -> memref<128x80xf32, #tpu.memory_space<vmem_shared>>
      %dma_start3A_89 = arith.constant 0 : i32
      %dma_start3A_90 = tpu.memref_slice %arg19[%add3A_30, %dma_start3A_89] : memref<10016x80xf32, #tpu.memory_space<vmem_shared>> -> memref<128x80xf32, #tpu.memory_space<vmem_shared>>
      %dma_start3A_91 = arith.constant 0 : i32
      %dma_start3A_92 = arith.constant 0 : i32
      %dma_start3A_93 = tpu.memref_slice %arg16[%dma_start3A_91, %dma_start3A_92] : memref<128x80xf32, #tpu.memory_space<vmem>> -> memref<128x80xf32, #tpu.memory_space<vmem>>
      tpu.enqueue_dma source(%dma_start3A_93 : memref<128x80xf32, #tpu.memory_space<vmem>>) target(%dma_start3A_90 : memref<128x80xf32, #tpu.memory_space<vmem_shared>>) target_semaphore(%run_scoped3A : memref<!tpu.dma_semaphore, #tpu.memory_space<semaphore_mem>>)
      %dma_wait3A_94 = arith.constant 0 : i32
      %dma_wait3A_95 = arith.constant 0 : i32
      %dma_wait3A_96 = tpu.memref_slice %arg16[%dma_wait3A_94, %dma_wait3A_95] : memref<128x80xf32, #tpu.memory_space<vmem>> -> memref<128x80xf32, #tpu.memory_space<vmem>>
      %dma_wait3A_97 = arith.constant 0 : i32
      %dma_wait3A_98 = tpu.memref_slice %arg19[%add3A_30, %dma_wait3A_97] : memref<10016x80xf32, #tpu.memory_space<vmem_shared>> -> memref<128x80xf32, #tpu.memory_space<vmem_shared>>
      %dma_wait3A_99 = arith.constant 0 : i32
      %dma_wait3A_100 = tpu.memref_slice %arg19[%add3A_30, %dma_wait3A_99] : memref<10016x80xf32, #tpu.memory_space<vmem_shared>> -> memref<128x80xf32, #tpu.memory_space<vmem_shared>>
      %dma_wait3A_101 = arith.constant 0 : i32
      %dma_wait3A_102 = arith.constant 0 : i32
      %dma_wait3A_103 = tpu.memref_slice %arg16[%dma_wait3A_101, %dma_wait3A_102] : memref<128x80xf32, #tpu.memory_space<vmem>> -> memref<128x80xf32, #tpu.memory_space<vmem>>
      tpu.wait_dma2 semaphore(%run_scoped3A : memref<!tpu.dma_semaphore, #tpu.memory_space<semaphore_mem>>) src(%dma_wait3A_103 : memref<128x80xf32, #tpu.memory_space<vmem>>) dst(%dma_wait3A_100 : memref<128x80xf32, #tpu.memory_space<vmem_shared>>)
      tpu.yield
    }) : () -> ()
    %mul3A_31 = arith.constant 626 : i32
    %mul3A_32 = arith.muli %arg1, %mul3A_31 : i32
    %add3A_33 = arith.constant 256 : i32
    %add3A_34 = arith.addi %mul3A_32, %add3A_33 : i32
    "tpu.region"() ({
      %run_scoped3A = tpu.sem_alloc : memref<!tpu.dma_semaphore, #tpu.memory_space<semaphore_mem>>
      %dma_start3A_84 = arith.constant 0 : i32
      %dma_start3A_85 = arith.constant 0 : i32
      %dma_start3A_86 = tpu.memref_slice %arg16[%dma_start3A_84, %dma_start3A_85] : memref<128x80xf32, #tpu.memory_space<vmem>> -> memref<128x80xf32, #tpu.memory_space<vmem>>
      %dma_start3A_87 = arith.constant 0 : i32
      %dma_start3A_88 = tpu.memref_slice %arg19[%add3A_34, %dma_start3A_87] : memref<10016x80xf32, #tpu.memory_space<vmem_shared>> -> memref<128x80xf32, #tpu.memory_space<vmem_shared>>
      %dma_start3A_89 = arith.constant 0 : i32
      %dma_start3A_90 = tpu.memref_slice %arg19[%add3A_34, %dma_start3A_89] : memref<10016x80xf32, #tpu.memory_space<vmem_shared>> -> memref<128x80xf32, #tpu.memory_space<vmem_shared>>
      %dma_start3A_91 = arith.constant 0 : i32
      %dma_start3A_92 = arith.constant 0 : i32
      %dma_start3A_93 = tpu.memref_slice %arg16[%dma_start3A_91, %dma_start3A_92] : memref<128x80xf32, #tpu.memory_space<vmem>> -> memref<128x80xf32, #tpu.memory_space<vmem>>
      tpu.enqueue_dma source(%dma_start3A_93 : memref<128x80xf32, #tpu.memory_space<vmem>>) target(%dma_start3A_90 : memref<128x80xf32, #tpu.memory_space<vmem_shared>>) target_semaphore(%run_scoped3A : memref<!tpu.dma_semaphore, #tpu.memory_space<semaphore_mem>>)
      %dma_wait3A_94 = arith.constant 0 : i32
      %dma_wait3A_95 = arith.constant 0 : i32
      %dma_wait3A_96 = tpu.memref_slice %arg16[%dma_wait3A_94, %dma_wait3A_95] : memref<128x80xf32, #tpu.memory_space<vmem>> -> memref<128x80xf32, #tpu.memory_space<vmem>>
      %dma_wait3A_97 = arith.constant 0 : i32
      %dma_wait3A_98 = tpu.memref_slice %arg19[%add3A_34, %dma_wait3A_97] : memref<10016x80xf32, #tpu.memory_space<vmem_shared>> -> memref<128x80xf32, #tpu.memory_space<vmem_shared>>
      %dma_wait3A_99 = arith.constant 0 : i32
      %dma_wait3A_100 = tpu.memref_slice %arg19[%add3A_34, %dma_wait3A_99] : memref<10016x80xf32, #tpu.memory_space<vmem_shared>> -> memref<128x80xf32, #tpu.memory_space<vmem_shared>>
      %dma_wait3A_101 = arith.constant 0 : i32
      %dma_wait3A_102 = arith.constant 0 : i32
      %dma_wait3A_103 = tpu.memref_slice %arg16[%dma_wait3A_101, %dma_wait3A_102] : memref<128x80xf32, #tpu.memory_space<vmem>> -> memref<128x80xf32, #tpu.memory_space<vmem>>
      tpu.wait_dma2 semaphore(%run_scoped3A : memref<!tpu.dma_semaphore, #tpu.memory_space<semaphore_mem>>) src(%dma_wait3A_103 : memref<128x80xf32, #tpu.memory_space<vmem>>) dst(%dma_wait3A_100 : memref<128x80xf32, #tpu.memory_space<vmem_shared>>)
      tpu.yield
    }) : () -> ()
    %mul3A_35 = arith.constant 626 : i32
    %mul3A_36 = arith.muli %arg1, %mul3A_35 : i32
    %add3A_37 = arith.constant 384 : i32
    %add3A_38 = arith.addi %mul3A_36, %add3A_37 : i32
    "tpu.region"() ({
      %run_scoped3A = tpu.sem_alloc : memref<!tpu.dma_semaphore, #tpu.memory_space<semaphore_mem>>
      %dma_start3A_84 = arith.constant 0 : i32
      %dma_start3A_85 = arith.constant 0 : i32
      %dma_start3A_86 = tpu.memref_slice %arg16[%dma_start3A_84, %dma_start3A_85] : memref<128x80xf32, #tpu.memory_space<vmem>> -> memref<128x80xf32, #tpu.memory_space<vmem>>
      %dma_start3A_87 = arith.constant 0 : i32
      %dma_start3A_88 = tpu.memref_slice %arg19[%add3A_38, %dma_start3A_87] : memref<10016x80xf32, #tpu.memory_space<vmem_shared>> -> memref<128x80xf32, #tpu.memory_space<vmem_shared>>
      %dma_start3A_89 = arith.constant 0 : i32
      %dma_start3A_90 = tpu.memref_slice %arg19[%add3A_38, %dma_start3A_89] : memref<10016x80xf32, #tpu.memory_space<vmem_shared>> -> memref<128x80xf32, #tpu.memory_space<vmem_shared>>
      %dma_start3A_91 = arith.constant 0 : i32
      %dma_start3A_92 = arith.constant 0 : i32
      %dma_start3A_93 = tpu.memref_slice %arg16[%dma_start3A_91, %dma_start3A_92] : memref<128x80xf32, #tpu.memory_space<vmem>> -> memref<128x80xf32, #tpu.memory_space<vmem>>
      tpu.enqueue_dma source(%dma_start3A_93 : memref<128x80xf32, #tpu.memory_space<vmem>>) target(%dma_start3A_90 : memref<128x80xf32, #tpu.memory_space<vmem_shared>>) target_semaphore(%run_scoped3A : memref<!tpu.dma_semaphore, #tpu.memory_space<semaphore_mem>>)
      %dma_wait3A_94 = arith.constant 0 : i32
      %dma_wait3A_95 = arith.constant 0 : i32
      %dma_wait3A_96 = tpu.memref_slice %arg16[%dma_wait3A_94, %dma_wait3A_95] : memref<128x80xf32, #tpu.memory_space<vmem>> -> memref<128x80xf32, #tpu.memory_space<vmem>>
      %dma_wait3A_97 = arith.constant 0 : i32
      %dma_wait3A_98 = tpu.memref_slice %arg19[%add3A_38, %dma_wait3A_97] : memref<10016x80xf32, #tpu.memory_space<vmem_shared>> -> memref<128x80xf32, #tpu.memory_space<vmem_shared>>
      %dma_wait3A_99 = arith.constant 0 : i32
      %dma_wait3A_100 = tpu.memref_slice %arg19[%add3A_38, %dma_wait3A_99] : memref<10016x80xf32, #tpu.memory_space<vmem_shared>> -> memref<128x80xf32, #tpu.memory_space<vmem_shared>>
      %dma_wait3A_101 = arith.constant 0 : i32
      %dma_wait3A_102 = arith.constant 0 : i32
      %dma_wait3A_103 = tpu.memref_slice %arg16[%dma_wait3A_101, %dma_wait3A_102] : memref<128x80xf32, #tpu.memory_space<vmem>> -> memref<128x80xf32, #tpu.memory_space<vmem>>
      tpu.wait_dma2 semaphore(%run_scoped3A : memref<!tpu.dma_semaphore, #tpu.memory_space<semaphore_mem>>) src(%dma_wait3A_103 : memref<128x80xf32, #tpu.memory_space<vmem>>) dst(%dma_wait3A_100 : memref<128x80xf32, #tpu.memory_space<vmem_shared>>)
      tpu.yield
    }) : () -> ()
    %mul3A_39 = arith.constant 626 : i32
    %mul3A_40 = arith.muli %arg1, %mul3A_39 : i32
    %add3A_41 = arith.constant 512 : i32
    %add3A_42 = arith.addi %mul3A_40, %add3A_41 : i32
    "tpu.region"() ({
      %run_scoped3A = tpu.sem_alloc : memref<!tpu.dma_semaphore, #tpu.memory_space<semaphore_mem>>
      %dma_start3A_84 = arith.constant 0 : i32
      %dma_start3A_85 = arith.constant 0 : i32
      %dma_start3A_86 = tpu.memref_slice %arg16[%dma_start3A_84, %dma_start3A_85] : memref<128x80xf32, #tpu.memory_space<vmem>> -> memref<114x80xf32, #tpu.memory_space<vmem>>
      %dma_start3A_87 = arith.constant 0 : i32
      %dma_start3A_88 = tpu.memref_slice %arg19[%add3A_42, %dma_start3A_87] : memref<10016x80xf32, #tpu.memory_space<vmem_shared>> -> memref<114x80xf32, #tpu.memory_space<vmem_shared>>
      %dma_start3A_89 = arith.constant 0 : i32
      %dma_start3A_90 = tpu.memref_slice %arg19[%add3A_42, %dma_start3A_89] : memref<10016x80xf32, #tpu.memory_space<vmem_shared>> -> memref<114x80xf32, #tpu.memory_space<vmem_shared>>
      %dma_start3A_91 = arith.constant 0 : i32
      %dma_start3A_92 = arith.constant 0 : i32
      %dma_start3A_93 = tpu.memref_slice %arg16[%dma_start3A_91, %dma_start3A_92] : memref<128x80xf32, #tpu.memory_space<vmem>> -> memref<114x80xf32, #tpu.memory_space<vmem>>
      tpu.enqueue_dma source(%dma_start3A_93 : memref<114x80xf32, #tpu.memory_space<vmem>>) target(%dma_start3A_90 : memref<114x80xf32, #tpu.memory_space<vmem_shared>>) target_semaphore(%run_scoped3A : memref<!tpu.dma_semaphore, #tpu.memory_space<semaphore_mem>>)
      %dma_wait3A_94 = arith.constant 0 : i32
      %dma_wait3A_95 = arith.constant 0 : i32
      %dma_wait3A_96 = tpu.memref_slice %arg16[%dma_wait3A_94, %dma_wait3A_95] : memref<128x80xf32, #tpu.memory_space<vmem>> -> memref<114x80xf32, #tpu.memory_space<vmem>>
      %dma_wait3A_97 = arith.constant 0 : i32
      %dma_wait3A_98 = tpu.memref_slice %arg19[%add3A_42, %dma_wait3A_97] : memref<10016x80xf32, #tpu.memory_space<vmem_shared>> -> memref<114x80xf32, #tpu.memory_space<vmem_shared>>
      %dma_wait3A_99 = arith.constant 0 : i32
      %dma_wait3A_100 = tpu.memref_slice %arg19[%add3A_42, %dma_wait3A_99] : memref<10016x80xf32, #tpu.memory_space<vmem_shared>> -> memref<114x80xf32, #tpu.memory_space<vmem_shared>>
      %dma_wait3A_101 = arith.constant 0 : i32
      %dma_wait3A_102 = arith.constant 0 : i32
      %dma_wait3A_103 = tpu.memref_slice %arg16[%dma_wait3A_101, %dma_wait3A_102] : memref<128x80xf32, #tpu.memory_space<vmem>> -> memref<114x80xf32, #tpu.memory_space<vmem>>
      tpu.wait_dma2 semaphore(%run_scoped3A : memref<!tpu.dma_semaphore, #tpu.memory_space<semaphore_mem>>) src(%dma_wait3A_103 : memref<114x80xf32, #tpu.memory_space<vmem>>) dst(%dma_wait3A_100 : memref<114x80xf32, #tpu.memory_space<vmem_shared>>)
      tpu.yield
    }) : () -> ()
    %barrier3A = arith.constant 0 : index
    tpu.barrier barrier_id(%barrier3A)
    %scan3A_43 = arith.constant 0 : i32
    %scan3A_44 = arith.constant 0 : i32
    %scan3A_45 = arith.constant 27 : i32
    %scan3A_46 = arith.addi %scan3A_44, %scan3A_45 : i32
    %scan3A_47 = arith.constant 1 : i32
    %scan3A_48 = scf.for %scan3A_84 = %scan3A_44 to %scan3A_46 step %scan3A_47 iter_args(%scan3A_85 = %scan3A_43) -> (i32)  : i32 {
      %mul3A_86 = arith.constant 3 : i32
      %mul3A_87 = arith.muli %mul3A_86, %scan3A_84 : i32
      %add3A_88 = arith.constant 0 : i32
      %add3A_89 = arith.addi %mul3A_87, %add3A_88 : i32
      %gt3A = arith.constant 0 : i32
      %gt3A_90 = arith.cmpi sgt, %scan3A_84, %gt3A : i32
      %convert_element_type3A = arith.extui %gt3A_90 : i1 to i32
      %cond3A = arith.constant 0 : i32
      %cond3A_91 = arith.cmpi ne, %convert_element_type3A, %cond3A : i32
      scf.if %cond3A_91 {
        %dma_wait3A_239 = arith.constant 1 : i32
        %dma_wait3A_240 = arith.constant 0 : i32
        %dma_wait3A_241 = tpu.memref_slice %arg7[%dma_wait3A_239, %dma_wait3A_240] : memref<2x128xi32, #tpu.memory_space<vmem>> -> memref<1x128xi32, #tpu.memory_space<vmem>>
        %dma_wait3A_242 = tpu.memref_squeeze %dma_wait3A_241 : memref<1x128xi32, #tpu.memory_space<vmem>> -> memref<128xi32, #tpu.memory_space<vmem>>
        %dma_wait3A_243 = arith.constant 0 : i32
        %dma_wait3A_244 = arith.constant 0 : i32
        %dma_wait3A_245 = tpu.memref_slice %arg19[%dma_wait3A_243, %dma_wait3A_244] : memref<10016x80xf32, #tpu.memory_space<vmem_shared>> -> memref<10016x80xf32, #tpu.memory_space<vmem_shared>>
        tpu.wait_indirect_dma semaphore(%arg24 : memref<!tpu.dma_semaphore, #tpu.memory_space<semaphore_mem>>) src(%arg17 : memref<128x80xf32, #tpu.memory_space<vmem>>) dst(%dma_wait3A_245 : memref<10016x80xf32, #tpu.memory_space<vmem_shared>>)
      } else {
      }
      %add3A_92 = arith.constant 1 : i32
      %add3A_93 = arith.addi %add3A_89, %add3A_92 : i32
      %mul3A_94 = arith.constant 81 : i32
      %mul3A_95 = arith.muli %add3A, %mul3A_94 : i32
      %add3A_96 = arith.addi %mul3A_95, %add3A_93 : i32
      "tpu.region"() ({
        %run_scoped3A = tpu.sem_alloc : memref<!tpu.dma_semaphore, #tpu.memory_space<semaphore_mem>>
        %dma_start3A_239 = arith.constant 0 : i32
        %dma_start3A_240 = arith.constant 0 : i32
        %dma_start3A_241 = tpu.memref_slice %arg2[%add3A_96, %dma_start3A_239, %dma_start3A_240] : memref<2592x2x128xi32, #tpu.memory_space<hbm>> -> memref<1x2x128xi32, #tpu.memory_space<hbm>>
        %dma_start3A_242 = tpu.memref_squeeze %dma_start3A_241 : memref<1x2x128xi32, #tpu.memory_space<hbm>> -> memref<2x128xi32, #tpu.memory_space<hbm>>
        %dma_start3A_243 = arith.constant 0 : i32
        %dma_start3A_244 = arith.constant 0 : i32
        %dma_start3A_245 = tpu.memref_slice %arg2[%add3A_96, %dma_start3A_243, %dma_start3A_244] : memref<2592x2x128xi32, #tpu.memory_space<hbm>> -> memref<1x2x128xi32, #tpu.memory_space<hbm>>
        %dma_start3A_246 = tpu.memref_squeeze %dma_start3A_245 : memref<1x2x128xi32, #tpu.memory_space<hbm>> -> memref<2x128xi32, #tpu.memory_space<hbm>>
        tpu.enqueue_dma source(%dma_start3A_246 : memref<2x128xi32, #tpu.memory_space<hbm>>) target(%arg7 : memref<2x128xi32, #tpu.memory_space<vmem>>) target_semaphore(%run_scoped3A : memref<!tpu.dma_semaphore, #tpu.memory_space<semaphore_mem>>)
        %dma_wait3A_247 = arith.constant 0 : i32
        %dma_wait3A_248 = arith.constant 0 : i32
        %dma_wait3A_249 = tpu.memref_slice %arg2[%add3A_96, %dma_wait3A_247, %dma_wait3A_248] : memref<2592x2x128xi32, #tpu.memory_space<hbm>> -> memref<1x2x128xi32, #tpu.memory_space<hbm>>
        %dma_wait3A_250 = tpu.memref_squeeze %dma_wait3A_249 : memref<1x2x128xi32, #tpu.memory_space<hbm>> -> memref<2x128xi32, #tpu.memory_space<hbm>>
        %dma_wait3A_251 = arith.constant 0 : i32
        %dma_wait3A_252 = arith.constant 0 : i32
        %dma_wait3A_253 = tpu.memref_slice %arg2[%add3A_96, %dma_wait3A_251, %dma_wait3A_252] : memref<2592x2x128xi32, #tpu.memory_space<hbm>> -> memref<1x2x128xi32, #tpu.memory_space<hbm>>
        %dma_wait3A_254 = tpu.memref_squeeze %dma_wait3A_253 : memref<1x2x128xi32, #tpu.memory_space<hbm>> -> memref<2x128xi32, #tpu.memory_space<hbm>>
        tpu.wait_dma2 semaphore(%run_scoped3A : memref<!tpu.dma_semaphore, #tpu.memory_space<semaphore_mem>>) src(%dma_wait3A_254 : memref<2x128xi32, #tpu.memory_space<hbm>>) dst(%arg7 : memref<2x128xi32, #tpu.memory_space<vmem>>)
        tpu.yield
      }) : () -> ()
      %dma_start3A_97 = arith.constant 0 : i32
      %dma_start3A_98 = arith.constant 0 : i32
      %dma_start3A_99 = tpu.memref_slice %arg7[%dma_start3A_97, %dma_start3A_98] : memref<2x128xi32, #tpu.memory_space<vmem>> -> memref<1x128xi32, #tpu.memory_space<vmem>>
      %dma_start3A_100 = tpu.memref_squeeze %dma_start3A_99 : memref<1x128xi32, #tpu.memory_space<vmem>> -> memref<128xi32, #tpu.memory_space<vmem>>
      %dma_start3A_101 = arith.constant 0 : i32
      %dma_start3A_102 = arith.constant 0 : i32
      %dma_start3A_103 = tpu.memref_slice %arg3[%dma_start3A_101, %dma_start3A_102] : memref<10016x80xf32, #tpu.memory_space<hbm>> -> memref<10016x80xf32, #tpu.memory_space<hbm>>
      tpu.enqueue_indirect_dma source(%dma_start3A_103 : memref<10016x80xf32, #tpu.memory_space<hbm>>) target(%arg10 : memref<128x80xf32, #tpu.memory_space<vmem>>) offsets(%dma_start3A_100 : memref<128xi32, #tpu.memory_space<vmem>>) semaphore(%arg21 : memref<!tpu.dma_semaphore, #tpu.memory_space<semaphore_mem>>)
      %dma_start3A_104 = arith.constant 1 : i32
      %dma_start3A_105 = arith.constant 0 : i32
      %dma_start3A_106 = tpu.memref_slice %arg7[%dma_start3A_104, %dma_start3A_105] : memref<2x128xi32, #tpu.memory_space<vmem>> -> memref<1x128xi32, #tpu.memory_space<vmem>>
      %dma_start3A_107 = tpu.memref_squeeze %dma_start3A_106 : memref<1x128xi32, #tpu.memory_space<vmem>> -> memref<128xi32, #tpu.memory_space<vmem>>
      %dma_start3A_108 = arith.constant 0 : i32
      %dma_start3A_109 = arith.constant 0 : i32
      %dma_start3A_110 = tpu.memref_slice %arg4[%dma_start3A_108, %dma_start3A_109] : memref<10016x16xf32, #tpu.memory_space<hbm>> -> memref<10016x16xf32, #tpu.memory_space<hbm>>
      tpu.enqueue_indirect_dma source(%dma_start3A_110 : memref<10016x16xf32, #tpu.memory_space<hbm>>) target(%arg13 : memref<128x16xf32, #tpu.memory_space<vmem>>) offsets(%dma_start3A_107 : memref<128xi32, #tpu.memory_space<vmem>>) semaphore(%arg21 : memref<!tpu.dma_semaphore, #tpu.memory_space<semaphore_mem>>)
      %dma_wait3A_111 = arith.constant 0 : i32
      %dma_wait3A_112 = arith.constant 0 : i32
      %dma_wait3A_113 = tpu.memref_slice %arg6[%dma_wait3A_111, %dma_wait3A_112] : memref<2x128xi32, #tpu.memory_space<vmem>> -> memref<1x128xi32, #tpu.memory_space<vmem>>
      %dma_wait3A_114 = tpu.memref_squeeze %dma_wait3A_113 : memref<1x128xi32, #tpu.memory_space<vmem>> -> memref<128xi32, #tpu.memory_space<vmem>>
      %dma_wait3A_115 = arith.constant 0 : i32
      %dma_wait3A_116 = arith.constant 0 : i32
      %dma_wait3A_117 = tpu.memref_slice %arg3[%dma_wait3A_115, %dma_wait3A_116] : memref<10016x80xf32, #tpu.memory_space<hbm>> -> memref<10016x80xf32, #tpu.memory_space<hbm>>
      tpu.wait_indirect_dma semaphore(%arg20 : memref<!tpu.dma_semaphore, #tpu.memory_space<semaphore_mem>>) src(%dma_wait3A_117 : memref<10016x80xf32, #tpu.memory_space<hbm>>) dst(%arg9 : memref<128x80xf32, #tpu.memory_space<vmem>>)
      %dma_wait3A_118 = arith.constant 1 : i32
      %dma_wait3A_119 = arith.constant 0 : i32
      %dma_wait3A_120 = tpu.memref_slice %arg6[%dma_wait3A_118, %dma_wait3A_119] : memref<2x128xi32, #tpu.memory_space<vmem>> -> memref<1x128xi32, #tpu.memory_space<vmem>>
      %dma_wait3A_121 = tpu.memref_squeeze %dma_wait3A_120 : memref<1x128xi32, #tpu.memory_space<vmem>> -> memref<128xi32, #tpu.memory_space<vmem>>
      %dma_wait3A_122 = arith.constant 0 : i32
      %dma_wait3A_123 = arith.constant 0 : i32
      %dma_wait3A_124 = tpu.memref_slice %arg4[%dma_wait3A_122, %dma_wait3A_123] : memref<10016x16xf32, #tpu.memory_space<hbm>> -> memref<10016x16xf32, #tpu.memory_space<hbm>>
      tpu.wait_indirect_dma semaphore(%arg20 : memref<!tpu.dma_semaphore, #tpu.memory_space<semaphore_mem>>) src(%dma_wait3A_124 : memref<10016x16xf32, #tpu.memory_space<hbm>>) dst(%arg12 : memref<128x16xf32, #tpu.memory_space<vmem>>)
      %scan3A_125 = arith.constant 0 : i32
      %scan3A_126 = arith.constant 0 : i32
      %scan3A_127 = arith.constant 32 : i32
      %scan3A_128 = arith.addi %scan3A_126, %scan3A_127 : i32
      %scan3A_129 = arith.constant 1 : i32
      %scan3A_130 = scf.for %scan3A_239 = %scan3A_126 to %scan3A_128 step %scan3A_129 iter_args(%scan3A_240 = %scan3A_125) -> (i32)  : i32 {
        %mul3A_241 = arith.constant 4 : i32
        %mul3A_242 = arith.muli %scan3A_239, %mul3A_241 : i32
        %add3A_243 = arith.constant 0 : i32
        %add3A_244 = arith.addi %mul3A_242, %add3A_243 : i32
        %get3A = arith.index_cast %add3A_244 : i32 to index
        %get3A_245 = arith.constant 64 : index
        %get3A_246 = tpu.vector_load %arg9[%get3A, %get3A_245] {strides = array<i32>} : memref<128x80xf32, #tpu.memory_space<vmem>>, vector<16xf32>,
        %get3A_247 = arith.index_cast %add3A_244 : i32 to index
        %get3A_248 = arith.constant 0 : index
        %get3A_249 = tpu.vector_load %arg12[%get3A_247, %get3A_248] {strides = array<i32>} : memref<128x16xf32, #tpu.memory_space<vmem>>, vector<16xf32>,
        %add3A_250 = arith.addf %get3A_246, %get3A_249 : vector<16xf32>
        %mul3A_251 = arith.constant 2.000000e-01 : f32
        %mul3A_252 = vector.broadcast %mul3A_251 : f32 to vector<16xf32>
        %mul3A_253 = arith.mulf %add3A_250, %mul3A_252 : vector<16xf32>
        %max3A = arith.maximumf %add3A_250, %mul3A_253 : vector<16xf32>
        %exp3A = math.exp %max3A : vector<16xf32>
        %swap3A = arith.constant 0 : index
        %swap3A_254 = tpu.vector_load %arg15[%swap3A] {strides = array<i32>} : memref<64xf32, #tpu.memory_space<vmem>>, vector<16xf32>,
        tpu.vector_store %arg15[%swap3A], %exp3A {strides = array<i32>} : memref<64xf32, #tpu.memory_space<vmem>>, vector<16xf32>,
        %swap3A_255 = arith.index_cast %add3A_244 : i32 to index
        %swap3A_256 = arith.constant 64 : index
        %swap3A_257 = tpu.vector_load %arg16[%swap3A_255, %swap3A_256] {strides = array<i32>} : memref<128x80xf32, #tpu.memory_space<vmem>>, vector<16xf32>,
        tpu.vector_store %arg16[%swap3A_255, %swap3A_256], %exp3A {strides = array<i32>} : memref<128x80xf32, #tpu.memory_space<vmem>>, vector<16xf32>,
        %add3A_258 = arith.constant 1 : i32
        %add3A_259 = arith.addi %mul3A_242, %add3A_258 : i32
        %get3A_260 = arith.index_cast %add3A_259 : i32 to index
        %get3A_261 = arith.constant 64 : index
        %get3A_262 = tpu.vector_load %arg9[%get3A_260, %get3A_261] {strides = array<i32>} : memref<128x80xf32, #tpu.memory_space<vmem>>, vector<16xf32>,
        %get3A_263 = arith.index_cast %add3A_259 : i32 to index
        %get3A_264 = arith.constant 0 : index
        %get3A_265 = tpu.vector_load %arg12[%get3A_263, %get3A_264] {strides = array<i32>} : memref<128x16xf32, #tpu.memory_space<vmem>>, vector<16xf32>,
        %add3A_266 = arith.addf %get3A_262, %get3A_265 : vector<16xf32>
        %mul3A_267 = arith.constant 2.000000e-01 : f32
        %mul3A_268 = vector.broadcast %mul3A_267 : f32 to vector<16xf32>
        %mul3A_269 = arith.mulf %add3A_266, %mul3A_268 : vector<16xf32>
        %max3A_270 = arith.maximumf %add3A_266, %mul3A_269 : vector<16xf32>
        %exp3A_271 = math.exp %max3A_270 : vector<16xf32>
        %swap3A_272 = arith.constant 16 : index
        %swap3A_273 = tpu.vector_load %arg15[%swap3A_272] {strides = array<i32>} : memref<64xf32, #tpu.memory_space<vmem>>, vector<16xf32>,
        tpu.vector_store %arg15[%swap3A_272], %exp3A_271 {strides = array<i32>} : memref<64xf32, #tpu.memory_space<vmem>>, vector<16xf32>,
        %swap3A_274 = arith.index_cast %add3A_259 : i32 to index
        %swap3A_275 = arith.constant 64 : index
        %swap3A_276 = tpu.vector_load %arg16[%swap3A_274, %swap3A_275] {strides = array<i32>} : memref<128x80xf32, #tpu.memory_space<vmem>>, vector<16xf32>,
        tpu.vector_store %arg16[%swap3A_274, %swap3A_275], %exp3A_271 {strides = array<i32>} : memref<128x80xf32, #tpu.memory_space<vmem>>, vector<16xf32>,
        %add3A_277 = arith.constant 2 : i32
        %add3A_278 = arith.addi %mul3A_242, %add3A_277 : i32
        %get3A_279 = arith.index_cast %add3A_278 : i32 to index
        %get3A_280 = arith.constant 64 : index
        %get3A_281 = tpu.vector_load %arg9[%get3A_279, %get3A_280] {strides = array<i32>} : memref<128x80xf32, #tpu.memory_space<vmem>>, vector<16xf32>,
        %get3A_282 = arith.index_cast %add3A_278 : i32 to index
        %get3A_283 = arith.constant 0 : index
        %get3A_284 = tpu.vector_load %arg12[%get3A_282, %get3A_283] {strides = array<i32>} : memref<128x16xf32, #tpu.memory_space<vmem>>, vector<16xf32>,
        %add3A_285 = arith.addf %get3A_281, %get3A_284 : vector<16xf32>
        %mul3A_286 = arith.constant 2.000000e-01 : f32
        %mul3A_287 = vector.broadcast %mul3A_286 : f32 to vector<16xf32>
        %mul3A_288 = arith.mulf %add3A_285, %mul3A_287 : vector<16xf32>
        %max3A_289 = arith.maximumf %add3A_285, %mul3A_288 : vector<16xf32>
        %exp3A_290 = math.exp %max3A_289 : vector<16xf32>
        %swap3A_291 = arith.constant 32 : index
        %swap3A_292 = tpu.vector_load %arg15[%swap3A_291] {strides = array<i32>} : memref<64xf32, #tpu.memory_space<vmem>>, vector<16xf32>,
        tpu.vector_store %arg15[%swap3A_291], %exp3A_290 {strides = array<i32>} : memref<64xf32, #tpu.memory_space<vmem>>, vector<16xf32>,
        %swap3A_293 = arith.index_cast %add3A_278 : i32 to index
        %swap3A_294 = arith.constant 64 : index
        %swap3A_295 = tpu.vector_load %arg16[%swap3A_293, %swap3A_294] {strides = array<i32>} : memref<128x80xf32, #tpu.memory_space<vmem>>, vector<16xf32>,
        tpu.vector_store %arg16[%swap3A_293, %swap3A_294], %exp3A_290 {strides = array<i32>} : memref<128x80xf32, #tpu.memory_space<vmem>>, vector<16xf32>,
        %add3A_296 = arith.constant 3 : i32
        %add3A_297 = arith.addi %mul3A_242, %add3A_296 : i32
        %get3A_298 = arith.index_cast %add3A_297 : i32 to index
        %get3A_299 = arith.constant 64 : index
        %get3A_300 = tpu.vector_load %arg9[%get3A_298, %get3A_299] {strides = array<i32>} : memref<128x80xf32, #tpu.memory_space<vmem>>, vector<16xf32>,
        %get3A_301 = arith.index_cast %add3A_297 : i32 to index
        %get3A_302 = arith.constant 0 : index
        %get3A_303 = tpu.vector_load %arg12[%get3A_301, %get3A_302] {strides = array<i32>} : memref<128x16xf32, #tpu.memory_space<vmem>>, vector<16xf32>,
        %add3A_304 = arith.addf %get3A_300, %get3A_303 : vector<16xf32>
        %mul3A_305 = arith.constant 2.000000e-01 : f32
        %mul3A_306 = vector.broadcast %mul3A_305 : f32 to vector<16xf32>
        %mul3A_307 = arith.mulf %add3A_304, %mul3A_306 : vector<16xf32>
        %max3A_308 = arith.maximumf %add3A_304, %mul3A_307 : vector<16xf32>
        %exp3A_309 = math.exp %max3A_308 : vector<16xf32>
        %swap3A_310 = arith.constant 48 : index
        %swap3A_311 = tpu.vector_load %arg15[%swap3A_310] {strides = array<i32>} : memref<64xf32, #tpu.memory_space<vmem>>, vector<16xf32>,
        tpu.vector_store %arg15[%swap3A_310], %exp3A_309 {strides = array<i32>} : memref<64xf32, #tpu.memory_space<vmem>>, vector<16xf32>,
        %swap3A_312 = arith.index_cast %add3A_297 : i32 to index
        %swap3A_313 = arith.constant 64 : index
        %swap3A_314 = tpu.vector_load %arg16[%swap3A_312, %swap3A_313] {strides = array<i32>} : memref<128x80xf32, #tpu.memory_space<vmem>>, vector<16xf32>,
        tpu.vector_store %arg16[%swap3A_312, %swap3A_313], %exp3A_309 {strides = array<i32>} : memref<128x80xf32, #tpu.memory_space<vmem>>, vector<16xf32>,
        %iota3A = tpu.iota {dimensions = array<i32: 0>} : vector<16xi32>
        %jit3A = arith.constant 8 : i32
        %div3A = vector.broadcast %jit3A : i32 to vector<16xi32>
        %div3A_315 = arith.divsi %iota3A, %div3A : vector<16xi32>
        %sign3A = arith.constant 0 : i32
        %sign3A_316 = vector.broadcast %sign3A : i32 to vector<16xi32>
        %sign3A_317 = arith.cmpi sgt, %iota3A, %sign3A_316 : vector<16xi32>
        %sign3A_318 = arith.extui %sign3A_317 : vector<16xi1> to vector<16xi32>
        %sign3A_319 = arith.constant 0 : i32
        %sign3A_320 = vector.broadcast %sign3A_319 : i32 to vector<16xi32>
        %sign3A_321 = arith.cmpi slt, %iota3A, %sign3A_320 : vector<16xi32>
        %sign3A_322 = arith.extui %sign3A_321 : vector<16xi1> to vector<16xi32>
        %sign3A_323 = arith.subi %sign3A_318, %sign3A_322 : vector<16xi32>
        %sign3A_324 = arith.constant 0 : i32
        %sign3A_325 = arith.cmpi sgt, %jit3A, %sign3A_324 : i32
        %sign3A_326 = arith.extui %sign3A_325 : i1 to i32
        %sign3A_327 = arith.constant 0 : i32
        %sign3A_328 = arith.cmpi slt, %jit3A, %sign3A_327 : i32
        %sign3A_329 = arith.extui %sign3A_328 : i1 to i32
        %sign3A_330 = arith.subi %sign3A_326, %sign3A_329 : i32
        %ne3A = vector.broadcast %sign3A_330 : i32 to vector<16xi32>
        %ne3A_331 = arith.cmpi ne, %sign3A_323, %ne3A : vector<16xi32>
        %rem3A = vector.broadcast %jit3A : i32 to vector<16xi32>
        %rem3A_332 = arith.remsi %iota3A, %rem3A : vector<16xi32>
        %ne3A_333 = arith.constant 0 : i32
        %ne3A_334 = vector.broadcast %ne3A_333 : i32 to vector<16xi32>
        %ne3A_335 = arith.cmpi ne, %rem3A_332, %ne3A_334 : vector<16xi32>
        %and3A = arith.andi %ne3A_331, %ne3A_335 : vector<16xi1>
        %sub3A = arith.constant 1 : i32
        %sub3A_336 = vector.broadcast %sub3A : i32 to vector<16xi32>
        %sub3A_337 = arith.subi %div3A_315, %sub3A_336 : vector<16xi32>
        %select_n3A = arith.select %and3A, %sub3A_337, %div3A_315 : vector<16xi1>, vector<16xi32>
        %add3A_338 = arith.constant 0 : i32
        %add3A_339 = arith.addi %mul3A_242, %add3A_338 : i32
        %add3A_340 = arith.constant 0 : i32
        %add3A_341 = vector.broadcast %add3A_340 : i32 to vector<16xi32>
        %add3A_342 = arith.addi %select_n3A, %add3A_341 : vector<16xi32>
        %gather3A = tpu.vector_load_idx %arg15[%add3A_342] : memref<64xf32, #tpu.memory_space<vmem>>[vector<16xi32>], vector<16xf32>,
        %get3A_343 = arith.index_cast %add3A_339 : i32 to index
        %get3A_344 = arith.constant 0 : index
        %get3A_345 = tpu.vector_load %arg9[%get3A_343, %get3A_344] {strides = array<i32>} : memref<128x80xf32, #tpu.memory_space<vmem>>, vector<16xf32>,
        %mul3A_346 = arith.mulf %get3A_345, %gather3A : vector<16xf32>
        %swap3A_347 = arith.index_cast %add3A_339 : i32 to index
        %swap3A_348 = arith.constant 0 : index
        %swap3A_349 = tpu.vector_load %arg16[%swap3A_347, %swap3A_348] {strides = array<i32>} : memref<128x80xf32, #tpu.memory_space<vmem>>, vector<16xf32>,
        tpu.vector_store %arg16[%swap3A_347, %swap3A_348], %mul3A_346 {strides = array<i32>} : memref<128x80xf32, #tpu.memory_space<vmem>>, vector<16xf32>,
        %add3A_350 = arith.constant 2 : i32
        %add3A_351 = vector.broadcast %add3A_350 : i32 to vector<16xi32>
        %add3A_352 = arith.addi %select_n3A, %add3A_351 : vector<16xi32>
        %gather3A_353 = tpu.vector_load_idx %arg15[%add3A_352] : memref<64xf32, #tpu.memory_space<vmem>>[vector<16xi32>], vector<16xf32>,
        %get3A_354 = arith.index_cast %add3A_339 : i32 to index
        %get3A_355 = arith.constant 16 : index
        %get3A_356 = tpu.vector_load %arg9[%get3A_354, %get3A_355] {strides = array<i32>} : memref<128x80xf32, #tpu.memory_space<vmem>>, vector<16xf32>,
        %mul3A_357 = arith.mulf %get3A_356, %gather3A_353 : vector<16xf32>
        %swap3A_358 = arith.index_cast %add3A_339 : i32 to index
        %swap3A_359 = arith.constant 16 : index
        %swap3A_360 = tpu.vector_load %arg16[%swap3A_358, %swap3A_359] {strides = array<i32>} : memref<128x80xf32, #tpu.memory_space<vmem>>, vector<16xf32>,
        tpu.vector_store %arg16[%swap3A_358, %swap3A_359], %mul3A_357 {strides = array<i32>} : memref<128x80xf32, #tpu.memory_space<vmem>>, vector<16xf32>,
        %add3A_361 = arith.constant 4 : i32
        %add3A_362 = vector.broadcast %add3A_361 : i32 to vector<16xi32>
        %add3A_363 = arith.addi %select_n3A, %add3A_362 : vector<16xi32>
        %gather3A_364 = tpu.vector_load_idx %arg15[%add3A_363] : memref<64xf32, #tpu.memory_space<vmem>>[vector<16xi32>], vector<16xf32>,
        %get3A_365 = arith.index_cast %add3A_339 : i32 to index
        %get3A_366 = arith.constant 32 : index
        %get3A_367 = tpu.vector_load %arg9[%get3A_365, %get3A_366] {strides = array<i32>} : memref<128x80xf32, #tpu.memory_space<vmem>>, vector<16xf32>,
        %mul3A_368 = arith.mulf %get3A_367, %gather3A_364 : vector<16xf32>
        %swap3A_369 = arith.index_cast %add3A_339 : i32 to index
        %swap3A_370 = arith.constant 32 : index
        %swap3A_371 = tpu.vector_load %arg16[%swap3A_369, %swap3A_370] {strides = array<i32>} : memref<128x80xf32, #tpu.memory_space<vmem>>, vector<16xf32>,
        tpu.vector_store %arg16[%swap3A_369, %swap3A_370], %mul3A_368 {strides = array<i32>} : memref<128x80xf32, #tpu.memory_space<vmem>>, vector<16xf32>,
        %add3A_372 = arith.constant 6 : i32
        %add3A_373 = vector.broadcast %add3A_372 : i32 to vector<16xi32>
        %add3A_374 = arith.addi %select_n3A, %add3A_373 : vector<16xi32>
        %gather3A_375 = tpu.vector_load_idx %arg15[%add3A_374] : memref<64xf32, #tpu.memory_space<vmem>>[vector<16xi32>], vector<16xf32>,
        %get3A_376 = arith.index_cast %add3A_339 : i32 to index
        %get3A_377 = arith.constant 48 : index
        %get3A_378 = tpu.vector_load %arg9[%get3A_376, %get3A_377] {strides = array<i32>} : memref<128x80xf32, #tpu.memory_space<vmem>>, vector<16xf32>,
        %mul3A_379 = arith.mulf %get3A_378, %gather3A_375 : vector<16xf32>
        %swap3A_380 = arith.index_cast %add3A_339 : i32 to index
        %swap3A_381 = arith.constant 48 : index
        %swap3A_382 = tpu.vector_load %arg16[%swap3A_380, %swap3A_381] {strides = array<i32>} : memref<128x80xf32, #tpu.memory_space<vmem>>, vector<16xf32>,
        tpu.vector_store %arg16[%swap3A_380, %swap3A_381], %mul3A_379 {strides = array<i32>} : memref<128x80xf32, #tpu.memory_space<vmem>>, vector<16xf32>,
        %add3A_383 = arith.constant 1 : i32
        %add3A_384 = arith.addi %mul3A_242, %add3A_383 : i32
        %add3A_385 = arith.constant 16 : i32
        %add3A_386 = vector.broadcast %add3A_385 : i32 to vector<16xi32>
        %add3A_387 = arith.addi %select_n3A, %add3A_386 : vector<16xi32>
        %gather3A_388 = tpu.vector_load_idx %arg15[%add3A_387] : memref<64xf32, #tpu.memory_space<vmem>>[vector<16xi32>], vector<16xf32>,
        %get3A_389 = arith.index_cast %add3A_384 : i32 to index
        %get3A_390 = arith.constant 0 : index
        %get3A_391 = tpu.vector_load %arg9[%get3A_389, %get3A_390] {strides = array<i32>} : memref<128x80xf32, #tpu.memory_space<vmem>>, vector<16xf32>,
        %mul3A_392 = arith.mulf %get3A_391, %gather3A_388 : vector<16xf32>
        %swap3A_393 = arith.index_cast %add3A_384 : i32 to index
        %swap3A_394 = arith.constant 0 : index
        %swap3A_395 = tpu.vector_load %arg16[%swap3A_393, %swap3A_394] {strides = array<i32>} : memref<128x80xf32, #tpu.memory_space<vmem>>, vector<16xf32>,
        tpu.vector_store %arg16[%swap3A_393, %swap3A_394], %mul3A_392 {strides = array<i32>} : memref<128x80xf32, #tpu.memory_space<vmem>>, vector<16xf32>,
        %add3A_396 = arith.constant 18 : i32
        %add3A_397 = vector.broadcast %add3A_396 : i32 to vector<16xi32>
        %add3A_398 = arith.addi %select_n3A, %add3A_397 : vector<16xi32>
        %gather3A_399 = tpu.vector_load_idx %arg15[%add3A_398] : memref<64xf32, #tpu.memory_space<vmem>>[vector<16xi32>], vector<16xf32>,
        %get3A_400 = arith.index_cast %add3A_384 : i32 to index
        %get3A_401 = arith.constant 16 : index
        %get3A_402 = tpu.vector_load %arg9[%get3A_400, %get3A_401] {strides = array<i32>} : memref<128x80xf32, #tpu.memory_space<vmem>>, vector<16xf32>,
        %mul3A_403 = arith.mulf %get3A_402, %gather3A_399 : vector<16xf32>
        %swap3A_404 = arith.index_cast %add3A_384 : i32 to index
        %swap3A_405 = arith.constant 16 : index
        %swap3A_406 = tpu.vector_load %arg16[%swap3A_404, %swap3A_405] {strides = array<i32>} : memref<128x80xf32, #tpu.memory_space<vmem>>, vector<16xf32>,
        tpu.vector_store %arg16[%swap3A_404, %swap3A_405], %mul3A_403 {strides = array<i32>} : memref<128x80xf32, #tpu.memory_space<vmem>>, vector<16xf32>,
        %add3A_407 = arith.constant 20 : i32
        %add3A_408 = vector.broadcast %add3A_407 : i32 to vector<16xi32>
        %add3A_409 = arith.addi %select_n3A, %add3A_408 : vector<16xi32>
        %gather3A_410 = tpu.vector_load_idx %arg15[%add3A_409] : memref<64xf32, #tpu.memory_space<vmem>>[vector<16xi32>], vector<16xf32>,
        %get3A_411 = arith.index_cast %add3A_384 : i32 to index
        %get3A_412 = arith.constant 32 : index
        %get3A_413 = tpu.vector_load %arg9[%get3A_411, %get3A_412] {strides = array<i32>} : memref<128x80xf32, #tpu.memory_space<vmem>>, vector<16xf32>,
        %mul3A_414 = arith.mulf %get3A_413, %gather3A_410 : vector<16xf32>
        %swap3A_415 = arith.index_cast %add3A_384 : i32 to index
        %swap3A_416 = arith.constant 32 : index
        %swap3A_417 = tpu.vector_load %arg16[%swap3A_415, %swap3A_416] {strides = array<i32>} : memref<128x80xf32, #tpu.memory_space<vmem>>, vector<16xf32>,
        tpu.vector_store %arg16[%swap3A_415, %swap3A_416], %mul3A_414 {strides = array<i32>} : memref<128x80xf32, #tpu.memory_space<vmem>>, vector<16xf32>,
        %add3A_418 = arith.constant 22 : i32
        %add3A_419 = vector.broadcast %add3A_418 : i32 to vector<16xi32>
        %add3A_420 = arith.addi %select_n3A, %add3A_419 : vector<16xi32>
        %gather3A_421 = tpu.vector_load_idx %arg15[%add3A_420] : memref<64xf32, #tpu.memory_space<vmem>>[vector<16xi32>], vector<16xf32>,
        %get3A_422 = arith.index_cast %add3A_384 : i32 to index
        %get3A_423 = arith.constant 48 : index
        %get3A_424 = tpu.vector_load %arg9[%get3A_422, %get3A_423] {strides = array<i32>} : memref<128x80xf32, #tpu.memory_space<vmem>>, vector<16xf32>,
        %mul3A_425 = arith.mulf %get3A_424, %gather3A_421 : vector<16xf32>
        %swap3A_426 = arith.index_cast %add3A_384 : i32 to index
        %swap3A_427 = arith.constant 48 : index
        %swap3A_428 = tpu.vector_load %arg16[%swap3A_426, %swap3A_427] {strides = array<i32>} : memref<128x80xf32, #tpu.memory_space<vmem>>, vector<16xf32>,
        tpu.vector_store %arg16[%swap3A_426, %swap3A_427], %mul3A_425 {strides = array<i32>} : memref<128x80xf32, #tpu.memory_space<vmem>>, vector<16xf32>,
        %add3A_429 = arith.constant 2 : i32
        %add3A_430 = arith.addi %mul3A_242, %add3A_429 : i32
        %add3A_431 = arith.constant 32 : i32
        %add3A_432 = vector.broadcast %add3A_431 : i32 to vector<16xi32>
        %add3A_433 = arith.addi %select_n3A, %add3A_432 : vector<16xi32>
        %gather3A_434 = tpu.vector_load_idx %arg15[%add3A_433] : memref<64xf32, #tpu.memory_space<vmem>>[vector<16xi32>], vector<16xf32>,
        %get3A_435 = arith.index_cast %add3A_430 : i32 to index
        %get3A_436 = arith.constant 0 : index
        %get3A_437 = tpu.vector_load %arg9[%get3A_435, %get3A_436] {strides = array<i32>} : memref<128x80xf32, #tpu.memory_space<vmem>>, vector<16xf32>,
        %mul3A_438 = arith.mulf %get3A_437, %gather3A_434 : vector<16xf32>
        %swap3A_439 = arith.index_cast %add3A_430 : i32 to index
        %swap3A_440 = arith.constant 0 : index
        %swap3A_441 = tpu.vector_load %arg16[%swap3A_439, %swap3A_440] {strides = array<i32>} : memref<128x80xf32, #tpu.memory_space<vmem>>, vector<16xf32>,
        tpu.vector_store %arg16[%swap3A_439, %swap3A_440], %mul3A_438 {strides = array<i32>} : memref<128x80xf32, #tpu.memory_space<vmem>>, vector<16xf32>,
        %add3A_442 = arith.constant 34 : i32
        %add3A_443 = vector.broadcast %add3A_442 : i32 to vector<16xi32>
        %add3A_444 = arith.addi %select_n3A, %add3A_443 : vector<16xi32>
        %gather3A_445 = tpu.vector_load_idx %arg15[%add3A_444] : memref<64xf32, #tpu.memory_space<vmem>>[vector<16xi32>], vector<16xf32>,
        %get3A_446 = arith.index_cast %add3A_430 : i32 to index
        %get3A_447 = arith.constant 16 : index
        %get3A_448 = tpu.vector_load %arg9[%get3A_446, %get3A_447] {strides = array<i32>} : memref<128x80xf32, #tpu.memory_space<vmem>>, vector<16xf32>,
        %mul3A_449 = arith.mulf %get3A_448, %gather3A_445 : vector<16xf32>
        %swap3A_450 = arith.index_cast %add3A_430 : i32 to index
        %swap3A_451 = arith.constant 16 : index
        %swap3A_452 = tpu.vector_load %arg16[%swap3A_450, %swap3A_451] {strides = array<i32>} : memref<128x80xf32, #tpu.memory_space<vmem>>, vector<16xf32>,
        tpu.vector_store %arg16[%swap3A_450, %swap3A_451], %mul3A_449 {strides = array<i32>} : memref<128x80xf32, #tpu.memory_space<vmem>>, vector<16xf32>,
        %add3A_453 = arith.constant 36 : i32
        %add3A_454 = vector.broadcast %add3A_453 : i32 to vector<16xi32>
        %add3A_455 = arith.addi %select_n3A, %add3A_454 : vector<16xi32>
        %gather3A_456 = tpu.vector_load_idx %arg15[%add3A_455] : memref<64xf32, #tpu.memory_space<vmem>>[vector<16xi32>], vector<16xf32>,
        %get3A_457 = arith.index_cast %add3A_430 : i32 to index
        %get3A_458 = arith.constant 32 : index
        %get3A_459 = tpu.vector_load %arg9[%get3A_457, %get3A_458] {strides = array<i32>} : memref<128x80xf32, #tpu.memory_space<vmem>>, vector<16xf32>,
        %mul3A_460 = arith.mulf %get3A_459, %gather3A_456 : vector<16xf32>
        %swap3A_461 = arith.index_cast %add3A_430 : i32 to index
        %swap3A_462 = arith.constant 32 : index
        %swap3A_463 = tpu.vector_load %arg16[%swap3A_461, %swap3A_462] {strides = array<i32>} : memref<128x80xf32, #tpu.memory_space<vmem>>, vector<16xf32>,
        tpu.vector_store %arg16[%swap3A_461, %swap3A_462], %mul3A_460 {strides = array<i32>} : memref<128x80xf32, #tpu.memory_space<vmem>>, vector<16xf32>,
        %add3A_464 = arith.constant 38 : i32
        %add3A_465 = vector.broadcast %add3A_464 : i32 to vector<16xi32>
        %add3A_466 = arith.addi %select_n3A, %add3A_465 : vector<16xi32>
        %gather3A_467 = tpu.vector_load_idx %arg15[%add3A_466] : memref<64xf32, #tpu.memory_space<vmem>>[vector<16xi32>], vector<16xf32>,
        %get3A_468 = arith.index_cast %add3A_430 : i32 to index
        %get3A_469 = arith.constant 48 : index
        %get3A_470 = tpu.vector_load %arg9[%get3A_468, %get3A_469] {strides = array<i32>} : memref<128x80xf32, #tpu.memory_space<vmem>>, vector<16xf32>,
        %mul3A_471 = arith.mulf %get3A_470, %gather3A_467 : vector<16xf32>
        %swap3A_472 = arith.index_cast %add3A_430 : i32 to index
        %swap3A_473 = arith.constant 48 : index
        %swap3A_474 = tpu.vector_load %arg16[%swap3A_472, %swap3A_473] {strides = array<i32>} : memref<128x80xf32, #tpu.memory_space<vmem>>, vector<16xf32>,
        tpu.vector_store %arg16[%swap3A_472, %swap3A_473], %mul3A_471 {strides = array<i32>} : memref<128x80xf32, #tpu.memory_space<vmem>>, vector<16xf32>,
        %add3A_475 = arith.constant 3 : i32
        %add3A_476 = arith.addi %mul3A_242, %add3A_475 : i32
        %add3A_477 = arith.constant 48 : i32
        %add3A_478 = vector.broadcast %add3A_477 : i32 to vector<16xi32>
        %add3A_479 = arith.addi %select_n3A, %add3A_478 : vector<16xi32>
        %gather3A_480 = tpu.vector_load_idx %arg15[%add3A_479] : memref<64xf32, #tpu.memory_space<vmem>>[vector<16xi32>], vector<16xf32>,
        %get3A_481 = arith.index_cast %add3A_476 : i32 to index
        %get3A_482 = arith.constant 0 : index
        %get3A_483 = tpu.vector_load %arg9[%get3A_481, %get3A_482] {strides = array<i32>} : memref<128x80xf32, #tpu.memory_space<vmem>>, vector<16xf32>,
        %mul3A_484 = arith.mulf %get3A_483, %gather3A_480 : vector<16xf32>
        %swap3A_485 = arith.index_cast %add3A_476 : i32 to index
        %swap3A_486 = arith.constant 0 : index
        %swap3A_487 = tpu.vector_load %arg16[%swap3A_485, %swap3A_486] {strides = array<i32>} : memref<128x80xf32, #tpu.memory_space<vmem>>, vector<16xf32>,
        tpu.vector_store %arg16[%swap3A_485, %swap3A_486], %mul3A_484 {strides = array<i32>} : memref<128x80xf32, #tpu.memory_space<vmem>>, vector<16xf32>,
        %add3A_488 = arith.constant 50 : i32
        %add3A_489 = vector.broadcast %add3A_488 : i32 to vector<16xi32>
        %add3A_490 = arith.addi %select_n3A, %add3A_489 : vector<16xi32>
        %gather3A_491 = tpu.vector_load_idx %arg15[%add3A_490] : memref<64xf32, #tpu.memory_space<vmem>>[vector<16xi32>], vector<16xf32>,
        %get3A_492 = arith.index_cast %add3A_476 : i32 to index
        %get3A_493 = arith.constant 16 : index
        %get3A_494 = tpu.vector_load %arg9[%get3A_492, %get3A_493] {strides = array<i32>} : memref<128x80xf32, #tpu.memory_space<vmem>>, vector<16xf32>,
        %mul3A_495 = arith.mulf %get3A_494, %gather3A_491 : vector<16xf32>
        %swap3A_496 = arith.index_cast %add3A_476 : i32 to index
        %swap3A_497 = arith.constant 16 : index
        %swap3A_498 = tpu.vector_load %arg16[%swap3A_496, %swap3A_497] {strides = array<i32>} : memref<128x80xf32, #tpu.memory_space<vmem>>, vector<16xf32>,
        tpu.vector_store %arg16[%swap3A_496, %swap3A_497], %mul3A_495 {strides = array<i32>} : memref<128x80xf32, #tpu.memory_space<vmem>>, vector<16xf32>,
        %add3A_499 = arith.constant 52 : i32
        %add3A_500 = vector.broadcast %add3A_499 : i32 to vector<16xi32>
        %add3A_501 = arith.addi %select_n3A, %add3A_500 : vector<16xi32>
        %gather3A_502 = tpu.vector_load_idx %arg15[%add3A_501] : memref<64xf32, #tpu.memory_space<vmem>>[vector<16xi32>], vector<16xf32>,
        %get3A_503 = arith.index_cast %add3A_476 : i32 to index
        %get3A_504 = arith.constant 32 : index
        %get3A_505 = tpu.vector_load %arg9[%get3A_503, %get3A_504] {strides = array<i32>} : memref<128x80xf32, #tpu.memory_space<vmem>>, vector<16xf32>,
        %mul3A_506 = arith.mulf %get3A_505, %gather3A_502 : vector<16xf32>
        %swap3A_507 = arith.index_cast %add3A_476 : i32 to index
        %swap3A_508 = arith.constant 32 : index
        %swap3A_509 = tpu.vector_load %arg16[%swap3A_507, %swap3A_508] {strides = array<i32>} : memref<128x80xf32, #tpu.memory_space<vmem>>, vector<16xf32>,
        tpu.vector_store %arg16[%swap3A_507, %swap3A_508], %mul3A_506 {strides = array<i32>} : memref<128x80xf32, #tpu.memory_space<vmem>>, vector<16xf32>,
        %add3A_510 = arith.constant 54 : i32
        %add3A_511 = vector.broadcast %add3A_510 : i32 to vector<16xi32>
        %add3A_512 = arith.addi %select_n3A, %add3A_511 : vector<16xi32>
        %gather3A_513 = tpu.vector_load_idx %arg15[%add3A_512] : memref<64xf32, #tpu.memory_space<vmem>>[vector<16xi32>], vector<16xf32>,
        %get3A_514 = arith.index_cast %add3A_476 : i32 to index
        %get3A_515 = arith.constant 48 : index
        %get3A_516 = tpu.vector_load %arg9[%get3A_514, %get3A_515] {strides = array<i32>} : memref<128x80xf32, #tpu.memory_space<vmem>>, vector<16xf32>,
        %mul3A_517 = arith.mulf %get3A_516, %gather3A_513 : vector<16xf32>
        %swap3A_518 = arith.index_cast %add3A_476 : i32 to index
        %swap3A_519 = arith.constant 48 : index
        %swap3A_520 = tpu.vector_load %arg16[%swap3A_518, %swap3A_519] {strides = array<i32>} : memref<128x80xf32, #tpu.memory_space<vmem>>, vector<16xf32>,
        tpu.vector_store %arg16[%swap3A_518, %swap3A_519], %mul3A_517 {strides = array<i32>} : memref<128x80xf32, #tpu.memory_space<vmem>>, vector<16xf32>,
        %scan3A_521 = arith.constant 0 : i32
        scf.yield %scan3A_521 : i32
      }
      %scan3A_131 = arith.constant 32 : i32
      %dma_start3A_132 = arith.constant 1 : i32
      %dma_start3A_133 = arith.constant 0 : i32
      %dma_start3A_134 = tpu.memref_slice %arg6[%dma_start3A_132, %dma_start3A_133] : memref<2x128xi32, #tpu.memory_space<vmem>> -> memref<1x128xi32, #tpu.memory_space<vmem>>
      %dma_start3A_135 = tpu.memref_squeeze %dma_start3A_134 : memref<1x128xi32, #tpu.memory_space<vmem>> -> memref<128xi32, #tpu.memory_space<vmem>>
      %dma_start3A_136 = arith.constant 0 : i32
      %dma_start3A_137 = arith.constant 0 : i32
      %dma_start3A_138 = tpu.memref_slice %arg19[%dma_start3A_136, %dma_start3A_137] : memref<10016x80xf32, #tpu.memory_space<vmem_shared>> -> memref<10016x80xf32, #tpu.memory_space<vmem_shared>>
      tpu.enqueue_indirect_dma source(%arg16 : memref<128x80xf32, #tpu.memory_space<vmem>>) target(%dma_start3A_138 : memref<10016x80xf32, #tpu.memory_space<vmem_shared>>) offsets(%dma_start3A_135 : memref<128xi32, #tpu.memory_space<vmem>>) semaphore(%arg23 : memref<!tpu.dma_semaphore, #tpu.memory_space<semaphore_mem>>) {add = true}
      %mul3A_139 = arith.constant 3 : i32
      %mul3A_140 = arith.muli %mul3A_139, %scan3A_84 : i32
      %add3A_141 = arith.constant 1 : i32
      %add3A_142 = arith.addi %mul3A_140, %add3A_141 : i32
      %gt3A_143 = arith.constant 0 : i32
      %gt3A_144 = arith.cmpi sgt, %scan3A_84, %gt3A_143 : i32
      %convert_element_type3A_145 = arith.extui %gt3A_144 : i1 to i32
      %cond3A_146 = arith.constant 0 : i32
      %cond3A_147 = arith.cmpi ne, %convert_element_type3A_145, %cond3A_146 : i32
      scf.if %cond3A_147 {
        %dma_wait3A_239 = arith.constant 1 : i32
        %dma_wait3A_240 = arith.constant 0 : i32
        %dma_wait3A_241 = tpu.memref_slice %arg8[%dma_wait3A_239, %dma_wait3A_240] : memref<2x128xi32, #tpu.memory_space<vmem>> -> memref<1x128xi32, #tpu.memory_space<vmem>>
        %dma_wait3A_242 = tpu.memref_squeeze %dma_wait3A_241 : memref<1x128xi32, #tpu.memory_space<vmem>> -> memref<128xi32, #tpu.memory_space<vmem>>
        %dma_wait3A_243 = arith.constant 0 : i32
        %dma_wait3A_244 = arith.constant 0 : i32
        %dma_wait3A_245 = tpu.memref_slice %arg19[%dma_wait3A_243, %dma_wait3A_244] : memref<10016x80xf32, #tpu.memory_space<vmem_shared>> -> memref<10016x80xf32, #tpu.memory_space<vmem_shared>>
        tpu.wait_indirect_dma semaphore(%arg25 : memref<!tpu.dma_semaphore, #tpu.memory_space<semaphore_mem>>) src(%arg18 : memref<128x80xf32, #tpu.memory_space<vmem>>) dst(%dma_wait3A_245 : memref<10016x80xf32, #tpu.memory_space<vmem_shared>>)
      } else {
      }
      %add3A_148 = arith.constant 1 : i32
      %add3A_149 = arith.addi %add3A_142, %add3A_148 : i32
      %mul3A_150 = arith.constant 81 : i32
      %mul3A_151 = arith.muli %add3A, %mul3A_150 : i32
      %add3A_152 = arith.addi %mul3A_151, %add3A_149 : i32
      "tpu.region"() ({
        %run_scoped3A = tpu.sem_alloc : memref<!tpu.dma_semaphore, #tpu.memory_space<semaphore_mem>>
        %dma_start3A_239 = arith.constant 0 : i32
        %dma_start3A_240 = arith.constant 0 : i32
        %dma_start3A_241 = tpu.memref_slice %arg2[%add3A_152, %dma_start3A_239, %dma_start3A_240] : memref<2592x2x128xi32, #tpu.memory_space<hbm>> -> memref<1x2x128xi32, #tpu.memory_space<hbm>>
        %dma_start3A_242 = tpu.memref_squeeze %dma_start3A_241 : memref<1x2x128xi32, #tpu.memory_space<hbm>> -> memref<2x128xi32, #tpu.memory_space<hbm>>
        %dma_start3A_243 = arith.constant 0 : i32
        %dma_start3A_244 = arith.constant 0 : i32
        %dma_start3A_245 = tpu.memref_slice %arg2[%add3A_152, %dma_start3A_243, %dma_start3A_244] : memref<2592x2x128xi32, #tpu.memory_space<hbm>> -> memref<1x2x128xi32, #tpu.memory_space<hbm>>
        %dma_start3A_246 = tpu.memref_squeeze %dma_start3A_245 : memref<1x2x128xi32, #tpu.memory_space<hbm>> -> memref<2x128xi32, #tpu.memory_space<hbm>>
        tpu.enqueue_dma source(%dma_start3A_246 : memref<2x128xi32, #tpu.memory_space<hbm>>) target(%arg8 : memref<2x128xi32, #tpu.memory_space<vmem>>) target_semaphore(%run_scoped3A : memref<!tpu.dma_semaphore, #tpu.memory_space<semaphore_mem>>)
        %dma_wait3A_247 = arith.constant 0 : i32
        %dma_wait3A_248 = arith.constant 0 : i32
        %dma_wait3A_249 = tpu.memref_slice %arg2[%add3A_152, %dma_wait3A_247, %dma_wait3A_248] : memref<2592x2x128xi32, #tpu.memory_space<hbm>> -> memref<1x2x128xi32, #tpu.memory_space<hbm>>
        %dma_wait3A_250 = tpu.memref_squeeze %dma_wait3A_249 : memref<1x2x128xi32, #tpu.memory_space<hbm>> -> memref<2x128xi32, #tpu.memory_space<hbm>>
        %dma_wait3A_251 = arith.constant 0 : i32
        %dma_wait3A_252 = arith.constant 0 : i32
        %dma_wait3A_253 = tpu.memref_slice %arg2[%add3A_152, %dma_wait3A_251, %dma_wait3A_252] : memref<2592x2x128xi32, #tpu.memory_space<hbm>> -> memref<1x2x128xi32, #tpu.memory_space<hbm>>
        %dma_wait3A_254 = tpu.memref_squeeze %dma_wait3A_253 : memref<1x2x128xi32, #tpu.memory_space<hbm>> -> memref<2x128xi32, #tpu.memory_space<hbm>>
        tpu.wait_dma2 semaphore(%run_scoped3A : memref<!tpu.dma_semaphore, #tpu.memory_space<semaphore_mem>>) src(%dma_wait3A_254 : memref<2x128xi32, #tpu.memory_space<hbm>>) dst(%arg8 : memref<2x128xi32, #tpu.memory_space<vmem>>)
        tpu.yield
      }) : () -> ()
      %dma_start3A_153 = arith.constant 0 : i32
      %dma_start3A_154 = arith.constant 0 : i32
      %dma_start3A_155 = tpu.memref_slice %arg8[%dma_start3A_153, %dma_start3A_154] : memref<2x128xi32, #tpu.memory_space<vmem>> -> memref<1x128xi32, #tpu.memory_space<vmem>>
      %dma_start3A_156 = tpu.memref_squeeze %dma_start3A_155 : memref<1x128xi32, #tpu.memory_space<vmem>> -> memref<128xi32, #tpu.memory_space<vmem>>
      %dma_start3A_157 = arith.constant 0 : i32
      %dma_start3A_158 = arith.constant 0 : i32
      %dma_start3A_159 = tpu.memref_slice %arg3[%dma_start3A_157, %dma_start3A_158] : memref<10016x80xf32, #tpu.memory_space<hbm>> -> memref<10016x80xf32, #tpu.memory_space<hbm>>
      tpu.enqueue_indirect_dma source(%dma_start3A_159 : memref<10016x80xf32, #tpu.memory_space<hbm>>) target(%arg11 : memref<128x80xf32, #tpu.memory_space<vmem>>) offsets(%dma_start3A_156 : memref<128xi32, #tpu.memory_space<vmem>>) semaphore(%arg22 : memref<!tpu.dma_semaphore, #tpu.memory_space<semaphore_mem>>)
      %dma_start3A_160 = arith.constant 1 : i32
      %dma_start3A_161 = arith.constant 0 : i32
      %dma_start3A_162 = tpu.memref_slice %arg8[%dma_start3A_160, %dma_start3A_161] : memref<2x128xi32, #tpu.memory_space<vmem>> -> memref<1x128xi32, #tpu.memory_space<vmem>>
      %dma_start3A_163 = tpu.memref_squeeze %dma_start3A_162 : memref<1x128xi32, #tpu.memory_space<vmem>> -> memref<128xi32, #tpu.memory_space<vmem>>
      %dma_start3A_164 = arith.constant 0 : i32
      %dma_start3A_165 = arith.constant 0 : i32
      %dma_start3A_166 = tpu.memref_slice %arg4[%dma_start3A_164, %dma_start3A_165] : memref<10016x16xf32, #tpu.memory_space<hbm>> -> memref<10016x16xf32, #tpu.memory_space<hbm>>
      tpu.enqueue_indirect_dma source(%dma_start3A_166 : memref<10016x16xf32, #tpu.memory_space<hbm>>) target(%arg14 : memref<128x16xf32, #tpu.memory_space<vmem>>) offsets(%dma_start3A_163 : memref<128xi32, #tpu.memory_space<vmem>>) semaphore(%arg22 : memref<!tpu.dma_semaphore, #tpu.memory_space<semaphore_mem>>)
      %dma_wait3A_167 = arith.constant 0 : i32
      %dma_wait3A_168 = arith.constant 0 : i32
      %dma_wait3A_169 = tpu.memref_slice %arg7[%dma_wait3A_167, %dma_wait3A_168] : memref<2x128xi32, #tpu.memory_space<vmem>> -> memref<1x128xi32, #tpu.memory_space<vmem>>
      %dma_wait3A_170 = tpu.memref_squeeze %dma_wait3A_169 : memref<1x128xi32, #tpu.memory_space<vmem>> -> memref<128xi32, #tpu.memory_space<vmem>>
      %dma_wait3A_171 = arith.constant 0 : i32
      %dma_wait3A_172 = arith.constant 0 : i32
      %dma_wait3A_173 = tpu.memref_slice %arg3[%dma_wait3A_171, %dma_wait3A_172] : memref<10016x80xf32, #tpu.memory_space<hbm>> -> memref<10016x80xf32, #tpu.memory_space<hbm>>
      tpu.wait_indirect_dma semaphore(%arg21 : memref<!tpu.dma_semaphore, #tpu.memory_space<semaphore_mem>>) src(%dma_wait3A_173 : memref<10016x80xf32, #tpu.memory_space<hbm>>) dst(%arg10 : memref<128x80xf32, #tpu.memory_space<vmem>>)
      %dma_wait3A_174 = arith.constant 1 : i32
      %dma_wait3A_175 = arith.constant 0 : i32
      %dma_wait3A_176 = tpu.memref_slice %arg7[%dma_wait3A_174, %dma_wait3A_175] : memref<2x128xi32, #tpu.memory_space<vmem>> -> memref<1x128xi32, #tpu.memory_space<vmem>>
      %dma_wait3A_177 = tpu.memref_squeeze %dma_wait3A_176 : memref<1x128xi32, #tpu.memory_space<vmem>> -> memref<128xi32, #tpu.memory_space<vmem>>
      %dma_wait3A_178 = arith.constant 0 : i32
      %dma_wait3A_179 = arith.constant 0 : i32
      %dma_wait3A_180 = tpu.memref_slice %arg4[%dma_wait3A_178, %dma_wait3A_179] : memref<10016x16xf32, #tpu.memory_space<hbm>> -> memref<10016x16xf32, #tpu.memory_space<hbm>>
      tpu.wait_indirect_dma semaphore(%arg21 : memref<!tpu.dma_semaphore, #tpu.memory_space<semaphore_mem>>) src(%dma_wait3A_180 : memref<10016x16xf32, #tpu.memory_space<hbm>>) dst(%arg13 : memref<128x16xf32, #tpu.memory_space<vmem>>)
      %scan3A_181 = arith.constant 0 : i32
      %scan3A_182 = arith.constant 0 : i32
      %scan3A_183 = arith.constant 32 : i32
      %scan3A_184 = arith.addi %scan3A_182, %scan3A_183 : i32
      %scan3A_185 = arith.constant 1 : i32
      %scan3A_186 = scf.for %scan3A_239 = %scan3A_182 to %scan3A_184 step %scan3A_185 iter_args(%scan3A_240 = %scan3A_181) -> (i32)  : i32 {
        %mul3A_241 = arith.constant 4 : i32
        %mul3A_242 = arith.muli %scan3A_239, %mul3A_241 : i32
        %add3A_243 = arith.constant 0 : i32
        %add3A_244 = arith.addi %mul3A_242, %add3A_243 : i32
        %get3A = arith.index_cast %add3A_244 : i32 to index
        %get3A_245 = arith.constant 64 : index
        %get3A_246 = tpu.vector_load %arg10[%get3A, %get3A_245] {strides = array<i32>} : memref<128x80xf32, #tpu.memory_space<vmem>>, vector<16xf32>,
        %get3A_247 = arith.index_cast %add3A_244 : i32 to index
        %get3A_248 = arith.constant 0 : index
        %get3A_249 = tpu.vector_load %arg13[%get3A_247, %get3A_248] {strides = array<i32>} : memref<128x16xf32, #tpu.memory_space<vmem>>, vector<16xf32>,
        %add3A_250 = arith.addf %get3A_246, %get3A_249 : vector<16xf32>
        %mul3A_251 = arith.constant 2.000000e-01 : f32
        %mul3A_252 = vector.broadcast %mul3A_251 : f32 to vector<16xf32>
        %mul3A_253 = arith.mulf %add3A_250, %mul3A_252 : vector<16xf32>
        %max3A = arith.maximumf %add3A_250, %mul3A_253 : vector<16xf32>
        %exp3A = math.exp %max3A : vector<16xf32>
        %swap3A = arith.constant 0 : index
        %swap3A_254 = tpu.vector_load %arg15[%swap3A] {strides = array<i32>} : memref<64xf32, #tpu.memory_space<vmem>>, vector<16xf32>,
        tpu.vector_store %arg15[%swap3A], %exp3A {strides = array<i32>} : memref<64xf32, #tpu.memory_space<vmem>>, vector<16xf32>,
        %swap3A_255 = arith.index_cast %add3A_244 : i32 to index
        %swap3A_256 = arith.constant 64 : index
        %swap3A_257 = tpu.vector_load %arg17[%swap3A_255, %swap3A_256] {strides = array<i32>} : memref<128x80xf32, #tpu.memory_space<vmem>>, vector<16xf32>,
        tpu.vector_store %arg17[%swap3A_255, %swap3A_256], %exp3A {strides = array<i32>} : memref<128x80xf32, #tpu.memory_space<vmem>>, vector<16xf32>,
        %add3A_258 = arith.constant 1 : i32
        %add3A_259 = arith.addi %mul3A_242, %add3A_258 : i32
        %get3A_260 = arith.index_cast %add3A_259 : i32 to index
        %get3A_261 = arith.constant 64 : index
        %get3A_262 = tpu.vector_load %arg10[%get3A_260, %get3A_261] {strides = array<i32>} : memref<128x80xf32, #tpu.memory_space<vmem>>, vector<16xf32>,
        %get3A_263 = arith.index_cast %add3A_259 : i32 to index
        %get3A_264 = arith.constant 0 : index
        %get3A_265 = tpu.vector_load %arg13[%get3A_263, %get3A_264] {strides = array<i32>} : memref<128x16xf32, #tpu.memory_space<vmem>>, vector<16xf32>,
        %add3A_266 = arith.addf %get3A_262, %get3A_265 : vector<16xf32>
        %mul3A_267 = arith.constant 2.000000e-01 : f32
        %mul3A_268 = vector.broadcast %mul3A_267 : f32 to vector<16xf32>
        %mul3A_269 = arith.mulf %add3A_266, %mul3A_268 : vector<16xf32>
        %max3A_270 = arith.maximumf %add3A_266, %mul3A_269 : vector<16xf32>
        %exp3A_271 = math.exp %max3A_270 : vector<16xf32>
        %swap3A_272 = arith.constant 16 : index
        %swap3A_273 = tpu.vector_load %arg15[%swap3A_272] {strides = array<i32>} : memref<64xf32, #tpu.memory_space<vmem>>, vector<16xf32>,
        tpu.vector_store %arg15[%swap3A_272], %exp3A_271 {strides = array<i32>} : memref<64xf32, #tpu.memory_space<vmem>>, vector<16xf32>,
        %swap3A_274 = arith.index_cast %add3A_259 : i32 to index
        %swap3A_275 = arith.constant 64 : index
        %swap3A_276 = tpu.vector_load %arg17[%swap3A_274, %swap3A_275] {strides = array<i32>} : memref<128x80xf32, #tpu.memory_space<vmem>>, vector<16xf32>,
        tpu.vector_store %arg17[%swap3A_274, %swap3A_275], %exp3A_271 {strides = array<i32>} : memref<128x80xf32, #tpu.memory_space<vmem>>, vector<16xf32>,
        %add3A_277 = arith.constant 2 : i32
        %add3A_278 = arith.addi %mul3A_242, %add3A_277 : i32
        %get3A_279 = arith.index_cast %add3A_278 : i32 to index
        %get3A_280 = arith.constant 64 : index
        %get3A_281 = tpu.vector_load %arg10[%get3A_279, %get3A_280] {strides = array<i32>} : memref<128x80xf32, #tpu.memory_space<vmem>>, vector<16xf32>,
        %get3A_282 = arith.index_cast %add3A_278 : i32 to index
        %get3A_283 = arith.constant 0 : index
        %get3A_284 = tpu.vector_load %arg13[%get3A_282, %get3A_283] {strides = array<i32>} : memref<128x16xf32, #tpu.memory_space<vmem>>, vector<16xf32>,
        %add3A_285 = arith.addf %get3A_281, %get3A_284 : vector<16xf32>
        %mul3A_286 = arith.constant 2.000000e-01 : f32
        %mul3A_287 = vector.broadcast %mul3A_286 : f32 to vector<16xf32>
        %mul3A_288 = arith.mulf %add3A_285, %mul3A_287 : vector<16xf32>
        %max3A_289 = arith.maximumf %add3A_285, %mul3A_288 : vector<16xf32>
        %exp3A_290 = math.exp %max3A_289 : vector<16xf32>
        %swap3A_291 = arith.constant 32 : index
        %swap3A_292 = tpu.vector_load %arg15[%swap3A_291] {strides = array<i32>} : memref<64xf32, #tpu.memory_space<vmem>>, vector<16xf32>,
        tpu.vector_store %arg15[%swap3A_291], %exp3A_290 {strides = array<i32>} : memref<64xf32, #tpu.memory_space<vmem>>, vector<16xf32>,
        %swap3A_293 = arith.index_cast %add3A_278 : i32 to index
        %swap3A_294 = arith.constant 64 : index
        %swap3A_295 = tpu.vector_load %arg17[%swap3A_293, %swap3A_294] {strides = array<i32>} : memref<128x80xf32, #tpu.memory_space<vmem>>, vector<16xf32>,
        tpu.vector_store %arg17[%swap3A_293, %swap3A_294], %exp3A_290 {strides = array<i32>} : memref<128x80xf32, #tpu.memory_space<vmem>>, vector<16xf32>,
        %add3A_296 = arith.constant 3 : i32
        %add3A_297 = arith.addi %mul3A_242, %add3A_296 : i32
        %get3A_298 = arith.index_cast %add3A_297 : i32 to index
        %get3A_299 = arith.constant 64 : index
        %get3A_300 = tpu.vector_load %arg10[%get3A_298, %get3A_299] {strides = array<i32>} : memref<128x80xf32, #tpu.memory_space<vmem>>, vector<16xf32>,
        %get3A_301 = arith.index_cast %add3A_297 : i32 to index
        %get3A_302 = arith.constant 0 : index
        %get3A_303 = tpu.vector_load %arg13[%get3A_301, %get3A_302] {strides = array<i32>} : memref<128x16xf32, #tpu.memory_space<vmem>>, vector<16xf32>,
        %add3A_304 = arith.addf %get3A_300, %get3A_303 : vector<16xf32>
        %mul3A_305 = arith.constant 2.000000e-01 : f32
        %mul3A_306 = vector.broadcast %mul3A_305 : f32 to vector<16xf32>
        %mul3A_307 = arith.mulf %add3A_304, %mul3A_306 : vector<16xf32>
        %max3A_308 = arith.maximumf %add3A_304, %mul3A_307 : vector<16xf32>
        %exp3A_309 = math.exp %max3A_308 : vector<16xf32>
        %swap3A_310 = arith.constant 48 : index
        %swap3A_311 = tpu.vector_load %arg15[%swap3A_310] {strides = array<i32>} : memref<64xf32, #tpu.memory_space<vmem>>, vector<16xf32>,
        tpu.vector_store %arg15[%swap3A_310], %exp3A_309 {strides = array<i32>} : memref<64xf32, #tpu.memory_space<vmem>>, vector<16xf32>,
        %swap3A_312 = arith.index_cast %add3A_297 : i32 to index
        %swap3A_313 = arith.constant 64 : index
        %swap3A_314 = tpu.vector_load %arg17[%swap3A_312, %swap3A_313] {strides = array<i32>} : memref<128x80xf32, #tpu.memory_space<vmem>>, vector<16xf32>,
        tpu.vector_store %arg17[%swap3A_312, %swap3A_313], %exp3A_309 {strides = array<i32>} : memref<128x80xf32, #tpu.memory_space<vmem>>, vector<16xf32>,
        %iota3A = tpu.iota {dimensions = array<i32: 0>} : vector<16xi32>
        %jit3A = arith.constant 8 : i32
        %div3A = vector.broadcast %jit3A : i32 to vector<16xi32>
        %div3A_315 = arith.divsi %iota3A, %div3A : vector<16xi32>
        %sign3A = arith.constant 0 : i32
        %sign3A_316 = vector.broadcast %sign3A : i32 to vector<16xi32>
        %sign3A_317 = arith.cmpi sgt, %iota3A, %sign3A_316 : vector<16xi32>
        %sign3A_318 = arith.extui %sign3A_317 : vector<16xi1> to vector<16xi32>
        %sign3A_319 = arith.constant 0 : i32
        %sign3A_320 = vector.broadcast %sign3A_319 : i32 to vector<16xi32>
        %sign3A_321 = arith.cmpi slt, %iota3A, %sign3A_320 : vector<16xi32>
        %sign3A_322 = arith.extui %sign3A_321 : vector<16xi1> to vector<16xi32>
        %sign3A_323 = arith.subi %sign3A_318, %sign3A_322 : vector<16xi32>
        %sign3A_324 = arith.constant 0 : i32
        %sign3A_325 = arith.cmpi sgt, %jit3A, %sign3A_324 : i32
        %sign3A_326 = arith.extui %sign3A_325 : i1 to i32
        %sign3A_327 = arith.constant 0 : i32
        %sign3A_328 = arith.cmpi slt, %jit3A, %sign3A_327 : i32
        %sign3A_329 = arith.extui %sign3A_328 : i1 to i32
        %sign3A_330 = arith.subi %sign3A_326, %sign3A_329 : i32
        %ne3A = vector.broadcast %sign3A_330 : i32 to vector<16xi32>
        %ne3A_331 = arith.cmpi ne, %sign3A_323, %ne3A : vector<16xi32>
        %rem3A = vector.broadcast %jit3A : i32 to vector<16xi32>
        %rem3A_332 = arith.remsi %iota3A, %rem3A : vector<16xi32>
        %ne3A_333 = arith.constant 0 : i32
        %ne3A_334 = vector.broadcast %ne3A_333 : i32 to vector<16xi32>
        %ne3A_335 = arith.cmpi ne, %rem3A_332, %ne3A_334 : vector<16xi32>
        %and3A = arith.andi %ne3A_331, %ne3A_335 : vector<16xi1>
        %sub3A = arith.constant 1 : i32
        %sub3A_336 = vector.broadcast %sub3A : i32 to vector<16xi32>
        %sub3A_337 = arith.subi %div3A_315, %sub3A_336 : vector<16xi32>
        %select_n3A = arith.select %and3A, %sub3A_337, %div3A_315 : vector<16xi1>, vector<16xi32>
        %add3A_338 = arith.constant 0 : i32
        %add3A_339 = arith.addi %mul3A_242, %add3A_338 : i32
        %add3A_340 = arith.constant 0 : i32
        %add3A_341 = vector.broadcast %add3A_340 : i32 to vector<16xi32>
        %add3A_342 = arith.addi %select_n3A, %add3A_341 : vector<16xi32>
        %gather3A = tpu.vector_load_idx %arg15[%add3A_342] : memref<64xf32, #tpu.memory_space<vmem>>[vector<16xi32>], vector<16xf32>,
        %get3A_343 = arith.index_cast %add3A_339 : i32 to index
        %get3A_344 = arith.constant 0 : index
        %get3A_345 = tpu.vector_load %arg10[%get3A_343, %get3A_344] {strides = array<i32>} : memref<128x80xf32, #tpu.memory_space<vmem>>, vector<16xf32>,
        %mul3A_346 = arith.mulf %get3A_345, %gather3A : vector<16xf32>
        %swap3A_347 = arith.index_cast %add3A_339 : i32 to index
        %swap3A_348 = arith.constant 0 : index
        %swap3A_349 = tpu.vector_load %arg17[%swap3A_347, %swap3A_348] {strides = array<i32>} : memref<128x80xf32, #tpu.memory_space<vmem>>, vector<16xf32>,
        tpu.vector_store %arg17[%swap3A_347, %swap3A_348], %mul3A_346 {strides = array<i32>} : memref<128x80xf32, #tpu.memory_space<vmem>>, vector<16xf32>,
        %add3A_350 = arith.constant 2 : i32
        %add3A_351 = vector.broadcast %add3A_350 : i32 to vector<16xi32>
        %add3A_352 = arith.addi %select_n3A, %add3A_351 : vector<16xi32>
        %gather3A_353 = tpu.vector_load_idx %arg15[%add3A_352] : memref<64xf32, #tpu.memory_space<vmem>>[vector<16xi32>], vector<16xf32>,
        %get3A_354 = arith.index_cast %add3A_339 : i32 to index
        %get3A_355 = arith.constant 16 : index
        %get3A_356 = tpu.vector_load %arg10[%get3A_354, %get3A_355] {strides = array<i32>} : memref<128x80xf32, #tpu.memory_space<vmem>>, vector<16xf32>,
        %mul3A_357 = arith.mulf %get3A_356, %gather3A_353 : vector<16xf32>
        %swap3A_358 = arith.index_cast %add3A_339 : i32 to index
        %swap3A_359 = arith.constant 16 : index
        %swap3A_360 = tpu.vector_load %arg17[%swap3A_358, %swap3A_359] {strides = array<i32>} : memref<128x80xf32, #tpu.memory_space<vmem>>, vector<16xf32>,
        tpu.vector_store %arg17[%swap3A_358, %swap3A_359], %mul3A_357 {strides = array<i32>} : memref<128x80xf32, #tpu.memory_space<vmem>>, vector<16xf32>,
        %add3A_361 = arith.constant 4 : i32
        %add3A_362 = vector.broadcast %add3A_361 : i32 to vector<16xi32>
        %add3A_363 = arith.addi %select_n3A, %add3A_362 : vector<16xi32>
        %gather3A_364 = tpu.vector_load_idx %arg15[%add3A_363] : memref<64xf32, #tpu.memory_space<vmem>>[vector<16xi32>], vector<16xf32>,
        %get3A_365 = arith.index_cast %add3A_339 : i32 to index
        %get3A_366 = arith.constant 32 : index
        %get3A_367 = tpu.vector_load %arg10[%get3A_365, %get3A_366] {strides = array<i32>} : memref<128x80xf32, #tpu.memory_space<vmem>>, vector<16xf32>,
        %mul3A_368 = arith.mulf %get3A_367, %gather3A_364 : vector<16xf32>
        %swap3A_369 = arith.index_cast %add3A_339 : i32 to index
        %swap3A_370 = arith.constant 32 : index
        %swap3A_371 = tpu.vector_load %arg17[%swap3A_369, %swap3A_370] {strides = array<i32>} : memref<128x80xf32, #tpu.memory_space<vmem>>, vector<16xf32>,
        tpu.vector_store %arg17[%swap3A_369, %swap3A_370], %mul3A_368 {strides = array<i32>} : memref<128x80xf32, #tpu.memory_space<vmem>>, vector<16xf32>,
        %add3A_372 = arith.constant 6 : i32
        %add3A_373 = vector.broadcast %add3A_372 : i32 to vector<16xi32>
        %add3A_374 = arith.addi %select_n3A, %add3A_373 : vector<16xi32>
        %gather3A_375 = tpu.vector_load_idx %arg15[%add3A_374] : memref<64xf32, #tpu.memory_space<vmem>>[vector<16xi32>], vector<16xf32>,
        %get3A_376 = arith.index_cast %add3A_339 : i32 to index
        %get3A_377 = arith.constant 48 : index
        %get3A_378 = tpu.vector_load %arg10[%get3A_376, %get3A_377] {strides = array<i32>} : memref<128x80xf32, #tpu.memory_space<vmem>>, vector<16xf32>,
        %mul3A_379 = arith.mulf %get3A_378, %gather3A_375 : vector<16xf32>
        %swap3A_380 = arith.index_cast %add3A_339 : i32 to index
        %swap3A_381 = arith.constant 48 : index
        %swap3A_382 = tpu.vector_load %arg17[%swap3A_380, %swap3A_381] {strides = array<i32>} : memref<128x80xf32, #tpu.memory_space<vmem>>, vector<16xf32>,
        tpu.vector_store %arg17[%swap3A_380, %swap3A_381], %mul3A_379 {strides = array<i32>} : memref<128x80xf32, #tpu.memory_space<vmem>>, vector<16xf32>,
        %add3A_383 = arith.constant 1 : i32
        %add3A_384 = arith.addi %mul3A_242, %add3A_383 : i32
        %add3A_385 = arith.constant 16 : i32
        %add3A_386 = vector.broadcast %add3A_385 : i32 to vector<16xi32>
        %add3A_387 = arith.addi %select_n3A, %add3A_386 : vector<16xi32>
        %gather3A_388 = tpu.vector_load_idx %arg15[%add3A_387] : memref<64xf32, #tpu.memory_space<vmem>>[vector<16xi32>], vector<16xf32>,
        %get3A_389 = arith.index_cast %add3A_384 : i32 to index
        %get3A_390 = arith.constant 0 : index
        %get3A_391 = tpu.vector_load %arg10[%get3A_389, %get3A_390] {strides = array<i32>} : memref<128x80xf32, #tpu.memory_space<vmem>>, vector<16xf32>,
        %mul3A_392 = arith.mulf %get3A_391, %gather3A_388 : vector<16xf32>
        %swap3A_393 = arith.index_cast %add3A_384 : i32 to index
        %swap3A_394 = arith.constant 0 : index
        %swap3A_395 = tpu.vector_load %arg17[%swap3A_393, %swap3A_394] {strides = array<i32>} : memref<128x80xf32, #tpu.memory_space<vmem>>, vector<16xf32>,
        tpu.vector_store %arg17[%swap3A_393, %swap3A_394], %mul3A_392 {strides = array<i32>} : memref<128x80xf32, #tpu.memory_space<vmem>>, vector<16xf32>,
        %add3A_396 = arith.constant 18 : i32
        %add3A_397 = vector.broadcast %add3A_396 : i32 to vector<16xi32>
        %add3A_398 = arith.addi %select_n3A, %add3A_397 : vector<16xi32>
        %gather3A_399 = tpu.vector_load_idx %arg15[%add3A_398] : memref<64xf32, #tpu.memory_space<vmem>>[vector<16xi32>], vector<16xf32>,
        %get3A_400 = arith.index_cast %add3A_384 : i32 to index
        %get3A_401 = arith.constant 16 : index
        %get3A_402 = tpu.vector_load %arg10[%get3A_400, %get3A_401] {strides = array<i32>} : memref<128x80xf32, #tpu.memory_space<vmem>>, vector<16xf32>,
        %mul3A_403 = arith.mulf %get3A_402, %gather3A_399 : vector<16xf32>
        %swap3A_404 = arith.index_cast %add3A_384 : i32 to index
        %swap3A_405 = arith.constant 16 : index
        %swap3A_406 = tpu.vector_load %arg17[%swap3A_404, %swap3A_405] {strides = array<i32>} : memref<128x80xf32, #tpu.memory_space<vmem>>, vector<16xf32>,
        tpu.vector_store %arg17[%swap3A_404, %swap3A_405], %mul3A_403 {strides = array<i32>} : memref<128x80xf32, #tpu.memory_space<vmem>>, vector<16xf32>,
        %add3A_407 = arith.constant 20 : i32
        %add3A_408 = vector.broadcast %add3A_407 : i32 to vector<16xi32>
        %add3A_409 = arith.addi %select_n3A, %add3A_408 : vector<16xi32>
        %gather3A_410 = tpu.vector_load_idx %arg15[%add3A_409] : memref<64xf32, #tpu.memory_space<vmem>>[vector<16xi32>], vector<16xf32>,
        %get3A_411 = arith.index_cast %add3A_384 : i32 to index
        %get3A_412 = arith.constant 32 : index
        %get3A_413 = tpu.vector_load %arg10[%get3A_411, %get3A_412] {strides = array<i32>} : memref<128x80xf32, #tpu.memory_space<vmem>>, vector<16xf32>,
        %mul3A_414 = arith.mulf %get3A_413, %gather3A_410 : vector<16xf32>
        %swap3A_415 = arith.index_cast %add3A_384 : i32 to index
        %swap3A_416 = arith.constant 32 : index
        %swap3A_417 = tpu.vector_load %arg17[%swap3A_415, %swap3A_416] {strides = array<i32>} : memref<128x80xf32, #tpu.memory_space<vmem>>, vector<16xf32>,
        tpu.vector_store %arg17[%swap3A_415, %swap3A_416], %mul3A_414 {strides = array<i32>} : memref<128x80xf32, #tpu.memory_space<vmem>>, vector<16xf32>,
        %add3A_418 = arith.constant 22 : i32
        %add3A_419 = vector.broadcast %add3A_418 : i32 to vector<16xi32>
        %add3A_420 = arith.addi %select_n3A, %add3A_419 : vector<16xi32>
        %gather3A_421 = tpu.vector_load_idx %arg15[%add3A_420] : memref<64xf32, #tpu.memory_space<vmem>>[vector<16xi32>], vector<16xf32>,
        %get3A_422 = arith.index_cast %add3A_384 : i32 to index
        %get3A_423 = arith.constant 48 : index
        %get3A_424 = tpu.vector_load %arg10[%get3A_422, %get3A_423] {strides = array<i32>} : memref<128x80xf32, #tpu.memory_space<vmem>>, vector<16xf32>,
        %mul3A_425 = arith.mulf %get3A_424, %gather3A_421 : vector<16xf32>
        %swap3A_426 = arith.index_cast %add3A_384 : i32 to index
        %swap3A_427 = arith.constant 48 : index
        %swap3A_428 = tpu.vector_load %arg17[%swap3A_426, %swap3A_427] {strides = array<i32>} : memref<128x80xf32, #tpu.memory_space<vmem>>, vector<16xf32>,
        tpu.vector_store %arg17[%swap3A_426, %swap3A_427], %mul3A_425 {strides = array<i32>} : memref<128x80xf32, #tpu.memory_space<vmem>>, vector<16xf32>,
        %add3A_429 = arith.constant 2 : i32
        %add3A_430 = arith.addi %mul3A_242, %add3A_429 : i32
        %add3A_431 = arith.constant 32 : i32
        %add3A_432 = vector.broadcast %add3A_431 : i32 to vector<16xi32>
        %add3A_433 = arith.addi %select_n3A, %add3A_432 : vector<16xi32>
        %gather3A_434 = tpu.vector_load_idx %arg15[%add3A_433] : memref<64xf32, #tpu.memory_space<vmem>>[vector<16xi32>], vector<16xf32>,
        %get3A_435 = arith.index_cast %add3A_430 : i32 to index
        %get3A_436 = arith.constant 0 : index
        %get3A_437 = tpu.vector_load %arg10[%get3A_435, %get3A_436] {strides = array<i32>} : memref<128x80xf32, #tpu.memory_space<vmem>>, vector<16xf32>,
        %mul3A_438 = arith.mulf %get3A_437, %gather3A_434 : vector<16xf32>
        %swap3A_439 = arith.index_cast %add3A_430 : i32 to index
        %swap3A_440 = arith.constant 0 : index
        %swap3A_441 = tpu.vector_load %arg17[%swap3A_439, %swap3A_440] {strides = array<i32>} : memref<128x80xf32, #tpu.memory_space<vmem>>, vector<16xf32>,
        tpu.vector_store %arg17[%swap3A_439, %swap3A_440], %mul3A_438 {strides = array<i32>} : memref<128x80xf32, #tpu.memory_space<vmem>>, vector<16xf32>,
        %add3A_442 = arith.constant 34 : i32
        %add3A_443 = vector.broadcast %add3A_442 : i32 to vector<16xi32>
        %add3A_444 = arith.addi %select_n3A, %add3A_443 : vector<16xi32>
        %gather3A_445 = tpu.vector_load_idx %arg15[%add3A_444] : memref<64xf32, #tpu.memory_space<vmem>>[vector<16xi32>], vector<16xf32>,
        %get3A_446 = arith.index_cast %add3A_430 : i32 to index
        %get3A_447 = arith.constant 16 : index
        %get3A_448 = tpu.vector_load %arg10[%get3A_446, %get3A_447] {strides = array<i32>} : memref<128x80xf32, #tpu.memory_space<vmem>>, vector<16xf32>,
        %mul3A_449 = arith.mulf %get3A_448, %gather3A_445 : vector<16xf32>
        %swap3A_450 = arith.index_cast %add3A_430 : i32 to index
        %swap3A_451 = arith.constant 16 : index
        %swap3A_452 = tpu.vector_load %arg17[%swap3A_450, %swap3A_451] {strides = array<i32>} : memref<128x80xf32, #tpu.memory_space<vmem>>, vector<16xf32>,
        tpu.vector_store %arg17[%swap3A_450, %swap3A_451], %mul3A_449 {strides = array<i32>} : memref<128x80xf32, #tpu.memory_space<vmem>>, vector<16xf32>,
        %add3A_453 = arith.constant 36 : i32
        %add3A_454 = vector.broadcast %add3A_453 : i32 to vector<16xi32>
        %add3A_455 = arith.addi %select_n3A, %add3A_454 : vector<16xi32>
        %gather3A_456 = tpu.vector_load_idx %arg15[%add3A_455] : memref<64xf32, #tpu.memory_space<vmem>>[vector<16xi32>], vector<16xf32>,
        %get3A_457 = arith.index_cast %add3A_430 : i32 to index
        %get3A_458 = arith.constant 32 : index
        %get3A_459 = tpu.vector_load %arg10[%get3A_457, %get3A_458] {strides = array<i32>} : memref<128x80xf32, #tpu.memory_space<vmem>>, vector<16xf32>,
        %mul3A_460 = arith.mulf %get3A_459, %gather3A_456 : vector<16xf32>
        %swap3A_461 = arith.index_cast %add3A_430 : i32 to index
        %swap3A_462 = arith.constant 32 : index
        %swap3A_463 = tpu.vector_load %arg17[%swap3A_461, %swap3A_462] {strides = array<i32>} : memref<128x80xf32, #tpu.memory_space<vmem>>, vector<16xf32>,
        tpu.vector_store %arg17[%swap3A_461, %swap3A_462], %mul3A_460 {strides = array<i32>} : memref<128x80xf32, #tpu.memory_space<vmem>>, vector<16xf32>,
        %add3A_464 = arith.constant 38 : i32
        %add3A_465 = vector.broadcast %add3A_464 : i32 to vector<16xi32>
        %add3A_466 = arith.addi %select_n3A, %add3A_465 : vector<16xi32>
        %gather3A_467 = tpu.vector_load_idx %arg15[%add3A_466] : memref<64xf32, #tpu.memory_space<vmem>>[vector<16xi32>], vector<16xf32>,
        %get3A_468 = arith.index_cast %add3A_430 : i32 to index
        %get3A_469 = arith.constant 48 : index
        %get3A_470 = tpu.vector_load %arg10[%get3A_468, %get3A_469] {strides = array<i32>} : memref<128x80xf32, #tpu.memory_space<vmem>>, vector<16xf32>,
        %mul3A_471 = arith.mulf %get3A_470, %gather3A_467 : vector<16xf32>
        %swap3A_472 = arith.index_cast %add3A_430 : i32 to index
        %swap3A_473 = arith.constant 48 : index
        %swap3A_474 = tpu.vector_load %arg17[%swap3A_472, %swap3A_473] {strides = array<i32>} : memref<128x80xf32, #tpu.memory_space<vmem>>, vector<16xf32>,
        tpu.vector_store %arg17[%swap3A_472, %swap3A_473], %mul3A_471 {strides = array<i32>} : memref<128x80xf32, #tpu.memory_space<vmem>>, vector<16xf32>,
        %add3A_475 = arith.constant 3 : i32
        %add3A_476 = arith.addi %mul3A_242, %add3A_475 : i32
        %add3A_477 = arith.constant 48 : i32
        %add3A_478 = vector.broadcast %add3A_477 : i32 to vector<16xi32>
        %add3A_479 = arith.addi %select_n3A, %add3A_478 : vector<16xi32>
        %gather3A_480 = tpu.vector_load_idx %arg15[%add3A_479] : memref<64xf32, #tpu.memory_space<vmem>>[vector<16xi32>], vector<16xf32>,
        %get3A_481 = arith.index_cast %add3A_476 : i32 to index
        %get3A_482 = arith.constant 0 : index
        %get3A_483 = tpu.vector_load %arg10[%get3A_481, %get3A_482] {strides = array<i32>} : memref<128x80xf32, #tpu.memory_space<vmem>>, vector<16xf32>,
        %mul3A_484 = arith.mulf %get3A_483, %gather3A_480 : vector<16xf32>
        %swap3A_485 = arith.index_cast %add3A_476 : i32 to index
        %swap3A_486 = arith.constant 0 : index
        %swap3A_487 = tpu.vector_load %arg17[%swap3A_485, %swap3A_486] {strides = array<i32>} : memref<128x80xf32, #tpu.memory_space<vmem>>, vector<16xf32>,
        tpu.vector_store %arg17[%swap3A_485, %swap3A_486], %mul3A_484 {strides = array<i32>} : memref<128x80xf32, #tpu.memory_space<vmem>>, vector<16xf32>,
        %add3A_488 = arith.constant 50 : i32
        %add3A_489 = vector.broadcast %add3A_488 : i32 to vector<16xi32>
        %add3A_490 = arith.addi %select_n3A, %add3A_489 : vector<16xi32>
        %gather3A_491 = tpu.vector_load_idx %arg15[%add3A_490] : memref<64xf32, #tpu.memory_space<vmem>>[vector<16xi32>], vector<16xf32>,
        %get3A_492 = arith.index_cast %add3A_476 : i32 to index
        %get3A_493 = arith.constant 16 : index
        %get3A_494 = tpu.vector_load %arg10[%get3A_492, %get3A_493] {strides = array<i32>} : memref<128x80xf32, #tpu.memory_space<vmem>>, vector<16xf32>,
        %mul3A_495 = arith.mulf %get3A_494, %gather3A_491 : vector<16xf32>
        %swap3A_496 = arith.index_cast %add3A_476 : i32 to index
        %swap3A_497 = arith.constant 16 : index
        %swap3A_498 = tpu.vector_load %arg17[%swap3A_496, %swap3A_497] {strides = array<i32>} : memref<128x80xf32, #tpu.memory_space<vmem>>, vector<16xf32>,
        tpu.vector_store %arg17[%swap3A_496, %swap3A_497], %mul3A_495 {strides = array<i32>} : memref<128x80xf32, #tpu.memory_space<vmem>>, vector<16xf32>,
        %add3A_499 = arith.constant 52 : i32
        %add3A_500 = vector.broadcast %add3A_499 : i32 to vector<16xi32>
        %add3A_501 = arith.addi %select_n3A, %add3A_500 : vector<16xi32>
        %gather3A_502 = tpu.vector_load_idx %arg15[%add3A_501] : memref<64xf32, #tpu.memory_space<vmem>>[vector<16xi32>], vector<16xf32>,
        %get3A_503 = arith.index_cast %add3A_476 : i32 to index
        %get3A_504 = arith.constant 32 : index
        %get3A_505 = tpu.vector_load %arg10[%get3A_503, %get3A_504] {strides = array<i32>} : memref<128x80xf32, #tpu.memory_space<vmem>>, vector<16xf32>,
        %mul3A_506 = arith.mulf %get3A_505, %gather3A_502 : vector<16xf32>
        %swap3A_507 = arith.index_cast %add3A_476 : i32 to index
        %swap3A_508 = arith.constant 32 : index
        %swap3A_509 = tpu.vector_load %arg17[%swap3A_507, %swap3A_508] {strides = array<i32>} : memref<128x80xf32, #tpu.memory_space<vmem>>, vector<16xf32>,
        tpu.vector_store %arg17[%swap3A_507, %swap3A_508], %mul3A_506 {strides = array<i32>} : memref<128x80xf32, #tpu.memory_space<vmem>>, vector<16xf32>,
        %add3A_510 = arith.constant 54 : i32
        %add3A_511 = vector.broadcast %add3A_510 : i32 to vector<16xi32>
        %add3A_512 = arith.addi %select_n3A, %add3A_511 : vector<16xi32>
        %gather3A_513 = tpu.vector_load_idx %arg15[%add3A_512] : memref<64xf32, #tpu.memory_space<vmem>>[vector<16xi32>], vector<16xf32>,
        %get3A_514 = arith.index_cast %add3A_476 : i32 to index
        %get3A_515 = arith.constant 48 : index
        %get3A_516 = tpu.vector_load %arg10[%get3A_514, %get3A_515] {strides = array<i32>} : memref<128x80xf32, #tpu.memory_space<vmem>>, vector<16xf32>,
        %mul3A_517 = arith.mulf %get3A_516, %gather3A_513 : vector<16xf32>
        %swap3A_518 = arith.index_cast %add3A_476 : i32 to index
        %swap3A_519 = arith.constant 48 : index
        %swap3A_520 = tpu.vector_load %arg17[%swap3A_518, %swap3A_519] {strides = array<i32>} : memref<128x80xf32, #tpu.memory_space<vmem>>, vector<16xf32>,
        tpu.vector_store %arg17[%swap3A_518, %swap3A_519], %mul3A_517 {strides = array<i32>} : memref<128x80xf32, #tpu.memory_space<vmem>>, vector<16xf32>,
        %scan3A_521 = arith.constant 0 : i32
        scf.yield %scan3A_521 : i32
      }
      %scan3A_187 = arith.constant 32 : i32
      %dma_start3A_188 = arith.constant 1 : i32
      %dma_start3A_189 = arith.constant 0 : i32
      %dma_start3A_190 = tpu.memref_slice %arg7[%dma_start3A_188, %dma_start3A_189] : memref<2x128xi32, #tpu.memory_space<vmem>> -> memref<1x128xi32, #tpu.memory_space<vmem>>
      %dma_start3A_191 = tpu.memref_squeeze %dma_start3A_190 : memref<1x128xi32, #tpu.memory_space<vmem>> -> memref<128xi32, #tpu.memory_space<vmem>>
      %dma_start3A_192 = arith.constant 0 : i32
      %dma_start3A_193 = arith.constant 0 : i32
      %dma_start3A_194 = tpu.memref_slice %arg19[%dma_start3A_192, %dma_start3A_193] : memref<10016x80xf32, #tpu.memory_space<vmem_shared>> -> memref<10016x80xf32, #tpu.memory_space<vmem_shared>>
      tpu.enqueue_indirect_dma source(%arg17 : memref<128x80xf32, #tpu.memory_space<vmem>>) target(%dma_start3A_194 : memref<10016x80xf32, #tpu.memory_space<vmem_shared>>) offsets(%dma_start3A_191 : memref<128xi32, #tpu.memory_space<vmem>>) semaphore(%arg24 : memref<!tpu.dma_semaphore, #tpu.memory_space<semaphore_mem>>) {add = true}
      %mul3A_195 = arith.constant 3 : i32
      %mul3A_196 = arith.muli %mul3A_195, %scan3A_84 : i32
      %add3A_197 = arith.constant 2 : i32
      %add3A_198 = arith.addi %mul3A_196, %add3A_197 : i32
      %dma_wait3A_199 = arith.constant 1 : i32
      %dma_wait3A_200 = arith.constant 0 : i32
      %dma_wait3A_201 = tpu.memref_slice %arg6[%dma_wait3A_199, %dma_wait3A_200] : memref<2x128xi32, #tpu.memory_space<vmem>> -> memref<1x128xi32, #tpu.memory_space<vmem>>
      %dma_wait3A_202 = tpu.memref_squeeze %dma_wait3A_201 : memref<1x128xi32, #tpu.memory_space<vmem>> -> memref<128xi32, #tpu.memory_space<vmem>>
      %dma_wait3A_203 = arith.constant 0 : i32
      %dma_wait3A_204 = arith.constant 0 : i32
      %dma_wait3A_205 = tpu.memref_slice %arg19[%dma_wait3A_203, %dma_wait3A_204] : memref<10016x80xf32, #tpu.memory_space<vmem_shared>> -> memref<10016x80xf32, #tpu.memory_space<vmem_shared>>
      tpu.wait_indirect_dma semaphore(%arg23 : memref<!tpu.dma_semaphore, #tpu.memory_space<semaphore_mem>>) src(%arg16 : memref<128x80xf32, #tpu.memory_space<vmem>>) dst(%dma_wait3A_205 : memref<10016x80xf32, #tpu.memory_space<vmem_shared>>)
      %lt3A = arith.constant 26 : i32
      %lt3A_206 = arith.cmpi slt, %scan3A_84, %lt3A : i32
      %convert_element_type3A_207 = arith.extui %lt3A_206 : i1 to i32
      %cond3A_208 = arith.constant 0 : i32
      %cond3A_209 = arith.cmpi ne, %convert_element_type3A_207, %cond3A_208 : i32
      scf.if %cond3A_209 {
        %add3A_239 = arith.constant 1 : i32
        %add3A_240 = arith.addi %add3A_198, %add3A_239 : i32
        %mul3A_241 = arith.constant 81 : i32
        %mul3A_242 = arith.muli %add3A, %mul3A_241 : i32
        %add3A_243 = arith.addi %mul3A_242, %add3A_240 : i32
        "tpu.region"() ({
          %run_scoped3A = tpu.sem_alloc : memref<!tpu.dma_semaphore, #tpu.memory_space<semaphore_mem>>
          %dma_start3A_258 = arith.constant 0 : i32
          %dma_start3A_259 = arith.constant 0 : i32
          %dma_start3A_260 = tpu.memref_slice %arg2[%add3A_243, %dma_start3A_258, %dma_start3A_259] : memref<2592x2x128xi32, #tpu.memory_space<hbm>> -> memref<1x2x128xi32, #tpu.memory_space<hbm>>
          %dma_start3A_261 = tpu.memref_squeeze %dma_start3A_260 : memref<1x2x128xi32, #tpu.memory_space<hbm>> -> memref<2x128xi32, #tpu.memory_space<hbm>>
          %dma_start3A_262 = arith.constant 0 : i32
          %dma_start3A_263 = arith.constant 0 : i32
          %dma_start3A_264 = tpu.memref_slice %arg2[%add3A_243, %dma_start3A_262, %dma_start3A_263] : memref<2592x2x128xi32, #tpu.memory_space<hbm>> -> memref<1x2x128xi32, #tpu.memory_space<hbm>>
          %dma_start3A_265 = tpu.memref_squeeze %dma_start3A_264 : memref<1x2x128xi32, #tpu.memory_space<hbm>> -> memref<2x128xi32, #tpu.memory_space<hbm>>
          tpu.enqueue_dma source(%dma_start3A_265 : memref<2x128xi32, #tpu.memory_space<hbm>>) target(%arg6 : memref<2x128xi32, #tpu.memory_space<vmem>>) target_semaphore(%run_scoped3A : memref<!tpu.dma_semaphore, #tpu.memory_space<semaphore_mem>>)
          %dma_wait3A_266 = arith.constant 0 : i32
          %dma_wait3A_267 = arith.constant 0 : i32
          %dma_wait3A_268 = tpu.memref_slice %arg2[%add3A_243, %dma_wait3A_266, %dma_wait3A_267] : memref<2592x2x128xi32, #tpu.memory_space<hbm>> -> memref<1x2x128xi32, #tpu.memory_space<hbm>>
          %dma_wait3A_269 = tpu.memref_squeeze %dma_wait3A_268 : memref<1x2x128xi32, #tpu.memory_space<hbm>> -> memref<2x128xi32, #tpu.memory_space<hbm>>
          %dma_wait3A_270 = arith.constant 0 : i32
          %dma_wait3A_271 = arith.constant 0 : i32
          %dma_wait3A_272 = tpu.memref_slice %arg2[%add3A_243, %dma_wait3A_270, %dma_wait3A_271] : memref<2592x2x128xi32, #tpu.memory_space<hbm>> -> memref<1x2x128xi32, #tpu.memory_space<hbm>>
          %dma_wait3A_273 = tpu.memref_squeeze %dma_wait3A_272 : memref<1x2x128xi32, #tpu.memory_space<hbm>> -> memref<2x128xi32, #tpu.memory_space<hbm>>
          tpu.wait_dma2 semaphore(%run_scoped3A : memref<!tpu.dma_semaphore, #tpu.memory_space<semaphore_mem>>) src(%dma_wait3A_273 : memref<2x128xi32, #tpu.memory_space<hbm>>) dst(%arg6 : memref<2x128xi32, #tpu.memory_space<vmem>>)
          tpu.yield
        }) : () -> ()
        %dma_start3A_244 = arith.constant 0 : i32
        %dma_start3A_245 = arith.constant 0 : i32
        %dma_start3A_246 = tpu.memref_slice %arg6[%dma_start3A_244, %dma_start3A_245] : memref<2x128xi32, #tpu.memory_space<vmem>> -> memref<1x128xi32, #tpu.memory_space<vmem>>
        %dma_start3A_247 = tpu.memref_squeeze %dma_start3A_246 : memref<1x128xi32, #tpu.memory_space<vmem>> -> memref<128xi32, #tpu.memory_space<vmem>>
        %dma_start3A_248 = arith.constant 0 : i32
        %dma_start3A_249 = arith.constant 0 : i32
        %dma_start3A_250 = tpu.memref_slice %arg3[%dma_start3A_248, %dma_start3A_249] : memref<10016x80xf32, #tpu.memory_space<hbm>> -> memref<10016x80xf32, #tpu.memory_space<hbm>>
        tpu.enqueue_indirect_dma source(%dma_start3A_250 : memref<10016x80xf32, #tpu.memory_space<hbm>>) target(%arg9 : memref<128x80xf32, #tpu.memory_space<vmem>>) offsets(%dma_start3A_247 : memref<128xi32, #tpu.memory_space<vmem>>) semaphore(%arg20 : memref<!tpu.dma_semaphore, #tpu.memory_space<semaphore_mem>>)
        %dma_start3A_251 = arith.constant 1 : i32
        %dma_start3A_252 = arith.constant 0 : i32
        %dma_start3A_253 = tpu.memref_slice %arg6[%dma_start3A_251, %dma_start3A_252] : memref<2x128xi32, #tpu.memory_space<vmem>> -> memref<1x128xi32, #tpu.memory_space<vmem>>
        %dma_start3A_254 = tpu.memref_squeeze %dma_start3A_253 : memref<1x128xi32, #tpu.memory_space<vmem>> -> memref<128xi32, #tpu.memory_space<vmem>>
        %dma_start3A_255 = arith.constant 0 : i32
        %dma_start3A_256 = arith.constant 0 : i32
        %dma_start3A_257 = tpu.memref_slice %arg4[%dma_start3A_255, %dma_start3A_256] : memref<10016x16xf32, #tpu.memory_space<hbm>> -> memref<10016x16xf32, #tpu.memory_space<hbm>>
        tpu.enqueue_indirect_dma source(%dma_start3A_257 : memref<10016x16xf32, #tpu.memory_space<hbm>>) target(%arg12 : memref<128x16xf32, #tpu.memory_space<vmem>>) offsets(%dma_start3A_254 : memref<128xi32, #tpu.memory_space<vmem>>) semaphore(%arg20 : memref<!tpu.dma_semaphore, #tpu.memory_space<semaphore_mem>>)
      } else {
      }
      %dma_wait3A_210 = arith.constant 0 : i32
      %dma_wait3A_211 = arith.constant 0 : i32
      %dma_wait3A_212 = tpu.memref_slice %arg8[%dma_wait3A_210, %dma_wait3A_211] : memref<2x128xi32, #tpu.memory_space<vmem>> -> memref<1x128xi32, #tpu.memory_space<vmem>>
      %dma_wait3A_213 = tpu.memref_squeeze %dma_wait3A_212 : memref<1x128xi32, #tpu.memory_space<vmem>> -> memref<128xi32, #tpu.memory_space<vmem>>
      %dma_wait3A_214 = arith.constant 0 : i32
      %dma_wait3A_215 = arith.constant 0 : i32
      %dma_wait3A_216 = tpu.memref_slice %arg3[%dma_wait3A_214, %dma_wait3A_215] : memref<10016x80xf32, #tpu.memory_space<hbm>> -> memref<10016x80xf32, #tpu.memory_space<hbm>>
      tpu.wait_indirect_dma semaphore(%arg22 : memref<!tpu.dma_semaphore, #tpu.memory_space<semaphore_mem>>) src(%dma_wait3A_216 : memref<10016x80xf32, #tpu.memory_space<hbm>>) dst(%arg11 : memref<128x80xf32, #tpu.memory_space<vmem>>)
      %dma_wait3A_217 = arith.constant 1 : i32
      %dma_wait3A_218 = arith.constant 0 : i32
      %dma_wait3A_219 = tpu.memref_slice %arg8[%dma_wait3A_217, %dma_wait3A_218] : memref<2x128xi32, #tpu.memory_space<vmem>> -> memref<1x128xi32, #tpu.memory_space<vmem>>
      %dma_wait3A_220 = tpu.memref_squeeze %dma_wait3A_219 : memref<1x128xi32, #tpu.memory_space<vmem>> -> memref<128xi32, #tpu.memory_space<vmem>>
      %dma_wait3A_221 = arith.constant 0 : i32
      %dma_wait3A_222 = arith.constant 0 : i32
      %dma_wait3A_223 = tpu.memref_slice %arg4[%dma_wait3A_221, %dma_wait3A_222] : memref<10016x16xf32, #tpu.memory_space<hbm>> -> memref<10016x16xf32, #tpu.memory_space<hbm>>
      tpu.wait_indirect_dma semaphore(%arg22 : memref<!tpu.dma_semaphore, #tpu.memory_space<semaphore_mem>>) src(%dma_wait3A_223 : memref<10016x16xf32, #tpu.memory_space<hbm>>) dst(%arg14 : memref<128x16xf32, #tpu.memory_space<vmem>>)
      %scan3A_224 = arith.constant 0 : i32
      %scan3A_225 = arith.constant 0 : i32
      %scan3A_226 = arith.constant 32 : i32
      %scan3A_227 = arith.addi %scan3A_225, %scan3A_226 : i32
      %scan3A_228 = arith.constant 1 : i32
      %scan3A_229 = scf.for %scan3A_239 = %scan3A_225 to %scan3A_227 step %scan3A_228 iter_args(%scan3A_240 = %scan3A_224) -> (i32)  : i32 {
        %mul3A_241 = arith.constant 4 : i32
        %mul3A_242 = arith.muli %scan3A_239, %mul3A_241 : i32
        %add3A_243 = arith.constant 0 : i32
        %add3A_244 = arith.addi %mul3A_242, %add3A_243 : i32
        %get3A = arith.index_cast %add3A_244 : i32 to index
        %get3A_245 = arith.constant 64 : index
        %get3A_246 = tpu.vector_load %arg11[%get3A, %get3A_245] {strides = array<i32>} : memref<128x80xf32, #tpu.memory_space<vmem>>, vector<16xf32>,
        %get3A_247 = arith.index_cast %add3A_244 : i32 to index
        %get3A_248 = arith.constant 0 : index
        %get3A_249 = tpu.vector_load %arg14[%get3A_247, %get3A_248] {strides = array<i32>} : memref<128x16xf32, #tpu.memory_space<vmem>>, vector<16xf32>,
        %add3A_250 = arith.addf %get3A_246, %get3A_249 : vector<16xf32>
        %mul3A_251 = arith.constant 2.000000e-01 : f32
        %mul3A_252 = vector.broadcast %mul3A_251 : f32 to vector<16xf32>
        %mul3A_253 = arith.mulf %add3A_250, %mul3A_252 : vector<16xf32>
        %max3A = arith.maximumf %add3A_250, %mul3A_253 : vector<16xf32>
        %exp3A = math.exp %max3A : vector<16xf32>
        %swap3A = arith.constant 0 : index
        %swap3A_254 = tpu.vector_load %arg15[%swap3A] {strides = array<i32>} : memref<64xf32, #tpu.memory_space<vmem>>, vector<16xf32>,
        tpu.vector_store %arg15[%swap3A], %exp3A {strides = array<i32>} : memref<64xf32, #tpu.memory_space<vmem>>, vector<16xf32>,
        %swap3A_255 = arith.index_cast %add3A_244 : i32 to index
        %swap3A_256 = arith.constant 64 : index
        %swap3A_257 = tpu.vector_load %arg18[%swap3A_255, %swap3A_256] {strides = array<i32>} : memref<128x80xf32, #tpu.memory_space<vmem>>, vector<16xf32>,
        tpu.vector_store %arg18[%swap3A_255, %swap3A_256], %exp3A {strides = array<i32>} : memref<128x80xf32, #tpu.memory_space<vmem>>, vector<16xf32>,
        %add3A_258 = arith.constant 1 : i32
        %add3A_259 = arith.addi %mul3A_242, %add3A_258 : i32
        %get3A_260 = arith.index_cast %add3A_259 : i32 to index
        %get3A_261 = arith.constant 64 : index
        %get3A_262 = tpu.vector_load %arg11[%get3A_260, %get3A_261] {strides = array<i32>} : memref<128x80xf32, #tpu.memory_space<vmem>>, vector<16xf32>,
        %get3A_263 = arith.index_cast %add3A_259 : i32 to index
        %get3A_264 = arith.constant 0 : index
        %get3A_265 = tpu.vector_load %arg14[%get3A_263, %get3A_264] {strides = array<i32>} : memref<128x16xf32, #tpu.memory_space<vmem>>, vector<16xf32>,
        %add3A_266 = arith.addf %get3A_262, %get3A_265 : vector<16xf32>
        %mul3A_267 = arith.constant 2.000000e-01 : f32
        %mul3A_268 = vector.broadcast %mul3A_267 : f32 to vector<16xf32>
        %mul3A_269 = arith.mulf %add3A_266, %mul3A_268 : vector<16xf32>
        %max3A_270 = arith.maximumf %add3A_266, %mul3A_269 : vector<16xf32>
        %exp3A_271 = math.exp %max3A_270 : vector<16xf32>
        %swap3A_272 = arith.constant 16 : index
        %swap3A_273 = tpu.vector_load %arg15[%swap3A_272] {strides = array<i32>} : memref<64xf32, #tpu.memory_space<vmem>>, vector<16xf32>,
        tpu.vector_store %arg15[%swap3A_272], %exp3A_271 {strides = array<i32>} : memref<64xf32, #tpu.memory_space<vmem>>, vector<16xf32>,
        %swap3A_274 = arith.index_cast %add3A_259 : i32 to index
        %swap3A_275 = arith.constant 64 : index
        %swap3A_276 = tpu.vector_load %arg18[%swap3A_274, %swap3A_275] {strides = array<i32>} : memref<128x80xf32, #tpu.memory_space<vmem>>, vector<16xf32>,
        tpu.vector_store %arg18[%swap3A_274, %swap3A_275], %exp3A_271 {strides = array<i32>} : memref<128x80xf32, #tpu.memory_space<vmem>>, vector<16xf32>,
        %add3A_277 = arith.constant 2 : i32
        %add3A_278 = arith.addi %mul3A_242, %add3A_277 : i32
        %get3A_279 = arith.index_cast %add3A_278 : i32 to index
        %get3A_280 = arith.constant 64 : index
        %get3A_281 = tpu.vector_load %arg11[%get3A_279, %get3A_280] {strides = array<i32>} : memref<128x80xf32, #tpu.memory_space<vmem>>, vector<16xf32>,
        %get3A_282 = arith.index_cast %add3A_278 : i32 to index
        %get3A_283 = arith.constant 0 : index
        %get3A_284 = tpu.vector_load %arg14[%get3A_282, %get3A_283] {strides = array<i32>} : memref<128x16xf32, #tpu.memory_space<vmem>>, vector<16xf32>,
        %add3A_285 = arith.addf %get3A_281, %get3A_284 : vector<16xf32>
        %mul3A_286 = arith.constant 2.000000e-01 : f32
        %mul3A_287 = vector.broadcast %mul3A_286 : f32 to vector<16xf32>
        %mul3A_288 = arith.mulf %add3A_285, %mul3A_287 : vector<16xf32>
        %max3A_289 = arith.maximumf %add3A_285, %mul3A_288 : vector<16xf32>
        %exp3A_290 = math.exp %max3A_289 : vector<16xf32>
        %swap3A_291 = arith.constant 32 : index
        %swap3A_292 = tpu.vector_load %arg15[%swap3A_291] {strides = array<i32>} : memref<64xf32, #tpu.memory_space<vmem>>, vector<16xf32>,
        tpu.vector_store %arg15[%swap3A_291], %exp3A_290 {strides = array<i32>} : memref<64xf32, #tpu.memory_space<vmem>>, vector<16xf32>,
        %swap3A_293 = arith.index_cast %add3A_278 : i32 to index
        %swap3A_294 = arith.constant 64 : index
        %swap3A_295 = tpu.vector_load %arg18[%swap3A_293, %swap3A_294] {strides = array<i32>} : memref<128x80xf32, #tpu.memory_space<vmem>>, vector<16xf32>,
        tpu.vector_store %arg18[%swap3A_293, %swap3A_294], %exp3A_290 {strides = array<i32>} : memref<128x80xf32, #tpu.memory_space<vmem>>, vector<16xf32>,
        %add3A_296 = arith.constant 3 : i32
        %add3A_297 = arith.addi %mul3A_242, %add3A_296 : i32
        %get3A_298 = arith.index_cast %add3A_297 : i32 to index
        %get3A_299 = arith.constant 64 : index
        %get3A_300 = tpu.vector_load %arg11[%get3A_298, %get3A_299] {strides = array<i32>} : memref<128x80xf32, #tpu.memory_space<vmem>>, vector<16xf32>,
        %get3A_301 = arith.index_cast %add3A_297 : i32 to index
        %get3A_302 = arith.constant 0 : index
        %get3A_303 = tpu.vector_load %arg14[%get3A_301, %get3A_302] {strides = array<i32>} : memref<128x16xf32, #tpu.memory_space<vmem>>, vector<16xf32>,
        %add3A_304 = arith.addf %get3A_300, %get3A_303 : vector<16xf32>
        %mul3A_305 = arith.constant 2.000000e-01 : f32
        %mul3A_306 = vector.broadcast %mul3A_305 : f32 to vector<16xf32>
        %mul3A_307 = arith.mulf %add3A_304, %mul3A_306 : vector<16xf32>
        %max3A_308 = arith.maximumf %add3A_304, %mul3A_307 : vector<16xf32>
        %exp3A_309 = math.exp %max3A_308 : vector<16xf32>
        %swap3A_310 = arith.constant 48 : index
        %swap3A_311 = tpu.vector_load %arg15[%swap3A_310] {strides = array<i32>} : memref<64xf32, #tpu.memory_space<vmem>>, vector<16xf32>,
        tpu.vector_store %arg15[%swap3A_310], %exp3A_309 {strides = array<i32>} : memref<64xf32, #tpu.memory_space<vmem>>, vector<16xf32>,
        %swap3A_312 = arith.index_cast %add3A_297 : i32 to index
        %swap3A_313 = arith.constant 64 : index
        %swap3A_314 = tpu.vector_load %arg18[%swap3A_312, %swap3A_313] {strides = array<i32>} : memref<128x80xf32, #tpu.memory_space<vmem>>, vector<16xf32>,
        tpu.vector_store %arg18[%swap3A_312, %swap3A_313], %exp3A_309 {strides = array<i32>} : memref<128x80xf32, #tpu.memory_space<vmem>>, vector<16xf32>,
        %iota3A = tpu.iota {dimensions = array<i32: 0>} : vector<16xi32>
        %jit3A = arith.constant 8 : i32
        %div3A = vector.broadcast %jit3A : i32 to vector<16xi32>
        %div3A_315 = arith.divsi %iota3A, %div3A : vector<16xi32>
        %sign3A = arith.constant 0 : i32
        %sign3A_316 = vector.broadcast %sign3A : i32 to vector<16xi32>
        %sign3A_317 = arith.cmpi sgt, %iota3A, %sign3A_316 : vector<16xi32>
        %sign3A_318 = arith.extui %sign3A_317 : vector<16xi1> to vector<16xi32>
        %sign3A_319 = arith.constant 0 : i32
        %sign3A_320 = vector.broadcast %sign3A_319 : i32 to vector<16xi32>
        %sign3A_321 = arith.cmpi slt, %iota3A, %sign3A_320 : vector<16xi32>
        %sign3A_322 = arith.extui %sign3A_321 : vector<16xi1> to vector<16xi32>
        %sign3A_323 = arith.subi %sign3A_318, %sign3A_322 : vector<16xi32>
        %sign3A_324 = arith.constant 0 : i32
        %sign3A_325 = arith.cmpi sgt, %jit3A, %sign3A_324 : i32
        %sign3A_326 = arith.extui %sign3A_325 : i1 to i32
        %sign3A_327 = arith.constant 0 : i32
        %sign3A_328 = arith.cmpi slt, %jit3A, %sign3A_327 : i32
        %sign3A_329 = arith.extui %sign3A_328 : i1 to i32
        %sign3A_330 = arith.subi %sign3A_326, %sign3A_329 : i32
        %ne3A = vector.broadcast %sign3A_330 : i32 to vector<16xi32>
        %ne3A_331 = arith.cmpi ne, %sign3A_323, %ne3A : vector<16xi32>
        %rem3A = vector.broadcast %jit3A : i32 to vector<16xi32>
        %rem3A_332 = arith.remsi %iota3A, %rem3A : vector<16xi32>
        %ne3A_333 = arith.constant 0 : i32
        %ne3A_334 = vector.broadcast %ne3A_333 : i32 to vector<16xi32>
        %ne3A_335 = arith.cmpi ne, %rem3A_332, %ne3A_334 : vector<16xi32>
        %and3A = arith.andi %ne3A_331, %ne3A_335 : vector<16xi1>
        %sub3A = arith.constant 1 : i32
        %sub3A_336 = vector.broadcast %sub3A : i32 to vector<16xi32>
        %sub3A_337 = arith.subi %div3A_315, %sub3A_336 : vector<16xi32>
        %select_n3A = arith.select %and3A, %sub3A_337, %div3A_315 : vector<16xi1>, vector<16xi32>
        %add3A_338 = arith.constant 0 : i32
        %add3A_339 = arith.addi %mul3A_242, %add3A_338 : i32
        %add3A_340 = arith.constant 0 : i32
        %add3A_341 = vector.broadcast %add3A_340 : i32 to vector<16xi32>
        %add3A_342 = arith.addi %select_n3A, %add3A_341 : vector<16xi32>
        %gather3A = tpu.vector_load_idx %arg15[%add3A_342] : memref<64xf32, #tpu.memory_space<vmem>>[vector<16xi32>], vector<16xf32>,
        %get3A_343 = arith.index_cast %add3A_339 : i32 to index
        %get3A_344 = arith.constant 0 : index
        %get3A_345 = tpu.vector_load %arg11[%get3A_343, %get3A_344] {strides = array<i32>} : memref<128x80xf32, #tpu.memory_space<vmem>>, vector<16xf32>,
        %mul3A_346 = arith.mulf %get3A_345, %gather3A : vector<16xf32>
        %swap3A_347 = arith.index_cast %add3A_339 : i32 to index
        %swap3A_348 = arith.constant 0 : index
        %swap3A_349 = tpu.vector_load %arg18[%swap3A_347, %swap3A_348] {strides = array<i32>} : memref<128x80xf32, #tpu.memory_space<vmem>>, vector<16xf32>,
        tpu.vector_store %arg18[%swap3A_347, %swap3A_348], %mul3A_346 {strides = array<i32>} : memref<128x80xf32, #tpu.memory_space<vmem>>, vector<16xf32>,
        %add3A_350 = arith.constant 2 : i32
        %add3A_351 = vector.broadcast %add3A_350 : i32 to vector<16xi32>
        %add3A_352 = arith.addi %select_n3A, %add3A_351 : vector<16xi32>
        %gather3A_353 = tpu.vector_load_idx %arg15[%add3A_352] : memref<64xf32, #tpu.memory_space<vmem>>[vector<16xi32>], vector<16xf32>,
        %get3A_354 = arith.index_cast %add3A_339 : i32 to index
        %get3A_355 = arith.constant 16 : index
        %get3A_356 = tpu.vector_load %arg11[%get3A_354, %get3A_355] {strides = array<i32>} : memref<128x80xf32, #tpu.memory_space<vmem>>, vector<16xf32>,
        %mul3A_357 = arith.mulf %get3A_356, %gather3A_353 : vector<16xf32>
        %swap3A_358 = arith.index_cast %add3A_339 : i32 to index
        %swap3A_359 = arith.constant 16 : index
        %swap3A_360 = tpu.vector_load %arg18[%swap3A_358, %swap3A_359] {strides = array<i32>} : memref<128x80xf32, #tpu.memory_space<vmem>>, vector<16xf32>,
        tpu.vector_store %arg18[%swap3A_358, %swap3A_359], %mul3A_357 {strides = array<i32>} : memref<128x80xf32, #tpu.memory_space<vmem>>, vector<16xf32>,
        %add3A_361 = arith.constant 4 : i32
        %add3A_362 = vector.broadcast %add3A_361 : i32 to vector<16xi32>
        %add3A_363 = arith.addi %select_n3A, %add3A_362 : vector<16xi32>
        %gather3A_364 = tpu.vector_load_idx %arg15[%add3A_363] : memref<64xf32, #tpu.memory_space<vmem>>[vector<16xi32>], vector<16xf32>,
        %get3A_365 = arith.index_cast %add3A_339 : i32 to index
        %get3A_366 = arith.constant 32 : index
        %get3A_367 = tpu.vector_load %arg11[%get3A_365, %get3A_366] {strides = array<i32>} : memref<128x80xf32, #tpu.memory_space<vmem>>, vector<16xf32>,
        %mul3A_368 = arith.mulf %get3A_367, %gather3A_364 : vector<16xf32>
        %swap3A_369 = arith.index_cast %add3A_339 : i32 to index
        %swap3A_370 = arith.constant 32 : index
        %swap3A_371 = tpu.vector_load %arg18[%swap3A_369, %swap3A_370] {strides = array<i32>} : memref<128x80xf32, #tpu.memory_space<vmem>>, vector<16xf32>,
        tpu.vector_store %arg18[%swap3A_369, %swap3A_370], %mul3A_368 {strides = array<i32>} : memref<128x80xf32, #tpu.memory_space<vmem>>, vector<16xf32>,
        %add3A_372 = arith.constant 6 : i32
        %add3A_373 = vector.broadcast %add3A_372 : i32 to vector<16xi32>
        %add3A_374 = arith.addi %select_n3A, %add3A_373 : vector<16xi32>
        %gather3A_375 = tpu.vector_load_idx %arg15[%add3A_374] : memref<64xf32, #tpu.memory_space<vmem>>[vector<16xi32>], vector<16xf32>,
        %get3A_376 = arith.index_cast %add3A_339 : i32 to index
        %get3A_377 = arith.constant 48 : index
        %get3A_378 = tpu.vector_load %arg11[%get3A_376, %get3A_377] {strides = array<i32>} : memref<128x80xf32, #tpu.memory_space<vmem>>, vector<16xf32>,
        %mul3A_379 = arith.mulf %get3A_378, %gather3A_375 : vector<16xf32>
        %swap3A_380 = arith.index_cast %add3A_339 : i32 to index
        %swap3A_381 = arith.constant 48 : index
        %swap3A_382 = tpu.vector_load %arg18[%swap3A_380, %swap3A_381] {strides = array<i32>} : memref<128x80xf32, #tpu.memory_space<vmem>>, vector<16xf32>,
        tpu.vector_store %arg18[%swap3A_380, %swap3A_381], %mul3A_379 {strides = array<i32>} : memref<128x80xf32, #tpu.memory_space<vmem>>, vector<16xf32>,
        %add3A_383 = arith.constant 1 : i32
        %add3A_384 = arith.addi %mul3A_242, %add3A_383 : i32
        %add3A_385 = arith.constant 16 : i32
        %add3A_386 = vector.broadcast %add3A_385 : i32 to vector<16xi32>
        %add3A_387 = arith.addi %select_n3A, %add3A_386 : vector<16xi32>
        %gather3A_388 = tpu.vector_load_idx %arg15[%add3A_387] : memref<64xf32, #tpu.memory_space<vmem>>[vector<16xi32>], vector<16xf32>,
        %get3A_389 = arith.index_cast %add3A_384 : i32 to index
        %get3A_390 = arith.constant 0 : index
        %get3A_391 = tpu.vector_load %arg11[%get3A_389, %get3A_390] {strides = array<i32>} : memref<128x80xf32, #tpu.memory_space<vmem>>, vector<16xf32>,
        %mul3A_392 = arith.mulf %get3A_391, %gather3A_388 : vector<16xf32>
        %swap3A_393 = arith.index_cast %add3A_384 : i32 to index
        %swap3A_394 = arith.constant 0 : index
        %swap3A_395 = tpu.vector_load %arg18[%swap3A_393, %swap3A_394] {strides = array<i32>} : memref<128x80xf32, #tpu.memory_space<vmem>>, vector<16xf32>,
        tpu.vector_store %arg18[%swap3A_393, %swap3A_394], %mul3A_392 {strides = array<i32>} : memref<128x80xf32, #tpu.memory_space<vmem>>, vector<16xf32>,
        %add3A_396 = arith.constant 18 : i32
        %add3A_397 = vector.broadcast %add3A_396 : i32 to vector<16xi32>
        %add3A_398 = arith.addi %select_n3A, %add3A_397 : vector<16xi32>
        %gather3A_399 = tpu.vector_load_idx %arg15[%add3A_398] : memref<64xf32, #tpu.memory_space<vmem>>[vector<16xi32>], vector<16xf32>,
        %get3A_400 = arith.index_cast %add3A_384 : i32 to index
        %get3A_401 = arith.constant 16 : index
        %get3A_402 = tpu.vector_load %arg11[%get3A_400, %get3A_401] {strides = array<i32>} : memref<128x80xf32, #tpu.memory_space<vmem>>, vector<16xf32>,
        %mul3A_403 = arith.mulf %get3A_402, %gather3A_399 : vector<16xf32>
        %swap3A_404 = arith.index_cast %add3A_384 : i32 to index
        %swap3A_405 = arith.constant 16 : index
        %swap3A_406 = tpu.vector_load %arg18[%swap3A_404, %swap3A_405] {strides = array<i32>} : memref<128x80xf32, #tpu.memory_space<vmem>>, vector<16xf32>,
        tpu.vector_store %arg18[%swap3A_404, %swap3A_405], %mul3A_403 {strides = array<i32>} : memref<128x80xf32, #tpu.memory_space<vmem>>, vector<16xf32>,
        %add3A_407 = arith.constant 20 : i32
        %add3A_408 = vector.broadcast %add3A_407 : i32 to vector<16xi32>
        %add3A_409 = arith.addi %select_n3A, %add3A_408 : vector<16xi32>
        %gather3A_410 = tpu.vector_load_idx %arg15[%add3A_409] : memref<64xf32, #tpu.memory_space<vmem>>[vector<16xi32>], vector<16xf32>,
        %get3A_411 = arith.index_cast %add3A_384 : i32 to index
        %get3A_412 = arith.constant 32 : index
        %get3A_413 = tpu.vector_load %arg11[%get3A_411, %get3A_412] {strides = array<i32>} : memref<128x80xf32, #tpu.memory_space<vmem>>, vector<16xf32>,
        %mul3A_414 = arith.mulf %get3A_413, %gather3A_410 : vector<16xf32>
        %swap3A_415 = arith.index_cast %add3A_384 : i32 to index
        %swap3A_416 = arith.constant 32 : index
        %swap3A_417 = tpu.vector_load %arg18[%swap3A_415, %swap3A_416] {strides = array<i32>} : memref<128x80xf32, #tpu.memory_space<vmem>>, vector<16xf32>,
        tpu.vector_store %arg18[%swap3A_415, %swap3A_416], %mul3A_414 {strides = array<i32>} : memref<128x80xf32, #tpu.memory_space<vmem>>, vector<16xf32>,
        %add3A_418 = arith.constant 22 : i32
        %add3A_419 = vector.broadcast %add3A_418 : i32 to vector<16xi32>
        %add3A_420 = arith.addi %select_n3A, %add3A_419 : vector<16xi32>
        %gather3A_421 = tpu.vector_load_idx %arg15[%add3A_420] : memref<64xf32, #tpu.memory_space<vmem>>[vector<16xi32>], vector<16xf32>,
        %get3A_422 = arith.index_cast %add3A_384 : i32 to index
        %get3A_423 = arith.constant 48 : index
        %get3A_424 = tpu.vector_load %arg11[%get3A_422, %get3A_423] {strides = array<i32>} : memref<128x80xf32, #tpu.memory_space<vmem>>, vector<16xf32>,
        %mul3A_425 = arith.mulf %get3A_424, %gather3A_421 : vector<16xf32>
        %swap3A_426 = arith.index_cast %add3A_384 : i32 to index
        %swap3A_427 = arith.constant 48 : index
        %swap3A_428 = tpu.vector_load %arg18[%swap3A_426, %swap3A_427] {strides = array<i32>} : memref<128x80xf32, #tpu.memory_space<vmem>>, vector<16xf32>,
        tpu.vector_store %arg18[%swap3A_426, %swap3A_427], %mul3A_425 {strides = array<i32>} : memref<128x80xf32, #tpu.memory_space<vmem>>, vector<16xf32>,
        %add3A_429 = arith.constant 2 : i32
        %add3A_430 = arith.addi %mul3A_242, %add3A_429 : i32
        %add3A_431 = arith.constant 32 : i32
        %add3A_432 = vector.broadcast %add3A_431 : i32 to vector<16xi32>
        %add3A_433 = arith.addi %select_n3A, %add3A_432 : vector<16xi32>
        %gather3A_434 = tpu.vector_load_idx %arg15[%add3A_433] : memref<64xf32, #tpu.memory_space<vmem>>[vector<16xi32>], vector<16xf32>,
        %get3A_435 = arith.index_cast %add3A_430 : i32 to index
        %get3A_436 = arith.constant 0 : index
        %get3A_437 = tpu.vector_load %arg11[%get3A_435, %get3A_436] {strides = array<i32>} : memref<128x80xf32, #tpu.memory_space<vmem>>, vector<16xf32>,
        %mul3A_438 = arith.mulf %get3A_437, %gather3A_434 : vector<16xf32>
        %swap3A_439 = arith.index_cast %add3A_430 : i32 to index
        %swap3A_440 = arith.constant 0 : index
        %swap3A_441 = tpu.vector_load %arg18[%swap3A_439, %swap3A_440] {strides = array<i32>} : memref<128x80xf32, #tpu.memory_space<vmem>>, vector<16xf32>,
        tpu.vector_store %arg18[%swap3A_439, %swap3A_440], %mul3A_438 {strides = array<i32>} : memref<128x80xf32, #tpu.memory_space<vmem>>, vector<16xf32>,
        %add3A_442 = arith.constant 34 : i32
        %add3A_443 = vector.broadcast %add3A_442 : i32 to vector<16xi32>
        %add3A_444 = arith.addi %select_n3A, %add3A_443 : vector<16xi32>
        %gather3A_445 = tpu.vector_load_idx %arg15[%add3A_444] : memref<64xf32, #tpu.memory_space<vmem>>[vector<16xi32>], vector<16xf32>,
        %get3A_446 = arith.index_cast %add3A_430 : i32 to index
        %get3A_447 = arith.constant 16 : index
        %get3A_448 = tpu.vector_load %arg11[%get3A_446, %get3A_447] {strides = array<i32>} : memref<128x80xf32, #tpu.memory_space<vmem>>, vector<16xf32>,
        %mul3A_449 = arith.mulf %get3A_448, %gather3A_445 : vector<16xf32>
        %swap3A_450 = arith.index_cast %add3A_430 : i32 to index
        %swap3A_451 = arith.constant 16 : index
        %swap3A_452 = tpu.vector_load %arg18[%swap3A_450, %swap3A_451] {strides = array<i32>} : memref<128x80xf32, #tpu.memory_space<vmem>>, vector<16xf32>,
        tpu.vector_store %arg18[%swap3A_450, %swap3A_451], %mul3A_449 {strides = array<i32>} : memref<128x80xf32, #tpu.memory_space<vmem>>, vector<16xf32>,
        %add3A_453 = arith.constant 36 : i32
        %add3A_454 = vector.broadcast %add3A_453 : i32 to vector<16xi32>
        %add3A_455 = arith.addi %select_n3A, %add3A_454 : vector<16xi32>
        %gather3A_456 = tpu.vector_load_idx %arg15[%add3A_455] : memref<64xf32, #tpu.memory_space<vmem>>[vector<16xi32>], vector<16xf32>,
        %get3A_457 = arith.index_cast %add3A_430 : i32 to index
        %get3A_458 = arith.constant 32 : index
        %get3A_459 = tpu.vector_load %arg11[%get3A_457, %get3A_458] {strides = array<i32>} : memref<128x80xf32, #tpu.memory_space<vmem>>, vector<16xf32>,
        %mul3A_460 = arith.mulf %get3A_459, %gather3A_456 : vector<16xf32>
        %swap3A_461 = arith.index_cast %add3A_430 : i32 to index
        %swap3A_462 = arith.constant 32 : index
        %swap3A_463 = tpu.vector_load %arg18[%swap3A_461, %swap3A_462] {strides = array<i32>} : memref<128x80xf32, #tpu.memory_space<vmem>>, vector<16xf32>,
        tpu.vector_store %arg18[%swap3A_461, %swap3A_462], %mul3A_460 {strides = array<i32>} : memref<128x80xf32, #tpu.memory_space<vmem>>, vector<16xf32>,
        %add3A_464 = arith.constant 38 : i32
        %add3A_465 = vector.broadcast %add3A_464 : i32 to vector<16xi32>
        %add3A_466 = arith.addi %select_n3A, %add3A_465 : vector<16xi32>
        %gather3A_467 = tpu.vector_load_idx %arg15[%add3A_466] : memref<64xf32, #tpu.memory_space<vmem>>[vector<16xi32>], vector<16xf32>,
        %get3A_468 = arith.index_cast %add3A_430 : i32 to index
        %get3A_469 = arith.constant 48 : index
        %get3A_470 = tpu.vector_load %arg11[%get3A_468, %get3A_469] {strides = array<i32>} : memref<128x80xf32, #tpu.memory_space<vmem>>, vector<16xf32>,
        %mul3A_471 = arith.mulf %get3A_470, %gather3A_467 : vector<16xf32>
        %swap3A_472 = arith.index_cast %add3A_430 : i32 to index
        %swap3A_473 = arith.constant 48 : index
        %swap3A_474 = tpu.vector_load %arg18[%swap3A_472, %swap3A_473] {strides = array<i32>} : memref<128x80xf32, #tpu.memory_space<vmem>>, vector<16xf32>,
        tpu.vector_store %arg18[%swap3A_472, %swap3A_473], %mul3A_471 {strides = array<i32>} : memref<128x80xf32, #tpu.memory_space<vmem>>, vector<16xf32>,
        %add3A_475 = arith.constant 3 : i32
        %add3A_476 = arith.addi %mul3A_242, %add3A_475 : i32
        %add3A_477 = arith.constant 48 : i32
        %add3A_478 = vector.broadcast %add3A_477 : i32 to vector<16xi32>
        %add3A_479 = arith.addi %select_n3A, %add3A_478 : vector<16xi32>
        %gather3A_480 = tpu.vector_load_idx %arg15[%add3A_479] : memref<64xf32, #tpu.memory_space<vmem>>[vector<16xi32>], vector<16xf32>,
        %get3A_481 = arith.index_cast %add3A_476 : i32 to index
        %get3A_482 = arith.constant 0 : index
        %get3A_483 = tpu.vector_load %arg11[%get3A_481, %get3A_482] {strides = array<i32>} : memref<128x80xf32, #tpu.memory_space<vmem>>, vector<16xf32>,
        %mul3A_484 = arith.mulf %get3A_483, %gather3A_480 : vector<16xf32>
        %swap3A_485 = arith.index_cast %add3A_476 : i32 to index
        %swap3A_486 = arith.constant 0 : index
        %swap3A_487 = tpu.vector_load %arg18[%swap3A_485, %swap3A_486] {strides = array<i32>} : memref<128x80xf32, #tpu.memory_space<vmem>>, vector<16xf32>,
        tpu.vector_store %arg18[%swap3A_485, %swap3A_486], %mul3A_484 {strides = array<i32>} : memref<128x80xf32, #tpu.memory_space<vmem>>, vector<16xf32>,
        %add3A_488 = arith.constant 50 : i32
        %add3A_489 = vector.broadcast %add3A_488 : i32 to vector<16xi32>
        %add3A_490 = arith.addi %select_n3A, %add3A_489 : vector<16xi32>
        %gather3A_491 = tpu.vector_load_idx %arg15[%add3A_490] : memref<64xf32, #tpu.memory_space<vmem>>[vector<16xi32>], vector<16xf32>,
        %get3A_492 = arith.index_cast %add3A_476 : i32 to index
        %get3A_493 = arith.constant 16 : index
        %get3A_494 = tpu.vector_load %arg11[%get3A_492, %get3A_493] {strides = array<i32>} : memref<128x80xf32, #tpu.memory_space<vmem>>, vector<16xf32>,
        %mul3A_495 = arith.mulf %get3A_494, %gather3A_491 : vector<16xf32>
        %swap3A_496 = arith.index_cast %add3A_476 : i32 to index
        %swap3A_497 = arith.constant 16 : index
        %swap3A_498 = tpu.vector_load %arg18[%swap3A_496, %swap3A_497] {strides = array<i32>} : memref<128x80xf32, #tpu.memory_space<vmem>>, vector<16xf32>,
        tpu.vector_store %arg18[%swap3A_496, %swap3A_497], %mul3A_495 {strides = array<i32>} : memref<128x80xf32, #tpu.memory_space<vmem>>, vector<16xf32>,
        %add3A_499 = arith.constant 52 : i32
        %add3A_500 = vector.broadcast %add3A_499 : i32 to vector<16xi32>
        %add3A_501 = arith.addi %select_n3A, %add3A_500 : vector<16xi32>
        %gather3A_502 = tpu.vector_load_idx %arg15[%add3A_501] : memref<64xf32, #tpu.memory_space<vmem>>[vector<16xi32>], vector<16xf32>,
        %get3A_503 = arith.index_cast %add3A_476 : i32 to index
        %get3A_504 = arith.constant 32 : index
        %get3A_505 = tpu.vector_load %arg11[%get3A_503, %get3A_504] {strides = array<i32>} : memref<128x80xf32, #tpu.memory_space<vmem>>, vector<16xf32>,
        %mul3A_506 = arith.mulf %get3A_505, %gather3A_502 : vector<16xf32>
        %swap3A_507 = arith.index_cast %add3A_476 : i32 to index
        %swap3A_508 = arith.constant 32 : index
        %swap3A_509 = tpu.vector_load %arg18[%swap3A_507, %swap3A_508] {strides = array<i32>} : memref<128x80xf32, #tpu.memory_space<vmem>>, vector<16xf32>,
        tpu.vector_store %arg18[%swap3A_507, %swap3A_508], %mul3A_506 {strides = array<i32>} : memref<128x80xf32, #tpu.memory_space<vmem>>, vector<16xf32>,
        %add3A_510 = arith.constant 54 : i32
        %add3A_511 = vector.broadcast %add3A_510 : i32 to vector<16xi32>
        %add3A_512 = arith.addi %select_n3A, %add3A_511 : vector<16xi32>
        %gather3A_513 = tpu.vector_load_idx %arg15[%add3A_512] : memref<64xf32, #tpu.memory_space<vmem>>[vector<16xi32>], vector<16xf32>,
        %get3A_514 = arith.index_cast %add3A_476 : i32 to index
        %get3A_515 = arith.constant 48 : index
        %get3A_516 = tpu.vector_load %arg11[%get3A_514, %get3A_515] {strides = array<i32>} : memref<128x80xf32, #tpu.memory_space<vmem>>, vector<16xf32>,
        %mul3A_517 = arith.mulf %get3A_516, %gather3A_513 : vector<16xf32>
        %swap3A_518 = arith.index_cast %add3A_476 : i32 to index
        %swap3A_519 = arith.constant 48 : index
        %swap3A_520 = tpu.vector_load %arg18[%swap3A_518, %swap3A_519] {strides = array<i32>} : memref<128x80xf32, #tpu.memory_space<vmem>>, vector<16xf32>,
        tpu.vector_store %arg18[%swap3A_518, %swap3A_519], %mul3A_517 {strides = array<i32>} : memref<128x80xf32, #tpu.memory_space<vmem>>, vector<16xf32>,
        %scan3A_521 = arith.constant 0 : i32
        scf.yield %scan3A_521 : i32
      }
      %scan3A_230 = arith.constant 32 : i32
      %dma_start3A_231 = arith.constant 1 : i32
      %dma_start3A_232 = arith.constant 0 : i32
      %dma_start3A_233 = tpu.memref_slice %arg8[%dma_start3A_231, %dma_start3A_232] : memref<2x128xi32, #tpu.memory_space<vmem>> -> memref<1x128xi32, #tpu.memory_space<vmem>>
      %dma_start3A_234 = tpu.memref_squeeze %dma_start3A_233 : memref<1x128xi32, #tpu.memory_space<vmem>> -> memref<128xi32, #tpu.memory_space<vmem>>
      %dma_start3A_235 = arith.constant 0 : i32
      %dma_start3A_236 = arith.constant 0 : i32
      %dma_start3A_237 = tpu.memref_slice %arg19[%dma_start3A_235, %dma_start3A_236] : memref<10016x80xf32, #tpu.memory_space<vmem_shared>> -> memref<10016x80xf32, #tpu.memory_space<vmem_shared>>
      tpu.enqueue_indirect_dma source(%arg18 : memref<128x80xf32, #tpu.memory_space<vmem>>) target(%dma_start3A_237 : memref<10016x80xf32, #tpu.memory_space<vmem_shared>>) offsets(%dma_start3A_234 : memref<128xi32, #tpu.memory_space<vmem>>) semaphore(%arg25 : memref<!tpu.dma_semaphore, #tpu.memory_space<semaphore_mem>>) {add = true}
      %scan3A_238 = arith.constant 0 : i32
      scf.yield %scan3A_238 : i32
    }
    %scan3A_49 = arith.constant 27 : i32
    %dma_wait3A = arith.constant 1 : i32
    %dma_wait3A_50 = arith.constant 0 : i32
    %dma_wait3A_51 = tpu.memref_slice %arg7[%dma_wait3A, %dma_wait3A_50] : memref<2x128xi32, #tpu.memory_space<vmem>> -> memref<1x128xi32, #tpu.memory_space<vmem>>
    %dma_wait3A_52 = tpu.memref_squeeze %dma_wait3A_51 : memref<1x128xi32, #tpu.memory_space<vmem>> -> memref<128xi32, #tpu.memory_space<vmem>>
    %dma_wait3A_53 = arith.constant 0 : i32
    %dma_wait3A_54 = arith.constant 0 : i32
    %dma_wait3A_55 = tpu.memref_slice %arg19[%dma_wait3A_53, %dma_wait3A_54] : memref<10016x80xf32, #tpu.memory_space<vmem_shared>> -> memref<10016x80xf32, #tpu.memory_space<vmem_shared>>
    tpu.wait_indirect_dma semaphore(%arg24 : memref<!tpu.dma_semaphore, #tpu.memory_space<semaphore_mem>>) src(%arg17 : memref<128x80xf32, #tpu.memory_space<vmem>>) dst(%dma_wait3A_55 : memref<10016x80xf32, #tpu.memory_space<vmem_shared>>)
    %dma_wait3A_56 = arith.constant 1 : i32
    %dma_wait3A_57 = arith.constant 0 : i32
    %dma_wait3A_58 = tpu.memref_slice %arg8[%dma_wait3A_56, %dma_wait3A_57] : memref<2x128xi32, #tpu.memory_space<vmem>> -> memref<1x128xi32, #tpu.memory_space<vmem>>
    %dma_wait3A_59 = tpu.memref_squeeze %dma_wait3A_58 : memref<1x128xi32, #tpu.memory_space<vmem>> -> memref<128xi32, #tpu.memory_space<vmem>>
    %dma_wait3A_60 = arith.constant 0 : i32
    %dma_wait3A_61 = arith.constant 0 : i32
    %dma_wait3A_62 = tpu.memref_slice %arg19[%dma_wait3A_60, %dma_wait3A_61] : memref<10016x80xf32, #tpu.memory_space<vmem_shared>> -> memref<10016x80xf32, #tpu.memory_space<vmem_shared>>
    tpu.wait_indirect_dma semaphore(%arg25 : memref<!tpu.dma_semaphore, #tpu.memory_space<semaphore_mem>>) src(%arg18 : memref<128x80xf32, #tpu.memory_space<vmem>>) dst(%dma_wait3A_62 : memref<10016x80xf32, #tpu.memory_space<vmem_shared>>)
    %barrier3A_63 = arith.constant 0 : index
    tpu.barrier barrier_id(%barrier3A_63)
    %mul3A_64 = arith.constant 626 : i32
    %mul3A_65 = arith.muli %arg1, %mul3A_64 : i32
    %add3A_66 = arith.constant 0 : i32
    %add3A_67 = arith.addi %mul3A_65, %add3A_66 : i32
    "tpu.region"() ({
      %run_scoped3A = tpu.sem_alloc : memref<!tpu.dma_semaphore, #tpu.memory_space<semaphore_mem>>
      %dma_start3A_84 = arith.constant 0 : i32
      %dma_start3A_85 = arith.constant 0 : i32
      %dma_start3A_86 = tpu.memref_slice %arg5[%arg0, %dma_start3A_84, %dma_start3A_85] : memref<2x10016x80xf32, #tpu.memory_space<hbm>> -> memref<1x10016x80xf32, #tpu.memory_space<hbm>>
      %dma_start3A_87 = tpu.memref_squeeze %dma_start3A_86 : memref<1x10016x80xf32, #tpu.memory_space<hbm>> -> memref<10016x80xf32, #tpu.memory_space<hbm>>
      %dma_start3A_88 = arith.constant 0 : i32
      %dma_start3A_89 = tpu.memref_slice %dma_start3A_87[%add3A_67, %dma_start3A_88] : memref<10016x80xf32, #tpu.memory_space<hbm>> -> memref<128x80xf32, #tpu.memory_space<hbm>>
      %dma_start3A_90 = arith.constant 0 : i32
      %dma_start3A_91 = tpu.memref_slice %arg19[%add3A_67, %dma_start3A_90] : memref<10016x80xf32, #tpu.memory_space<vmem_shared>> -> memref<128x80xf32, #tpu.memory_space<vmem_shared>>
      tpu.enqueue_dma source(%dma_start3A_91 : memref<128x80xf32, #tpu.memory_space<vmem_shared>>) target(%dma_start3A_89 : memref<128x80xf32, #tpu.memory_space<hbm>>) target_semaphore(%run_scoped3A : memref<!tpu.dma_semaphore, #tpu.memory_space<semaphore_mem>>)
      %dma_wait3A_92 = arith.constant 0 : i32
      %dma_wait3A_93 = arith.constant 0 : i32
      %dma_wait3A_94 = tpu.memref_slice %arg5[%arg0, %dma_wait3A_92, %dma_wait3A_93] : memref<2x10016x80xf32, #tpu.memory_space<hbm>> -> memref<1x10016x80xf32, #tpu.memory_space<hbm>>
      %dma_wait3A_95 = tpu.memref_squeeze %dma_wait3A_94 : memref<1x10016x80xf32, #tpu.memory_space<hbm>> -> memref<10016x80xf32, #tpu.memory_space<hbm>>
      %dma_wait3A_96 = arith.constant 0 : i32
      %dma_wait3A_97 = tpu.memref_slice %dma_wait3A_95[%add3A_67, %dma_wait3A_96] : memref<10016x80xf32, #tpu.memory_space<hbm>> -> memref<128x80xf32, #tpu.memory_space<hbm>>
      %dma_wait3A_98 = arith.constant 0 : i32
      %dma_wait3A_99 = tpu.memref_slice %arg19[%add3A_67, %dma_wait3A_98] : memref<10016x80xf32, #tpu.memory_space<vmem_shared>> -> memref<128x80xf32, #tpu.memory_space<vmem_shared>>
      tpu.wait_dma2 semaphore(%run_scoped3A : memref<!tpu.dma_semaphore, #tpu.memory_space<semaphore_mem>>) src(%dma_wait3A_99 : memref<128x80xf32, #tpu.memory_space<vmem_shared>>) dst(%dma_wait3A_97 : memref<128x80xf32, #tpu.memory_space<hbm>>)
      tpu.yield
    }) : () -> ()
    %mul3A_68 = arith.constant 626 : i32
    %mul3A_69 = arith.muli %arg1, %mul3A_68 : i32
    %add3A_70 = arith.constant 128 : i32
    %add3A_71 = arith.addi %mul3A_69, %add3A_70 : i32
    "tpu.region"() ({
      %run_scoped3A = tpu.sem_alloc : memref<!tpu.dma_semaphore, #tpu.memory_space<semaphore_mem>>
      %dma_start3A_84 = arith.constant 0 : i32
      %dma_start3A_85 = arith.constant 0 : i32
      %dma_start3A_86 = tpu.memref_slice %arg5[%arg0, %dma_start3A_84, %dma_start3A_85] : memref<2x10016x80xf32, #tpu.memory_space<hbm>> -> memref<1x10016x80xf32, #tpu.memory_space<hbm>>
      %dma_start3A_87 = tpu.memref_squeeze %dma_start3A_86 : memref<1x10016x80xf32, #tpu.memory_space<hbm>> -> memref<10016x80xf32, #tpu.memory_space<hbm>>
      %dma_start3A_88 = arith.constant 0 : i32
      %dma_start3A_89 = tpu.memref_slice %dma_start3A_87[%add3A_71, %dma_start3A_88] : memref<10016x80xf32, #tpu.memory_space<hbm>> -> memref<128x80xf32, #tpu.memory_space<hbm>>
      %dma_start3A_90 = arith.constant 0 : i32
      %dma_start3A_91 = tpu.memref_slice %arg19[%add3A_71, %dma_start3A_90] : memref<10016x80xf32, #tpu.memory_space<vmem_shared>> -> memref<128x80xf32, #tpu.memory_space<vmem_shared>>
      tpu.enqueue_dma source(%dma_start3A_91 : memref<128x80xf32, #tpu.memory_space<vmem_shared>>) target(%dma_start3A_89 : memref<128x80xf32, #tpu.memory_space<hbm>>) target_semaphore(%run_scoped3A : memref<!tpu.dma_semaphore, #tpu.memory_space<semaphore_mem>>)
      %dma_wait3A_92 = arith.constant 0 : i32
      %dma_wait3A_93 = arith.constant 0 : i32
      %dma_wait3A_94 = tpu.memref_slice %arg5[%arg0, %dma_wait3A_92, %dma_wait3A_93] : memref<2x10016x80xf32, #tpu.memory_space<hbm>> -> memref<1x10016x80xf32, #tpu.memory_space<hbm>>
      %dma_wait3A_95 = tpu.memref_squeeze %dma_wait3A_94 : memref<1x10016x80xf32, #tpu.memory_space<hbm>> -> memref<10016x80xf32, #tpu.memory_space<hbm>>
      %dma_wait3A_96 = arith.constant 0 : i32
      %dma_wait3A_97 = tpu.memref_slice %dma_wait3A_95[%add3A_71, %dma_wait3A_96] : memref<10016x80xf32, #tpu.memory_space<hbm>> -> memref<128x80xf32, #tpu.memory_space<hbm>>
      %dma_wait3A_98 = arith.constant 0 : i32
      %dma_wait3A_99 = tpu.memref_slice %arg19[%add3A_71, %dma_wait3A_98] : memref<10016x80xf32, #tpu.memory_space<vmem_shared>> -> memref<128x80xf32, #tpu.memory_space<vmem_shared>>
      tpu.wait_dma2 semaphore(%run_scoped3A : memref<!tpu.dma_semaphore, #tpu.memory_space<semaphore_mem>>) src(%dma_wait3A_99 : memref<128x80xf32, #tpu.memory_space<vmem_shared>>) dst(%dma_wait3A_97 : memref<128x80xf32, #tpu.memory_space<hbm>>)
      tpu.yield
    }) : () -> ()
    %mul3A_72 = arith.constant 626 : i32
    %mul3A_73 = arith.muli %arg1, %mul3A_72 : i32
    %add3A_74 = arith.constant 256 : i32
    %add3A_75 = arith.addi %mul3A_73, %add3A_74 : i32
    "tpu.region"() ({
      %run_scoped3A = tpu.sem_alloc : memref<!tpu.dma_semaphore, #tpu.memory_space<semaphore_mem>>
      %dma_start3A_84 = arith.constant 0 : i32
      %dma_start3A_85 = arith.constant 0 : i32
      %dma_start3A_86 = tpu.memref_slice %arg5[%arg0, %dma_start3A_84, %dma_start3A_85] : memref<2x10016x80xf32, #tpu.memory_space<hbm>> -> memref<1x10016x80xf32, #tpu.memory_space<hbm>>
      %dma_start3A_87 = tpu.memref_squeeze %dma_start3A_86 : memref<1x10016x80xf32, #tpu.memory_space<hbm>> -> memref<10016x80xf32, #tpu.memory_space<hbm>>
      %dma_start3A_88 = arith.constant 0 : i32
      %dma_start3A_89 = tpu.memref_slice %dma_start3A_87[%add3A_75, %dma_start3A_88] : memref<10016x80xf32, #tpu.memory_space<hbm>> -> memref<128x80xf32, #tpu.memory_space<hbm>>
      %dma_start3A_90 = arith.constant 0 : i32
      %dma_start3A_91 = tpu.memref_slice %arg19[%add3A_75, %dma_start3A_90] : memref<10016x80xf32, #tpu.memory_space<vmem_shared>> -> memref<128x80xf32, #tpu.memory_space<vmem_shared>>
      tpu.enqueue_dma source(%dma_start3A_91 : memref<128x80xf32, #tpu.memory_space<vmem_shared>>) target(%dma_start3A_89 : memref<128x80xf32, #tpu.memory_space<hbm>>) target_semaphore(%run_scoped3A : memref<!tpu.dma_semaphore, #tpu.memory_space<semaphore_mem>>)
      %dma_wait3A_92 = arith.constant 0 : i32
      %dma_wait3A_93 = arith.constant 0 : i32
      %dma_wait3A_94 = tpu.memref_slice %arg5[%arg0, %dma_wait3A_92, %dma_wait3A_93] : memref<2x10016x80xf32, #tpu.memory_space<hbm>> -> memref<1x10016x80xf32, #tpu.memory_space<hbm>>
      %dma_wait3A_95 = tpu.memref_squeeze %dma_wait3A_94 : memref<1x10016x80xf32, #tpu.memory_space<hbm>> -> memref<10016x80xf32, #tpu.memory_space<hbm>>
      %dma_wait3A_96 = arith.constant 0 : i32
      %dma_wait3A_97 = tpu.memref_slice %dma_wait3A_95[%add3A_75, %dma_wait3A_96] : memref<10016x80xf32, #tpu.memory_space<hbm>> -> memref<128x80xf32, #tpu.memory_space<hbm>>
      %dma_wait3A_98 = arith.constant 0 : i32
      %dma_wait3A_99 = tpu.memref_slice %arg19[%add3A_75, %dma_wait3A_98] : memref<10016x80xf32, #tpu.memory_space<vmem_shared>> -> memref<128x80xf32, #tpu.memory_space<vmem_shared>>
      tpu.wait_dma2 semaphore(%run_scoped3A : memref<!tpu.dma_semaphore, #tpu.memory_space<semaphore_mem>>) src(%dma_wait3A_99 : memref<128x80xf32, #tpu.memory_space<vmem_shared>>) dst(%dma_wait3A_97 : memref<128x80xf32, #tpu.memory_space<hbm>>)
      tpu.yield
    }) : () -> ()
    %mul3A_76 = arith.constant 626 : i32
    %mul3A_77 = arith.muli %arg1, %mul3A_76 : i32
    %add3A_78 = arith.constant 384 : i32
    %add3A_79 = arith.addi %mul3A_77, %add3A_78 : i32
    "tpu.region"() ({
      %run_scoped3A = tpu.sem_alloc : memref<!tpu.dma_semaphore, #tpu.memory_space<semaphore_mem>>
      %dma_start3A_84 = arith.constant 0 : i32
      %dma_start3A_85 = arith.constant 0 : i32
      %dma_start3A_86 = tpu.memref_slice %arg5[%arg0, %dma_start3A_84, %dma_start3A_85] : memref<2x10016x80xf32, #tpu.memory_space<hbm>> -> memref<1x10016x80xf32, #tpu.memory_space<hbm>>
      %dma_start3A_87 = tpu.memref_squeeze %dma_start3A_86 : memref<1x10016x80xf32, #tpu.memory_space<hbm>> -> memref<10016x80xf32, #tpu.memory_space<hbm>>
      %dma_start3A_88 = arith.constant 0 : i32
      %dma_start3A_89 = tpu.memref_slice %dma_start3A_87[%add3A_79, %dma_start3A_88] : memref<10016x80xf32, #tpu.memory_space<hbm>> -> memref<128x80xf32, #tpu.memory_space<hbm>>
      %dma_start3A_90 = arith.constant 0 : i32
      %dma_start3A_91 = tpu.memref_slice %arg19[%add3A_79, %dma_start3A_90] : memref<10016x80xf32, #tpu.memory_space<vmem_shared>> -> memref<128x80xf32, #tpu.memory_space<vmem_shared>>
      tpu.enqueue_dma source(%dma_start3A_91 : memref<128x80xf32, #tpu.memory_space<vmem_shared>>) target(%dma_start3A_89 : memref<128x80xf32, #tpu.memory_space<hbm>>) target_semaphore(%run_scoped3A : memref<!tpu.dma_semaphore, #tpu.memory_space<semaphore_mem>>)
      %dma_wait3A_92 = arith.constant 0 : i32
      %dma_wait3A_93 = arith.constant 0 : i32
      %dma_wait3A_94 = tpu.memref_slice %arg5[%arg0, %dma_wait3A_92, %dma_wait3A_93] : memref<2x10016x80xf32, #tpu.memory_space<hbm>> -> memref<1x10016x80xf32, #tpu.memory_space<hbm>>
      %dma_wait3A_95 = tpu.memref_squeeze %dma_wait3A_94 : memref<1x10016x80xf32, #tpu.memory_space<hbm>> -> memref<10016x80xf32, #tpu.memory_space<hbm>>
      %dma_wait3A_96 = arith.constant 0 : i32
      %dma_wait3A_97 = tpu.memref_slice %dma_wait3A_95[%add3A_79, %dma_wait3A_96] : memref<10016x80xf32, #tpu.memory_space<hbm>> -> memref<128x80xf32, #tpu.memory_space<hbm>>
      %dma_wait3A_98 = arith.constant 0 : i32
      %dma_wait3A_99 = tpu.memref_slice %arg19[%add3A_79, %dma_wait3A_98] : memref<10016x80xf32, #tpu.memory_space<vmem_shared>> -> memref<128x80xf32, #tpu.memory_space<vmem_shared>>
      tpu.wait_dma2 semaphore(%run_scoped3A : memref<!tpu.dma_semaphore, #tpu.memory_space<semaphore_mem>>) src(%dma_wait3A_99 : memref<128x80xf32, #tpu.memory_space<vmem_shared>>) dst(%dma_wait3A_97 : memref<128x80xf32, #tpu.memory_space<hbm>>)
      tpu.yield
    }) : () -> ()
    %mul3A_80 = arith.constant 626 : i32
    %mul3A_81 = arith.muli %arg1, %mul3A_80 : i32
    %add3A_82 = arith.constant 512 : i32
    %add3A_83 = arith.addi %mul3A_81, %add3A_82 : i32
    "tpu.region"() ({
      %run_scoped3A = tpu.sem_alloc : memref<!tpu.dma_semaphore, #tpu.memory_space<semaphore_mem>>
      %dma_start3A_84 = arith.constant 0 : i32
      %dma_start3A_85 = arith.constant 0 : i32
      %dma_start3A_86 = tpu.memref_slice %arg5[%arg0, %dma_start3A_84, %dma_start3A_85] : memref<2x10016x80xf32, #tpu.memory_space<hbm>> -> memref<1x10016x80xf32, #tpu.memory_space<hbm>>
      %dma_start3A_87 = tpu.memref_squeeze %dma_start3A_86 : memref<1x10016x80xf32, #tpu.memory_space<hbm>> -> memref<10016x80xf32, #tpu.memory_space<hbm>>
      %dma_start3A_88 = arith.constant 0 : i32
      %dma_start3A_89 = tpu.memref_slice %dma_start3A_87[%add3A_83, %dma_start3A_88] : memref<10016x80xf32, #tpu.memory_space<hbm>> -> memref<114x80xf32, #tpu.memory_space<hbm>>
      %dma_start3A_90 = arith.constant 0 : i32
      %dma_start3A_91 = tpu.memref_slice %arg19[%add3A_83, %dma_start3A_90] : memref<10016x80xf32, #tpu.memory_space<vmem_shared>> -> memref<114x80xf32, #tpu.memory_space<vmem_shared>>
      tpu.enqueue_dma source(%dma_start3A_91 : memref<114x80xf32, #tpu.memory_space<vmem_shared>>) target(%dma_start3A_89 : memref<114x80xf32, #tpu.memory_space<hbm>>) target_semaphore(%run_scoped3A : memref<!tpu.dma_semaphore, #tpu.memory_space<semaphore_mem>>)
      %dma_wait3A_92 = arith.constant 0 : i32
      %dma_wait3A_93 = arith.constant 0 : i32
      %dma_wait3A_94 = tpu.memref_slice %arg5[%arg0, %dma_wait3A_92, %dma_wait3A_93] : memref<2x10016x80xf32, #tpu.memory_space<hbm>> -> memref<1x10016x80xf32, #tpu.memory_space<hbm>>
      %dma_wait3A_95 = tpu.memref_squeeze %dma_wait3A_94 : memref<1x10016x80xf32, #tpu.memory_space<hbm>> -> memref<10016x80xf32, #tpu.memory_space<hbm>>
      %dma_wait3A_96 = arith.constant 0 : i32
      %dma_wait3A_97 = tpu.memref_slice %dma_wait3A_95[%add3A_83, %dma_wait3A_96] : memref<10016x80xf32, #tpu.memory_space<hbm>> -> memref<114x80xf32, #tpu.memory_space<hbm>>
      %dma_wait3A_98 = arith.constant 0 : i32
      %dma_wait3A_99 = tpu.memref_slice %arg19[%add3A_83, %dma_wait3A_98] : memref<10016x80xf32, #tpu.memory_space<vmem_shared>> -> memref<114x80xf32, #tpu.memory_space<vmem_shared>>
      tpu.wait_dma2 semaphore(%run_scoped3A : memref<!tpu.dma_semaphore, #tpu.memory_space<semaphore_mem>>) src(%dma_wait3A_99 : memref<114x80xf32, #tpu.memory_space<vmem_shared>>) dst(%dma_wait3A_97 : memref<114x80xf32, #tpu.memory_space<hbm>>)
      tpu.yield
    }) : () -> ()
    return
  }
}

#map = affine_map<(d0, d1) -> (0, 0, 0)>
#map1 = affine_map<(d0, d1) -> (0, 0)>
module attributes {stable_mosaic.version = 14 : i64} {
  func.func @body(%arg0: i32, %arg1: i32, %arg2: memref<2592x2x128xi32, #tpu.memory_space<hbm>>, %arg3: memref<10016x64xf32, #tpu.memory_space<hbm>>, %arg4: memref<10016x16xf32, #tpu.memory_space<hbm>>, %arg5: memref<2x10016x48xf32, #tpu.memory_space<hbm>>, %arg6: memref<2x128xi32, #tpu.memory_space<vmem>>, %arg7: memref<2x128xi32, #tpu.memory_space<vmem>>, %arg8: memref<2x128xi32, #tpu.memory_space<vmem>>, %arg9: memref<128x64xf32, #tpu.memory_space<vmem>>, %arg10: memref<128x64xf32, #tpu.memory_space<vmem>>, %arg11: memref<128x64xf32, #tpu.memory_space<vmem>>, %arg12: memref<128x16xf32, #tpu.memory_space<vmem>>, %arg13: memref<128x16xf32, #tpu.memory_space<vmem>>, %arg14: memref<128x16xf32, #tpu.memory_space<vmem>>, %arg15: memref<64xf32, #tpu.memory_space<vmem>>, %arg16: memref<128x48xf32, #tpu.memory_space<vmem>>, %arg17: memref<128x48xf32, #tpu.memory_space<vmem>>, %arg18: memref<128x48xf32, #tpu.memory_space<vmem>>, %arg19: memref<10016x48xf32, #tpu.memory_space<vmem_shared>>, %arg20: memref<!tpu.dma_semaphore, #tpu.memory_space<semaphore_mem>>, %arg21: memref<!tpu.dma_semaphore, #tpu.memory_space<semaphore_mem>>, %arg22: memref<!tpu.dma_semaphore, #tpu.memory_space<semaphore_mem>>, %arg23: memref<!tpu.dma_semaphore, #tpu.memory_space<semaphore_mem>>, %arg24: memref<!tpu.dma_semaphore, #tpu.memory_space<semaphore_mem>>, %arg25: memref<!tpu.dma_semaphore, #tpu.memory_space<semaphore_mem>>) attributes {dimension_semantics = [#tpu.dimension_semantics<core_parallel>, #tpu.dimension_semantics<subcore_parallel>], iteration_bounds = array<i64: 2, 16>, scalar_prefetch = 0 : i64, scratch_operands = 20 : i64, tpu.core_type = #tpu.core_type<sc_vector_subcore>, window_params = [{transform_indices = #map}, {transform_indices = #map1}, {transform_indices = #map1}, {transform_indices = #map}]} {
    %mul3A = arith.constant 16 : i32
    %mul3A_0 = arith.muli %arg0, %mul3A : i32
    %add3A = arith.addi %mul3A_0, %arg1 : i32
    %broadcast_in_dim3A = arith.constant 0.000000e+00 : f32
    %broadcast_in_dim3A_1 = vector.broadcast %broadcast_in_dim3A : f32 to vector<16xf32>
    %mul3A_2 = arith.constant 81 : i32
    %mul3A_3 = arith.muli %add3A, %mul3A_2 : i32
    "tpu.region"() ({
      %run_scoped3A = tpu.sem_alloc : memref<!tpu.dma_semaphore, #tpu.memory_space<semaphore_mem>>
      %dma_start3A_84 = arith.constant 0 : i32
      %dma_start3A_85 = arith.constant 0 : i32
      %dma_start3A_86 = tpu.memref_slice %arg2[%mul3A_3, %dma_start3A_84, %dma_start3A_85] : memref<2592x2x128xi32, #tpu.memory_space<hbm>> -> memref<1x2x128xi32, #tpu.memory_space<hbm>>
      %dma_start3A_87 = tpu.memref_squeeze %dma_start3A_86 : memref<1x2x128xi32, #tpu.memory_space<hbm>> -> memref<2x128xi32, #tpu.memory_space<hbm>>
      %dma_start3A_88 = arith.constant 0 : i32
      %dma_start3A_89 = arith.constant 0 : i32
      %dma_start3A_90 = tpu.memref_slice %arg2[%mul3A_3, %dma_start3A_88, %dma_start3A_89] : memref<2592x2x128xi32, #tpu.memory_space<hbm>> -> memref<1x2x128xi32, #tpu.memory_space<hbm>>
      %dma_start3A_91 = tpu.memref_squeeze %dma_start3A_90 : memref<1x2x128xi32, #tpu.memory_space<hbm>> -> memref<2x128xi32, #tpu.memory_space<hbm>>
      tpu.enqueue_dma source(%dma_start3A_91 : memref<2x128xi32, #tpu.memory_space<hbm>>) target(%arg6 : memref<2x128xi32, #tpu.memory_space<vmem>>) target_semaphore(%run_scoped3A : memref<!tpu.dma_semaphore, #tpu.memory_space<semaphore_mem>>)
      %dma_wait3A_92 = arith.constant 0 : i32
      %dma_wait3A_93 = arith.constant 0 : i32
      %dma_wait3A_94 = tpu.memref_slice %arg2[%mul3A_3, %dma_wait3A_92, %dma_wait3A_93] : memref<2592x2x128xi32, #tpu.memory_space<hbm>> -> memref<1x2x128xi32, #tpu.memory_space<hbm>>
      %dma_wait3A_95 = tpu.memref_squeeze %dma_wait3A_94 : memref<1x2x128xi32, #tpu.memory_space<hbm>> -> memref<2x128xi32, #tpu.memory_space<hbm>>
      %dma_wait3A_96 = arith.constant 0 : i32
      %dma_wait3A_97 = arith.constant 0 : i32
      %dma_wait3A_98 = tpu.memref_slice %arg2[%mul3A_3, %dma_wait3A_96, %dma_wait3A_97] : memref<2592x2x128xi32, #tpu.memory_space<hbm>> -> memref<1x2x128xi32, #tpu.memory_space<hbm>>
      %dma_wait3A_99 = tpu.memref_squeeze %dma_wait3A_98 : memref<1x2x128xi32, #tpu.memory_space<hbm>> -> memref<2x128xi32, #tpu.memory_space<hbm>>
      tpu.wait_dma2 semaphore(%run_scoped3A : memref<!tpu.dma_semaphore, #tpu.memory_space<semaphore_mem>>) src(%dma_wait3A_99 : memref<2x128xi32, #tpu.memory_space<hbm>>) dst(%arg6 : memref<2x128xi32, #tpu.memory_space<vmem>>)
      tpu.yield
    }) : () -> ()
    %dma_start3A = arith.constant 0 : i32
    %dma_start3A_4 = arith.constant 0 : i32
    %dma_start3A_5 = tpu.memref_slice %arg6[%dma_start3A, %dma_start3A_4] : memref<2x128xi32, #tpu.memory_space<vmem>> -> memref<1x128xi32, #tpu.memory_space<vmem>>
    %dma_start3A_6 = tpu.memref_squeeze %dma_start3A_5 : memref<1x128xi32, #tpu.memory_space<vmem>> -> memref<128xi32, #tpu.memory_space<vmem>>
    %dma_start3A_7 = arith.constant 0 : i32
    %dma_start3A_8 = arith.constant 0 : i32
    %dma_start3A_9 = tpu.memref_slice %arg3[%dma_start3A_7, %dma_start3A_8] : memref<10016x64xf32, #tpu.memory_space<hbm>> -> memref<10016x64xf32, #tpu.memory_space<hbm>>
    tpu.enqueue_indirect_dma source(%dma_start3A_9 : memref<10016x64xf32, #tpu.memory_space<hbm>>) target(%arg9 : memref<128x64xf32, #tpu.memory_space<vmem>>) offsets(%dma_start3A_6 : memref<128xi32, #tpu.memory_space<vmem>>) semaphore(%arg20 : memref<!tpu.dma_semaphore, #tpu.memory_space<semaphore_mem>>)
    %dma_start3A_10 = arith.constant 1 : i32
    %dma_start3A_11 = arith.constant 0 : i32
    %dma_start3A_12 = tpu.memref_slice %arg6[%dma_start3A_10, %dma_start3A_11] : memref<2x128xi32, #tpu.memory_space<vmem>> -> memref<1x128xi32, #tpu.memory_space<vmem>>
    %dma_start3A_13 = tpu.memref_squeeze %dma_start3A_12 : memref<1x128xi32, #tpu.memory_space<vmem>> -> memref<128xi32, #tpu.memory_space<vmem>>
    %dma_start3A_14 = arith.constant 0 : i32
    %dma_start3A_15 = arith.constant 0 : i32
    %dma_start3A_16 = tpu.memref_slice %arg4[%dma_start3A_14, %dma_start3A_15] : memref<10016x16xf32, #tpu.memory_space<hbm>> -> memref<10016x16xf32, #tpu.memory_space<hbm>>
    tpu.enqueue_indirect_dma source(%dma_start3A_16 : memref<10016x16xf32, #tpu.memory_space<hbm>>) target(%arg12 : memref<128x16xf32, #tpu.memory_space<vmem>>) offsets(%dma_start3A_13 : memref<128xi32, #tpu.memory_space<vmem>>) semaphore(%arg20 : memref<!tpu.dma_semaphore, #tpu.memory_space<semaphore_mem>>)
    %scan3A = arith.constant 0 : i32
    %scan3A_17 = arith.constant 0 : i32
    %scan3A_18 = arith.constant 128 : i32
    %scan3A_19 = arith.addi %scan3A_17, %scan3A_18 : i32
    %scan3A_20 = arith.constant 1 : i32
    %scan3A_21 = scf.for %scan3A_84 = %scan3A_17 to %scan3A_19 step %scan3A_20 iter_args(%scan3A_85 = %scan3A) -> (i32)  : i32 {
      %swap3A = arith.index_cast %scan3A_84 : i32 to index
      %swap3A_86 = arith.constant 0 : index
      %swap3A_87 = tpu.vector_load %arg16[%swap3A, %swap3A_86] {strides = array<i32>} : memref<128x48xf32, #tpu.memory_space<vmem>>, vector<16xf32>,
      tpu.vector_store %arg16[%swap3A, %swap3A_86], %broadcast_in_dim3A_1 {strides = array<i32>} : memref<128x48xf32, #tpu.memory_space<vmem>>, vector<16xf32>,
      %swap3A_88 = arith.index_cast %scan3A_84 : i32 to index
      %swap3A_89 = arith.constant 16 : index
      %swap3A_90 = tpu.vector_load %arg16[%swap3A_88, %swap3A_89] {strides = array<i32>} : memref<128x48xf32, #tpu.memory_space<vmem>>, vector<16xf32>,
      tpu.vector_store %arg16[%swap3A_88, %swap3A_89], %broadcast_in_dim3A_1 {strides = array<i32>} : memref<128x48xf32, #tpu.memory_space<vmem>>, vector<16xf32>,
      %swap3A_91 = arith.index_cast %scan3A_84 : i32 to index
      %swap3A_92 = arith.constant 32 : index
      %swap3A_93 = tpu.vector_load %arg16[%swap3A_91, %swap3A_92] {strides = array<i32>} : memref<128x48xf32, #tpu.memory_space<vmem>>, vector<16xf32>,
      tpu.vector_store %arg16[%swap3A_91, %swap3A_92], %broadcast_in_dim3A_1 {strides = array<i32>} : memref<128x48xf32, #tpu.memory_space<vmem>>, vector<16xf32>,
      %scan3A_94 = arith.constant 0 : i32
      scf.yield %scan3A_94 : i32
    }
    %scan3A_22 = arith.constant 128 : i32
    %mul3A_23 = arith.constant 626 : i32
    %mul3A_24 = arith.muli %arg1, %mul3A_23 : i32
    %add3A_25 = arith.constant 0 : i32
    %add3A_26 = arith.addi %mul3A_24, %add3A_25 : i32
    "tpu.region"() ({
      %run_scoped3A = tpu.sem_alloc : memref<!tpu.dma_semaphore, #tpu.memory_space<semaphore_mem>>
      %dma_start3A_84 = arith.constant 0 : i32
      %dma_start3A_85 = arith.constant 0 : i32
      %dma_start3A_86 = tpu.memref_slice %arg16[%dma_start3A_84, %dma_start3A_85] : memref<128x48xf32, #tpu.memory_space<vmem>> -> memref<128x48xf32, #tpu.memory_space<vmem>>
      %dma_start3A_87 = arith.constant 0 : i32
      %dma_start3A_88 = tpu.memref_slice %arg19[%add3A_26, %dma_start3A_87] : memref<10016x48xf32, #tpu.memory_space<vmem_shared>> -> memref<128x48xf32, #tpu.memory_space<vmem_shared>>
      %dma_start3A_89 = arith.constant 0 : i32
      %dma_start3A_90 = tpu.memref_slice %arg19[%add3A_26, %dma_start3A_89] : memref<10016x48xf32, #tpu.memory_space<vmem_shared>> -> memref<128x48xf32, #tpu.memory_space<vmem_shared>>
      %dma_start3A_91 = arith.constant 0 : i32
      %dma_start3A_92 = arith.constant 0 : i32
      %dma_start3A_93 = tpu.memref_slice %arg16[%dma_start3A_91, %dma_start3A_92] : memref<128x48xf32, #tpu.memory_space<vmem>> -> memref<128x48xf32, #tpu.memory_space<vmem>>
      tpu.enqueue_dma source(%dma_start3A_93 : memref<128x48xf32, #tpu.memory_space<vmem>>) target(%dma_start3A_90 : memref<128x48xf32, #tpu.memory_space<vmem_shared>>) target_semaphore(%run_scoped3A : memref<!tpu.dma_semaphore, #tpu.memory_space<semaphore_mem>>)
      %dma_wait3A_94 = arith.constant 0 : i32
      %dma_wait3A_95 = arith.constant 0 : i32
      %dma_wait3A_96 = tpu.memref_slice %arg16[%dma_wait3A_94, %dma_wait3A_95] : memref<128x48xf32, #tpu.memory_space<vmem>> -> memref<128x48xf32, #tpu.memory_space<vmem>>
      %dma_wait3A_97 = arith.constant 0 : i32
      %dma_wait3A_98 = tpu.memref_slice %arg19[%add3A_26, %dma_wait3A_97] : memref<10016x48xf32, #tpu.memory_space<vmem_shared>> -> memref<128x48xf32, #tpu.memory_space<vmem_shared>>
      %dma_wait3A_99 = arith.constant 0 : i32
      %dma_wait3A_100 = tpu.memref_slice %arg19[%add3A_26, %dma_wait3A_99] : memref<10016x48xf32, #tpu.memory_space<vmem_shared>> -> memref<128x48xf32, #tpu.memory_space<vmem_shared>>
      %dma_wait3A_101 = arith.constant 0 : i32
      %dma_wait3A_102 = arith.constant 0 : i32
      %dma_wait3A_103 = tpu.memref_slice %arg16[%dma_wait3A_101, %dma_wait3A_102] : memref<128x48xf32, #tpu.memory_space<vmem>> -> memref<128x48xf32, #tpu.memory_space<vmem>>
      tpu.wait_dma2 semaphore(%run_scoped3A : memref<!tpu.dma_semaphore, #tpu.memory_space<semaphore_mem>>) src(%dma_wait3A_103 : memref<128x48xf32, #tpu.memory_space<vmem>>) dst(%dma_wait3A_100 : memref<128x48xf32, #tpu.memory_space<vmem_shared>>)
      tpu.yield
    }) : () -> ()
    %mul3A_27 = arith.constant 626 : i32
    %mul3A_28 = arith.muli %arg1, %mul3A_27 : i32
    %add3A_29 = arith.constant 128 : i32
    %add3A_30 = arith.addi %mul3A_28, %add3A_29 : i32
    "tpu.region"() ({
      %run_scoped3A = tpu.sem_alloc : memref<!tpu.dma_semaphore, #tpu.memory_space<semaphore_mem>>
      %dma_start3A_84 = arith.constant 0 : i32
      %dma_start3A_85 = arith.constant 0 : i32
      %dma_start3A_86 = tpu.memref_slice %arg16[%dma_start3A_84, %dma_start3A_85] : memref<128x48xf32, #tpu.memory_space<vmem>> -> memref<128x48xf32, #tpu.memory_space<vmem>>
      %dma_start3A_87 = arith.constant 0 : i32
      %dma_start3A_88 = tpu.memref_slice %arg19[%add3A_30, %dma_start3A_87] : memref<10016x48xf32, #tpu.memory_space<vmem_shared>> -> memref<128x48xf32, #tpu.memory_space<vmem_shared>>
      %dma_start3A_89 = arith.constant 0 : i32
      %dma_start3A_90 = tpu.memref_slice %arg19[%add3A_30, %dma_start3A_89] : memref<10016x48xf32, #tpu.memory_space<vmem_shared>> -> memref<128x48xf32, #tpu.memory_space<vmem_shared>>
      %dma_start3A_91 = arith.constant 0 : i32
      %dma_start3A_92 = arith.constant 0 : i32
      %dma_start3A_93 = tpu.memref_slice %arg16[%dma_start3A_91, %dma_start3A_92] : memref<128x48xf32, #tpu.memory_space<vmem>> -> memref<128x48xf32, #tpu.memory_space<vmem>>
      tpu.enqueue_dma source(%dma_start3A_93 : memref<128x48xf32, #tpu.memory_space<vmem>>) target(%dma_start3A_90 : memref<128x48xf32, #tpu.memory_space<vmem_shared>>) target_semaphore(%run_scoped3A : memref<!tpu.dma_semaphore, #tpu.memory_space<semaphore_mem>>)
      %dma_wait3A_94 = arith.constant 0 : i32
      %dma_wait3A_95 = arith.constant 0 : i32
      %dma_wait3A_96 = tpu.memref_slice %arg16[%dma_wait3A_94, %dma_wait3A_95] : memref<128x48xf32, #tpu.memory_space<vmem>> -> memref<128x48xf32, #tpu.memory_space<vmem>>
      %dma_wait3A_97 = arith.constant 0 : i32
      %dma_wait3A_98 = tpu.memref_slice %arg19[%add3A_30, %dma_wait3A_97] : memref<10016x48xf32, #tpu.memory_space<vmem_shared>> -> memref<128x48xf32, #tpu.memory_space<vmem_shared>>
      %dma_wait3A_99 = arith.constant 0 : i32
      %dma_wait3A_100 = tpu.memref_slice %arg19[%add3A_30, %dma_wait3A_99] : memref<10016x48xf32, #tpu.memory_space<vmem_shared>> -> memref<128x48xf32, #tpu.memory_space<vmem_shared>>
      %dma_wait3A_101 = arith.constant 0 : i32
      %dma_wait3A_102 = arith.constant 0 : i32
      %dma_wait3A_103 = tpu.memref_slice %arg16[%dma_wait3A_101, %dma_wait3A_102] : memref<128x48xf32, #tpu.memory_space<vmem>> -> memref<128x48xf32, #tpu.memory_space<vmem>>
      tpu.wait_dma2 semaphore(%run_scoped3A : memref<!tpu.dma_semaphore, #tpu.memory_space<semaphore_mem>>) src(%dma_wait3A_103 : memref<128x48xf32, #tpu.memory_space<vmem>>) dst(%dma_wait3A_100 : memref<128x48xf32, #tpu.memory_space<vmem_shared>>)
      tpu.yield
    }) : () -> ()
    %mul3A_31 = arith.constant 626 : i32
    %mul3A_32 = arith.muli %arg1, %mul3A_31 : i32
    %add3A_33 = arith.constant 256 : i32
    %add3A_34 = arith.addi %mul3A_32, %add3A_33 : i32
    "tpu.region"() ({
      %run_scoped3A = tpu.sem_alloc : memref<!tpu.dma_semaphore, #tpu.memory_space<semaphore_mem>>
      %dma_start3A_84 = arith.constant 0 : i32
      %dma_start3A_85 = arith.constant 0 : i32
      %dma_start3A_86 = tpu.memref_slice %arg16[%dma_start3A_84, %dma_start3A_85] : memref<128x48xf32, #tpu.memory_space<vmem>> -> memref<128x48xf32, #tpu.memory_space<vmem>>
      %dma_start3A_87 = arith.constant 0 : i32
      %dma_start3A_88 = tpu.memref_slice %arg19[%add3A_34, %dma_start3A_87] : memref<10016x48xf32, #tpu.memory_space<vmem_shared>> -> memref<128x48xf32, #tpu.memory_space<vmem_shared>>
      %dma_start3A_89 = arith.constant 0 : i32
      %dma_start3A_90 = tpu.memref_slice %arg19[%add3A_34, %dma_start3A_89] : memref<10016x48xf32, #tpu.memory_space<vmem_shared>> -> memref<128x48xf32, #tpu.memory_space<vmem_shared>>
      %dma_start3A_91 = arith.constant 0 : i32
      %dma_start3A_92 = arith.constant 0 : i32
      %dma_start3A_93 = tpu.memref_slice %arg16[%dma_start3A_91, %dma_start3A_92] : memref<128x48xf32, #tpu.memory_space<vmem>> -> memref<128x48xf32, #tpu.memory_space<vmem>>
      tpu.enqueue_dma source(%dma_start3A_93 : memref<128x48xf32, #tpu.memory_space<vmem>>) target(%dma_start3A_90 : memref<128x48xf32, #tpu.memory_space<vmem_shared>>) target_semaphore(%run_scoped3A : memref<!tpu.dma_semaphore, #tpu.memory_space<semaphore_mem>>)
      %dma_wait3A_94 = arith.constant 0 : i32
      %dma_wait3A_95 = arith.constant 0 : i32
      %dma_wait3A_96 = tpu.memref_slice %arg16[%dma_wait3A_94, %dma_wait3A_95] : memref<128x48xf32, #tpu.memory_space<vmem>> -> memref<128x48xf32, #tpu.memory_space<vmem>>
      %dma_wait3A_97 = arith.constant 0 : i32
      %dma_wait3A_98 = tpu.memref_slice %arg19[%add3A_34, %dma_wait3A_97] : memref<10016x48xf32, #tpu.memory_space<vmem_shared>> -> memref<128x48xf32, #tpu.memory_space<vmem_shared>>
      %dma_wait3A_99 = arith.constant 0 : i32
      %dma_wait3A_100 = tpu.memref_slice %arg19[%add3A_34, %dma_wait3A_99] : memref<10016x48xf32, #tpu.memory_space<vmem_shared>> -> memref<128x48xf32, #tpu.memory_space<vmem_shared>>
      %dma_wait3A_101 = arith.constant 0 : i32
      %dma_wait3A_102 = arith.constant 0 : i32
      %dma_wait3A_103 = tpu.memref_slice %arg16[%dma_wait3A_101, %dma_wait3A_102] : memref<128x48xf32, #tpu.memory_space<vmem>> -> memref<128x48xf32, #tpu.memory_space<vmem>>
      tpu.wait_dma2 semaphore(%run_scoped3A : memref<!tpu.dma_semaphore, #tpu.memory_space<semaphore_mem>>) src(%dma_wait3A_103 : memref<128x48xf32, #tpu.memory_space<vmem>>) dst(%dma_wait3A_100 : memref<128x48xf32, #tpu.memory_space<vmem_shared>>)
      tpu.yield
    }) : () -> ()
    %mul3A_35 = arith.constant 626 : i32
    %mul3A_36 = arith.muli %arg1, %mul3A_35 : i32
    %add3A_37 = arith.constant 384 : i32
    %add3A_38 = arith.addi %mul3A_36, %add3A_37 : i32
    "tpu.region"() ({
      %run_scoped3A = tpu.sem_alloc : memref<!tpu.dma_semaphore, #tpu.memory_space<semaphore_mem>>
      %dma_start3A_84 = arith.constant 0 : i32
      %dma_start3A_85 = arith.constant 0 : i32
      %dma_start3A_86 = tpu.memref_slice %arg16[%dma_start3A_84, %dma_start3A_85] : memref<128x48xf32, #tpu.memory_space<vmem>> -> memref<128x48xf32, #tpu.memory_space<vmem>>
      %dma_start3A_87 = arith.constant 0 : i32
      %dma_start3A_88 = tpu.memref_slice %arg19[%add3A_38, %dma_start3A_87] : memref<10016x48xf32, #tpu.memory_space<vmem_shared>> -> memref<128x48xf32, #tpu.memory_space<vmem_shared>>
      %dma_start3A_89 = arith.constant 0 : i32
      %dma_start3A_90 = tpu.memref_slice %arg19[%add3A_38, %dma_start3A_89] : memref<10016x48xf32, #tpu.memory_space<vmem_shared>> -> memref<128x48xf32, #tpu.memory_space<vmem_shared>>
      %dma_start3A_91 = arith.constant 0 : i32
      %dma_start3A_92 = arith.constant 0 : i32
      %dma_start3A_93 = tpu.memref_slice %arg16[%dma_start3A_91, %dma_start3A_92] : memref<128x48xf32, #tpu.memory_space<vmem>> -> memref<128x48xf32, #tpu.memory_space<vmem>>
      tpu.enqueue_dma source(%dma_start3A_93 : memref<128x48xf32, #tpu.memory_space<vmem>>) target(%dma_start3A_90 : memref<128x48xf32, #tpu.memory_space<vmem_shared>>) target_semaphore(%run_scoped3A : memref<!tpu.dma_semaphore, #tpu.memory_space<semaphore_mem>>)
      %dma_wait3A_94 = arith.constant 0 : i32
      %dma_wait3A_95 = arith.constant 0 : i32
      %dma_wait3A_96 = tpu.memref_slice %arg16[%dma_wait3A_94, %dma_wait3A_95] : memref<128x48xf32, #tpu.memory_space<vmem>> -> memref<128x48xf32, #tpu.memory_space<vmem>>
      %dma_wait3A_97 = arith.constant 0 : i32
      %dma_wait3A_98 = tpu.memref_slice %arg19[%add3A_38, %dma_wait3A_97] : memref<10016x48xf32, #tpu.memory_space<vmem_shared>> -> memref<128x48xf32, #tpu.memory_space<vmem_shared>>
      %dma_wait3A_99 = arith.constant 0 : i32
      %dma_wait3A_100 = tpu.memref_slice %arg19[%add3A_38, %dma_wait3A_99] : memref<10016x48xf32, #tpu.memory_space<vmem_shared>> -> memref<128x48xf32, #tpu.memory_space<vmem_shared>>
      %dma_wait3A_101 = arith.constant 0 : i32
      %dma_wait3A_102 = arith.constant 0 : i32
      %dma_wait3A_103 = tpu.memref_slice %arg16[%dma_wait3A_101, %dma_wait3A_102] : memref<128x48xf32, #tpu.memory_space<vmem>> -> memref<128x48xf32, #tpu.memory_space<vmem>>
      tpu.wait_dma2 semaphore(%run_scoped3A : memref<!tpu.dma_semaphore, #tpu.memory_space<semaphore_mem>>) src(%dma_wait3A_103 : memref<128x48xf32, #tpu.memory_space<vmem>>) dst(%dma_wait3A_100 : memref<128x48xf32, #tpu.memory_space<vmem_shared>>)
      tpu.yield
    }) : () -> ()
    %mul3A_39 = arith.constant 626 : i32
    %mul3A_40 = arith.muli %arg1, %mul3A_39 : i32
    %add3A_41 = arith.constant 512 : i32
    %add3A_42 = arith.addi %mul3A_40, %add3A_41 : i32
    "tpu.region"() ({
      %run_scoped3A = tpu.sem_alloc : memref<!tpu.dma_semaphore, #tpu.memory_space<semaphore_mem>>
      %dma_start3A_84 = arith.constant 0 : i32
      %dma_start3A_85 = arith.constant 0 : i32
      %dma_start3A_86 = tpu.memref_slice %arg16[%dma_start3A_84, %dma_start3A_85] : memref<128x48xf32, #tpu.memory_space<vmem>> -> memref<114x48xf32, #tpu.memory_space<vmem>>
      %dma_start3A_87 = arith.constant 0 : i32
      %dma_start3A_88 = tpu.memref_slice %arg19[%add3A_42, %dma_start3A_87] : memref<10016x48xf32, #tpu.memory_space<vmem_shared>> -> memref<114x48xf32, #tpu.memory_space<vmem_shared>>
      %dma_start3A_89 = arith.constant 0 : i32
      %dma_start3A_90 = tpu.memref_slice %arg19[%add3A_42, %dma_start3A_89] : memref<10016x48xf32, #tpu.memory_space<vmem_shared>> -> memref<114x48xf32, #tpu.memory_space<vmem_shared>>
      %dma_start3A_91 = arith.constant 0 : i32
      %dma_start3A_92 = arith.constant 0 : i32
      %dma_start3A_93 = tpu.memref_slice %arg16[%dma_start3A_91, %dma_start3A_92] : memref<128x48xf32, #tpu.memory_space<vmem>> -> memref<114x48xf32, #tpu.memory_space<vmem>>
      tpu.enqueue_dma source(%dma_start3A_93 : memref<114x48xf32, #tpu.memory_space<vmem>>) target(%dma_start3A_90 : memref<114x48xf32, #tpu.memory_space<vmem_shared>>) target_semaphore(%run_scoped3A : memref<!tpu.dma_semaphore, #tpu.memory_space<semaphore_mem>>)
      %dma_wait3A_94 = arith.constant 0 : i32
      %dma_wait3A_95 = arith.constant 0 : i32
      %dma_wait3A_96 = tpu.memref_slice %arg16[%dma_wait3A_94, %dma_wait3A_95] : memref<128x48xf32, #tpu.memory_space<vmem>> -> memref<114x48xf32, #tpu.memory_space<vmem>>
      %dma_wait3A_97 = arith.constant 0 : i32
      %dma_wait3A_98 = tpu.memref_slice %arg19[%add3A_42, %dma_wait3A_97] : memref<10016x48xf32, #tpu.memory_space<vmem_shared>> -> memref<114x48xf32, #tpu.memory_space<vmem_shared>>
      %dma_wait3A_99 = arith.constant 0 : i32
      %dma_wait3A_100 = tpu.memref_slice %arg19[%add3A_42, %dma_wait3A_99] : memref<10016x48xf32, #tpu.memory_space<vmem_shared>> -> memref<114x48xf32, #tpu.memory_space<vmem_shared>>
      %dma_wait3A_101 = arith.constant 0 : i32
      %dma_wait3A_102 = arith.constant 0 : i32
      %dma_wait3A_103 = tpu.memref_slice %arg16[%dma_wait3A_101, %dma_wait3A_102] : memref<128x48xf32, #tpu.memory_space<vmem>> -> memref<114x48xf32, #tpu.memory_space<vmem>>
      tpu.wait_dma2 semaphore(%run_scoped3A : memref<!tpu.dma_semaphore, #tpu.memory_space<semaphore_mem>>) src(%dma_wait3A_103 : memref<114x48xf32, #tpu.memory_space<vmem>>) dst(%dma_wait3A_100 : memref<114x48xf32, #tpu.memory_space<vmem_shared>>)
      tpu.yield
    }) : () -> ()
    %barrier3A = arith.constant 0 : index
    tpu.barrier barrier_id(%barrier3A)
    %scan3A_43 = arith.constant 0 : i32
    %scan3A_44 = arith.constant 0 : i32
    %scan3A_45 = arith.constant 27 : i32
    %scan3A_46 = arith.addi %scan3A_44, %scan3A_45 : i32
    %scan3A_47 = arith.constant 1 : i32
    %scan3A_48 = scf.for %scan3A_84 = %scan3A_44 to %scan3A_46 step %scan3A_47 iter_args(%scan3A_85 = %scan3A_43) -> (i32)  : i32 {
      %mul3A_86 = arith.constant 3 : i32
      %mul3A_87 = arith.muli %mul3A_86, %scan3A_84 : i32
      %add3A_88 = arith.constant 0 : i32
      %add3A_89 = arith.addi %mul3A_87, %add3A_88 : i32
      %gt3A = arith.constant 0 : i32
      %gt3A_90 = arith.cmpi sgt, %scan3A_84, %gt3A : i32
      %convert_element_type3A = arith.extui %gt3A_90 : i1 to i32
      %cond3A = arith.constant 0 : i32
      %cond3A_91 = arith.cmpi ne, %convert_element_type3A, %cond3A : i32
      scf.if %cond3A_91 {
        %dma_wait3A_239 = arith.constant 1 : i32
        %dma_wait3A_240 = arith.constant 0 : i32
        %dma_wait3A_241 = tpu.memref_slice %arg7[%dma_wait3A_239, %dma_wait3A_240] : memref<2x128xi32, #tpu.memory_space<vmem>> -> memref<1x128xi32, #tpu.memory_space<vmem>>
        %dma_wait3A_242 = tpu.memref_squeeze %dma_wait3A_241 : memref<1x128xi32, #tpu.memory_space<vmem>> -> memref<128xi32, #tpu.memory_space<vmem>>
        %dma_wait3A_243 = arith.constant 0 : i32
        %dma_wait3A_244 = arith.constant 0 : i32
        %dma_wait3A_245 = tpu.memref_slice %arg19[%dma_wait3A_243, %dma_wait3A_244] : memref<10016x48xf32, #tpu.memory_space<vmem_shared>> -> memref<10016x48xf32, #tpu.memory_space<vmem_shared>>
        tpu.wait_indirect_dma semaphore(%arg24 : memref<!tpu.dma_semaphore, #tpu.memory_space<semaphore_mem>>) src(%arg17 : memref<128x48xf32, #tpu.memory_space<vmem>>) dst(%dma_wait3A_245 : memref<10016x48xf32, #tpu.memory_space<vmem_shared>>)
      } else {
      }
      %add3A_92 = arith.constant 1 : i32
      %add3A_93 = arith.addi %add3A_89, %add3A_92 : i32
      %mul3A_94 = arith.constant 81 : i32
      %mul3A_95 = arith.muli %add3A, %mul3A_94 : i32
      %add3A_96 = arith.addi %mul3A_95, %add3A_93 : i32
      "tpu.region"() ({
        %run_scoped3A = tpu.sem_alloc : memref<!tpu.dma_semaphore, #tpu.memory_space<semaphore_mem>>
        %dma_start3A_239 = arith.constant 0 : i32
        %dma_start3A_240 = arith.constant 0 : i32
        %dma_start3A_241 = tpu.memref_slice %arg2[%add3A_96, %dma_start3A_239, %dma_start3A_240] : memref<2592x2x128xi32, #tpu.memory_space<hbm>> -> memref<1x2x128xi32, #tpu.memory_space<hbm>>
        %dma_start3A_242 = tpu.memref_squeeze %dma_start3A_241 : memref<1x2x128xi32, #tpu.memory_space<hbm>> -> memref<2x128xi32, #tpu.memory_space<hbm>>
        %dma_start3A_243 = arith.constant 0 : i32
        %dma_start3A_244 = arith.constant 0 : i32
        %dma_start3A_245 = tpu.memref_slice %arg2[%add3A_96, %dma_start3A_243, %dma_start3A_244] : memref<2592x2x128xi32, #tpu.memory_space<hbm>> -> memref<1x2x128xi32, #tpu.memory_space<hbm>>
        %dma_start3A_246 = tpu.memref_squeeze %dma_start3A_245 : memref<1x2x128xi32, #tpu.memory_space<hbm>> -> memref<2x128xi32, #tpu.memory_space<hbm>>
        tpu.enqueue_dma source(%dma_start3A_246 : memref<2x128xi32, #tpu.memory_space<hbm>>) target(%arg7 : memref<2x128xi32, #tpu.memory_space<vmem>>) target_semaphore(%run_scoped3A : memref<!tpu.dma_semaphore, #tpu.memory_space<semaphore_mem>>)
        %dma_wait3A_247 = arith.constant 0 : i32
        %dma_wait3A_248 = arith.constant 0 : i32
        %dma_wait3A_249 = tpu.memref_slice %arg2[%add3A_96, %dma_wait3A_247, %dma_wait3A_248] : memref<2592x2x128xi32, #tpu.memory_space<hbm>> -> memref<1x2x128xi32, #tpu.memory_space<hbm>>
        %dma_wait3A_250 = tpu.memref_squeeze %dma_wait3A_249 : memref<1x2x128xi32, #tpu.memory_space<hbm>> -> memref<2x128xi32, #tpu.memory_space<hbm>>
        %dma_wait3A_251 = arith.constant 0 : i32
        %dma_wait3A_252 = arith.constant 0 : i32
        %dma_wait3A_253 = tpu.memref_slice %arg2[%add3A_96, %dma_wait3A_251, %dma_wait3A_252] : memref<2592x2x128xi32, #tpu.memory_space<hbm>> -> memref<1x2x128xi32, #tpu.memory_space<hbm>>
        %dma_wait3A_254 = tpu.memref_squeeze %dma_wait3A_253 : memref<1x2x128xi32, #tpu.memory_space<hbm>> -> memref<2x128xi32, #tpu.memory_space<hbm>>
        tpu.wait_dma2 semaphore(%run_scoped3A : memref<!tpu.dma_semaphore, #tpu.memory_space<semaphore_mem>>) src(%dma_wait3A_254 : memref<2x128xi32, #tpu.memory_space<hbm>>) dst(%arg7 : memref<2x128xi32, #tpu.memory_space<vmem>>)
        tpu.yield
      }) : () -> ()
      %dma_start3A_97 = arith.constant 0 : i32
      %dma_start3A_98 = arith.constant 0 : i32
      %dma_start3A_99 = tpu.memref_slice %arg7[%dma_start3A_97, %dma_start3A_98] : memref<2x128xi32, #tpu.memory_space<vmem>> -> memref<1x128xi32, #tpu.memory_space<vmem>>
      %dma_start3A_100 = tpu.memref_squeeze %dma_start3A_99 : memref<1x128xi32, #tpu.memory_space<vmem>> -> memref<128xi32, #tpu.memory_space<vmem>>
      %dma_start3A_101 = arith.constant 0 : i32
      %dma_start3A_102 = arith.constant 0 : i32
      %dma_start3A_103 = tpu.memref_slice %arg3[%dma_start3A_101, %dma_start3A_102] : memref<10016x64xf32, #tpu.memory_space<hbm>> -> memref<10016x64xf32, #tpu.memory_space<hbm>>
      tpu.enqueue_indirect_dma source(%dma_start3A_103 : memref<10016x64xf32, #tpu.memory_space<hbm>>) target(%arg10 : memref<128x64xf32, #tpu.memory_space<vmem>>) offsets(%dma_start3A_100 : memref<128xi32, #tpu.memory_space<vmem>>) semaphore(%arg21 : memref<!tpu.dma_semaphore, #tpu.memory_space<semaphore_mem>>)
      %dma_start3A_104 = arith.constant 1 : i32
      %dma_start3A_105 = arith.constant 0 : i32
      %dma_start3A_106 = tpu.memref_slice %arg7[%dma_start3A_104, %dma_start3A_105] : memref<2x128xi32, #tpu.memory_space<vmem>> -> memref<1x128xi32, #tpu.memory_space<vmem>>
      %dma_start3A_107 = tpu.memref_squeeze %dma_start3A_106 : memref<1x128xi32, #tpu.memory_space<vmem>> -> memref<128xi32, #tpu.memory_space<vmem>>
      %dma_start3A_108 = arith.constant 0 : i32
      %dma_start3A_109 = arith.constant 0 : i32
      %dma_start3A_110 = tpu.memref_slice %arg4[%dma_start3A_108, %dma_start3A_109] : memref<10016x16xf32, #tpu.memory_space<hbm>> -> memref<10016x16xf32, #tpu.memory_space<hbm>>
      tpu.enqueue_indirect_dma source(%dma_start3A_110 : memref<10016x16xf32, #tpu.memory_space<hbm>>) target(%arg13 : memref<128x16xf32, #tpu.memory_space<vmem>>) offsets(%dma_start3A_107 : memref<128xi32, #tpu.memory_space<vmem>>) semaphore(%arg21 : memref<!tpu.dma_semaphore, #tpu.memory_space<semaphore_mem>>)
      %dma_wait3A_111 = arith.constant 0 : i32
      %dma_wait3A_112 = arith.constant 0 : i32
      %dma_wait3A_113 = tpu.memref_slice %arg6[%dma_wait3A_111, %dma_wait3A_112] : memref<2x128xi32, #tpu.memory_space<vmem>> -> memref<1x128xi32, #tpu.memory_space<vmem>>
      %dma_wait3A_114 = tpu.memref_squeeze %dma_wait3A_113 : memref<1x128xi32, #tpu.memory_space<vmem>> -> memref<128xi32, #tpu.memory_space<vmem>>
      %dma_wait3A_115 = arith.constant 0 : i32
      %dma_wait3A_116 = arith.constant 0 : i32
      %dma_wait3A_117 = tpu.memref_slice %arg3[%dma_wait3A_115, %dma_wait3A_116] : memref<10016x64xf32, #tpu.memory_space<hbm>> -> memref<10016x64xf32, #tpu.memory_space<hbm>>
      tpu.wait_indirect_dma semaphore(%arg20 : memref<!tpu.dma_semaphore, #tpu.memory_space<semaphore_mem>>) src(%dma_wait3A_117 : memref<10016x64xf32, #tpu.memory_space<hbm>>) dst(%arg9 : memref<128x64xf32, #tpu.memory_space<vmem>>)
      %dma_wait3A_118 = arith.constant 1 : i32
      %dma_wait3A_119 = arith.constant 0 : i32
      %dma_wait3A_120 = tpu.memref_slice %arg6[%dma_wait3A_118, %dma_wait3A_119] : memref<2x128xi32, #tpu.memory_space<vmem>> -> memref<1x128xi32, #tpu.memory_space<vmem>>
      %dma_wait3A_121 = tpu.memref_squeeze %dma_wait3A_120 : memref<1x128xi32, #tpu.memory_space<vmem>> -> memref<128xi32, #tpu.memory_space<vmem>>
      %dma_wait3A_122 = arith.constant 0 : i32
      %dma_wait3A_123 = arith.constant 0 : i32
      %dma_wait3A_124 = tpu.memref_slice %arg4[%dma_wait3A_122, %dma_wait3A_123] : memref<10016x16xf32, #tpu.memory_space<hbm>> -> memref<10016x16xf32, #tpu.memory_space<hbm>>
      tpu.wait_indirect_dma semaphore(%arg20 : memref<!tpu.dma_semaphore, #tpu.memory_space<semaphore_mem>>) src(%dma_wait3A_124 : memref<10016x16xf32, #tpu.memory_space<hbm>>) dst(%arg12 : memref<128x16xf32, #tpu.memory_space<vmem>>)
      %scan3A_125 = arith.constant 0 : i32
      %scan3A_126 = arith.constant 0 : i32
      %scan3A_127 = arith.constant 32 : i32
      %scan3A_128 = arith.addi %scan3A_126, %scan3A_127 : i32
      %scan3A_129 = arith.constant 1 : i32
      %scan3A_130 = scf.for %scan3A_239 = %scan3A_126 to %scan3A_128 step %scan3A_129 iter_args(%scan3A_240 = %scan3A_125) -> (i32)  : i32 {
        %mul3A_241 = arith.constant 4 : i32
        %mul3A_242 = arith.muli %scan3A_239, %mul3A_241 : i32
        %add3A_243 = arith.constant 0 : i32
        %add3A_244 = arith.addi %mul3A_242, %add3A_243 : i32
        %get3A = arith.index_cast %add3A_244 : i32 to index
        %get3A_245 = arith.constant 48 : index
        %get3A_246 = tpu.vector_load %arg9[%get3A, %get3A_245] {strides = array<i32>} : memref<128x64xf32, #tpu.memory_space<vmem>>, vector<16xf32>,
        %get3A_247 = arith.index_cast %add3A_244 : i32 to index
        %get3A_248 = arith.constant 0 : index
        %get3A_249 = tpu.vector_load %arg12[%get3A_247, %get3A_248] {strides = array<i32>} : memref<128x16xf32, #tpu.memory_space<vmem>>, vector<16xf32>,
        %add3A_250 = arith.addf %get3A_246, %get3A_249 : vector<16xf32>
        %mul3A_251 = arith.constant 2.000000e-01 : f32
        %mul3A_252 = vector.broadcast %mul3A_251 : f32 to vector<16xf32>
        %mul3A_253 = arith.mulf %add3A_250, %mul3A_252 : vector<16xf32>
        %max3A = arith.maximumf %add3A_250, %mul3A_253 : vector<16xf32>
        %exp3A = math.exp %max3A : vector<16xf32>
        %get3A_254 = arith.index_cast %add3A_244 : i32 to index
        %get3A_255 = arith.constant 0 : index
        %get3A_256 = tpu.vector_load %arg9[%get3A_254, %get3A_255] {strides = array<i32>} : memref<128x64xf32, #tpu.memory_space<vmem>>, vector<16xf32>,
        %mul3A_257 = arith.mulf %get3A_256, %exp3A : vector<16xf32>
        %swap3A = arith.index_cast %add3A_244 : i32 to index
        %swap3A_258 = arith.constant 0 : index
        %swap3A_259 = tpu.vector_load %arg16[%swap3A, %swap3A_258] {strides = array<i32>} : memref<128x48xf32, #tpu.memory_space<vmem>>, vector<16xf32>,
        tpu.vector_store %arg16[%swap3A, %swap3A_258], %mul3A_257 {strides = array<i32>} : memref<128x48xf32, #tpu.memory_space<vmem>>, vector<16xf32>,
        %get3A_260 = arith.index_cast %add3A_244 : i32 to index
        %get3A_261 = arith.constant 16 : index
        %get3A_262 = tpu.vector_load %arg9[%get3A_260, %get3A_261] {strides = array<i32>} : memref<128x64xf32, #tpu.memory_space<vmem>>, vector<16xf32>,
        %mul3A_263 = arith.mulf %get3A_262, %exp3A : vector<16xf32>
        %swap3A_264 = arith.index_cast %add3A_244 : i32 to index
        %swap3A_265 = arith.constant 16 : index
        %swap3A_266 = tpu.vector_load %arg16[%swap3A_264, %swap3A_265] {strides = array<i32>} : memref<128x48xf32, #tpu.memory_space<vmem>>, vector<16xf32>,
        tpu.vector_store %arg16[%swap3A_264, %swap3A_265], %mul3A_263 {strides = array<i32>} : memref<128x48xf32, #tpu.memory_space<vmem>>, vector<16xf32>,
        %get3A_267 = arith.index_cast %add3A_244 : i32 to index
        %get3A_268 = arith.constant 32 : index
        %get3A_269 = tpu.vector_load %arg9[%get3A_267, %get3A_268] {strides = array<i32>} : memref<128x64xf32, #tpu.memory_space<vmem>>, vector<16xf32>,
        %mul3A_270 = arith.mulf %get3A_269, %exp3A : vector<16xf32>
        %swap3A_271 = arith.index_cast %add3A_244 : i32 to index
        %swap3A_272 = arith.constant 32 : index
        %swap3A_273 = tpu.vector_load %arg16[%swap3A_271, %swap3A_272] {strides = array<i32>} : memref<128x48xf32, #tpu.memory_space<vmem>>, vector<16xf32>,
        tpu.vector_store %arg16[%swap3A_271, %swap3A_272], %mul3A_270 {strides = array<i32>} : memref<128x48xf32, #tpu.memory_space<vmem>>, vector<16xf32>,
        %add3A_274 = arith.constant 1 : i32
        %add3A_275 = arith.addi %mul3A_242, %add3A_274 : i32
        %get3A_276 = arith.index_cast %add3A_275 : i32 to index
        %get3A_277 = arith.constant 48 : index
        %get3A_278 = tpu.vector_load %arg9[%get3A_276, %get3A_277] {strides = array<i32>} : memref<128x64xf32, #tpu.memory_space<vmem>>, vector<16xf32>,
        %get3A_279 = arith.index_cast %add3A_275 : i32 to index
        %get3A_280 = arith.constant 0 : index
        %get3A_281 = tpu.vector_load %arg12[%get3A_279, %get3A_280] {strides = array<i32>} : memref<128x16xf32, #tpu.memory_space<vmem>>, vector<16xf32>,
        %add3A_282 = arith.addf %get3A_278, %get3A_281 : vector<16xf32>
        %mul3A_283 = arith.constant 2.000000e-01 : f32
        %mul3A_284 = vector.broadcast %mul3A_283 : f32 to vector<16xf32>
        %mul3A_285 = arith.mulf %add3A_282, %mul3A_284 : vector<16xf32>
        %max3A_286 = arith.maximumf %add3A_282, %mul3A_285 : vector<16xf32>
        %exp3A_287 = math.exp %max3A_286 : vector<16xf32>
        %get3A_288 = arith.index_cast %add3A_275 : i32 to index
        %get3A_289 = arith.constant 0 : index
        %get3A_290 = tpu.vector_load %arg9[%get3A_288, %get3A_289] {strides = array<i32>} : memref<128x64xf32, #tpu.memory_space<vmem>>, vector<16xf32>,
        %mul3A_291 = arith.mulf %get3A_290, %exp3A_287 : vector<16xf32>
        %swap3A_292 = arith.index_cast %add3A_275 : i32 to index
        %swap3A_293 = arith.constant 0 : index
        %swap3A_294 = tpu.vector_load %arg16[%swap3A_292, %swap3A_293] {strides = array<i32>} : memref<128x48xf32, #tpu.memory_space<vmem>>, vector<16xf32>,
        tpu.vector_store %arg16[%swap3A_292, %swap3A_293], %mul3A_291 {strides = array<i32>} : memref<128x48xf32, #tpu.memory_space<vmem>>, vector<16xf32>,
        %get3A_295 = arith.index_cast %add3A_275 : i32 to index
        %get3A_296 = arith.constant 16 : index
        %get3A_297 = tpu.vector_load %arg9[%get3A_295, %get3A_296] {strides = array<i32>} : memref<128x64xf32, #tpu.memory_space<vmem>>, vector<16xf32>,
        %mul3A_298 = arith.mulf %get3A_297, %exp3A_287 : vector<16xf32>
        %swap3A_299 = arith.index_cast %add3A_275 : i32 to index
        %swap3A_300 = arith.constant 16 : index
        %swap3A_301 = tpu.vector_load %arg16[%swap3A_299, %swap3A_300] {strides = array<i32>} : memref<128x48xf32, #tpu.memory_space<vmem>>, vector<16xf32>,
        tpu.vector_store %arg16[%swap3A_299, %swap3A_300], %mul3A_298 {strides = array<i32>} : memref<128x48xf32, #tpu.memory_space<vmem>>, vector<16xf32>,
        %get3A_302 = arith.index_cast %add3A_275 : i32 to index
        %get3A_303 = arith.constant 32 : index
        %get3A_304 = tpu.vector_load %arg9[%get3A_302, %get3A_303] {strides = array<i32>} : memref<128x64xf32, #tpu.memory_space<vmem>>, vector<16xf32>,
        %mul3A_305 = arith.mulf %get3A_304, %exp3A_287 : vector<16xf32>
        %swap3A_306 = arith.index_cast %add3A_275 : i32 to index
        %swap3A_307 = arith.constant 32 : index
        %swap3A_308 = tpu.vector_load %arg16[%swap3A_306, %swap3A_307] {strides = array<i32>} : memref<128x48xf32, #tpu.memory_space<vmem>>, vector<16xf32>,
        tpu.vector_store %arg16[%swap3A_306, %swap3A_307], %mul3A_305 {strides = array<i32>} : memref<128x48xf32, #tpu.memory_space<vmem>>, vector<16xf32>,
        %add3A_309 = arith.constant 2 : i32
        %add3A_310 = arith.addi %mul3A_242, %add3A_309 : i32
        %get3A_311 = arith.index_cast %add3A_310 : i32 to index
        %get3A_312 = arith.constant 48 : index
        %get3A_313 = tpu.vector_load %arg9[%get3A_311, %get3A_312] {strides = array<i32>} : memref<128x64xf32, #tpu.memory_space<vmem>>, vector<16xf32>,
        %get3A_314 = arith.index_cast %add3A_310 : i32 to index
        %get3A_315 = arith.constant 0 : index
        %get3A_316 = tpu.vector_load %arg12[%get3A_314, %get3A_315] {strides = array<i32>} : memref<128x16xf32, #tpu.memory_space<vmem>>, vector<16xf32>,
        %add3A_317 = arith.addf %get3A_313, %get3A_316 : vector<16xf32>
        %mul3A_318 = arith.constant 2.000000e-01 : f32
        %mul3A_319 = vector.broadcast %mul3A_318 : f32 to vector<16xf32>
        %mul3A_320 = arith.mulf %add3A_317, %mul3A_319 : vector<16xf32>
        %max3A_321 = arith.maximumf %add3A_317, %mul3A_320 : vector<16xf32>
        %exp3A_322 = math.exp %max3A_321 : vector<16xf32>
        %get3A_323 = arith.index_cast %add3A_310 : i32 to index
        %get3A_324 = arith.constant 0 : index
        %get3A_325 = tpu.vector_load %arg9[%get3A_323, %get3A_324] {strides = array<i32>} : memref<128x64xf32, #tpu.memory_space<vmem>>, vector<16xf32>,
        %mul3A_326 = arith.mulf %get3A_325, %exp3A_322 : vector<16xf32>
        %swap3A_327 = arith.index_cast %add3A_310 : i32 to index
        %swap3A_328 = arith.constant 0 : index
        %swap3A_329 = tpu.vector_load %arg16[%swap3A_327, %swap3A_328] {strides = array<i32>} : memref<128x48xf32, #tpu.memory_space<vmem>>, vector<16xf32>,
        tpu.vector_store %arg16[%swap3A_327, %swap3A_328], %mul3A_326 {strides = array<i32>} : memref<128x48xf32, #tpu.memory_space<vmem>>, vector<16xf32>,
        %get3A_330 = arith.index_cast %add3A_310 : i32 to index
        %get3A_331 = arith.constant 16 : index
        %get3A_332 = tpu.vector_load %arg9[%get3A_330, %get3A_331] {strides = array<i32>} : memref<128x64xf32, #tpu.memory_space<vmem>>, vector<16xf32>,
        %mul3A_333 = arith.mulf %get3A_332, %exp3A_322 : vector<16xf32>
        %swap3A_334 = arith.index_cast %add3A_310 : i32 to index
        %swap3A_335 = arith.constant 16 : index
        %swap3A_336 = tpu.vector_load %arg16[%swap3A_334, %swap3A_335] {strides = array<i32>} : memref<128x48xf32, #tpu.memory_space<vmem>>, vector<16xf32>,
        tpu.vector_store %arg16[%swap3A_334, %swap3A_335], %mul3A_333 {strides = array<i32>} : memref<128x48xf32, #tpu.memory_space<vmem>>, vector<16xf32>,
        %get3A_337 = arith.index_cast %add3A_310 : i32 to index
        %get3A_338 = arith.constant 32 : index
        %get3A_339 = tpu.vector_load %arg9[%get3A_337, %get3A_338] {strides = array<i32>} : memref<128x64xf32, #tpu.memory_space<vmem>>, vector<16xf32>,
        %mul3A_340 = arith.mulf %get3A_339, %exp3A_322 : vector<16xf32>
        %swap3A_341 = arith.index_cast %add3A_310 : i32 to index
        %swap3A_342 = arith.constant 32 : index
        %swap3A_343 = tpu.vector_load %arg16[%swap3A_341, %swap3A_342] {strides = array<i32>} : memref<128x48xf32, #tpu.memory_space<vmem>>, vector<16xf32>,
        tpu.vector_store %arg16[%swap3A_341, %swap3A_342], %mul3A_340 {strides = array<i32>} : memref<128x48xf32, #tpu.memory_space<vmem>>, vector<16xf32>,
        %add3A_344 = arith.constant 3 : i32
        %add3A_345 = arith.addi %mul3A_242, %add3A_344 : i32
        %get3A_346 = arith.index_cast %add3A_345 : i32 to index
        %get3A_347 = arith.constant 48 : index
        %get3A_348 = tpu.vector_load %arg9[%get3A_346, %get3A_347] {strides = array<i32>} : memref<128x64xf32, #tpu.memory_space<vmem>>, vector<16xf32>,
        %get3A_349 = arith.index_cast %add3A_345 : i32 to index
        %get3A_350 = arith.constant 0 : index
        %get3A_351 = tpu.vector_load %arg12[%get3A_349, %get3A_350] {strides = array<i32>} : memref<128x16xf32, #tpu.memory_space<vmem>>, vector<16xf32>,
        %add3A_352 = arith.addf %get3A_348, %get3A_351 : vector<16xf32>
        %mul3A_353 = arith.constant 2.000000e-01 : f32
        %mul3A_354 = vector.broadcast %mul3A_353 : f32 to vector<16xf32>
        %mul3A_355 = arith.mulf %add3A_352, %mul3A_354 : vector<16xf32>
        %max3A_356 = arith.maximumf %add3A_352, %mul3A_355 : vector<16xf32>
        %exp3A_357 = math.exp %max3A_356 : vector<16xf32>
        %get3A_358 = arith.index_cast %add3A_345 : i32 to index
        %get3A_359 = arith.constant 0 : index
        %get3A_360 = tpu.vector_load %arg9[%get3A_358, %get3A_359] {strides = array<i32>} : memref<128x64xf32, #tpu.memory_space<vmem>>, vector<16xf32>,
        %mul3A_361 = arith.mulf %get3A_360, %exp3A_357 : vector<16xf32>
        %swap3A_362 = arith.index_cast %add3A_345 : i32 to index
        %swap3A_363 = arith.constant 0 : index
        %swap3A_364 = tpu.vector_load %arg16[%swap3A_362, %swap3A_363] {strides = array<i32>} : memref<128x48xf32, #tpu.memory_space<vmem>>, vector<16xf32>,
        tpu.vector_store %arg16[%swap3A_362, %swap3A_363], %mul3A_361 {strides = array<i32>} : memref<128x48xf32, #tpu.memory_space<vmem>>, vector<16xf32>,
        %get3A_365 = arith.index_cast %add3A_345 : i32 to index
        %get3A_366 = arith.constant 16 : index
        %get3A_367 = tpu.vector_load %arg9[%get3A_365, %get3A_366] {strides = array<i32>} : memref<128x64xf32, #tpu.memory_space<vmem>>, vector<16xf32>,
        %mul3A_368 = arith.mulf %get3A_367, %exp3A_357 : vector<16xf32>
        %swap3A_369 = arith.index_cast %add3A_345 : i32 to index
        %swap3A_370 = arith.constant 16 : index
        %swap3A_371 = tpu.vector_load %arg16[%swap3A_369, %swap3A_370] {strides = array<i32>} : memref<128x48xf32, #tpu.memory_space<vmem>>, vector<16xf32>,
        tpu.vector_store %arg16[%swap3A_369, %swap3A_370], %mul3A_368 {strides = array<i32>} : memref<128x48xf32, #tpu.memory_space<vmem>>, vector<16xf32>,
        %get3A_372 = arith.index_cast %add3A_345 : i32 to index
        %get3A_373 = arith.constant 32 : index
        %get3A_374 = tpu.vector_load %arg9[%get3A_372, %get3A_373] {strides = array<i32>} : memref<128x64xf32, #tpu.memory_space<vmem>>, vector<16xf32>,
        %mul3A_375 = arith.mulf %get3A_374, %exp3A_357 : vector<16xf32>
        %swap3A_376 = arith.index_cast %add3A_345 : i32 to index
        %swap3A_377 = arith.constant 32 : index
        %swap3A_378 = tpu.vector_load %arg16[%swap3A_376, %swap3A_377] {strides = array<i32>} : memref<128x48xf32, #tpu.memory_space<vmem>>, vector<16xf32>,
        tpu.vector_store %arg16[%swap3A_376, %swap3A_377], %mul3A_375 {strides = array<i32>} : memref<128x48xf32, #tpu.memory_space<vmem>>, vector<16xf32>,
        %scan3A_379 = arith.constant 0 : i32
        scf.yield %scan3A_379 : i32
      }
      %scan3A_131 = arith.constant 32 : i32
      %dma_start3A_132 = arith.constant 1 : i32
      %dma_start3A_133 = arith.constant 0 : i32
      %dma_start3A_134 = tpu.memref_slice %arg6[%dma_start3A_132, %dma_start3A_133] : memref<2x128xi32, #tpu.memory_space<vmem>> -> memref<1x128xi32, #tpu.memory_space<vmem>>
      %dma_start3A_135 = tpu.memref_squeeze %dma_start3A_134 : memref<1x128xi32, #tpu.memory_space<vmem>> -> memref<128xi32, #tpu.memory_space<vmem>>
      %dma_start3A_136 = arith.constant 0 : i32
      %dma_start3A_137 = arith.constant 0 : i32
      %dma_start3A_138 = tpu.memref_slice %arg19[%dma_start3A_136, %dma_start3A_137] : memref<10016x48xf32, #tpu.memory_space<vmem_shared>> -> memref<10016x48xf32, #tpu.memory_space<vmem_shared>>
      tpu.enqueue_indirect_dma source(%arg16 : memref<128x48xf32, #tpu.memory_space<vmem>>) target(%dma_start3A_138 : memref<10016x48xf32, #tpu.memory_space<vmem_shared>>) offsets(%dma_start3A_135 : memref<128xi32, #tpu.memory_space<vmem>>) semaphore(%arg23 : memref<!tpu.dma_semaphore, #tpu.memory_space<semaphore_mem>>) {add = true}
      %mul3A_139 = arith.constant 3 : i32
      %mul3A_140 = arith.muli %mul3A_139, %scan3A_84 : i32
      %add3A_141 = arith.constant 1 : i32
      %add3A_142 = arith.addi %mul3A_140, %add3A_141 : i32
      %gt3A_143 = arith.constant 0 : i32
      %gt3A_144 = arith.cmpi sgt, %scan3A_84, %gt3A_143 : i32
      %convert_element_type3A_145 = arith.extui %gt3A_144 : i1 to i32
      %cond3A_146 = arith.constant 0 : i32
      %cond3A_147 = arith.cmpi ne, %convert_element_type3A_145, %cond3A_146 : i32
      scf.if %cond3A_147 {
        %dma_wait3A_239 = arith.constant 1 : i32
        %dma_wait3A_240 = arith.constant 0 : i32
        %dma_wait3A_241 = tpu.memref_slice %arg8[%dma_wait3A_239, %dma_wait3A_240] : memref<2x128xi32, #tpu.memory_space<vmem>> -> memref<1x128xi32, #tpu.memory_space<vmem>>
        %dma_wait3A_242 = tpu.memref_squeeze %dma_wait3A_241 : memref<1x128xi32, #tpu.memory_space<vmem>> -> memref<128xi32, #tpu.memory_space<vmem>>
        %dma_wait3A_243 = arith.constant 0 : i32
        %dma_wait3A_244 = arith.constant 0 : i32
        %dma_wait3A_245 = tpu.memref_slice %arg19[%dma_wait3A_243, %dma_wait3A_244] : memref<10016x48xf32, #tpu.memory_space<vmem_shared>> -> memref<10016x48xf32, #tpu.memory_space<vmem_shared>>
        tpu.wait_indirect_dma semaphore(%arg25 : memref<!tpu.dma_semaphore, #tpu.memory_space<semaphore_mem>>) src(%arg18 : memref<128x48xf32, #tpu.memory_space<vmem>>) dst(%dma_wait3A_245 : memref<10016x48xf32, #tpu.memory_space<vmem_shared>>)
      } else {
      }
      %add3A_148 = arith.constant 1 : i32
      %add3A_149 = arith.addi %add3A_142, %add3A_148 : i32
      %mul3A_150 = arith.constant 81 : i32
      %mul3A_151 = arith.muli %add3A, %mul3A_150 : i32
      %add3A_152 = arith.addi %mul3A_151, %add3A_149 : i32
      "tpu.region"() ({
        %run_scoped3A = tpu.sem_alloc : memref<!tpu.dma_semaphore, #tpu.memory_space<semaphore_mem>>
        %dma_start3A_239 = arith.constant 0 : i32
        %dma_start3A_240 = arith.constant 0 : i32
        %dma_start3A_241 = tpu.memref_slice %arg2[%add3A_152, %dma_start3A_239, %dma_start3A_240] : memref<2592x2x128xi32, #tpu.memory_space<hbm>> -> memref<1x2x128xi32, #tpu.memory_space<hbm>>
        %dma_start3A_242 = tpu.memref_squeeze %dma_start3A_241 : memref<1x2x128xi32, #tpu.memory_space<hbm>> -> memref<2x128xi32, #tpu.memory_space<hbm>>
        %dma_start3A_243 = arith.constant 0 : i32
        %dma_start3A_244 = arith.constant 0 : i32
        %dma_start3A_245 = tpu.memref_slice %arg2[%add3A_152, %dma_start3A_243, %dma_start3A_244] : memref<2592x2x128xi32, #tpu.memory_space<hbm>> -> memref<1x2x128xi32, #tpu.memory_space<hbm>>
        %dma_start3A_246 = tpu.memref_squeeze %dma_start3A_245 : memref<1x2x128xi32, #tpu.memory_space<hbm>> -> memref<2x128xi32, #tpu.memory_space<hbm>>
        tpu.enqueue_dma source(%dma_start3A_246 : memref<2x128xi32, #tpu.memory_space<hbm>>) target(%arg8 : memref<2x128xi32, #tpu.memory_space<vmem>>) target_semaphore(%run_scoped3A : memref<!tpu.dma_semaphore, #tpu.memory_space<semaphore_mem>>)
        %dma_wait3A_247 = arith.constant 0 : i32
        %dma_wait3A_248 = arith.constant 0 : i32
        %dma_wait3A_249 = tpu.memref_slice %arg2[%add3A_152, %dma_wait3A_247, %dma_wait3A_248] : memref<2592x2x128xi32, #tpu.memory_space<hbm>> -> memref<1x2x128xi32, #tpu.memory_space<hbm>>
        %dma_wait3A_250 = tpu.memref_squeeze %dma_wait3A_249 : memref<1x2x128xi32, #tpu.memory_space<hbm>> -> memref<2x128xi32, #tpu.memory_space<hbm>>
        %dma_wait3A_251 = arith.constant 0 : i32
        %dma_wait3A_252 = arith.constant 0 : i32
        %dma_wait3A_253 = tpu.memref_slice %arg2[%add3A_152, %dma_wait3A_251, %dma_wait3A_252] : memref<2592x2x128xi32, #tpu.memory_space<hbm>> -> memref<1x2x128xi32, #tpu.memory_space<hbm>>
        %dma_wait3A_254 = tpu.memref_squeeze %dma_wait3A_253 : memref<1x2x128xi32, #tpu.memory_space<hbm>> -> memref<2x128xi32, #tpu.memory_space<hbm>>
        tpu.wait_dma2 semaphore(%run_scoped3A : memref<!tpu.dma_semaphore, #tpu.memory_space<semaphore_mem>>) src(%dma_wait3A_254 : memref<2x128xi32, #tpu.memory_space<hbm>>) dst(%arg8 : memref<2x128xi32, #tpu.memory_space<vmem>>)
        tpu.yield
      }) : () -> ()
      %dma_start3A_153 = arith.constant 0 : i32
      %dma_start3A_154 = arith.constant 0 : i32
      %dma_start3A_155 = tpu.memref_slice %arg8[%dma_start3A_153, %dma_start3A_154] : memref<2x128xi32, #tpu.memory_space<vmem>> -> memref<1x128xi32, #tpu.memory_space<vmem>>
      %dma_start3A_156 = tpu.memref_squeeze %dma_start3A_155 : memref<1x128xi32, #tpu.memory_space<vmem>> -> memref<128xi32, #tpu.memory_space<vmem>>
      %dma_start3A_157 = arith.constant 0 : i32
      %dma_start3A_158 = arith.constant 0 : i32
      %dma_start3A_159 = tpu.memref_slice %arg3[%dma_start3A_157, %dma_start3A_158] : memref<10016x64xf32, #tpu.memory_space<hbm>> -> memref<10016x64xf32, #tpu.memory_space<hbm>>
      tpu.enqueue_indirect_dma source(%dma_start3A_159 : memref<10016x64xf32, #tpu.memory_space<hbm>>) target(%arg11 : memref<128x64xf32, #tpu.memory_space<vmem>>) offsets(%dma_start3A_156 : memref<128xi32, #tpu.memory_space<vmem>>) semaphore(%arg22 : memref<!tpu.dma_semaphore, #tpu.memory_space<semaphore_mem>>)
      %dma_start3A_160 = arith.constant 1 : i32
      %dma_start3A_161 = arith.constant 0 : i32
      %dma_start3A_162 = tpu.memref_slice %arg8[%dma_start3A_160, %dma_start3A_161] : memref<2x128xi32, #tpu.memory_space<vmem>> -> memref<1x128xi32, #tpu.memory_space<vmem>>
      %dma_start3A_163 = tpu.memref_squeeze %dma_start3A_162 : memref<1x128xi32, #tpu.memory_space<vmem>> -> memref<128xi32, #tpu.memory_space<vmem>>
      %dma_start3A_164 = arith.constant 0 : i32
      %dma_start3A_165 = arith.constant 0 : i32
      %dma_start3A_166 = tpu.memref_slice %arg4[%dma_start3A_164, %dma_start3A_165] : memref<10016x16xf32, #tpu.memory_space<hbm>> -> memref<10016x16xf32, #tpu.memory_space<hbm>>
      tpu.enqueue_indirect_dma source(%dma_start3A_166 : memref<10016x16xf32, #tpu.memory_space<hbm>>) target(%arg14 : memref<128x16xf32, #tpu.memory_space<vmem>>) offsets(%dma_start3A_163 : memref<128xi32, #tpu.memory_space<vmem>>) semaphore(%arg22 : memref<!tpu.dma_semaphore, #tpu.memory_space<semaphore_mem>>)
      %dma_wait3A_167 = arith.constant 0 : i32
      %dma_wait3A_168 = arith.constant 0 : i32
      %dma_wait3A_169 = tpu.memref_slice %arg7[%dma_wait3A_167, %dma_wait3A_168] : memref<2x128xi32, #tpu.memory_space<vmem>> -> memref<1x128xi32, #tpu.memory_space<vmem>>
      %dma_wait3A_170 = tpu.memref_squeeze %dma_wait3A_169 : memref<1x128xi32, #tpu.memory_space<vmem>> -> memref<128xi32, #tpu.memory_space<vmem>>
      %dma_wait3A_171 = arith.constant 0 : i32
      %dma_wait3A_172 = arith.constant 0 : i32
      %dma_wait3A_173 = tpu.memref_slice %arg3[%dma_wait3A_171, %dma_wait3A_172] : memref<10016x64xf32, #tpu.memory_space<hbm>> -> memref<10016x64xf32, #tpu.memory_space<hbm>>
      tpu.wait_indirect_dma semaphore(%arg21 : memref<!tpu.dma_semaphore, #tpu.memory_space<semaphore_mem>>) src(%dma_wait3A_173 : memref<10016x64xf32, #tpu.memory_space<hbm>>) dst(%arg10 : memref<128x64xf32, #tpu.memory_space<vmem>>)
      %dma_wait3A_174 = arith.constant 1 : i32
      %dma_wait3A_175 = arith.constant 0 : i32
      %dma_wait3A_176 = tpu.memref_slice %arg7[%dma_wait3A_174, %dma_wait3A_175] : memref<2x128xi32, #tpu.memory_space<vmem>> -> memref<1x128xi32, #tpu.memory_space<vmem>>
      %dma_wait3A_177 = tpu.memref_squeeze %dma_wait3A_176 : memref<1x128xi32, #tpu.memory_space<vmem>> -> memref<128xi32, #tpu.memory_space<vmem>>
      %dma_wait3A_178 = arith.constant 0 : i32
      %dma_wait3A_179 = arith.constant 0 : i32
      %dma_wait3A_180 = tpu.memref_slice %arg4[%dma_wait3A_178, %dma_wait3A_179] : memref<10016x16xf32, #tpu.memory_space<hbm>> -> memref<10016x16xf32, #tpu.memory_space<hbm>>
      tpu.wait_indirect_dma semaphore(%arg21 : memref<!tpu.dma_semaphore, #tpu.memory_space<semaphore_mem>>) src(%dma_wait3A_180 : memref<10016x16xf32, #tpu.memory_space<hbm>>) dst(%arg13 : memref<128x16xf32, #tpu.memory_space<vmem>>)
      %scan3A_181 = arith.constant 0 : i32
      %scan3A_182 = arith.constant 0 : i32
      %scan3A_183 = arith.constant 32 : i32
      %scan3A_184 = arith.addi %scan3A_182, %scan3A_183 : i32
      %scan3A_185 = arith.constant 1 : i32
      %scan3A_186 = scf.for %scan3A_239 = %scan3A_182 to %scan3A_184 step %scan3A_185 iter_args(%scan3A_240 = %scan3A_181) -> (i32)  : i32 {
        %mul3A_241 = arith.constant 4 : i32
        %mul3A_242 = arith.muli %scan3A_239, %mul3A_241 : i32
        %add3A_243 = arith.constant 0 : i32
        %add3A_244 = arith.addi %mul3A_242, %add3A_243 : i32
        %get3A = arith.index_cast %add3A_244 : i32 to index
        %get3A_245 = arith.constant 48 : index
        %get3A_246 = tpu.vector_load %arg10[%get3A, %get3A_245] {strides = array<i32>} : memref<128x64xf32, #tpu.memory_space<vmem>>, vector<16xf32>,
        %get3A_247 = arith.index_cast %add3A_244 : i32 to index
        %get3A_248 = arith.constant 0 : index
        %get3A_249 = tpu.vector_load %arg13[%get3A_247, %get3A_248] {strides = array<i32>} : memref<128x16xf32, #tpu.memory_space<vmem>>, vector<16xf32>,
        %add3A_250 = arith.addf %get3A_246, %get3A_249 : vector<16xf32>
        %mul3A_251 = arith.constant 2.000000e-01 : f32
        %mul3A_252 = vector.broadcast %mul3A_251 : f32 to vector<16xf32>
        %mul3A_253 = arith.mulf %add3A_250, %mul3A_252 : vector<16xf32>
        %max3A = arith.maximumf %add3A_250, %mul3A_253 : vector<16xf32>
        %exp3A = math.exp %max3A : vector<16xf32>
        %get3A_254 = arith.index_cast %add3A_244 : i32 to index
        %get3A_255 = arith.constant 0 : index
        %get3A_256 = tpu.vector_load %arg10[%get3A_254, %get3A_255] {strides = array<i32>} : memref<128x64xf32, #tpu.memory_space<vmem>>, vector<16xf32>,
        %mul3A_257 = arith.mulf %get3A_256, %exp3A : vector<16xf32>
        %swap3A = arith.index_cast %add3A_244 : i32 to index
        %swap3A_258 = arith.constant 0 : index
        %swap3A_259 = tpu.vector_load %arg17[%swap3A, %swap3A_258] {strides = array<i32>} : memref<128x48xf32, #tpu.memory_space<vmem>>, vector<16xf32>,
        tpu.vector_store %arg17[%swap3A, %swap3A_258], %mul3A_257 {strides = array<i32>} : memref<128x48xf32, #tpu.memory_space<vmem>>, vector<16xf32>,
        %get3A_260 = arith.index_cast %add3A_244 : i32 to index
        %get3A_261 = arith.constant 16 : index
        %get3A_262 = tpu.vector_load %arg10[%get3A_260, %get3A_261] {strides = array<i32>} : memref<128x64xf32, #tpu.memory_space<vmem>>, vector<16xf32>,
        %mul3A_263 = arith.mulf %get3A_262, %exp3A : vector<16xf32>
        %swap3A_264 = arith.index_cast %add3A_244 : i32 to index
        %swap3A_265 = arith.constant 16 : index
        %swap3A_266 = tpu.vector_load %arg17[%swap3A_264, %swap3A_265] {strides = array<i32>} : memref<128x48xf32, #tpu.memory_space<vmem>>, vector<16xf32>,
        tpu.vector_store %arg17[%swap3A_264, %swap3A_265], %mul3A_263 {strides = array<i32>} : memref<128x48xf32, #tpu.memory_space<vmem>>, vector<16xf32>,
        %get3A_267 = arith.index_cast %add3A_244 : i32 to index
        %get3A_268 = arith.constant 32 : index
        %get3A_269 = tpu.vector_load %arg10[%get3A_267, %get3A_268] {strides = array<i32>} : memref<128x64xf32, #tpu.memory_space<vmem>>, vector<16xf32>,
        %mul3A_270 = arith.mulf %get3A_269, %exp3A : vector<16xf32>
        %swap3A_271 = arith.index_cast %add3A_244 : i32 to index
        %swap3A_272 = arith.constant 32 : index
        %swap3A_273 = tpu.vector_load %arg17[%swap3A_271, %swap3A_272] {strides = array<i32>} : memref<128x48xf32, #tpu.memory_space<vmem>>, vector<16xf32>,
        tpu.vector_store %arg17[%swap3A_271, %swap3A_272], %mul3A_270 {strides = array<i32>} : memref<128x48xf32, #tpu.memory_space<vmem>>, vector<16xf32>,
        %add3A_274 = arith.constant 1 : i32
        %add3A_275 = arith.addi %mul3A_242, %add3A_274 : i32
        %get3A_276 = arith.index_cast %add3A_275 : i32 to index
        %get3A_277 = arith.constant 48 : index
        %get3A_278 = tpu.vector_load %arg10[%get3A_276, %get3A_277] {strides = array<i32>} : memref<128x64xf32, #tpu.memory_space<vmem>>, vector<16xf32>,
        %get3A_279 = arith.index_cast %add3A_275 : i32 to index
        %get3A_280 = arith.constant 0 : index
        %get3A_281 = tpu.vector_load %arg13[%get3A_279, %get3A_280] {strides = array<i32>} : memref<128x16xf32, #tpu.memory_space<vmem>>, vector<16xf32>,
        %add3A_282 = arith.addf %get3A_278, %get3A_281 : vector<16xf32>
        %mul3A_283 = arith.constant 2.000000e-01 : f32
        %mul3A_284 = vector.broadcast %mul3A_283 : f32 to vector<16xf32>
        %mul3A_285 = arith.mulf %add3A_282, %mul3A_284 : vector<16xf32>
        %max3A_286 = arith.maximumf %add3A_282, %mul3A_285 : vector<16xf32>
        %exp3A_287 = math.exp %max3A_286 : vector<16xf32>
        %get3A_288 = arith.index_cast %add3A_275 : i32 to index
        %get3A_289 = arith.constant 0 : index
        %get3A_290 = tpu.vector_load %arg10[%get3A_288, %get3A_289] {strides = array<i32>} : memref<128x64xf32, #tpu.memory_space<vmem>>, vector<16xf32>,
        %mul3A_291 = arith.mulf %get3A_290, %exp3A_287 : vector<16xf32>
        %swap3A_292 = arith.index_cast %add3A_275 : i32 to index
        %swap3A_293 = arith.constant 0 : index
        %swap3A_294 = tpu.vector_load %arg17[%swap3A_292, %swap3A_293] {strides = array<i32>} : memref<128x48xf32, #tpu.memory_space<vmem>>, vector<16xf32>,
        tpu.vector_store %arg17[%swap3A_292, %swap3A_293], %mul3A_291 {strides = array<i32>} : memref<128x48xf32, #tpu.memory_space<vmem>>, vector<16xf32>,
        %get3A_295 = arith.index_cast %add3A_275 : i32 to index
        %get3A_296 = arith.constant 16 : index
        %get3A_297 = tpu.vector_load %arg10[%get3A_295, %get3A_296] {strides = array<i32>} : memref<128x64xf32, #tpu.memory_space<vmem>>, vector<16xf32>,
        %mul3A_298 = arith.mulf %get3A_297, %exp3A_287 : vector<16xf32>
        %swap3A_299 = arith.index_cast %add3A_275 : i32 to index
        %swap3A_300 = arith.constant 16 : index
        %swap3A_301 = tpu.vector_load %arg17[%swap3A_299, %swap3A_300] {strides = array<i32>} : memref<128x48xf32, #tpu.memory_space<vmem>>, vector<16xf32>,
        tpu.vector_store %arg17[%swap3A_299, %swap3A_300], %mul3A_298 {strides = array<i32>} : memref<128x48xf32, #tpu.memory_space<vmem>>, vector<16xf32>,
        %get3A_302 = arith.index_cast %add3A_275 : i32 to index
        %get3A_303 = arith.constant 32 : index
        %get3A_304 = tpu.vector_load %arg10[%get3A_302, %get3A_303] {strides = array<i32>} : memref<128x64xf32, #tpu.memory_space<vmem>>, vector<16xf32>,
        %mul3A_305 = arith.mulf %get3A_304, %exp3A_287 : vector<16xf32>
        %swap3A_306 = arith.index_cast %add3A_275 : i32 to index
        %swap3A_307 = arith.constant 32 : index
        %swap3A_308 = tpu.vector_load %arg17[%swap3A_306, %swap3A_307] {strides = array<i32>} : memref<128x48xf32, #tpu.memory_space<vmem>>, vector<16xf32>,
        tpu.vector_store %arg17[%swap3A_306, %swap3A_307], %mul3A_305 {strides = array<i32>} : memref<128x48xf32, #tpu.memory_space<vmem>>, vector<16xf32>,
        %add3A_309 = arith.constant 2 : i32
        %add3A_310 = arith.addi %mul3A_242, %add3A_309 : i32
        %get3A_311 = arith.index_cast %add3A_310 : i32 to index
        %get3A_312 = arith.constant 48 : index
        %get3A_313 = tpu.vector_load %arg10[%get3A_311, %get3A_312] {strides = array<i32>} : memref<128x64xf32, #tpu.memory_space<vmem>>, vector<16xf32>,
        %get3A_314 = arith.index_cast %add3A_310 : i32 to index
        %get3A_315 = arith.constant 0 : index
        %get3A_316 = tpu.vector_load %arg13[%get3A_314, %get3A_315] {strides = array<i32>} : memref<128x16xf32, #tpu.memory_space<vmem>>, vector<16xf32>,
        %add3A_317 = arith.addf %get3A_313, %get3A_316 : vector<16xf32>
        %mul3A_318 = arith.constant 2.000000e-01 : f32
        %mul3A_319 = vector.broadcast %mul3A_318 : f32 to vector<16xf32>
        %mul3A_320 = arith.mulf %add3A_317, %mul3A_319 : vector<16xf32>
        %max3A_321 = arith.maximumf %add3A_317, %mul3A_320 : vector<16xf32>
        %exp3A_322 = math.exp %max3A_321 : vector<16xf32>
        %get3A_323 = arith.index_cast %add3A_310 : i32 to index
        %get3A_324 = arith.constant 0 : index
        %get3A_325 = tpu.vector_load %arg10[%get3A_323, %get3A_324] {strides = array<i32>} : memref<128x64xf32, #tpu.memory_space<vmem>>, vector<16xf32>,
        %mul3A_326 = arith.mulf %get3A_325, %exp3A_322 : vector<16xf32>
        %swap3A_327 = arith.index_cast %add3A_310 : i32 to index
        %swap3A_328 = arith.constant 0 : index
        %swap3A_329 = tpu.vector_load %arg17[%swap3A_327, %swap3A_328] {strides = array<i32>} : memref<128x48xf32, #tpu.memory_space<vmem>>, vector<16xf32>,
        tpu.vector_store %arg17[%swap3A_327, %swap3A_328], %mul3A_326 {strides = array<i32>} : memref<128x48xf32, #tpu.memory_space<vmem>>, vector<16xf32>,
        %get3A_330 = arith.index_cast %add3A_310 : i32 to index
        %get3A_331 = arith.constant 16 : index
        %get3A_332 = tpu.vector_load %arg10[%get3A_330, %get3A_331] {strides = array<i32>} : memref<128x64xf32, #tpu.memory_space<vmem>>, vector<16xf32>,
        %mul3A_333 = arith.mulf %get3A_332, %exp3A_322 : vector<16xf32>
        %swap3A_334 = arith.index_cast %add3A_310 : i32 to index
        %swap3A_335 = arith.constant 16 : index
        %swap3A_336 = tpu.vector_load %arg17[%swap3A_334, %swap3A_335] {strides = array<i32>} : memref<128x48xf32, #tpu.memory_space<vmem>>, vector<16xf32>,
        tpu.vector_store %arg17[%swap3A_334, %swap3A_335], %mul3A_333 {strides = array<i32>} : memref<128x48xf32, #tpu.memory_space<vmem>>, vector<16xf32>,
        %get3A_337 = arith.index_cast %add3A_310 : i32 to index
        %get3A_338 = arith.constant 32 : index
        %get3A_339 = tpu.vector_load %arg10[%get3A_337, %get3A_338] {strides = array<i32>} : memref<128x64xf32, #tpu.memory_space<vmem>>, vector<16xf32>,
        %mul3A_340 = arith.mulf %get3A_339, %exp3A_322 : vector<16xf32>
        %swap3A_341 = arith.index_cast %add3A_310 : i32 to index
        %swap3A_342 = arith.constant 32 : index
        %swap3A_343 = tpu.vector_load %arg17[%swap3A_341, %swap3A_342] {strides = array<i32>} : memref<128x48xf32, #tpu.memory_space<vmem>>, vector<16xf32>,
        tpu.vector_store %arg17[%swap3A_341, %swap3A_342], %mul3A_340 {strides = array<i32>} : memref<128x48xf32, #tpu.memory_space<vmem>>, vector<16xf32>,
        %add3A_344 = arith.constant 3 : i32
        %add3A_345 = arith.addi %mul3A_242, %add3A_344 : i32
        %get3A_346 = arith.index_cast %add3A_345 : i32 to index
        %get3A_347 = arith.constant 48 : index
        %get3A_348 = tpu.vector_load %arg10[%get3A_346, %get3A_347] {strides = array<i32>} : memref<128x64xf32, #tpu.memory_space<vmem>>, vector<16xf32>,
        %get3A_349 = arith.index_cast %add3A_345 : i32 to index
        %get3A_350 = arith.constant 0 : index
        %get3A_351 = tpu.vector_load %arg13[%get3A_349, %get3A_350] {strides = array<i32>} : memref<128x16xf32, #tpu.memory_space<vmem>>, vector<16xf32>,
        %add3A_352 = arith.addf %get3A_348, %get3A_351 : vector<16xf32>
        %mul3A_353 = arith.constant 2.000000e-01 : f32
        %mul3A_354 = vector.broadcast %mul3A_353 : f32 to vector<16xf32>
        %mul3A_355 = arith.mulf %add3A_352, %mul3A_354 : vector<16xf32>
        %max3A_356 = arith.maximumf %add3A_352, %mul3A_355 : vector<16xf32>
        %exp3A_357 = math.exp %max3A_356 : vector<16xf32>
        %get3A_358 = arith.index_cast %add3A_345 : i32 to index
        %get3A_359 = arith.constant 0 : index
        %get3A_360 = tpu.vector_load %arg10[%get3A_358, %get3A_359] {strides = array<i32>} : memref<128x64xf32, #tpu.memory_space<vmem>>, vector<16xf32>,
        %mul3A_361 = arith.mulf %get3A_360, %exp3A_357 : vector<16xf32>
        %swap3A_362 = arith.index_cast %add3A_345 : i32 to index
        %swap3A_363 = arith.constant 0 : index
        %swap3A_364 = tpu.vector_load %arg17[%swap3A_362, %swap3A_363] {strides = array<i32>} : memref<128x48xf32, #tpu.memory_space<vmem>>, vector<16xf32>,
        tpu.vector_store %arg17[%swap3A_362, %swap3A_363], %mul3A_361 {strides = array<i32>} : memref<128x48xf32, #tpu.memory_space<vmem>>, vector<16xf32>,
        %get3A_365 = arith.index_cast %add3A_345 : i32 to index
        %get3A_366 = arith.constant 16 : index
        %get3A_367 = tpu.vector_load %arg10[%get3A_365, %get3A_366] {strides = array<i32>} : memref<128x64xf32, #tpu.memory_space<vmem>>, vector<16xf32>,
        %mul3A_368 = arith.mulf %get3A_367, %exp3A_357 : vector<16xf32>
        %swap3A_369 = arith.index_cast %add3A_345 : i32 to index
        %swap3A_370 = arith.constant 16 : index
        %swap3A_371 = tpu.vector_load %arg17[%swap3A_369, %swap3A_370] {strides = array<i32>} : memref<128x48xf32, #tpu.memory_space<vmem>>, vector<16xf32>,
        tpu.vector_store %arg17[%swap3A_369, %swap3A_370], %mul3A_368 {strides = array<i32>} : memref<128x48xf32, #tpu.memory_space<vmem>>, vector<16xf32>,
        %get3A_372 = arith.index_cast %add3A_345 : i32 to index
        %get3A_373 = arith.constant 32 : index
        %get3A_374 = tpu.vector_load %arg10[%get3A_372, %get3A_373] {strides = array<i32>} : memref<128x64xf32, #tpu.memory_space<vmem>>, vector<16xf32>,
        %mul3A_375 = arith.mulf %get3A_374, %exp3A_357 : vector<16xf32>
        %swap3A_376 = arith.index_cast %add3A_345 : i32 to index
        %swap3A_377 = arith.constant 32 : index
        %swap3A_378 = tpu.vector_load %arg17[%swap3A_376, %swap3A_377] {strides = array<i32>} : memref<128x48xf32, #tpu.memory_space<vmem>>, vector<16xf32>,
        tpu.vector_store %arg17[%swap3A_376, %swap3A_377], %mul3A_375 {strides = array<i32>} : memref<128x48xf32, #tpu.memory_space<vmem>>, vector<16xf32>,
        %scan3A_379 = arith.constant 0 : i32
        scf.yield %scan3A_379 : i32
      }
      %scan3A_187 = arith.constant 32 : i32
      %dma_start3A_188 = arith.constant 1 : i32
      %dma_start3A_189 = arith.constant 0 : i32
      %dma_start3A_190 = tpu.memref_slice %arg7[%dma_start3A_188, %dma_start3A_189] : memref<2x128xi32, #tpu.memory_space<vmem>> -> memref<1x128xi32, #tpu.memory_space<vmem>>
      %dma_start3A_191 = tpu.memref_squeeze %dma_start3A_190 : memref<1x128xi32, #tpu.memory_space<vmem>> -> memref<128xi32, #tpu.memory_space<vmem>>
      %dma_start3A_192 = arith.constant 0 : i32
      %dma_start3A_193 = arith.constant 0 : i32
      %dma_start3A_194 = tpu.memref_slice %arg19[%dma_start3A_192, %dma_start3A_193] : memref<10016x48xf32, #tpu.memory_space<vmem_shared>> -> memref<10016x48xf32, #tpu.memory_space<vmem_shared>>
      tpu.enqueue_indirect_dma source(%arg17 : memref<128x48xf32, #tpu.memory_space<vmem>>) target(%dma_start3A_194 : memref<10016x48xf32, #tpu.memory_space<vmem_shared>>) offsets(%dma_start3A_191 : memref<128xi32, #tpu.memory_space<vmem>>) semaphore(%arg24 : memref<!tpu.dma_semaphore, #tpu.memory_space<semaphore_mem>>) {add = true}
      %mul3A_195 = arith.constant 3 : i32
      %mul3A_196 = arith.muli %mul3A_195, %scan3A_84 : i32
      %add3A_197 = arith.constant 2 : i32
      %add3A_198 = arith.addi %mul3A_196, %add3A_197 : i32
      %dma_wait3A_199 = arith.constant 1 : i32
      %dma_wait3A_200 = arith.constant 0 : i32
      %dma_wait3A_201 = tpu.memref_slice %arg6[%dma_wait3A_199, %dma_wait3A_200] : memref<2x128xi32, #tpu.memory_space<vmem>> -> memref<1x128xi32, #tpu.memory_space<vmem>>
      %dma_wait3A_202 = tpu.memref_squeeze %dma_wait3A_201 : memref<1x128xi32, #tpu.memory_space<vmem>> -> memref<128xi32, #tpu.memory_space<vmem>>
      %dma_wait3A_203 = arith.constant 0 : i32
      %dma_wait3A_204 = arith.constant 0 : i32
      %dma_wait3A_205 = tpu.memref_slice %arg19[%dma_wait3A_203, %dma_wait3A_204] : memref<10016x48xf32, #tpu.memory_space<vmem_shared>> -> memref<10016x48xf32, #tpu.memory_space<vmem_shared>>
      tpu.wait_indirect_dma semaphore(%arg23 : memref<!tpu.dma_semaphore, #tpu.memory_space<semaphore_mem>>) src(%arg16 : memref<128x48xf32, #tpu.memory_space<vmem>>) dst(%dma_wait3A_205 : memref<10016x48xf32, #tpu.memory_space<vmem_shared>>)
      %lt3A = arith.constant 26 : i32
      %lt3A_206 = arith.cmpi slt, %scan3A_84, %lt3A : i32
      %convert_element_type3A_207 = arith.extui %lt3A_206 : i1 to i32
      %cond3A_208 = arith.constant 0 : i32
      %cond3A_209 = arith.cmpi ne, %convert_element_type3A_207, %cond3A_208 : i32
      scf.if %cond3A_209 {
        %add3A_239 = arith.constant 1 : i32
        %add3A_240 = arith.addi %add3A_198, %add3A_239 : i32
        %mul3A_241 = arith.constant 81 : i32
        %mul3A_242 = arith.muli %add3A, %mul3A_241 : i32
        %add3A_243 = arith.addi %mul3A_242, %add3A_240 : i32
        "tpu.region"() ({
          %run_scoped3A = tpu.sem_alloc : memref<!tpu.dma_semaphore, #tpu.memory_space<semaphore_mem>>
          %dma_start3A_258 = arith.constant 0 : i32
          %dma_start3A_259 = arith.constant 0 : i32
          %dma_start3A_260 = tpu.memref_slice %arg2[%add3A_243, %dma_start3A_258, %dma_start3A_259] : memref<2592x2x128xi32, #tpu.memory_space<hbm>> -> memref<1x2x128xi32, #tpu.memory_space<hbm>>
          %dma_start3A_261 = tpu.memref_squeeze %dma_start3A_260 : memref<1x2x128xi32, #tpu.memory_space<hbm>> -> memref<2x128xi32, #tpu.memory_space<hbm>>
          %dma_start3A_262 = arith.constant 0 : i32
          %dma_start3A_263 = arith.constant 0 : i32
          %dma_start3A_264 = tpu.memref_slice %arg2[%add3A_243, %dma_start3A_262, %dma_start3A_263] : memref<2592x2x128xi32, #tpu.memory_space<hbm>> -> memref<1x2x128xi32, #tpu.memory_space<hbm>>
          %dma_start3A_265 = tpu.memref_squeeze %dma_start3A_264 : memref<1x2x128xi32, #tpu.memory_space<hbm>> -> memref<2x128xi32, #tpu.memory_space<hbm>>
          tpu.enqueue_dma source(%dma_start3A_265 : memref<2x128xi32, #tpu.memory_space<hbm>>) target(%arg6 : memref<2x128xi32, #tpu.memory_space<vmem>>) target_semaphore(%run_scoped3A : memref<!tpu.dma_semaphore, #tpu.memory_space<semaphore_mem>>)
          %dma_wait3A_266 = arith.constant 0 : i32
          %dma_wait3A_267 = arith.constant 0 : i32
          %dma_wait3A_268 = tpu.memref_slice %arg2[%add3A_243, %dma_wait3A_266, %dma_wait3A_267] : memref<2592x2x128xi32, #tpu.memory_space<hbm>> -> memref<1x2x128xi32, #tpu.memory_space<hbm>>
          %dma_wait3A_269 = tpu.memref_squeeze %dma_wait3A_268 : memref<1x2x128xi32, #tpu.memory_space<hbm>> -> memref<2x128xi32, #tpu.memory_space<hbm>>
          %dma_wait3A_270 = arith.constant 0 : i32
          %dma_wait3A_271 = arith.constant 0 : i32
          %dma_wait3A_272 = tpu.memref_slice %arg2[%add3A_243, %dma_wait3A_270, %dma_wait3A_271] : memref<2592x2x128xi32, #tpu.memory_space<hbm>> -> memref<1x2x128xi32, #tpu.memory_space<hbm>>
          %dma_wait3A_273 = tpu.memref_squeeze %dma_wait3A_272 : memref<1x2x128xi32, #tpu.memory_space<hbm>> -> memref<2x128xi32, #tpu.memory_space<hbm>>
          tpu.wait_dma2 semaphore(%run_scoped3A : memref<!tpu.dma_semaphore, #tpu.memory_space<semaphore_mem>>) src(%dma_wait3A_273 : memref<2x128xi32, #tpu.memory_space<hbm>>) dst(%arg6 : memref<2x128xi32, #tpu.memory_space<vmem>>)
          tpu.yield
        }) : () -> ()
        %dma_start3A_244 = arith.constant 0 : i32
        %dma_start3A_245 = arith.constant 0 : i32
        %dma_start3A_246 = tpu.memref_slice %arg6[%dma_start3A_244, %dma_start3A_245] : memref<2x128xi32, #tpu.memory_space<vmem>> -> memref<1x128xi32, #tpu.memory_space<vmem>>
        %dma_start3A_247 = tpu.memref_squeeze %dma_start3A_246 : memref<1x128xi32, #tpu.memory_space<vmem>> -> memref<128xi32, #tpu.memory_space<vmem>>
        %dma_start3A_248 = arith.constant 0 : i32
        %dma_start3A_249 = arith.constant 0 : i32
        %dma_start3A_250 = tpu.memref_slice %arg3[%dma_start3A_248, %dma_start3A_249] : memref<10016x64xf32, #tpu.memory_space<hbm>> -> memref<10016x64xf32, #tpu.memory_space<hbm>>
        tpu.enqueue_indirect_dma source(%dma_start3A_250 : memref<10016x64xf32, #tpu.memory_space<hbm>>) target(%arg9 : memref<128x64xf32, #tpu.memory_space<vmem>>) offsets(%dma_start3A_247 : memref<128xi32, #tpu.memory_space<vmem>>) semaphore(%arg20 : memref<!tpu.dma_semaphore, #tpu.memory_space<semaphore_mem>>)
        %dma_start3A_251 = arith.constant 1 : i32
        %dma_start3A_252 = arith.constant 0 : i32
        %dma_start3A_253 = tpu.memref_slice %arg6[%dma_start3A_251, %dma_start3A_252] : memref<2x128xi32, #tpu.memory_space<vmem>> -> memref<1x128xi32, #tpu.memory_space<vmem>>
        %dma_start3A_254 = tpu.memref_squeeze %dma_start3A_253 : memref<1x128xi32, #tpu.memory_space<vmem>> -> memref<128xi32, #tpu.memory_space<vmem>>
        %dma_start3A_255 = arith.constant 0 : i32
        %dma_start3A_256 = arith.constant 0 : i32
        %dma_start3A_257 = tpu.memref_slice %arg4[%dma_start3A_255, %dma_start3A_256] : memref<10016x16xf32, #tpu.memory_space<hbm>> -> memref<10016x16xf32, #tpu.memory_space<hbm>>
        tpu.enqueue_indirect_dma source(%dma_start3A_257 : memref<10016x16xf32, #tpu.memory_space<hbm>>) target(%arg12 : memref<128x16xf32, #tpu.memory_space<vmem>>) offsets(%dma_start3A_254 : memref<128xi32, #tpu.memory_space<vmem>>) semaphore(%arg20 : memref<!tpu.dma_semaphore, #tpu.memory_space<semaphore_mem>>)
      } else {
      }
      %dma_wait3A_210 = arith.constant 0 : i32
      %dma_wait3A_211 = arith.constant 0 : i32
      %dma_wait3A_212 = tpu.memref_slice %arg8[%dma_wait3A_210, %dma_wait3A_211] : memref<2x128xi32, #tpu.memory_space<vmem>> -> memref<1x128xi32, #tpu.memory_space<vmem>>
      %dma_wait3A_213 = tpu.memref_squeeze %dma_wait3A_212 : memref<1x128xi32, #tpu.memory_space<vmem>> -> memref<128xi32, #tpu.memory_space<vmem>>
      %dma_wait3A_214 = arith.constant 0 : i32
      %dma_wait3A_215 = arith.constant 0 : i32
      %dma_wait3A_216 = tpu.memref_slice %arg3[%dma_wait3A_214, %dma_wait3A_215] : memref<10016x64xf32, #tpu.memory_space<hbm>> -> memref<10016x64xf32, #tpu.memory_space<hbm>>
      tpu.wait_indirect_dma semaphore(%arg22 : memref<!tpu.dma_semaphore, #tpu.memory_space<semaphore_mem>>) src(%dma_wait3A_216 : memref<10016x64xf32, #tpu.memory_space<hbm>>) dst(%arg11 : memref<128x64xf32, #tpu.memory_space<vmem>>)
      %dma_wait3A_217 = arith.constant 1 : i32
      %dma_wait3A_218 = arith.constant 0 : i32
      %dma_wait3A_219 = tpu.memref_slice %arg8[%dma_wait3A_217, %dma_wait3A_218] : memref<2x128xi32, #tpu.memory_space<vmem>> -> memref<1x128xi32, #tpu.memory_space<vmem>>
      %dma_wait3A_220 = tpu.memref_squeeze %dma_wait3A_219 : memref<1x128xi32, #tpu.memory_space<vmem>> -> memref<128xi32, #tpu.memory_space<vmem>>
      %dma_wait3A_221 = arith.constant 0 : i32
      %dma_wait3A_222 = arith.constant 0 : i32
      %dma_wait3A_223 = tpu.memref_slice %arg4[%dma_wait3A_221, %dma_wait3A_222] : memref<10016x16xf32, #tpu.memory_space<hbm>> -> memref<10016x16xf32, #tpu.memory_space<hbm>>
      tpu.wait_indirect_dma semaphore(%arg22 : memref<!tpu.dma_semaphore, #tpu.memory_space<semaphore_mem>>) src(%dma_wait3A_223 : memref<10016x16xf32, #tpu.memory_space<hbm>>) dst(%arg14 : memref<128x16xf32, #tpu.memory_space<vmem>>)
      %scan3A_224 = arith.constant 0 : i32
      %scan3A_225 = arith.constant 0 : i32
      %scan3A_226 = arith.constant 32 : i32
      %scan3A_227 = arith.addi %scan3A_225, %scan3A_226 : i32
      %scan3A_228 = arith.constant 1 : i32
      %scan3A_229 = scf.for %scan3A_239 = %scan3A_225 to %scan3A_227 step %scan3A_228 iter_args(%scan3A_240 = %scan3A_224) -> (i32)  : i32 {
        %mul3A_241 = arith.constant 4 : i32
        %mul3A_242 = arith.muli %scan3A_239, %mul3A_241 : i32
        %add3A_243 = arith.constant 0 : i32
        %add3A_244 = arith.addi %mul3A_242, %add3A_243 : i32
        %get3A = arith.index_cast %add3A_244 : i32 to index
        %get3A_245 = arith.constant 48 : index
        %get3A_246 = tpu.vector_load %arg11[%get3A, %get3A_245] {strides = array<i32>} : memref<128x64xf32, #tpu.memory_space<vmem>>, vector<16xf32>,
        %get3A_247 = arith.index_cast %add3A_244 : i32 to index
        %get3A_248 = arith.constant 0 : index
        %get3A_249 = tpu.vector_load %arg14[%get3A_247, %get3A_248] {strides = array<i32>} : memref<128x16xf32, #tpu.memory_space<vmem>>, vector<16xf32>,
        %add3A_250 = arith.addf %get3A_246, %get3A_249 : vector<16xf32>
        %mul3A_251 = arith.constant 2.000000e-01 : f32
        %mul3A_252 = vector.broadcast %mul3A_251 : f32 to vector<16xf32>
        %mul3A_253 = arith.mulf %add3A_250, %mul3A_252 : vector<16xf32>
        %max3A = arith.maximumf %add3A_250, %mul3A_253 : vector<16xf32>
        %exp3A = math.exp %max3A : vector<16xf32>
        %get3A_254 = arith.index_cast %add3A_244 : i32 to index
        %get3A_255 = arith.constant 0 : index
        %get3A_256 = tpu.vector_load %arg11[%get3A_254, %get3A_255] {strides = array<i32>} : memref<128x64xf32, #tpu.memory_space<vmem>>, vector<16xf32>,
        %mul3A_257 = arith.mulf %get3A_256, %exp3A : vector<16xf32>
        %swap3A = arith.index_cast %add3A_244 : i32 to index
        %swap3A_258 = arith.constant 0 : index
        %swap3A_259 = tpu.vector_load %arg18[%swap3A, %swap3A_258] {strides = array<i32>} : memref<128x48xf32, #tpu.memory_space<vmem>>, vector<16xf32>,
        tpu.vector_store %arg18[%swap3A, %swap3A_258], %mul3A_257 {strides = array<i32>} : memref<128x48xf32, #tpu.memory_space<vmem>>, vector<16xf32>,
        %get3A_260 = arith.index_cast %add3A_244 : i32 to index
        %get3A_261 = arith.constant 16 : index
        %get3A_262 = tpu.vector_load %arg11[%get3A_260, %get3A_261] {strides = array<i32>} : memref<128x64xf32, #tpu.memory_space<vmem>>, vector<16xf32>,
        %mul3A_263 = arith.mulf %get3A_262, %exp3A : vector<16xf32>
        %swap3A_264 = arith.index_cast %add3A_244 : i32 to index
        %swap3A_265 = arith.constant 16 : index
        %swap3A_266 = tpu.vector_load %arg18[%swap3A_264, %swap3A_265] {strides = array<i32>} : memref<128x48xf32, #tpu.memory_space<vmem>>, vector<16xf32>,
        tpu.vector_store %arg18[%swap3A_264, %swap3A_265], %mul3A_263 {strides = array<i32>} : memref<128x48xf32, #tpu.memory_space<vmem>>, vector<16xf32>,
        %get3A_267 = arith.index_cast %add3A_244 : i32 to index
        %get3A_268 = arith.constant 32 : index
        %get3A_269 = tpu.vector_load %arg11[%get3A_267, %get3A_268] {strides = array<i32>} : memref<128x64xf32, #tpu.memory_space<vmem>>, vector<16xf32>,
        %mul3A_270 = arith.mulf %get3A_269, %exp3A : vector<16xf32>
        %swap3A_271 = arith.index_cast %add3A_244 : i32 to index
        %swap3A_272 = arith.constant 32 : index
        %swap3A_273 = tpu.vector_load %arg18[%swap3A_271, %swap3A_272] {strides = array<i32>} : memref<128x48xf32, #tpu.memory_space<vmem>>, vector<16xf32>,
        tpu.vector_store %arg18[%swap3A_271, %swap3A_272], %mul3A_270 {strides = array<i32>} : memref<128x48xf32, #tpu.memory_space<vmem>>, vector<16xf32>,
        %add3A_274 = arith.constant 1 : i32
        %add3A_275 = arith.addi %mul3A_242, %add3A_274 : i32
        %get3A_276 = arith.index_cast %add3A_275 : i32 to index
        %get3A_277 = arith.constant 48 : index
        %get3A_278 = tpu.vector_load %arg11[%get3A_276, %get3A_277] {strides = array<i32>} : memref<128x64xf32, #tpu.memory_space<vmem>>, vector<16xf32>,
        %get3A_279 = arith.index_cast %add3A_275 : i32 to index
        %get3A_280 = arith.constant 0 : index
        %get3A_281 = tpu.vector_load %arg14[%get3A_279, %get3A_280] {strides = array<i32>} : memref<128x16xf32, #tpu.memory_space<vmem>>, vector<16xf32>,
        %add3A_282 = arith.addf %get3A_278, %get3A_281 : vector<16xf32>
        %mul3A_283 = arith.constant 2.000000e-01 : f32
        %mul3A_284 = vector.broadcast %mul3A_283 : f32 to vector<16xf32>
        %mul3A_285 = arith.mulf %add3A_282, %mul3A_284 : vector<16xf32>
        %max3A_286 = arith.maximumf %add3A_282, %mul3A_285 : vector<16xf32>
        %exp3A_287 = math.exp %max3A_286 : vector<16xf32>
        %get3A_288 = arith.index_cast %add3A_275 : i32 to index
        %get3A_289 = arith.constant 0 : index
        %get3A_290 = tpu.vector_load %arg11[%get3A_288, %get3A_289] {strides = array<i32>} : memref<128x64xf32, #tpu.memory_space<vmem>>, vector<16xf32>,
        %mul3A_291 = arith.mulf %get3A_290, %exp3A_287 : vector<16xf32>
        %swap3A_292 = arith.index_cast %add3A_275 : i32 to index
        %swap3A_293 = arith.constant 0 : index
        %swap3A_294 = tpu.vector_load %arg18[%swap3A_292, %swap3A_293] {strides = array<i32>} : memref<128x48xf32, #tpu.memory_space<vmem>>, vector<16xf32>,
        tpu.vector_store %arg18[%swap3A_292, %swap3A_293], %mul3A_291 {strides = array<i32>} : memref<128x48xf32, #tpu.memory_space<vmem>>, vector<16xf32>,
        %get3A_295 = arith.index_cast %add3A_275 : i32 to index
        %get3A_296 = arith.constant 16 : index
        %get3A_297 = tpu.vector_load %arg11[%get3A_295, %get3A_296] {strides = array<i32>} : memref<128x64xf32, #tpu.memory_space<vmem>>, vector<16xf32>,
        %mul3A_298 = arith.mulf %get3A_297, %exp3A_287 : vector<16xf32>
        %swap3A_299 = arith.index_cast %add3A_275 : i32 to index
        %swap3A_300 = arith.constant 16 : index
        %swap3A_301 = tpu.vector_load %arg18[%swap3A_299, %swap3A_300] {strides = array<i32>} : memref<128x48xf32, #tpu.memory_space<vmem>>, vector<16xf32>,
        tpu.vector_store %arg18[%swap3A_299, %swap3A_300], %mul3A_298 {strides = array<i32>} : memref<128x48xf32, #tpu.memory_space<vmem>>, vector<16xf32>,
        %get3A_302 = arith.index_cast %add3A_275 : i32 to index
        %get3A_303 = arith.constant 32 : index
        %get3A_304 = tpu.vector_load %arg11[%get3A_302, %get3A_303] {strides = array<i32>} : memref<128x64xf32, #tpu.memory_space<vmem>>, vector<16xf32>,
        %mul3A_305 = arith.mulf %get3A_304, %exp3A_287 : vector<16xf32>
        %swap3A_306 = arith.index_cast %add3A_275 : i32 to index
        %swap3A_307 = arith.constant 32 : index
        %swap3A_308 = tpu.vector_load %arg18[%swap3A_306, %swap3A_307] {strides = array<i32>} : memref<128x48xf32, #tpu.memory_space<vmem>>, vector<16xf32>,
        tpu.vector_store %arg18[%swap3A_306, %swap3A_307], %mul3A_305 {strides = array<i32>} : memref<128x48xf32, #tpu.memory_space<vmem>>, vector<16xf32>,
        %add3A_309 = arith.constant 2 : i32
        %add3A_310 = arith.addi %mul3A_242, %add3A_309 : i32
        %get3A_311 = arith.index_cast %add3A_310 : i32 to index
        %get3A_312 = arith.constant 48 : index
        %get3A_313 = tpu.vector_load %arg11[%get3A_311, %get3A_312] {strides = array<i32>} : memref<128x64xf32, #tpu.memory_space<vmem>>, vector<16xf32>,
        %get3A_314 = arith.index_cast %add3A_310 : i32 to index
        %get3A_315 = arith.constant 0 : index
        %get3A_316 = tpu.vector_load %arg14[%get3A_314, %get3A_315] {strides = array<i32>} : memref<128x16xf32, #tpu.memory_space<vmem>>, vector<16xf32>,
        %add3A_317 = arith.addf %get3A_313, %get3A_316 : vector<16xf32>
        %mul3A_318 = arith.constant 2.000000e-01 : f32
        %mul3A_319 = vector.broadcast %mul3A_318 : f32 to vector<16xf32>
        %mul3A_320 = arith.mulf %add3A_317, %mul3A_319 : vector<16xf32>
        %max3A_321 = arith.maximumf %add3A_317, %mul3A_320 : vector<16xf32>
        %exp3A_322 = math.exp %max3A_321 : vector<16xf32>
        %get3A_323 = arith.index_cast %add3A_310 : i32 to index
        %get3A_324 = arith.constant 0 : index
        %get3A_325 = tpu.vector_load %arg11[%get3A_323, %get3A_324] {strides = array<i32>} : memref<128x64xf32, #tpu.memory_space<vmem>>, vector<16xf32>,
        %mul3A_326 = arith.mulf %get3A_325, %exp3A_322 : vector<16xf32>
        %swap3A_327 = arith.index_cast %add3A_310 : i32 to index
        %swap3A_328 = arith.constant 0 : index
        %swap3A_329 = tpu.vector_load %arg18[%swap3A_327, %swap3A_328] {strides = array<i32>} : memref<128x48xf32, #tpu.memory_space<vmem>>, vector<16xf32>,
        tpu.vector_store %arg18[%swap3A_327, %swap3A_328], %mul3A_326 {strides = array<i32>} : memref<128x48xf32, #tpu.memory_space<vmem>>, vector<16xf32>,
        %get3A_330 = arith.index_cast %add3A_310 : i32 to index
        %get3A_331 = arith.constant 16 : index
        %get3A_332 = tpu.vector_load %arg11[%get3A_330, %get3A_331] {strides = array<i32>} : memref<128x64xf32, #tpu.memory_space<vmem>>, vector<16xf32>,
        %mul3A_333 = arith.mulf %get3A_332, %exp3A_322 : vector<16xf32>
        %swap3A_334 = arith.index_cast %add3A_310 : i32 to index
        %swap3A_335 = arith.constant 16 : index
        %swap3A_336 = tpu.vector_load %arg18[%swap3A_334, %swap3A_335] {strides = array<i32>} : memref<128x48xf32, #tpu.memory_space<vmem>>, vector<16xf32>,
        tpu.vector_store %arg18[%swap3A_334, %swap3A_335], %mul3A_333 {strides = array<i32>} : memref<128x48xf32, #tpu.memory_space<vmem>>, vector<16xf32>,
        %get3A_337 = arith.index_cast %add3A_310 : i32 to index
        %get3A_338 = arith.constant 32 : index
        %get3A_339 = tpu.vector_load %arg11[%get3A_337, %get3A_338] {strides = array<i32>} : memref<128x64xf32, #tpu.memory_space<vmem>>, vector<16xf32>,
        %mul3A_340 = arith.mulf %get3A_339, %exp3A_322 : vector<16xf32>
        %swap3A_341 = arith.index_cast %add3A_310 : i32 to index
        %swap3A_342 = arith.constant 32 : index
        %swap3A_343 = tpu.vector_load %arg18[%swap3A_341, %swap3A_342] {strides = array<i32>} : memref<128x48xf32, #tpu.memory_space<vmem>>, vector<16xf32>,
        tpu.vector_store %arg18[%swap3A_341, %swap3A_342], %mul3A_340 {strides = array<i32>} : memref<128x48xf32, #tpu.memory_space<vmem>>, vector<16xf32>,
        %add3A_344 = arith.constant 3 : i32
        %add3A_345 = arith.addi %mul3A_242, %add3A_344 : i32
        %get3A_346 = arith.index_cast %add3A_345 : i32 to index
        %get3A_347 = arith.constant 48 : index
        %get3A_348 = tpu.vector_load %arg11[%get3A_346, %get3A_347] {strides = array<i32>} : memref<128x64xf32, #tpu.memory_space<vmem>>, vector<16xf32>,
        %get3A_349 = arith.index_cast %add3A_345 : i32 to index
        %get3A_350 = arith.constant 0 : index
        %get3A_351 = tpu.vector_load %arg14[%get3A_349, %get3A_350] {strides = array<i32>} : memref<128x16xf32, #tpu.memory_space<vmem>>, vector<16xf32>,
        %add3A_352 = arith.addf %get3A_348, %get3A_351 : vector<16xf32>
        %mul3A_353 = arith.constant 2.000000e-01 : f32
        %mul3A_354 = vector.broadcast %mul3A_353 : f32 to vector<16xf32>
        %mul3A_355 = arith.mulf %add3A_352, %mul3A_354 : vector<16xf32>
        %max3A_356 = arith.maximumf %add3A_352, %mul3A_355 : vector<16xf32>
        %exp3A_357 = math.exp %max3A_356 : vector<16xf32>
        %get3A_358 = arith.index_cast %add3A_345 : i32 to index
        %get3A_359 = arith.constant 0 : index
        %get3A_360 = tpu.vector_load %arg11[%get3A_358, %get3A_359] {strides = array<i32>} : memref<128x64xf32, #tpu.memory_space<vmem>>, vector<16xf32>,
        %mul3A_361 = arith.mulf %get3A_360, %exp3A_357 : vector<16xf32>
        %swap3A_362 = arith.index_cast %add3A_345 : i32 to index
        %swap3A_363 = arith.constant 0 : index
        %swap3A_364 = tpu.vector_load %arg18[%swap3A_362, %swap3A_363] {strides = array<i32>} : memref<128x48xf32, #tpu.memory_space<vmem>>, vector<16xf32>,
        tpu.vector_store %arg18[%swap3A_362, %swap3A_363], %mul3A_361 {strides = array<i32>} : memref<128x48xf32, #tpu.memory_space<vmem>>, vector<16xf32>,
        %get3A_365 = arith.index_cast %add3A_345 : i32 to index
        %get3A_366 = arith.constant 16 : index
        %get3A_367 = tpu.vector_load %arg11[%get3A_365, %get3A_366] {strides = array<i32>} : memref<128x64xf32, #tpu.memory_space<vmem>>, vector<16xf32>,
        %mul3A_368 = arith.mulf %get3A_367, %exp3A_357 : vector<16xf32>
        %swap3A_369 = arith.index_cast %add3A_345 : i32 to index
        %swap3A_370 = arith.constant 16 : index
        %swap3A_371 = tpu.vector_load %arg18[%swap3A_369, %swap3A_370] {strides = array<i32>} : memref<128x48xf32, #tpu.memory_space<vmem>>, vector<16xf32>,
        tpu.vector_store %arg18[%swap3A_369, %swap3A_370], %mul3A_368 {strides = array<i32>} : memref<128x48xf32, #tpu.memory_space<vmem>>, vector<16xf32>,
        %get3A_372 = arith.index_cast %add3A_345 : i32 to index
        %get3A_373 = arith.constant 32 : index
        %get3A_374 = tpu.vector_load %arg11[%get3A_372, %get3A_373] {strides = array<i32>} : memref<128x64xf32, #tpu.memory_space<vmem>>, vector<16xf32>,
        %mul3A_375 = arith.mulf %get3A_374, %exp3A_357 : vector<16xf32>
        %swap3A_376 = arith.index_cast %add3A_345 : i32 to index
        %swap3A_377 = arith.constant 32 : index
        %swap3A_378 = tpu.vector_load %arg18[%swap3A_376, %swap3A_377] {strides = array<i32>} : memref<128x48xf32, #tpu.memory_space<vmem>>, vector<16xf32>,
        tpu.vector_store %arg18[%swap3A_376, %swap3A_377], %mul3A_375 {strides = array<i32>} : memref<128x48xf32, #tpu.memory_space<vmem>>, vector<16xf32>,
        %scan3A_379 = arith.constant 0 : i32
        scf.yield %scan3A_379 : i32
      }
      %scan3A_230 = arith.constant 32 : i32
      %dma_start3A_231 = arith.constant 1 : i32
      %dma_start3A_232 = arith.constant 0 : i32
      %dma_start3A_233 = tpu.memref_slice %arg8[%dma_start3A_231, %dma_start3A_232] : memref<2x128xi32, #tpu.memory_space<vmem>> -> memref<1x128xi32, #tpu.memory_space<vmem>>
      %dma_start3A_234 = tpu.memref_squeeze %dma_start3A_233 : memref<1x128xi32, #tpu.memory_space<vmem>> -> memref<128xi32, #tpu.memory_space<vmem>>
      %dma_start3A_235 = arith.constant 0 : i32
      %dma_start3A_236 = arith.constant 0 : i32
      %dma_start3A_237 = tpu.memref_slice %arg19[%dma_start3A_235, %dma_start3A_236] : memref<10016x48xf32, #tpu.memory_space<vmem_shared>> -> memref<10016x48xf32, #tpu.memory_space<vmem_shared>>
      tpu.enqueue_indirect_dma source(%arg18 : memref<128x48xf32, #tpu.memory_space<vmem>>) target(%dma_start3A_237 : memref<10016x48xf32, #tpu.memory_space<vmem_shared>>) offsets(%dma_start3A_234 : memref<128xi32, #tpu.memory_space<vmem>>) semaphore(%arg25 : memref<!tpu.dma_semaphore, #tpu.memory_space<semaphore_mem>>) {add = true}
      %scan3A_238 = arith.constant 0 : i32
      scf.yield %scan3A_238 : i32
    }
    %scan3A_49 = arith.constant 27 : i32
    %dma_wait3A = arith.constant 1 : i32
    %dma_wait3A_50 = arith.constant 0 : i32
    %dma_wait3A_51 = tpu.memref_slice %arg7[%dma_wait3A, %dma_wait3A_50] : memref<2x128xi32, #tpu.memory_space<vmem>> -> memref<1x128xi32, #tpu.memory_space<vmem>>
    %dma_wait3A_52 = tpu.memref_squeeze %dma_wait3A_51 : memref<1x128xi32, #tpu.memory_space<vmem>> -> memref<128xi32, #tpu.memory_space<vmem>>
    %dma_wait3A_53 = arith.constant 0 : i32
    %dma_wait3A_54 = arith.constant 0 : i32
    %dma_wait3A_55 = tpu.memref_slice %arg19[%dma_wait3A_53, %dma_wait3A_54] : memref<10016x48xf32, #tpu.memory_space<vmem_shared>> -> memref<10016x48xf32, #tpu.memory_space<vmem_shared>>
    tpu.wait_indirect_dma semaphore(%arg24 : memref<!tpu.dma_semaphore, #tpu.memory_space<semaphore_mem>>) src(%arg17 : memref<128x48xf32, #tpu.memory_space<vmem>>) dst(%dma_wait3A_55 : memref<10016x48xf32, #tpu.memory_space<vmem_shared>>)
    %dma_wait3A_56 = arith.constant 1 : i32
    %dma_wait3A_57 = arith.constant 0 : i32
    %dma_wait3A_58 = tpu.memref_slice %arg8[%dma_wait3A_56, %dma_wait3A_57] : memref<2x128xi32, #tpu.memory_space<vmem>> -> memref<1x128xi32, #tpu.memory_space<vmem>>
    %dma_wait3A_59 = tpu.memref_squeeze %dma_wait3A_58 : memref<1x128xi32, #tpu.memory_space<vmem>> -> memref<128xi32, #tpu.memory_space<vmem>>
    %dma_wait3A_60 = arith.constant 0 : i32
    %dma_wait3A_61 = arith.constant 0 : i32
    %dma_wait3A_62 = tpu.memref_slice %arg19[%dma_wait3A_60, %dma_wait3A_61] : memref<10016x48xf32, #tpu.memory_space<vmem_shared>> -> memref<10016x48xf32, #tpu.memory_space<vmem_shared>>
    tpu.wait_indirect_dma semaphore(%arg25 : memref<!tpu.dma_semaphore, #tpu.memory_space<semaphore_mem>>) src(%arg18 : memref<128x48xf32, #tpu.memory_space<vmem>>) dst(%dma_wait3A_62 : memref<10016x48xf32, #tpu.memory_space<vmem_shared>>)
    %barrier3A_63 = arith.constant 0 : index
    tpu.barrier barrier_id(%barrier3A_63)
    %mul3A_64 = arith.constant 626 : i32
    %mul3A_65 = arith.muli %arg1, %mul3A_64 : i32
    %add3A_66 = arith.constant 0 : i32
    %add3A_67 = arith.addi %mul3A_65, %add3A_66 : i32
    "tpu.region"() ({
      %run_scoped3A = tpu.sem_alloc : memref<!tpu.dma_semaphore, #tpu.memory_space<semaphore_mem>>
      %dma_start3A_84 = arith.constant 0 : i32
      %dma_start3A_85 = arith.constant 0 : i32
      %dma_start3A_86 = tpu.memref_slice %arg5[%arg0, %dma_start3A_84, %dma_start3A_85] : memref<2x10016x48xf32, #tpu.memory_space<hbm>> -> memref<1x10016x48xf32, #tpu.memory_space<hbm>>
      %dma_start3A_87 = tpu.memref_squeeze %dma_start3A_86 : memref<1x10016x48xf32, #tpu.memory_space<hbm>> -> memref<10016x48xf32, #tpu.memory_space<hbm>>
      %dma_start3A_88 = arith.constant 0 : i32
      %dma_start3A_89 = tpu.memref_slice %dma_start3A_87[%add3A_67, %dma_start3A_88] : memref<10016x48xf32, #tpu.memory_space<hbm>> -> memref<128x48xf32, #tpu.memory_space<hbm>>
      %dma_start3A_90 = arith.constant 0 : i32
      %dma_start3A_91 = tpu.memref_slice %arg19[%add3A_67, %dma_start3A_90] : memref<10016x48xf32, #tpu.memory_space<vmem_shared>> -> memref<128x48xf32, #tpu.memory_space<vmem_shared>>
      tpu.enqueue_dma source(%dma_start3A_91 : memref<128x48xf32, #tpu.memory_space<vmem_shared>>) target(%dma_start3A_89 : memref<128x48xf32, #tpu.memory_space<hbm>>) target_semaphore(%run_scoped3A : memref<!tpu.dma_semaphore, #tpu.memory_space<semaphore_mem>>)
      %dma_wait3A_92 = arith.constant 0 : i32
      %dma_wait3A_93 = arith.constant 0 : i32
      %dma_wait3A_94 = tpu.memref_slice %arg5[%arg0, %dma_wait3A_92, %dma_wait3A_93] : memref<2x10016x48xf32, #tpu.memory_space<hbm>> -> memref<1x10016x48xf32, #tpu.memory_space<hbm>>
      %dma_wait3A_95 = tpu.memref_squeeze %dma_wait3A_94 : memref<1x10016x48xf32, #tpu.memory_space<hbm>> -> memref<10016x48xf32, #tpu.memory_space<hbm>>
      %dma_wait3A_96 = arith.constant 0 : i32
      %dma_wait3A_97 = tpu.memref_slice %dma_wait3A_95[%add3A_67, %dma_wait3A_96] : memref<10016x48xf32, #tpu.memory_space<hbm>> -> memref<128x48xf32, #tpu.memory_space<hbm>>
      %dma_wait3A_98 = arith.constant 0 : i32
      %dma_wait3A_99 = tpu.memref_slice %arg19[%add3A_67, %dma_wait3A_98] : memref<10016x48xf32, #tpu.memory_space<vmem_shared>> -> memref<128x48xf32, #tpu.memory_space<vmem_shared>>
      tpu.wait_dma2 semaphore(%run_scoped3A : memref<!tpu.dma_semaphore, #tpu.memory_space<semaphore_mem>>) src(%dma_wait3A_99 : memref<128x48xf32, #tpu.memory_space<vmem_shared>>) dst(%dma_wait3A_97 : memref<128x48xf32, #tpu.memory_space<hbm>>)
      tpu.yield
    }) : () -> ()
    %mul3A_68 = arith.constant 626 : i32
    %mul3A_69 = arith.muli %arg1, %mul3A_68 : i32
    %add3A_70 = arith.constant 128 : i32
    %add3A_71 = arith.addi %mul3A_69, %add3A_70 : i32
    "tpu.region"() ({
      %run_scoped3A = tpu.sem_alloc : memref<!tpu.dma_semaphore, #tpu.memory_space<semaphore_mem>>
      %dma_start3A_84 = arith.constant 0 : i32
      %dma_start3A_85 = arith.constant 0 : i32
      %dma_start3A_86 = tpu.memref_slice %arg5[%arg0, %dma_start3A_84, %dma_start3A_85] : memref<2x10016x48xf32, #tpu.memory_space<hbm>> -> memref<1x10016x48xf32, #tpu.memory_space<hbm>>
      %dma_start3A_87 = tpu.memref_squeeze %dma_start3A_86 : memref<1x10016x48xf32, #tpu.memory_space<hbm>> -> memref<10016x48xf32, #tpu.memory_space<hbm>>
      %dma_start3A_88 = arith.constant 0 : i32
      %dma_start3A_89 = tpu.memref_slice %dma_start3A_87[%add3A_71, %dma_start3A_88] : memref<10016x48xf32, #tpu.memory_space<hbm>> -> memref<128x48xf32, #tpu.memory_space<hbm>>
      %dma_start3A_90 = arith.constant 0 : i32
      %dma_start3A_91 = tpu.memref_slice %arg19[%add3A_71, %dma_start3A_90] : memref<10016x48xf32, #tpu.memory_space<vmem_shared>> -> memref<128x48xf32, #tpu.memory_space<vmem_shared>>
      tpu.enqueue_dma source(%dma_start3A_91 : memref<128x48xf32, #tpu.memory_space<vmem_shared>>) target(%dma_start3A_89 : memref<128x48xf32, #tpu.memory_space<hbm>>) target_semaphore(%run_scoped3A : memref<!tpu.dma_semaphore, #tpu.memory_space<semaphore_mem>>)
      %dma_wait3A_92 = arith.constant 0 : i32
      %dma_wait3A_93 = arith.constant 0 : i32
      %dma_wait3A_94 = tpu.memref_slice %arg5[%arg0, %dma_wait3A_92, %dma_wait3A_93] : memref<2x10016x48xf32, #tpu.memory_space<hbm>> -> memref<1x10016x48xf32, #tpu.memory_space<hbm>>
      %dma_wait3A_95 = tpu.memref_squeeze %dma_wait3A_94 : memref<1x10016x48xf32, #tpu.memory_space<hbm>> -> memref<10016x48xf32, #tpu.memory_space<hbm>>
      %dma_wait3A_96 = arith.constant 0 : i32
      %dma_wait3A_97 = tpu.memref_slice %dma_wait3A_95[%add3A_71, %dma_wait3A_96] : memref<10016x48xf32, #tpu.memory_space<hbm>> -> memref<128x48xf32, #tpu.memory_space<hbm>>
      %dma_wait3A_98 = arith.constant 0 : i32
      %dma_wait3A_99 = tpu.memref_slice %arg19[%add3A_71, %dma_wait3A_98] : memref<10016x48xf32, #tpu.memory_space<vmem_shared>> -> memref<128x48xf32, #tpu.memory_space<vmem_shared>>
      tpu.wait_dma2 semaphore(%run_scoped3A : memref<!tpu.dma_semaphore, #tpu.memory_space<semaphore_mem>>) src(%dma_wait3A_99 : memref<128x48xf32, #tpu.memory_space<vmem_shared>>) dst(%dma_wait3A_97 : memref<128x48xf32, #tpu.memory_space<hbm>>)
      tpu.yield
    }) : () -> ()
    %mul3A_72 = arith.constant 626 : i32
    %mul3A_73 = arith.muli %arg1, %mul3A_72 : i32
    %add3A_74 = arith.constant 256 : i32
    %add3A_75 = arith.addi %mul3A_73, %add3A_74 : i32
    "tpu.region"() ({
      %run_scoped3A = tpu.sem_alloc : memref<!tpu.dma_semaphore, #tpu.memory_space<semaphore_mem>>
      %dma_start3A_84 = arith.constant 0 : i32
      %dma_start3A_85 = arith.constant 0 : i32
      %dma_start3A_86 = tpu.memref_slice %arg5[%arg0, %dma_start3A_84, %dma_start3A_85] : memref<2x10016x48xf32, #tpu.memory_space<hbm>> -> memref<1x10016x48xf32, #tpu.memory_space<hbm>>
      %dma_start3A_87 = tpu.memref_squeeze %dma_start3A_86 : memref<1x10016x48xf32, #tpu.memory_space<hbm>> -> memref<10016x48xf32, #tpu.memory_space<hbm>>
      %dma_start3A_88 = arith.constant 0 : i32
      %dma_start3A_89 = tpu.memref_slice %dma_start3A_87[%add3A_75, %dma_start3A_88] : memref<10016x48xf32, #tpu.memory_space<hbm>> -> memref<128x48xf32, #tpu.memory_space<hbm>>
      %dma_start3A_90 = arith.constant 0 : i32
      %dma_start3A_91 = tpu.memref_slice %arg19[%add3A_75, %dma_start3A_90] : memref<10016x48xf32, #tpu.memory_space<vmem_shared>> -> memref<128x48xf32, #tpu.memory_space<vmem_shared>>
      tpu.enqueue_dma source(%dma_start3A_91 : memref<128x48xf32, #tpu.memory_space<vmem_shared>>) target(%dma_start3A_89 : memref<128x48xf32, #tpu.memory_space<hbm>>) target_semaphore(%run_scoped3A : memref<!tpu.dma_semaphore, #tpu.memory_space<semaphore_mem>>)
      %dma_wait3A_92 = arith.constant 0 : i32
      %dma_wait3A_93 = arith.constant 0 : i32
      %dma_wait3A_94 = tpu.memref_slice %arg5[%arg0, %dma_wait3A_92, %dma_wait3A_93] : memref<2x10016x48xf32, #tpu.memory_space<hbm>> -> memref<1x10016x48xf32, #tpu.memory_space<hbm>>
      %dma_wait3A_95 = tpu.memref_squeeze %dma_wait3A_94 : memref<1x10016x48xf32, #tpu.memory_space<hbm>> -> memref<10016x48xf32, #tpu.memory_space<hbm>>
      %dma_wait3A_96 = arith.constant 0 : i32
      %dma_wait3A_97 = tpu.memref_slice %dma_wait3A_95[%add3A_75, %dma_wait3A_96] : memref<10016x48xf32, #tpu.memory_space<hbm>> -> memref<128x48xf32, #tpu.memory_space<hbm>>
      %dma_wait3A_98 = arith.constant 0 : i32
      %dma_wait3A_99 = tpu.memref_slice %arg19[%add3A_75, %dma_wait3A_98] : memref<10016x48xf32, #tpu.memory_space<vmem_shared>> -> memref<128x48xf32, #tpu.memory_space<vmem_shared>>
      tpu.wait_dma2 semaphore(%run_scoped3A : memref<!tpu.dma_semaphore, #tpu.memory_space<semaphore_mem>>) src(%dma_wait3A_99 : memref<128x48xf32, #tpu.memory_space<vmem_shared>>) dst(%dma_wait3A_97 : memref<128x48xf32, #tpu.memory_space<hbm>>)
      tpu.yield
    }) : () -> ()
    %mul3A_76 = arith.constant 626 : i32
    %mul3A_77 = arith.muli %arg1, %mul3A_76 : i32
    %add3A_78 = arith.constant 384 : i32
    %add3A_79 = arith.addi %mul3A_77, %add3A_78 : i32
    "tpu.region"() ({
      %run_scoped3A = tpu.sem_alloc : memref<!tpu.dma_semaphore, #tpu.memory_space<semaphore_mem>>
      %dma_start3A_84 = arith.constant 0 : i32
      %dma_start3A_85 = arith.constant 0 : i32
      %dma_start3A_86 = tpu.memref_slice %arg5[%arg0, %dma_start3A_84, %dma_start3A_85] : memref<2x10016x48xf32, #tpu.memory_space<hbm>> -> memref<1x10016x48xf32, #tpu.memory_space<hbm>>
      %dma_start3A_87 = tpu.memref_squeeze %dma_start3A_86 : memref<1x10016x48xf32, #tpu.memory_space<hbm>> -> memref<10016x48xf32, #tpu.memory_space<hbm>>
      %dma_start3A_88 = arith.constant 0 : i32
      %dma_start3A_89 = tpu.memref_slice %dma_start3A_87[%add3A_79, %dma_start3A_88] : memref<10016x48xf32, #tpu.memory_space<hbm>> -> memref<128x48xf32, #tpu.memory_space<hbm>>
      %dma_start3A_90 = arith.constant 0 : i32
      %dma_start3A_91 = tpu.memref_slice %arg19[%add3A_79, %dma_start3A_90] : memref<10016x48xf32, #tpu.memory_space<vmem_shared>> -> memref<128x48xf32, #tpu.memory_space<vmem_shared>>
      tpu.enqueue_dma source(%dma_start3A_91 : memref<128x48xf32, #tpu.memory_space<vmem_shared>>) target(%dma_start3A_89 : memref<128x48xf32, #tpu.memory_space<hbm>>) target_semaphore(%run_scoped3A : memref<!tpu.dma_semaphore, #tpu.memory_space<semaphore_mem>>)
      %dma_wait3A_92 = arith.constant 0 : i32
      %dma_wait3A_93 = arith.constant 0 : i32
      %dma_wait3A_94 = tpu.memref_slice %arg5[%arg0, %dma_wait3A_92, %dma_wait3A_93] : memref<2x10016x48xf32, #tpu.memory_space<hbm>> -> memref<1x10016x48xf32, #tpu.memory_space<hbm>>
      %dma_wait3A_95 = tpu.memref_squeeze %dma_wait3A_94 : memref<1x10016x48xf32, #tpu.memory_space<hbm>> -> memref<10016x48xf32, #tpu.memory_space<hbm>>
      %dma_wait3A_96 = arith.constant 0 : i32
      %dma_wait3A_97 = tpu.memref_slice %dma_wait3A_95[%add3A_79, %dma_wait3A_96] : memref<10016x48xf32, #tpu.memory_space<hbm>> -> memref<128x48xf32, #tpu.memory_space<hbm>>
      %dma_wait3A_98 = arith.constant 0 : i32
      %dma_wait3A_99 = tpu.memref_slice %arg19[%add3A_79, %dma_wait3A_98] : memref<10016x48xf32, #tpu.memory_space<vmem_shared>> -> memref<128x48xf32, #tpu.memory_space<vmem_shared>>
      tpu.wait_dma2 semaphore(%run_scoped3A : memref<!tpu.dma_semaphore, #tpu.memory_space<semaphore_mem>>) src(%dma_wait3A_99 : memref<128x48xf32, #tpu.memory_space<vmem_shared>>) dst(%dma_wait3A_97 : memref<128x48xf32, #tpu.memory_space<hbm>>)
      tpu.yield
    }) : () -> ()
    %mul3A_80 = arith.constant 626 : i32
    %mul3A_81 = arith.muli %arg1, %mul3A_80 : i32
    %add3A_82 = arith.constant 512 : i32
    %add3A_83 = arith.addi %mul3A_81, %add3A_82 : i32
    "tpu.region"() ({
      %run_scoped3A = tpu.sem_alloc : memref<!tpu.dma_semaphore, #tpu.memory_space<semaphore_mem>>
      %dma_start3A_84 = arith.constant 0 : i32
      %dma_start3A_85 = arith.constant 0 : i32
      %dma_start3A_86 = tpu.memref_slice %arg5[%arg0, %dma_start3A_84, %dma_start3A_85] : memref<2x10016x48xf32, #tpu.memory_space<hbm>> -> memref<1x10016x48xf32, #tpu.memory_space<hbm>>
      %dma_start3A_87 = tpu.memref_squeeze %dma_start3A_86 : memref<1x10016x48xf32, #tpu.memory_space<hbm>> -> memref<10016x48xf32, #tpu.memory_space<hbm>>
      %dma_start3A_88 = arith.constant 0 : i32
      %dma_start3A_89 = tpu.memref_slice %dma_start3A_87[%add3A_83, %dma_start3A_88] : memref<10016x48xf32, #tpu.memory_space<hbm>> -> memref<114x48xf32, #tpu.memory_space<hbm>>
      %dma_start3A_90 = arith.constant 0 : i32
      %dma_start3A_91 = tpu.memref_slice %arg19[%add3A_83, %dma_start3A_90] : memref<10016x48xf32, #tpu.memory_space<vmem_shared>> -> memref<114x48xf32, #tpu.memory_space<vmem_shared>>
      tpu.enqueue_dma source(%dma_start3A_91 : memref<114x48xf32, #tpu.memory_space<vmem_shared>>) target(%dma_start3A_89 : memref<114x48xf32, #tpu.memory_space<hbm>>) target_semaphore(%run_scoped3A : memref<!tpu.dma_semaphore, #tpu.memory_space<semaphore_mem>>)
      %dma_wait3A_92 = arith.constant 0 : i32
      %dma_wait3A_93 = arith.constant 0 : i32
      %dma_wait3A_94 = tpu.memref_slice %arg5[%arg0, %dma_wait3A_92, %dma_wait3A_93] : memref<2x10016x48xf32, #tpu.memory_space<hbm>> -> memref<1x10016x48xf32, #tpu.memory_space<hbm>>
      %dma_wait3A_95 = tpu.memref_squeeze %dma_wait3A_94 : memref<1x10016x48xf32, #tpu.memory_space<hbm>> -> memref<10016x48xf32, #tpu.memory_space<hbm>>
      %dma_wait3A_96 = arith.constant 0 : i32
      %dma_wait3A_97 = tpu.memref_slice %dma_wait3A_95[%add3A_83, %dma_wait3A_96] : memref<10016x48xf32, #tpu.memory_space<hbm>> -> memref<114x48xf32, #tpu.memory_space<hbm>>
      %dma_wait3A_98 = arith.constant 0 : i32
      %dma_wait3A_99 = tpu.memref_slice %arg19[%add3A_83, %dma_wait3A_98] : memref<10016x48xf32, #tpu.memory_space<vmem_shared>> -> memref<114x48xf32, #tpu.memory_space<vmem_shared>>
      tpu.wait_dma2 semaphore(%run_scoped3A : memref<!tpu.dma_semaphore, #tpu.memory_space<semaphore_mem>>) src(%dma_wait3A_99 : memref<114x48xf32, #tpu.memory_space<vmem_shared>>) dst(%dma_wait3A_97 : memref<114x48xf32, #tpu.memory_space<hbm>>)
      tpu.yield
    }) : () -> ()
    return
  }
}

module attributes {stable_mosaic.version = 14 : i64} {
  func.func @_prep1_body(%arg0: memref<10016x128xf32, #tpu.memory_space<vmem>>, %arg1: memref<128x64xf32, #tpu.memory_space<vmem>>, %arg2: memref<64x16xf32, #tpu.memory_space<vmem>>, %arg3: memref<64x16xf32, #tpu.memory_space<vmem>>, %arg4: memref<10016x80xf32, #tpu.memory_space<vmem>>, %arg5: memref<10016x16xf32, #tpu.memory_space<vmem>>) attributes {dimension_semantics = [], scalar_prefetch = 0 : i64, scratch_operands = 0 : i64, tpu.core_type = #tpu.core_type<tc>} {
    %get3A = arith.constant 0 : index
    %get3A_0 = arith.constant 0 : index
    %get3A_1 = vector.load %arg0[%get3A, %get3A_0] : memref<10016x128xf32, #tpu.memory_space<vmem>>, vector<10016x128xf32>
    %get3A_2 = arith.constant 0 : index
    %get3A_3 = arith.constant 0 : index
    %get3A_4 = vector.load %arg1[%get3A_2, %get3A_3] : memref<128x64xf32, #tpu.memory_space<vmem>>, vector<128x64xf32>
    %dot_general3A = arith.constant dense<0.000000e+00> : vector<10016x64xf32>
    %dot_general3A_5 = tpu.matmul %get3A_1, %get3A_4, %dot_general3A {dimension_numbers = #tpu.dot_dimension_numbers<[1], [0], [0], [1], [0, 0, 1, 1], [], []>, transpose_lhs_hint = false} : vector<10016x128xf32>, vector<128x64xf32>, vector<10016x64xf32> -> vector<10016x64xf32>
    %get3A_6 = arith.constant 0 : index
    %get3A_7 = arith.constant 0 : index
    %get3A_8 = vector.load %arg2[%get3A_6, %get3A_7] : memref<64x16xf32, #tpu.memory_space<vmem>>, vector<64x16xf32>
    %dot_general3A_9 = arith.constant dense<0.000000e+00> : vector<10016x16xf32>
    %dot_general3A_10 = tpu.matmul %dot_general3A_5, %get3A_8, %dot_general3A_9 {dimension_numbers = #tpu.dot_dimension_numbers<[1], [0], [0], [1], [0, 0, 1, 1], [], []>, transpose_lhs_hint = false} : vector<10016x64xf32>, vector<64x16xf32>, vector<10016x16xf32> -> vector<10016x16xf32>
    %concatenate3A = tpu.concatenate %dot_general3A_5, %dot_general3A_10 in 1 : vector<10016x64xf32>, vector<10016x16xf32> -> vector<10016x80xf32>
    %swap3A = arith.constant 0 : index
    %swap3A_11 = arith.constant 0 : index
    %swap3A_12 = vector.load %arg4[%swap3A, %swap3A_11] : memref<10016x80xf32, #tpu.memory_space<vmem>>, vector<10016x80xf32>
    tpu.vector_store %arg4[%swap3A, %swap3A_11], %concatenate3A {strides = array<i32>} : memref<10016x80xf32, #tpu.memory_space<vmem>>, vector<10016x80xf32>,
    %get3A_13 = arith.constant 0 : index
    %get3A_14 = arith.constant 0 : index
    %get3A_15 = vector.load %arg3[%get3A_13, %get3A_14] : memref<64x16xf32, #tpu.memory_space<vmem>>, vector<64x16xf32>
    %dot_general3A_16 = arith.constant dense<0.000000e+00> : vector<10016x16xf32>
    %dot_general3A_17 = tpu.matmul %dot_general3A_5, %get3A_15, %dot_general3A_16 {dimension_numbers = #tpu.dot_dimension_numbers<[1], [0], [0], [1], [0, 0, 1, 1], [], []>, transpose_lhs_hint = false} : vector<10016x64xf32>, vector<64x16xf32>, vector<10016x16xf32> -> vector<10016x16xf32>
    %swap3A_18 = arith.constant 0 : index
    %swap3A_19 = arith.constant 0 : index
    %swap3A_20 = vector.load %arg5[%swap3A_18, %swap3A_19] : memref<10016x16xf32, #tpu.memory_space<vmem>>, vector<10016x16xf32>
    tpu.vector_store %arg5[%swap3A_18, %swap3A_19], %dot_general3A_17 {strides = array<i32>} : memref<10016x16xf32, #tpu.memory_space<vmem>>, vector<10016x16xf32>,
    return
  }
}

module attributes {stable_mosaic.version = 14 : i64} {
  func.func @_prep2_body(%arg0: memref<2x10016x80xf32, #tpu.memory_space<vmem>>, %arg1: memref<1x64xf32, #tpu.memory_space<vmem>>, %arg2: memref<8x64xf32, #tpu.memory_space<vmem>>, %arg3: memref<64x48xf32, #tpu.memory_space<vmem>>, %arg4: memref<48x16xf32, #tpu.memory_space<vmem>>, %arg5: memref<48x16xf32, #tpu.memory_space<vmem>>, %arg6: memref<10016x64xf32, #tpu.memory_space<vmem>>, %arg7: memref<10016x16xf32, #tpu.memory_space<vmem>>) attributes {dimension_semantics = [], scalar_prefetch = 0 : i64, scratch_operands = 0 : i64, tpu.core_type = #tpu.core_type<tc>} {
    %get3A = arith.constant 0 : index
    %get3A_0 = arith.constant 0 : index
    %get3A_1 = arith.constant 0 : index
    %get3A_2 = vector.load %arg0[%get3A, %get3A_0, %get3A_1] : memref<2x10016x80xf32, #tpu.memory_space<vmem>>, vector<1x10016x80xf32>
    %get3A_3 = vector.shape_cast %get3A_2 : vector<1x10016x80xf32> to vector<10016x80xf32>
    %get3A_4 = arith.constant 1 : index
    %get3A_5 = arith.constant 0 : index
    %get3A_6 = arith.constant 0 : index
    %get3A_7 = vector.load %arg0[%get3A_4, %get3A_5, %get3A_6] : memref<2x10016x80xf32, #tpu.memory_space<vmem>>, vector<1x10016x80xf32>
    %get3A_8 = vector.shape_cast %get3A_7 : vector<1x10016x80xf32> to vector<10016x80xf32>
    %add3A = arith.addf %get3A_3, %get3A_8 : vector<10016x80xf32>
    %slice3A = vector.extract_strided_slice %add3A {offsets = [0, 0], sizes = [10016, 64], strides = [1, 1]} : vector<10016x80xf32> to vector<10016x64xf32>
    %slice3A_9 = vector.extract_strided_slice %add3A {offsets = [0, 64], sizes = [10016, 8], strides = [1, 1]} : vector<10016x80xf32> to vector<10016x8xf32>
    %add3A_10 = arith.constant 1.000000e-16 : f32
    %add3A_11 = vector.broadcast %add3A_10 : f32 to vector<10016x8xf32>
    %add3A_12 = arith.addf %slice3A_9, %add3A_11 : vector<10016x8xf32>
    %div3A = arith.constant 1.000000e+00 : f32
    %div3A_13 = vector.broadcast %div3A : f32 to vector<10016x8xf32>
    %div3A_14 = arith.divf %div3A_13, %add3A_12 : vector<10016x8xf32>
    %get3A_15 = arith.constant 0 : index
    %get3A_16 = arith.constant 0 : index
    %get3A_17 = vector.load %arg2[%get3A_15, %get3A_16] : memref<8x64xf32, #tpu.memory_space<vmem>>, vector<8x64xf32>
    %dot_general3A = arith.constant dense<0.000000e+00> : vector<10016x64xf32>
    %dot_general3A_18 = tpu.matmul %div3A_14, %get3A_17, %dot_general3A {dimension_numbers = #tpu.dot_dimension_numbers<[1], [0], [0], [1], [0, 0, 1, 1], [], []>, transpose_lhs_hint = false} : vector<10016x8xf32>, vector<8x64xf32>, vector<10016x64xf32> -> vector<10016x64xf32>
    %mul3A = arith.mulf %slice3A, %dot_general3A_18 : vector<10016x64xf32>
    %get3A_19 = arith.constant 0 : index
    %get3A_20 = arith.constant 0 : index
    %get3A_21 = vector.load %arg1[%get3A_19, %get3A_20] : memref<1x64xf32, #tpu.memory_space<vmem>>, vector<1x64xf32>
    %add3A_22 = vector.broadcast %get3A_21 : vector<1x64xf32> to vector<10016x64xf32>
    %add3A_23 = arith.addf %mul3A, %add3A_22 : vector<10016x64xf32>
    %gt3A = arith.constant 0.000000e+00 : f32
    %gt3A_24 = vector.broadcast %gt3A : f32 to vector<10016x64xf32>
    %gt3A_25 = arith.cmpf ogt, %add3A_23, %gt3A_24 : vector<10016x64xf32>
    %exp3A = math.exp %add3A_23 : vector<10016x64xf32>
    %sub3A = arith.constant 1.000000e+00 : f32
    %sub3A_26 = vector.broadcast %sub3A : f32 to vector<10016x64xf32>
    %sub3A_27 = arith.subf %exp3A, %sub3A_26 : vector<10016x64xf32>
    %select_n3A = arith.select %gt3A_25, %add3A_23, %sub3A_27 : vector<10016x64xi1>, vector<10016x64xf32>
    %get3A_28 = arith.constant 0 : index
    %get3A_29 = arith.constant 0 : index
    %get3A_30 = vector.load %arg3[%get3A_28, %get3A_29] : memref<64x48xf32, #tpu.memory_space<vmem>>, vector<64x48xf32>
    %dot_general3A_31 = arith.constant dense<0.000000e+00> : vector<10016x48xf32>
    %dot_general3A_32 = tpu.matmul %select_n3A, %get3A_30, %dot_general3A_31 {dimension_numbers = #tpu.dot_dimension_numbers<[1], [0], [0], [1], [0, 0, 1, 1], [], []>, transpose_lhs_hint = false} : vector<10016x64xf32>, vector<64x48xf32>, vector<10016x48xf32> -> vector<10016x48xf32>
    %iota3A = tpu.iota {dimensions = array<i32: 1>} : vector<1x48xi32>
    %eq3A = arith.constant 40 : i32
    %eq3A_33 = vector.broadcast %eq3A : i32 to vector<1x48xi32>
    %eq3A_34 = arith.cmpi eq, %iota3A, %eq3A_33 : vector<1x48xi32>
    %convert_element_type3A = arith.extui %eq3A_34 : vector<1x48xi1> to vector<1x48xi32>
    %convert_element_type3A_35 = arith.sitofp %convert_element_type3A : vector<1x48xi32> to vector<1x48xf32>
    %add3A_36 = vector.broadcast %convert_element_type3A_35 : vector<1x48xf32> to vector<10016x48xf32>
    %add3A_37 = arith.addf %dot_general3A_32, %add3A_36 : vector<10016x48xf32>
    %get3A_38 = arith.constant 0 : index
    %get3A_39 = arith.constant 0 : index
    %get3A_40 = vector.load %arg4[%get3A_38, %get3A_39] : memref<48x16xf32, #tpu.memory_space<vmem>>, vector<48x16xf32>
    %dot_general3A_41 = arith.constant dense<0.000000e+00> : vector<10016x16xf32>
    %dot_general3A_42 = tpu.matmul %add3A_37, %get3A_40, %dot_general3A_41 {dimension_numbers = #tpu.dot_dimension_numbers<[1], [0], [0], [1], [0, 0, 1, 1], [], []>, transpose_lhs_hint = false} : vector<10016x48xf32>, vector<48x16xf32>, vector<10016x16xf32> -> vector<10016x16xf32>
    %concatenate3A = tpu.concatenate %add3A_37, %dot_general3A_42 in 1 : vector<10016x48xf32>, vector<10016x16xf32> -> vector<10016x64xf32>
    %swap3A = arith.constant 0 : index
    %swap3A_43 = arith.constant 0 : index
    %swap3A_44 = vector.load %arg6[%swap3A, %swap3A_43] : memref<10016x64xf32, #tpu.memory_space<vmem>>, vector<10016x64xf32>
    tpu.vector_store %arg6[%swap3A, %swap3A_43], %concatenate3A {strides = array<i32>} : memref<10016x64xf32, #tpu.memory_space<vmem>>, vector<10016x64xf32>,
    %get3A_45 = arith.constant 0 : index
    %get3A_46 = arith.constant 0 : index
    %get3A_47 = vector.load %arg5[%get3A_45, %get3A_46] : memref<48x16xf32, #tpu.memory_space<vmem>>, vector<48x16xf32>
    %dot_general3A_48 = arith.constant dense<0.000000e+00> : vector<10016x16xf32>
    %dot_general3A_49 = tpu.matmul %add3A_37, %get3A_47, %dot_general3A_48 {dimension_numbers = #tpu.dot_dimension_numbers<[1], [0], [0], [1], [0, 0, 1, 1], [], []>, transpose_lhs_hint = false} : vector<10016x48xf32>, vector<48x16xf32>, vector<10016x16xf32> -> vector<10016x16xf32>
    %swap3A_50 = arith.constant 0 : index
    %swap3A_51 = arith.constant 0 : index
    %swap3A_52 = vector.load %arg7[%swap3A_50, %swap3A_51] : memref<10016x16xf32, #tpu.memory_space<vmem>>, vector<10016x16xf32>
    tpu.vector_store %arg7[%swap3A_50, %swap3A_51], %dot_general3A_49 {strides = array<i32>} : memref<10016x16xf32, #tpu.memory_space<vmem>>, vector<10016x16xf32>,
    return
  }
}

module attributes {stable_mosaic.version = 14 : i64} {
  func.func @_final_body(%arg0: memref<2x10016x48xf32, #tpu.memory_space<vmem>>, %arg1: memref<1x40xf32, #tpu.memory_space<vmem>>, %arg2: memref<10000x40xf32, #tpu.memory_space<vmem>>, %arg3: memref<10000x40xf32, #tpu.memory_space<vmem>>) attributes {dimension_semantics = [], scalar_prefetch = 0 : i64, scratch_operands = 0 : i64, tpu.core_type = #tpu.core_type<tc>} {
    %get3A = arith.constant 0 : index
    %get3A_0 = arith.constant 0 : index
    %get3A_1 = arith.constant 0 : index
    %get3A_2 = vector.load %arg0[%get3A, %get3A_0, %get3A_1] : memref<2x10016x48xf32, #tpu.memory_space<vmem>>, vector<1x10016x48xf32>
    %get3A_3 = vector.shape_cast %get3A_2 : vector<1x10016x48xf32> to vector<10016x48xf32>
    %get3A_4 = arith.constant 1 : index
    %get3A_5 = arith.constant 0 : index
    %get3A_6 = arith.constant 0 : index
    %get3A_7 = vector.load %arg0[%get3A_4, %get3A_5, %get3A_6] : memref<2x10016x48xf32, #tpu.memory_space<vmem>>, vector<1x10016x48xf32>
    %get3A_8 = vector.shape_cast %get3A_7 : vector<1x10016x48xf32> to vector<10016x48xf32>
    %add3A = arith.addf %get3A_3, %get3A_8 : vector<10016x48xf32>
    %slice3A = vector.extract_strided_slice %add3A {offsets = [0, 0], sizes = [10000, 40], strides = [1, 1]} : vector<10016x48xf32> to vector<10000x40xf32>
    %slice3A_9 = vector.extract_strided_slice %add3A {offsets = [0, 40], sizes = [10000, 1], strides = [1, 1]} : vector<10016x48xf32> to vector<10000x1xf32>
    %add3A_10 = arith.constant 1.000000e-16 : f32
    %add3A_11 = vector.broadcast %add3A_10 : f32 to vector<10000x1xf32>
    %add3A_12 = arith.addf %slice3A_9, %add3A_11 : vector<10000x1xf32>
    %div3A = vector.broadcast %add3A_12 : vector<10000x1xf32> to vector<10000x40xf32>
    %div3A_13 = arith.divf %slice3A, %div3A : vector<10000x40xf32>
    %get3A_14 = arith.constant 0 : index
    %get3A_15 = arith.constant 0 : index
    %get3A_16 = vector.load %arg1[%get3A_14, %get3A_15] : memref<1x40xf32, #tpu.memory_space<vmem>>, vector<1x40xf32>
    %add3A_17 = vector.broadcast %get3A_16 : vector<1x40xf32> to vector<10000x40xf32>
    %add3A_18 = arith.addf %div3A_13, %add3A_17 : vector<10000x40xf32>
    %reduce_max3A = arith.constant dense<0xFF800000> : vector<10000xf32>
    %reduce_max3A_19 = vector.multi_reduction <maximumf>, %add3A_18, %reduce_max3A [1] : vector<10000x40xf32> to vector<10000xf32>
    %broadcast_in_dim3A = vector.shape_cast %reduce_max3A_19 : vector<10000xf32> to vector<10000x1xf32>
    %sub3A = vector.broadcast %broadcast_in_dim3A : vector<10000x1xf32> to vector<10000x40xf32>
    %sub3A_20 = arith.subf %add3A_18, %sub3A : vector<10000x40xf32>
    %exp3A = math.exp %sub3A_20 : vector<10000x40xf32>
    %reduce_sum3A = arith.constant dense<0.000000e+00> : vector<10000xf32>
    %reduce_sum3A_21 = vector.multi_reduction <add>, %exp3A, %reduce_sum3A [1] : vector<10000x40xf32> to vector<10000xf32>
    %broadcast_in_dim3A_22 = vector.shape_cast %reduce_sum3A_21 : vector<10000xf32> to vector<10000x1xf32>
    %sub3A_23 = vector.broadcast %broadcast_in_dim3A : vector<10000x1xf32> to vector<10000x40xf32>
    %sub3A_24 = arith.subf %add3A_18, %sub3A_23 : vector<10000x40xf32>
    %log3A = math.log %broadcast_in_dim3A_22 : vector<10000x1xf32>
    %sub3A_25 = vector.broadcast %log3A : vector<10000x1xf32> to vector<10000x40xf32>
    %sub3A_26 = arith.subf %sub3A_24, %sub3A_25 : vector<10000x40xf32>
    %swap3A = arith.constant 0 : index
    %swap3A_27 = arith.constant 0 : index
    %swap3A_28 = vector.load %arg2[%swap3A, %swap3A_27] : memref<10000x40xf32, #tpu.memory_space<vmem>>, vector<10000x40xf32>
    tpu.vector_store %arg2[%swap3A, %swap3A_27], %sub3A_26 {strides = array<i32>} : memref<10000x40xf32, #tpu.memory_space<vmem>>, vector<10000x40xf32>,
    %swap3A_29 = arith.constant 0 : index
    %swap3A_30 = arith.constant 0 : index
    %swap3A_31 = vector.load %arg3[%swap3A_29, %swap3A_30] : memref<10000x40xf32, #tpu.memory_space<vmem>>, vector<10000x40xf32>
    tpu.vector_store %arg3[%swap3A_29, %swap3A_30], %add3A_18 {strides = array<i32>} : memref<10000x40xf32, #tpu.memory_space<vmem>>, vector<10000x40xf32>,
    return
  }
}

</mosaic_0001>

<sc_bundles>
// kernel: kernel.10.cloned.1.call-start
scs
__scs_entry_jumppad:
0x0: {  	(pc) =	sbr.rel $0x88, $3  }
0x1: {  	(tag) =	ssettag $0x0;
	lr =	simm.s32 $0x1  }
0x2: {  	[smem:$0x3F97] =	sst lr;
	_ =	strace $0xD0000000  }
0x3: {  	_ = 	snop  }
0x4: {  	_ = 	snop  }
0x5: {  	_ = 	snop  }
0x6: {  	_ = 	snop  }
0x7: {  	_ = 	snop  }
__scs_overlays_trampoline_lowered:
0x8: {  	[smem:$0x3FA6] =	sst s0  }
0x9: {  	[smem:$0x3FA7] =	sst s1  }
0xa: {  	[smem:$0x3FA8] =	sst s2  }
0xb: {  	[smem:$0x3FA9] =	sst s3  }
0xc: {  	[smem:$0x3FAA] =	sst s4  }
0xd: {  	[smem:$0x3FAB] =	sst s5  }
0xe: {  	[smem:$0x3FAC] =	sst s6  }
0xf: {  	[smem:$0x3FAD] =	sst s7  }
0x10: {  	[smem:$0x3FAE] =	sst s8  }
0x11: {  	[smem:$0x3FAF] =	sst s9;
	s0 =	simm.s32 @!p0 $0x0  }
0x12: {  	s1 =	sld [smem:$0x3F95];
	s0 =	simm.s32 @p0 $0x1  }
0x13: {  	[smem:$0x3FB0] =	sst s0;
	s0 =	simm.s32 @!p1 $0x0  }
0x14: {  	s2 =	sld [smem:$0x3F94];
	s0 =	simm.s32 @p1 $0x1  }
0x15: {  	[smem:$0x3FB1] =	sst s0;
	s0 =	simm.s32 @!p2 $0x0  }
0x16: {  	s3 =	sld [smem:$0x3FDB];
	s0 =	simm.s32 @p2 $0x1  }
0x17: {  	s4 =	simm.s32 $0x1BF5;
	[smem:$0x3FB3] =	sst s0  }
0x18: {  	s0 =	sld [smem:$0x3F96];
	_ =	swait.ge [sflag:s4], $0x0  }
0x19: {  	s7 =	sld [smem:$0x3F97]  }
0x1a: {  	s8 =	sadd.s32 $0xFFFFE003, lr  }
0x1b: {  	s9 =	sadd.s32 $0xFFFFFEF7, lr;
	s5 =	simm.s32 $0xFFFFFFFF;
	p2 =	slt.u32 s8, $0xFFFFF086  }
0x1c: {  	p1 =	slt.u32 s9, $0xF7A;
	s5 =	simm.s32 @!p2 $0x0  }
0x1d: {  	s5 =	simm.s32 @p1 $0x1;
	p0 =	seq.s32 s7, s2  }
0x1e: {  	s7 =	smul.u32 @!p0 $0xF7A, s2;
	p2 =	seq.s32 @!p0 s5, $0x0  }
0x1f: {  	s9 =	smul.u32 $0xF7A, s1;
	s8 =	simm.s32 @!p0 $0x1BF5;
	p2 =	por !p2, p0  }
0x20: {  	[sflag:s8] =	ssyncset.s32 @!p0 $0xFFFFF086;
	s6 =	sadd.s32 @!p0 s3, s7;
	s7 =	simm.s32 @!p0 $0x108  }
0x21: {  	s3 =	sadd.s32 s3, s9;
	s6 =	sadd.s32 @!p0 $0x88, s6;
	s7 =	simm.s32 @p2 $0x1082  }
0x22: {  	[simem:s7], [sflag:s8] =	dma.local @!p0 [hbm:s6], $0xF7A  }
0x23: {  	s9 =	sor.u32 $0xD0000000, s2;
	s6 =	simm.s32 $0x108;
	_ =	swait.ge @!p0 [sflag:s8], $0x0  }
0x24: {  	s3 =	sadd.s32 $0x88, s3;
	s6 =	simm.s32 @!p1 $0x1082;
	[sflag:s4] =	ssyncset.s32 $0xFFFFF086  }
0x25: {  	[simem:s6], [sflag:s4] =	dma.local [hbm:s3], $0xF7A  }
0x26: {  	[smem:$0x3F97] =	sst s1;
	(tag) =	ssettag s2;
	_ =	strace s9  }
0x27: {  	s1 =	sld [smem:$0x3FA7]  }
0x28: {  	s2 =	sld [smem:$0x3FA8]  }
0x29: {  	s4 =	sld [smem:$0x3FAA]  }
0x2a: {  	p0 =	seq.s32 s5, $0x0;
	s5 =	sld [smem:$0x3FAB]  }
0x2b: {  	s6 =	sld [smem:$0x3FAC]  }
0x2c: {  	s7 =	sld [smem:$0x3FAD]  }
0x2d: {  	s3 =	simm.s32 $0x108;
	s8 =	sld [smem:$0x3FAE]  }
0x2e: {  	s3 =	simm.s32 @!p0 $0x1082;
	s9 =	sld [smem:$0x3FAF]  }
0x2f: {  	lr =	sadd.s32 s0, s3;
	s0 =	sld [smem:$0x3FA6]  }
0x30: {  	s3 =	sld [smem:$0x3FA9]  }
0x31: {  	[smem:$0x3FB2] =	sst s10  }
0x32: {  	s10 =	sld [smem:$0x3FB0];
	_ =	sdelay $0x3  }
0x33: {  	p0 =	seq.s32 s10, $0x1;
	s10 =	sld [smem:$0x3FB2];
	_ =	sdelay $0x3  }
0x34: {  	[smem:$0x3FB2] =	sst s10  }
0x35: {  	s10 =	sld [smem:$0x3FB1];
	_ =	sdelay $0x3  }
0x36: {  	p1 =	seq.s32 s10, $0x1;
	s10 =	sld [smem:$0x3FB2];
	_ =	sdelay $0x3  }
0x37: {  	[smem:$0x3FB2] =	sst s10  }
0x38: {  	s10 =	sld [smem:$0x3FB3]  }
0x39: {  	_ = 	snop;
	(pc) =	sbr.ind lr, $3  }
0x3a: {  	_ = 	snop  }
0x3b: {  	_ = 	snop  }
0x3c: {  	p2 =	seq.s32 s10, $0x1;
	s10 =	sld [smem:$0x3FB2]  }
0x3d: {  	_ =	shalt  }
0x3e: {  	_ =	shalt  }
0x3f: {  	_ =	shalt  }
0x40: {  	_ =	shalt  }
0x41: {  	_ =	shalt  }
0x42: {  	_ =	shalt  }
0x43: {  	_ =	shalt  }
0x44: {  	_ =	shalt  }
0x45: {  	_ =	shalt  }
0x46: {  	_ =	shalt  }
0x47: {  	_ =	shalt  }
0x48: {  	_ =	shalt  }
0x49: {  	_ =	shalt  }
0x4a: {  	_ =	shalt  }
0x4b: {  	_ =	shalt  }
0x4c: {  	_ =	shalt  }
0x4d: {  	_ =	shalt  }
0x4e: {  	_ =	shalt  }
0x4f: {  	_ =	shalt  }
0x50: {  	_ =	shalt  }
0x51: {  	_ =	shalt  }
0x52: {  	_ =	shalt  }
0x53: {  	_ =	shalt  }
0x54: {  	_ =	shalt  }
0x55: {  	_ =	shalt  }
0x56: {  	_ =	shalt  }
0x57: {  	_ =	shalt  }
0x58: {  	_ =	shalt  }
0x59: {  	_ =	shalt  }
0x5a: {  	_ =	shalt  }
0x5b: {  	_ =	shalt  }
0x5c: {  	_ =	shalt  }
0x5d: {  	_ =	shalt  }
0x5e: {  	_ =	shalt  }
0x5f: {  	_ =	shalt  }
0x60: {  	_ =	shalt  }
0x61: {  	_ =	shalt  }
0x62: {  	_ =	shalt  }
0x63: {  	_ =	shalt  }
0x64: {  	_ =	shalt  }
0x65: {  	_ =	shalt  }
0x66: {  	_ =	shalt  }
0x67: {  	_ =	shalt  }
0x68: {  	_ =	shalt  }
0x69: {  	_ =	shalt  }
0x6a: {  	_ =	shalt  }
0x6b: {  	_ =	shalt  }
0x6c: {  	_ =	shalt  }
0x6d: {  	_ =	shalt  }
0x6e: {  	_ =	shalt  }
0x6f: {  	_ =	shalt  }
0x70: {  	_ =	shalt  }
0x71: {  	_ =	shalt  }
0x72: {  	_ =	shalt  }
0x73: {  	_ =	shalt  }
0x74: {  	_ =	shalt  }
0x75: {  	_ =	shalt  }
0x76: {  	_ =	shalt  }
0x77: {  	_ =	shalt  }
0x78: {  	_ =	shalt  }
0x79: {  	_ =	shalt  }
0x7a: {  	_ =	shalt  }
0x7b: {  	_ =	shalt  }
0x7c: {  	_ =	shalt  }
0x7d: {  	_ =	shalt  }
0x7e: {  	_ =	shalt  }
0x7f: {  	_ =	shalt  }
0x80: {  	_ =	shalt  }
0x81: {  	_ =	shalt  }
0x82: {  	_ =	shalt  }
0x83: {  	_ =	shalt  }
0x84: {  	_ =	shalt  }
0x85: {  	_ =	shalt  }
0x86: {  	_ =	shalt  }
0x87: {  	_ =	shalt  }
.Lfunc_end0:
.L_simem_size_0:
called_computation.1_lowered:
.L_overlay_start_0:
0x88: {  	s2 =	sld [smem:$0x3FD9]  }
0x89: {  	s3 =	sld [smem:$0x3FFE];
	_ =	sdelay $0x1  }
0x8a: {  	s1 =	srdreg.scid  }
0x8b: {  	s0 =	sand.u32 $0x1, s1  }
0x8c: {  	s14 =	sshll.u32 s0, $0xA;
	s2 =	sadd.s32 s3, s2  }
0x8d: {  	s2 =	sadd.s32 s2, s14  }
0x8e: {  	[smem:$0x3FBE] =	sst s2  }
0x8f: {  	_ = 	snop  }
0x90: {  	s2 =	sld [smem:$0x3FD0];
	_ =	sdelay $0x2  }
0x91: {  	s15 =	simm.s32 $0xA;
	s4 =	simm.s32 $0x10  }
0x92: {  	[smem:s4], [sflag:s15] =	dma.local [hbm:s2], $0x1  }
0x93: {  	_ =	swait.eq [sflag:s15], $0x1  }
0x94: {  	[sflag:s15] =	ssyncset.done $0x0  }
0x95: {  	[sflag:s15] =	ssyncadd.s32 $0xFFFFFFFF  }
0x96: {  	s16 =	sld [smem:$0x11];
	(tm) =	ssettm $0x1  }
0x97: {  	s17 =	sld [smem:$0x3FFB];
	_ =	sdelay $0x3  }
0x98: {  	_ =	strace s17  }
0x99: {  	s3 =	sld [smem:$0x3FFC];
	_ =	sdelay $0x3  }
0x9a: {  	_ =	strace s3  }
0x9b: {  	s3 =	sld [smem:$0x3FFD];
	_ =	sdelay $0x3  }
0x9c: {  	_ =	strace s3  }
0x9d: {  	_ =	strace $0x8FFFFFFF  }
0x9e: {  	s18 =	sld [smem:$0x3FDB];
	_ =	sdelay $0x1  }
0x9f: {  	s19 =	simm.s32 $_scs_section_size  }
0xa0: {  	s5 =	simm.s32 $_size__tile_overlayer_lowered;
	s6 =	simm.s32 $_tile_overlayer_lowered  }
0xa1: {  	s22 =	simm.s32 $0x1BFF;
	s21 =	sshll.u32 s6, $0x1;
	s3 =	sadd.s32 s19, s18  }
0xa2: {  	s7 =	simm.s32 $0x0;
	s20 =	sshll.u32 s5, $0x1;
	s5 =	sadd.s32 s21, s3  }
0xa3: {  	[timem:s7], [sflag:s22] =	dma.local [hbm:s5], s20  }
0xa4: {  	_ =	swait.ge [sflag:s22], s20  }
0xa5: {  	s4 =	ssub.s32 $0x0, s20;
	[sflag:s22] =	ssyncset.done $0x0  }
0xa6: {  	[sflag:s22] =	ssyncadd.s32 s4;
	_ =	sdelay $0x1  }
0xa7: {  	s23 =	simm.s32 $0x1B8B  }
0xa8: {  	_ =	swait.ge [sflag:s23], $0x1  }
0xa9: {  	[sflag:s23] =	ssyncset.done $0x0  }
0xaa: {  	s25 =	simm.s32 $0x1B8E;
	s24 =	sld [smem:$0x3FFE];
	[sflag:s23] =	ssyncadd.s32 $0xFFFFFFFF  }
0xab: {  	s26 =	simm.s32 $execute0_lowered;
	[smem:$0x3FD2] =	sst s25  }
0xac: {  	s5 =	sshll.u32 s26, $0x1;
	_ =	strace $0x80000049;
	[dreg:$0x1] =	wrdreg $0xFFFFFFFF  }
0xad: {  	s28 =	simm.s32 $_size_execute0_lowered;
	s3 =	sadd.s32 s3, s5;
	[dreg:$0x0] =	wrdreg $0x0  }
0xae: {  	s5 =	sshll.u32 s28, $0x1;
	[dreg:$0x2] =	wrdreg s3  }
0xaf: {  	[dreg:$0x3] =	wrdreg s5  }
0xb0: {  	[dreg:$0x4] =	wrdreg $0xC0  }
0xb1: {  	_ =	task [dreg:s7], $0x5FFFF  }
0xb2: {  	[dreg:$0x1] =	wrdreg $0xFFFFFFFF  }
0xb3: {  	[dreg:$0x0] =	wrdreg $0x60  }
0xb4: {  	[dreg:$0x2] =	wrdreg s24  }
0xb5: {  	[dreg:$0x3] =	wrdreg s16  }
0xb6: {  	[dreg:$0x4] =	wrdreg $0xC3000  }
0xb7: {  	[dreg:$0x5] =	wrdreg $0x9  }
0xb8: {  	_ =	task.clear_ibuf [dreg:s7], $0x6FFFF;
	_ =	strace $0x90000049  }
0xb9: {  	s29 =	simm.s32 $0x9;
	_ =	strace $0x8000004B  }
0xba: {  	_ =	swait.ge [sflag:s29], $0x1  }
0xbb: {  	[sflag:s29] =	ssyncadd.s32 $0xFFFFFFFF  }
0xbc: {  	_ =	strace $0x9000004B  }
0xbd: {  	_ =	sfence  }
0xbe: {  	s30 =	sld [smem:$0x0];
	_ =	sdelay $0x2  }
0xbf: {  	s31 =	sshll.u32 s1, $0xD;
	s1 =	sshrl.u32 s1, $0x2  }
0xc0: {  	s3 =	sand.u32 $0x4000, s31;
	s1 =	sadd.s32 s1, s30  }
0xc1: {  	s0 =	sor.u32 s3, s0;
	s1 =	sshll.u32 s1, $0x11  }
0xc2: {  	s0 =	sor.u32 s1, s0  }
0xc3: {  	s0 =	sadd.s32 $0x8F2B, s0  }
0xc4: {  	[sflag:s0] =	ssyncadd.remote.s32 $0x1  }
0xc5: {  	_ =	sfence.sel $0xFFFF  }
0xc6: {  	[dreg:$0x0] =	wrdreg $0xFFFFFFFF;
	(pc) =	sbr.abs _section_cstart, $3  }
0xc7: {  	[dreg:$0x1] =	wrdreg $0xFFFFFFFF  }
0xc8: {  	_ =	task.clear_ibuf [dreg:s7], $0x2FFFF;
	_ =	strace $0x9FFFFFFF  }
0xc9: {  	(tm) =	ssettm $0x7FFFFFFF  }
tec
execute0_lowered:
.L_overlay_start_1:
0x0: {  	(tag) =	ssettag $0x1  }
0x1: {  	s0 =	rddreg [dreg:$0x0]  }
0x2: {  	s1 =	rddreg [dreg:$0x1]  }
0x3: {  	s2 =	rddreg [dreg:$0x2]  }
0x4: {  	s3 =	srdreg.scid;
	s5 =	simm.s32 $0x0;
	s6 =	stileid.u32  }
0x5: {  	s28 =	simm.s32 $0x100;
	s30 =	simm.s32 $0x180;
	s31 =	simm.s32 $0x6B00  }
0x6: {  	s3 =	sand.u32 $0x1, s3;
	[smem:$0x7FF] =	sst s5;
	s10 =	smul.u32 $0x7560, s6  }
0x7: {  	s5 =	sadd.s32 $0x19C00, s0;
	s4 =	sshll.u32 s3, $0x4;
	s7 =	smul.u32 $0xEAC0, s3  }
0x8: {  	_ =	strace $0x8000004A;
	s3 =	ssub.s32 $0x2, s3;
	s4 =	sor.u32 s6, s4  }
0x9: {  	s9 =	sshrl.u32 s3, $0x1;
	s6 =	sadd.s32 $0x1400, s0;
	s16 =	sadd.s32 $0x1800, s10  }
0xa: {  	s12 =	sadd.s32 s10, s2;
	s17 =	sadd.s32 $0x3000, s10;
	s18 =	sadd.s32 $0x4800, s10  }
0xb: {  	s11 =	sadd.s32 $0x6000, s10;
	s20 =	sshrl.u32 s10, $0x3;
	s8 =	smul.u32 $0xA20, s4  }
0xc: {  	s0 =	sadd.s32 s7, s0;
	s3 =	ssub.s32 s3, s9;
	s4 =	smul.u32 $0x51, s4  }
0xd: {  	s23 =	sadd.s32 s16, s2;
	s24 =	sadd.s32 s17, s2;
	s13 =	sadd.s32 s18, s2  }
0xe: {  	s19 =	sadd.s32 s11, s2;
	s7 =	sshrl.u32 s16, $0x3;
	[dreg:$0x5] =	wrdreg s12  }
0xf: {  	s9 =	sshrl.u32 s18, $0x3;
	s21 =	sshrl.u32 s11, $0x3;
	[dreg:$0x8] =	wrdreg s13  }
0x10: {  	s18 =	simm.s32 $0x80;
	s16 =	simm.s32 $0x9300;
	[dreg:$0x9] =	wrdreg s19  }
0x11: {  	s0 =	sadd.s32 $0x2E000, s0;
	s3 =	smax.u32 s3, $0x1;
	[dreg:$0x6] =	wrdreg s23  }
0x12: {  	s19 =	simm.s32 $0x200;
	[dreg:$0x7] =	wrdreg s24;
	s15 =	sadd.s32 s5, s8  }
0x13: {  	s13 =	sadd.s32 $0x1, s4;
	s14 =	sadd.s32 $0x2, s4;
	s8 =	sshrl.u32 s17, $0x3  }
0x14: {  	[dreg:$0xa] =	wrdreg s3;
	s17 =	simm.s32 $0x7;
	s22 =	sadd.s32 s20, s0  }
0x15: {  	s25 =	sadd.s32 s7, s0;
	s29 =	sadd.s32 s9, s0;
	[dreg:$0x4] =	wrdreg s15  }
0x16: {  	s3 =	simm.s32 $0x280;
	s7 =	simm.s32 $0x2;
	[dreg:$0xb] =	wrdreg s22  }
0x17: {  	s20 =	simm.s32 $0x4;
	s9 =	simm.s32 $0x0;
	[dreg:$0xc] =	wrdreg s25  }
0x18: {  	s15 =	sadd.s32 $0x3, s4;
	s26 =	sadd.s32 s8, s0;
	[dreg:$0xe] =	wrdreg s29  }
0x19: {  	s0 =	sadd.s32 s21, s0;
	s25 =	simm.s32 $0x4300;
	s4 =	simm.s32 $0x7300  }
0x1a: {  	s21 =	simm.s32 $0x3;
	s22 =	simm.s32 $0xAB00;
	[dreg:$0xd] =	wrdreg s26  }
0x1b: {  	v0 =	vimm.f32 $0.0e+00;
	[dreg:$0xf] =	wrdreg s0;
	s26 =	simm.s32 $0x7B00;
	s0 =	simm.s32 $0x1  }
.LBB2_1:
0x1c: {  	[dreg:$0x10] =	wrdreg s9  }
0x1d: {  	s8 =	simm.s32 $0x0;
	s10 =	rddreg [dreg:$0x4]  }
0x1e: {  	[tilespmem:s8], [sflag:$0x7] =	stream.linear.gather [hbm4b:s10+s8], $0x100, $0x38;
	[tilespmem:$0x13860] =	vst v63  }
0x1f: {  	_ =	swait.ge [sflag:s17], $0x100  }
0x20: {  	[sflag:s17] =	ssyncset.done $0x0  }
0x21: {  	s11 =	simm.s32 $0x300;
	[sflag:s17] =	ssyncadd.s32 $0xFFFFFF00  }
0x22: {  	[tilespmem:s11], [sflag:$0x1] =	stream.indirect.gather [hbm4b:s6+s18], $0x40, s8, s18, $0xb8;
	[tilespmem:$0x13860] =	vst v63  }
0x23: {  	s29 =	simm.s32 $0x6300;
	s9 =	simm.s32 $0x0;
	s8 =	simm.s32 $0xC0  }
0x24: {  	[tilespmem:s29], [sflag:$0x1] =	stream.indirect.gather [hbm4b:s1+s18], $0x10, s18, s18, $0xb8;
	[tilespmem:$0x13860] =	vst v63  }
.LBB2_2:
0x25: {  	p0 =	sne.s32 s8, $0x5F40;
	[tilespmem:s9+$0x7B20] =	vst v0;
	s10 =	smov.u32 s8;
	s8 =	sadd.s32 $0xC0, s8  }
.Ltmp0:
0x26: {  	[tilespmem:s9+$0x7B00] =	vst v0;
	(pc) =	sbr.rel @p0 .LBB2_2-.Ltmp0, $2  }
0x27: {  	[tilespmem:s9+$0x7B10] =	vst v0;
	_ =	sdelay $0x2  }
0x28: {  	s9 =	sshra.s32 s10, $0x2  }
0x29: {  	[tilespmem:s9+$0x7B20] =	vst v0  }
0x2a: {  	[tilespmem:s9+$0x7B00] =	vst v0  }
0x2b: {  	[tilespmem:s9+$0x7B10] =	vst v0  }
0x2c: {  	[spmem:s12] =	stream.linear.scatter [tilespmem:s26], [sflag:$0x7], $0x1800, $0x38;
	[tilespmem:$0x13860] =	vst v63  }
0x2d: {  	_ =	swait.ge [sflag:s17], $0x1800  }
0x2e: {  	[sflag:s17] =	ssyncset.done $0x0  }
0x2f: {  	[sflag:s17] =	ssyncadd.s32 $0xFFFFE800  }
0x30: {  	[spmem:s23] =	stream.linear.scatter [tilespmem:s26], [sflag:$0x7], $0x1800, $0x38;
	[tilespmem:$0x13860] =	vst v63  }
0x31: {  	_ =	swait.ge [sflag:s17], $0x1800  }
0x32: {  	[sflag:s17] =	ssyncset.done $0x0  }
0x33: {  	[sflag:s17] =	ssyncadd.s32 $0xFFFFE800  }
0x34: {  	[spmem:s24] =	stream.linear.scatter [tilespmem:s26], [sflag:$0x7], $0x1800, $0x38;
	[tilespmem:$0x13860] =	vst v63  }
0x35: {  	_ =	swait.ge [sflag:s17], $0x1800  }
0x36: {  	[sflag:s17] =	ssyncset.done $0x0  }
0x37: {  	s8 =	rddreg [dreg:$0x8];
	[sflag:s17] =	ssyncadd.s32 $0xFFFFE800  }
0x38: {  	[spmem:s8] =	stream.linear.scatter [tilespmem:s26], [sflag:$0x7], $0x1800, $0x38;
	[tilespmem:$0x13860] =	vst v63  }
0x39: {  	_ =	swait.ge [sflag:s17], $0x1800  }
0x3a: {  	[sflag:s17] =	ssyncset.done $0x0  }
0x3b: {  	s29 =	rddreg [dreg:$0x9];
	[sflag:s17] =	ssyncadd.s32 $0xFFFFE800  }
0x3c: {  	[spmem:s29] =	stream.linear.scatter [tilespmem:s26], [sflag:$0x7], $0x1560, $0x38;
	[tilespmem:$0x13860] =	vst v63  }
0x3d: {  	_ =	swait.ge [sflag:s17], $0x1560  }
0x3e: {  	[sflag:s17] =	ssyncset.done $0x0  }
0x3f: {  	[sflag:s17] =	ssyncadd.s32 $0xFFFFEAA0  }
0x40: {  	s24 =	simm.s32 $0x0;
	s8 =	simm.s32 $0x0;
	[bflag:$0x0] =	sbarrier.arrive $0xFFFF  }
.LBB2_4:
0x41: {  	s9 =	smul.u32 $0x3, s8  }
0x42: {  	p0 =	seq.s32 s8, $0x0  }
0x43: {  	s10 =	simm.s32 @!p0 $0x5;
	s11 =	sadd.s32 s9, s13  }
0x44: {  	_ =	swait.ge @!p0 [sflag:s10], $0x1800;
	s11 =	sshll.u32 s11, $0x5  }
0x45: {  	[sflag:s10] =	ssyncset.done @!p0 $0x0;
	s11 =	sand.u32 $0x1FFFFFE0, s11  }
0x46: {  	[sflag:s10] =	ssyncadd.s32 @!p0 $0xFFFFE800;
	s23 =	sadd.s32 s5, s11  }
0x47: {  	[tilespmem:s28], [sflag:$0x7] =	stream.linear.gather [hbm4b:s23+s24], $0x100, $0x38;
	[tilespmem:$0x13860] =	vst v63  }
0x48: {  	_ =	swait.ge [sflag:s17], $0x100  }
0x49: {  	[sflag:s17] =	ssyncset.done $0x0  }
0x4a: {  	s29 =	simm.s32 $0x2300;
	[sflag:s17] =	ssyncadd.s32 $0xFFFFFF00  }
0x4b: {  	[tilespmem:s29], [sflag:$0x2] =	stream.indirect.gather [hbm4b:s6+s18], $0x40, s28, s18, $0xb8;
	[tilespmem:$0x13860] =	vst v63  }
0x4c: {  	_ = 	snop  }
0x4d: {  	[tilespmem:s31], [sflag:$0x2] =	stream.indirect.gather [hbm4b:s1+s18], $0x10, s30, s18, $0xb8;
	[tilespmem:$0x13860] =	vst v63  }
0x4e: {  	_ =	swait.ge [sflag:s0], $0x2000  }
0x4f: {  	[sflag:s0] =	ssyncset.done $0x0  }
0x50: {  	[sflag:s0] =	ssyncadd.s32 $0xFFFFE000  }
0x51: {  	_ =	swait.ge [sflag:s0], $0x800  }
0x52: {  	[sflag:s0] =	ssyncset.done $0x0  }
0x53: {  	s10 =	simm.s32 $0x380;
	[sflag:s0] =	ssyncadd.s32 $0xFFFFF800  }
0x54: {  	s12 =	simm.s32 $0x0;
	v1 =	vld [tilespmem:s10+$0xFFFFFFB0]  }
0x55: {  	v2 =	vld [tilespmem:s12+$0x6300];
	_ =	sdelay $0x4  }
0x56: {  	v1 =	vadd.f32 v2, v1;
	_ =	sdelay $0x1  }
0x57: {  	v2 =	vmul.f32 $2.000000030e-01, v1;
	_ =	sdelay $0x1  }
0x58: {  	v1 =	vmax.f32 v1, v2  }
0x59: {  	v1 =	vmul.f32 $1.442695020e+00, v1;
	_ =	sdelay $0x1  }
0x5a: {  	(erf) = vpow2.f32 v1;
	_ =	sdelay $0x4  }
0x5b: {  	v1 =	vld [tilespmem:s10+$0xFFFFFF80];
	_ =	sdelay $0x3  }
0x5c: {  	v2 =	vpop (erf)  }
0x5d: {  	v1 =	vmul.f32 v2, v1  }
0x5e: {  	s11 =	simm.s32 $0x7B60  }
0x5f: {  	[tilespmem:s11+$0xFFFFFFA0] =	vst v1  }
0x60: {  	v1 =	vld [tilespmem:s10+$0xFFFFFF90];
	_ =	sdelay $0x4  }
0x61: {  	v1 =	vmul.f32 v2, v1;
	_ =	sdelay $0x1  }
0x62: {  	[tilespmem:s11+$0xFFFFFFB0] =	vst v1  }
0x63: {  	v1 =	vld [tilespmem:s10+$0xFFFFFFA0];
	_ =	sdelay $0x4  }
0x64: {  	v1 =	vmul.f32 v2, v1;
	_ =	sdelay $0x1  }
0x65: {  	[tilespmem:s11+$0xFFFFFFC0] =	vst v1  }
0x66: {  	v1 =	vld [tilespmem:s10+$0xFFFFFFF0]  }
0x67: {  	v2 =	vld [tilespmem:s12+$0x6310];
	_ =	sdelay $0x4  }
0x68: {  	v1 =	vadd.f32 v2, v1;
	_ =	sdelay $0x1  }
0x69: {  	v2 =	vmul.f32 $2.000000030e-01, v1;
	_ =	sdelay $0x1  }
0x6a: {  	v1 =	vmax.f32 v1, v2  }
0x6b: {  	v1 =	vmul.f32 $1.442695020e+00, v1;
	_ =	sdelay $0x1  }
0x6c: {  	(erf) = vpow2.f32 v1;
	_ =	sdelay $0x4  }
0x6d: {  	v1 =	vld [tilespmem:s10+$0xFFFFFFC0];
	_ =	sdelay $0x3  }
0x6e: {  	v2 =	vpop (erf)  }
0x6f: {  	v1 =	vmul.f32 v2, v1;
	_ =	sdelay $0x1  }
0x70: {  	[tilespmem:s11+$0xFFFFFFD0] =	vst v1  }
0x71: {  	v1 =	vld [tilespmem:s10+$0xFFFFFFD0];
	_ =	sdelay $0x4  }
0x72: {  	v1 =	vmul.f32 v2, v1;
	_ =	sdelay $0x1  }
0x73: {  	[tilespmem:s11+$0xFFFFFFE0] =	vst v1  }
0x74: {  	v1 =	vld [tilespmem:s10+$0xFFFFFFE0];
	_ =	sdelay $0x4  }
0x75: {  	v1 =	vmul.f32 v2, v1;
	_ =	sdelay $0x1  }
0x76: {  	[tilespmem:s11+$0xFFFFFFF0] =	vst v1  }
0x77: {  	v1 =	vld [tilespmem:s10+$0x30]  }
0x78: {  	v2 =	vld [tilespmem:s12+$0x6320];
	_ =	sdelay $0x4  }
0x79: {  	v1 =	vadd.f32 v2, v1;
	_ =	sdelay $0x1  }
0x7a: {  	v2 =	vmul.f32 $2.000000030e-01, v1;
	_ =	sdelay $0x1  }
0x7b: {  	v1 =	vmax.f32 v1, v2  }
0x7c: {  	v1 =	vmul.f32 $1.442695020e+00, v1;
	_ =	sdelay $0x1  }
0x7d: {  	(erf) = vpow2.f32 v1;
	_ =	sdelay $0x4  }
0x7e: {  	v1 =	vld [tilespmem:s10+$0x0];
	_ =	sdelay $0x3  }
0x7f: {  	v2 =	vpop (erf)  }
0x80: {  	v1 =	vmul.f32 v2, v1;
	_ =	sdelay $0x1  }
0x81: {  	[tilespmem:s11+$0x0] =	vst v1  }
0x82: {  	v1 =	vld [tilespmem:s10+$0x10];
	_ =	sdelay $0x4  }
0x83: {  	v1 =	vmul.f32 v2, v1;
	_ =	sdelay $0x1  }
0x84: {  	[tilespmem:s11+$0x10] =	vst v1  }
0x85: {  	v1 =	vld [tilespmem:s10+$0x20];
	_ =	sdelay $0x4  }
0x86: {  	v1 =	vmul.f32 v2, v1;
	_ =	sdelay $0x1  }
0x87: {  	[tilespmem:s11+$0x20] =	vst v1  }
0x88: {  	v1 =	vld [tilespmem:s10+$0x70]  }
0x89: {  	v2 =	vld [tilespmem:s12+$0x6330];
	_ =	sdelay $0x4  }
0x8a: {  	v1 =	vadd.f32 v2, v1;
	_ =	sdelay $0x1  }
0x8b: {  	v2 =	vmul.f32 $2.000000030e-01, v1;
	_ =	sdelay $0x1  }
0x8c: {  	v1 =	vmax.f32 v1, v2  }
0x8d: {  	v1 =	vmul.f32 $1.442695020e+00, v1;
	_ =	sdelay $0x1  }
0x8e: {  	(erf) = vpow2.f32 v1;
	_ =	sdelay $0x4  }
0x8f: {  	v2 =	vld [tilespmem:s10+$0x40];
	_ =	sdelay $0x3  }
0x90: {  	v1 =	vpop (erf)  }
0x91: {  	v2 =	vmul.f32 v1, v2;
	_ =	sdelay $0x1  }
0x92: {  	[tilespmem:s11+$0x30] =	vst v2  }
0x93: {  	v2 =	vld [tilespmem:s10+$0x50];
	_ =	sdelay $0x4  }
0x94: {  	v2 =	vmul.f32 v1, v2;
	_ =	sdelay $0x1  }
0x95: {  	[tilespmem:s11+$0x40] =	vst v2  }
0x96: {  	s23 =	simm.s32 $0x7B60;
	s12 =	simm.s32 $0x100;
	v2 =	vld [tilespmem:s10+$0x60]  }
.LBB2_5:
0x97: {  	_ =	sdelay $0x2  }
0x98: {  	p1 =	sne.s32 s12, $0x1F00;
	s11 =	sadd.s32 $0xC0, s11;
	s10 =	sadd.s32 $0x100, s10  }
0x99: {  	s29 =	smov.u32 s12;
	s12 =	sadd.s32 $0x100, s12;
	v1 =	vmul.f32 v1, v2;
	_ =	sdelay $0x1  }
0x9a: {  	[tilespmem:s23+$0x50] =	vst v1;
	s23 =	smov.u32 s11  }
0x9b: {  	s29 =	sshra.s32 s29, $0x2;
	v1 =	vld [tilespmem:s10+$0xFFFFFFB0]  }
0x9c: {  	v2 =	vld [tilespmem:s29+$0x6300];
	_ =	sdelay $0x4  }
0x9d: {  	v1 =	vadd.f32 v2, v1;
	_ =	sdelay $0x1  }
0x9e: {  	v2 =	vmul.f32 $2.000000030e-01, v1;
	_ =	sdelay $0x1  }
0x9f: {  	v1 =	vmax.f32 v1, v2  }
0xa0: {  	v1 =	vmul.f32 $1.442695020e+00, v1;
	_ =	sdelay $0x1  }
0xa1: {  	(erf) = vpow2.f32 v1;
	_ =	sdelay $0x4  }
0xa2: {  	v1 =	vld [tilespmem:s10+$0xFFFFFF80];
	_ =	sdelay $0x3  }
0xa3: {  	v2 =	vpop (erf)  }
0xa4: {  	v1 =	vmul.f32 v2, v1;
	_ =	sdelay $0x1  }
0xa5: {  	[tilespmem:s11+$0xFFFFFFA0] =	vst v1  }
0xa6: {  	v1 =	vld [tilespmem:s10+$0xFFFFFF90];
	_ =	sdelay $0x4  }
0xa7: {  	v1 =	vmul.f32 v2, v1;
	_ =	sdelay $0x1  }
0xa8: {  	[tilespmem:s11+$0xFFFFFFB0] =	vst v1  }
0xa9: {  	v1 =	vld [tilespmem:s10+$0xFFFFFFA0];
	_ =	sdelay $0x4  }
0xaa: {  	v1 =	vmul.f32 v2, v1;
	_ =	sdelay $0x1  }
0xab: {  	[tilespmem:s11+$0xFFFFFFC0] =	vst v1  }
0xac: {  	v1 =	vld [tilespmem:s10+$0xFFFFFFF0]  }
0xad: {  	v2 =	vld [tilespmem:s29+$0x6310];
	_ =	sdelay $0x4  }
0xae: {  	v1 =	vadd.f32 v2, v1;
	_ =	sdelay $0x1  }
0xaf: {  	v2 =	vmul.f32 $2.000000030e-01, v1;
	_ =	sdelay $0x1  }
0xb0: {  	v1 =	vmax.f32 v1, v2  }
0xb1: {  	v1 =	vmul.f32 $1.442695020e+00, v1;
	_ =	sdelay $0x1  }
0xb2: {  	(erf) = vpow2.f32 v1;
	_ =	sdelay $0x3  }
0xb3: {  	v1 =	vld [tilespmem:s10+$0xFFFFFFC0];
	_ =	sdelay $0x4  }
0xb4: {  	v2 =	vpop (erf)  }
0xb5: {  	v1 =	vmul.f32 v2, v1;
	_ =	sdelay $0x1  }
0xb6: {  	[tilespmem:s11+$0xFFFFFFD0] =	vst v1  }
0xb7: {  	v1 =	vld [tilespmem:s10+$0xFFFFFFD0];
	_ =	sdelay $0x4  }
0xb8: {  	v1 =	vmul.f32 v2, v1;
	_ =	sdelay $0x1  }
0xb9: {  	[tilespmem:s11+$0xFFFFFFE0] =	vst v1  }
0xba: {  	v1 =	vld [tilespmem:s10+$0xFFFFFFE0];
	_ =	sdelay $0x4  }
0xbb: {  	v1 =	vmul.f32 v2, v1;
	_ =	sdelay $0x1  }
0xbc: {  	[tilespmem:s11+$0xFFFFFFF0] =	vst v1  }
0xbd: {  	v1 =	vld [tilespmem:s10+$0x30]  }
0xbe: {  	v2 =	vld [tilespmem:s29+$0x6320];
	_ =	sdelay $0x4  }
0xbf: {  	v1 =	vadd.f32 v2, v1;
	_ =	sdelay $0x1  }
0xc0: {  	v2 =	vmul.f32 $2.000000030e-01, v1;
	_ =	sdelay $0x1  }
0xc1: {  	v1 =	vmax.f32 v1, v2  }
0xc2: {  	v1 =	vmul.f32 $1.442695020e+00, v1;
	_ =	sdelay $0x1  }
0xc3: {  	(erf) = vpow2.f32 v1;
	_ =	sdelay $0x2  }
0xc4: {  	v1 =	vld [tilespmem:s10+$0x0];
	_ =	sdelay $0x5  }
0xc5: {  	v2 =	vpop (erf)  }
0xc6: {  	v1 =	vmul.f32 v2, v1;
	_ =	sdelay $0x1  }
0xc7: {  	[tilespmem:s11+$0x0] =	vst v1  }
0xc8: {  	v1 =	vld [tilespmem:s10+$0x10];
	_ =	sdelay $0x4  }
0xc9: {  	v1 =	vmul.f32 v2, v1;
	_ =	sdelay $0x1  }
0xca: {  	[tilespmem:s11+$0x10] =	vst v1  }
0xcb: {  	v1 =	vld [tilespmem:s10+$0x20];
	_ =	sdelay $0x4  }
0xcc: {  	v1 =	vmul.f32 v2, v1;
	_ =	sdelay $0x1  }
0xcd: {  	[tilespmem:s11+$0x20] =	vst v1  }
0xce: {  	v1 =	vld [tilespmem:s10+$0x70]  }
0xcf: {  	v2 =	vld [tilespmem:s29+$0x6330]  }
0xd0: {  	v3 =	vld [tilespmem:s10+$0x40];
	_ =	sdelay $0x3  }
0xd1: {  	v1 =	vadd.f32 v2, v1;
	_ =	sdelay $0x1  }
0xd2: {  	v2 =	vmul.f32 $2.000000030e-01, v1;
	_ =	sdelay $0x1  }
0xd3: {  	v1 =	vmax.f32 v1, v2  }
0xd4: {  	v1 =	vmul.f32 $1.442695020e+00, v1;
	_ =	sdelay $0x1  }
0xd5: {  	(erf) = vpow2.f32 v1;
	_ =	sdelay $0x8  }
0xd6: {  	v1 =	vpop (erf)  }
0xd7: {  	v2 =	vmul.f32 v1, v3;
	_ =	sdelay $0x1  }
0xd8: {  	[tilespmem:s11+$0x30] =	vst v2  }
0xd9: {  	v2 =	vld [tilespmem:s10+$0x50];
	_ =	sdelay $0x3  }
.Ltmp1:
0xda: {  	(pc) =	sbr.rel @p1 .LBB2_5-.Ltmp1, $3  }
0xdb: {  	v2 =	vmul.f32 v1, v2;
	_ =	sdelay $0x1  }
0xdc: {  	[tilespmem:s11+$0x40] =	vst v2  }
0xdd: {  	v2 =	vld [tilespmem:s10+$0x60]  }
0xde: {  	_ =	sdelay $0x3  }
0xdf: {  	v1 =	vmul.f32 v1, v2;
	_ =	sdelay $0x1  }
0xe0: {  	s10 =	simm.s32 @!p0 $0x6;
	s11 =	sadd.s32 s9, s14;
	[tilespmem:s23+$0x50] =	vst v1  }
0xe1: {  	[spmem:s2] =	stream.indirect.scatter.add.f32 [tilespmem:s26], [sflag:$0x4], $0x30, s18, s18, $0xb8;
	[tilespmem:$0x13860] =	vst v63  }
0xe2: {  	s11 =	sshll.u32 s11, $0x5;
	_ =	swait.ge @!p0 [sflag:s10], $0x1800  }
0xe3: {  	s11 =	sand.u32 $0x1FFFFFE0, s11;
	[sflag:s10] =	ssyncset.done @!p0 $0x0  }
0xe4: {  	s29 =	simm.s32 $0x0;
	s23 =	sadd.s32 s5, s11;
	[sflag:s10] =	ssyncadd.s32 @!p0 $0xFFFFE800  }
0xe5: {  	[tilespmem:s19], [sflag:$0x7] =	stream.linear.gather [hbm4b:s23+s29], $0x100, $0x38;
	[tilespmem:$0x13860] =	vst v63  }
0xe6: {  	_ =	swait.ge [sflag:s17], $0x100  }
0xe7: {  	[sflag:s17] =	ssyncset.done $0x0  }
0xe8: {  	[sflag:s17] =	ssyncadd.s32 $0xFFFFFF00  }
0xe9: {  	[tilespmem:s25], [sflag:$0x3] =	stream.indirect.gather [hbm4b:s6+s18], $0x40, s19, s18, $0xb8;
	[tilespmem:$0x13860] =	vst v63  }
0xea: {  	_ = 	snop  }
0xeb: {  	[tilespmem:s4], [sflag:$0x3] =	stream.indirect.gather [hbm4b:s1+s18], $0x10, s3, s18, $0xb8;
	[tilespmem:$0x13860] =	vst v63  }
0xec: {  	_ =	swait.ge [sflag:s7], $0x2000  }
0xed: {  	[sflag:s7] =	ssyncset.done $0x0  }
0xee: {  	[sflag:s7] =	ssyncadd.s32 $0xFFFFE000  }
0xef: {  	_ =	swait.ge [sflag:s7], $0x800  }
0xf0: {  	[sflag:s7] =	ssyncset.done $0x0  }
0xf1: {  	s10 =	simm.s32 $0x2380;
	[sflag:s7] =	ssyncadd.s32 $0xFFFFF800  }
0xf2: {  	s12 =	simm.s32 $0x0;
	v1 =	vld [tilespmem:s10+$0xFFFFFFB0]  }
0xf3: {  	v2 =	vld [tilespmem:s12+$0x6B00];
	_ =	sdelay $0x4  }
0xf4: {  	v1 =	vadd.f32 v2, v1;
	_ =	sdelay $0x1  }
0xf5: {  	v2 =	vmul.f32 $2.000000030e-01, v1;
	_ =	sdelay $0x1  }
0xf6: {  	v1 =	vmax.f32 v1, v2  }
0xf7: {  	v1 =	vmul.f32 $1.442695020e+00, v1;
	_ =	sdelay $0x1  }
0xf8: {  	(erf) = vpow2.f32 v1;
	_ =	sdelay $0x4  }
0xf9: {  	v1 =	vld [tilespmem:s10+$0xFFFFFF80];
	_ =	sdelay $0x3  }
0xfa: {  	v2 =	vpop (erf)  }
0xfb: {  	v1 =	vmul.f32 v2, v1  }
0xfc: {  	s11 =	simm.s32 $0x9360  }
0xfd: {  	[tilespmem:s11+$0xFFFFFFA0] =	vst v1  }
0xfe: {  	v1 =	vld [tilespmem:s10+$0xFFFFFF90];
	_ =	sdelay $0x4  }
0xff: {  	v1 =	vmul.f32 v2, v1;
	_ =	sdelay $0x1  }
0x100: {  	[tilespmem:s11+$0xFFFFFFB0] =	vst v1  }
0x101: {  	v1 =	vld [tilespmem:s10+$0xFFFFFFA0];
	_ =	sdelay $0x4  }
0x102: {  	v1 =	vmul.f32 v2, v1;
	_ =	sdelay $0x1  }
0x103: {  	[tilespmem:s11+$0xFFFFFFC0] =	vst v1  }
0x104: {  	v1 =	vld [tilespmem:s10+$0xFFFFFFF0]  }
0x105: {  	v2 =	vld [tilespmem:s12+$0x6B10];
	_ =	sdelay $0x4  }
0x106: {  	v1 =	vadd.f32 v2, v1;
	_ =	sdelay $0x1  }
0x107: {  	v2 =	vmul.f32 $2.000000030e-01, v1;
	_ =	sdelay $0x1  }
0x108: {  	v1 =	vmax.f32 v1, v2  }
0x109: {  	v1 =	vmul.f32 $1.442695020e+00, v1;
	_ =	sdelay $0x1  }
0x10a: {  	(erf) = vpow2.f32 v1;
	_ =	sdelay $0x4  }
0x10b: {  	v1 =	vld [tilespmem:s10+$0xFFFFFFC0];
	_ =	sdelay $0x3  }
0x10c: {  	v2 =	vpop (erf)  }
0x10d: {  	v1 =	vmul.f32 v2, v1;
	_ =	sdelay $0x1  }
0x10e: {  	[tilespmem:s11+$0xFFFFFFD0] =	vst v1  }
0x10f: {  	v1 =	vld [tilespmem:s10+$0xFFFFFFD0];
	_ =	sdelay $0x4  }
0x110: {  	v1 =	vmul.f32 v2, v1;
	_ =	sdelay $0x1  }
0x111: {  	[tilespmem:s11+$0xFFFFFFE0] =	vst v1  }
0x112: {  	v1 =	vld [tilespmem:s10+$0xFFFFFFE0];
	_ =	sdelay $0x4  }
0x113: {  	v1 =	vmul.f32 v2, v1;
	_ =	sdelay $0x1  }
0x114: {  	[tilespmem:s11+$0xFFFFFFF0] =	vst v1  }
0x115: {  	v1 =	vld [tilespmem:s10+$0x30]  }
0x116: {  	v2 =	vld [tilespmem:s12+$0x6B20];
	_ =	sdelay $0x4  }
0x117: {  	v1 =	vadd.f32 v2, v1;
	_ =	sdelay $0x1  }
0x118: {  	v2 =	vmul.f32 $2.000000030e-01, v1;
	_ =	sdelay $0x1  }
0x119: {  	v1 =	vmax.f32 v1, v2  }
0x11a: {  	v1 =	vmul.f32 $1.442695020e+00, v1;
	_ =	sdelay $0x1  }
0x11b: {  	(erf) = vpow2.f32 v1;
	_ =	sdelay $0x4  }
0x11c: {  	v1 =	vld [tilespmem:s10+$0x0];
	_ =	sdelay $0x3  }
0x11d: {  	v2 =	vpop (erf)  }
0x11e: {  	v1 =	vmul.f32 v2, v1;
	_ =	sdelay $0x1  }
0x11f: {  	[tilespmem:s11+$0x0] =	vst v1  }
0x120: {  	v1 =	vld [tilespmem:s10+$0x10];
	_ =	sdelay $0x4  }
0x121: {  	v1 =	vmul.f32 v2, v1;
	_ =	sdelay $0x1  }
0x122: {  	[tilespmem:s11+$0x10] =	vst v1  }
0x123: {  	v1 =	vld [tilespmem:s10+$0x20];
	_ =	sdelay $0x4  }
0x124: {  	v1 =	vmul.f32 v2, v1;
	_ =	sdelay $0x1  }
0x125: {  	[tilespmem:s11+$0x20] =	vst v1  }
0x126: {  	v1 =	vld [tilespmem:s10+$0x70]  }
0x127: {  	v2 =	vld [tilespmem:s12+$0x6B30];
	_ =	sdelay $0x4  }
0x128: {  	v1 =	vadd.f32 v2, v1;
	_ =	sdelay $0x1  }
0x129: {  	v2 =	vmul.f32 $2.000000030e-01, v1;
	_ =	sdelay $0x1  }
0x12a: {  	v1 =	vmax.f32 v1, v2  }
0x12b: {  	v1 =	vmul.f32 $1.442695020e+00, v1;
	_ =	sdelay $0x1  }
0x12c: {  	(erf) = vpow2.f32 v1;
	_ =	sdelay $0x4  }
0x12d: {  	v2 =	vld [tilespmem:s10+$0x40];
	_ =	sdelay $0x3  }
0x12e: {  	v1 =	vpop (erf)  }
0x12f: {  	v2 =	vmul.f32 v1, v2;
	_ =	sdelay $0x1  }
0x130: {  	[tilespmem:s11+$0x30] =	vst v2  }
0x131: {  	v2 =	vld [tilespmem:s10+$0x50];
	_ =	sdelay $0x4  }
0x132: {  	v2 =	vmul.f32 v1, v2;
	_ =	sdelay $0x1  }
0x133: {  	[tilespmem:s11+$0x40] =	vst v2  }
0x134: {  	s23 =	simm.s32 $0x9360;
	s12 =	simm.s32 $0x100;
	v2 =	vld [tilespmem:s10+$0x60]  }
.LBB2_7:
0x135: {  	_ =	sdelay $0x2  }
0x136: {  	p0 =	sne.s32 s12, $0x1F00;
	s11 =	sadd.s32 $0xC0, s11;
	s10 =	sadd.s32 $0x100, s10  }
0x137: {  	s29 =	smov.u32 s12;
	s12 =	sadd.s32 $0x100, s12;
	v1 =	vmul.f32 v1, v2;
	_ =	sdelay $0x1  }
0x138: {  	[tilespmem:s23+$0x50] =	vst v1;
	s23 =	smov.u32 s11  }
0x139: {  	s29 =	sshra.s32 s29, $0x2;
	v1 =	vld [tilespmem:s10+$0xFFFFFFB0]  }
0x13a: {  	v2 =	vld [tilespmem:s29+$0x6B00];
	_ =	sdelay $0x4  }
0x13b: {  	v1 =	vadd.f32 v2, v1;
	_ =	sdelay $0x1  }
0x13c: {  	v2 =	vmul.f32 $2.000000030e-01, v1;
	_ =	sdelay $0x1  }
0x13d: {  	v1 =	vmax.f32 v1, v2  }
0x13e: {  	v1 =	vmul.f32 $1.442695020e+00, v1;
	_ =	sdelay $0x1  }
0x13f: {  	(erf) = vpow2.f32 v1;
	_ =	sdelay $0x4  }
0x140: {  	v1 =	vld [tilespmem:s10+$0xFFFFFF80];
	_ =	sdelay $0x3  }
0x141: {  	v2 =	vpop (erf)  }
0x142: {  	v1 =	vmul.f32 v2, v1;
	_ =	sdelay $0x1  }
0x143: {  	[tilespmem:s11+$0xFFFFFFA0] =	vst v1  }
0x144: {  	v1 =	vld [tilespmem:s10+$0xFFFFFF90];
	_ =	sdelay $0x4  }
0x145: {  	v1 =	vmul.f32 v2, v1;
	_ =	sdelay $0x1  }
0x146: {  	[tilespmem:s11+$0xFFFFFFB0] =	vst v1  }
0x147: {  	v1 =	vld [tilespmem:s10+$0xFFFFFFA0];
	_ =	sdelay $0x4  }
0x148: {  	v1 =	vmul.f32 v2, v1;
	_ =	sdelay $0x1  }
0x149: {  	[tilespmem:s11+$0xFFFFFFC0] =	vst v1  }
0x14a: {  	v1 =	vld [tilespmem:s10+$0xFFFFFFF0]  }
0x14b: {  	v2 =	vld [tilespmem:s29+$0x6B10];
	_ =	sdelay $0x4  }
0x14c: {  	v1 =	vadd.f32 v2, v1;
	_ =	sdelay $0x1  }
0x14d: {  	v2 =	vmul.f32 $2.000000030e-01, v1;
	_ =	sdelay $0x1  }
0x14e: {  	v1 =	vmax.f32 v1, v2  }
0x14f: {  	v1 =	vmul.f32 $1.442695020e+00, v1;
	_ =	sdelay $0x1  }
0x150: {  	(erf) = vpow2.f32 v1;
	_ =	sdelay $0x3  }
0x151: {  	v1 =	vld [tilespmem:s10+$0xFFFFFFC0];
	_ =	sdelay $0x4  }
0x152: {  	v2 =	vpop (erf)  }
0x153: {  	v1 =	vmul.f32 v2, v1;
	_ =	sdelay $0x1  }
0x154: {  	[tilespmem:s11+$0xFFFFFFD0] =	vst v1  }
0x155: {  	v1 =	vld [tilespmem:s10+$0xFFFFFFD0];
	_ =	sdelay $0x4  }
0x156: {  	v1 =	vmul.f32 v2, v1;
	_ =	sdelay $0x1  }
0x157: {  	[tilespmem:s11+$0xFFFFFFE0] =	vst v1  }
0x158: {  	v1 =	vld [tilespmem:s10+$0xFFFFFFE0];
	_ =	sdelay $0x4  }
0x159: {  	v1 =	vmul.f32 v2, v1;
	_ =	sdelay $0x1  }
0x15a: {  	[tilespmem:s11+$0xFFFFFFF0] =	vst v1  }
0x15b: {  	v1 =	vld [tilespmem:s10+$0x30]  }
0x15c: {  	v2 =	vld [tilespmem:s29+$0x6B20];
	_ =	sdelay $0x4  }
0x15d: {  	v1 =	vadd.f32 v2, v1;
	_ =	sdelay $0x1  }
0x15e: {  	v2 =	vmul.f32 $2.000000030e-01, v1;
	_ =	sdelay $0x1  }
0x15f: {  	v1 =	vmax.f32 v1, v2  }
0x160: {  	v1 =	vmul.f32 $1.442695020e+00, v1;
	_ =	sdelay $0x1  }
0x161: {  	(erf) = vpow2.f32 v1;
	_ =	sdelay $0x2  }
0x162: {  	v1 =	vld [tilespmem:s10+$0x0];
	_ =	sdelay $0x5  }
0x163: {  	v2 =	vpop (erf)  }
0x164: {  	v1 =	vmul.f32 v2, v1;
	_ =	sdelay $0x1  }
0x165: {  	[tilespmem:s11+$0x0] =	vst v1  }
0x166: {  	v1 =	vld [tilespmem:s10+$0x10];
	_ =	sdelay $0x4  }
0x167: {  	v1 =	vmul.f32 v2, v1;
	_ =	sdelay $0x1  }
0x168: {  	[tilespmem:s11+$0x10] =	vst v1  }
0x169: {  	v1 =	vld [tilespmem:s10+$0x20];
	_ =	sdelay $0x4  }
0x16a: {  	v1 =	vmul.f32 v2, v1;
	_ =	sdelay $0x1  }
0x16b: {  	[tilespmem:s11+$0x20] =	vst v1  }
0x16c: {  	v1 =	vld [tilespmem:s10+$0x70]  }
0x16d: {  	v2 =	vld [tilespmem:s29+$0x6B30]  }
0x16e: {  	v3 =	vld [tilespmem:s10+$0x40];
	_ =	sdelay $0x3  }
0x16f: {  	v1 =	vadd.f32 v2, v1;
	_ =	sdelay $0x1  }
0x170: {  	v2 =	vmul.f32 $2.000000030e-01, v1;
	_ =	sdelay $0x1  }
0x171: {  	v1 =	vmax.f32 v1, v2  }
0x172: {  	v1 =	vmul.f32 $1.442695020e+00, v1;
	_ =	sdelay $0x1  }
0x173: {  	(erf) = vpow2.f32 v1;
	_ =	sdelay $0x8  }
0x174: {  	v1 =	vpop (erf)  }
0x175: {  	v2 =	vmul.f32 v1, v3;
	_ =	sdelay $0x1  }
0x176: {  	[tilespmem:s11+$0x30] =	vst v2  }
0x177: {  	v2 =	vld [tilespmem:s10+$0x50];
	_ =	sdelay $0x3  }
.Ltmp2:
0x178: {  	(pc) =	sbr.rel @p0 .LBB2_7-.Ltmp2, $3  }
0x179: {  	v2 =	vmul.f32 v1, v2;
	_ =	sdelay $0x1  }
0x17a: {  	[tilespmem:s11+$0x40] =	vst v2  }
0x17b: {  	v2 =	vld [tilespmem:s10+$0x60]  }
0x17c: {  	_ =	sdelay $0x3  }
0x17d: {  	v1 =	vmul.f32 v1, v2  }
0x17e: {  	p0 =	seq.s32 s8, $0x1A  }
0x17f: {  	s9 =	sadd.s32 @!p0 s9, s15;
	[tilespmem:s23+$0x50] =	vst v1  }
0x180: {  	[spmem:s2] =	stream.indirect.scatter.add.f32 [tilespmem:s16], [sflag:$0x5], $0x30, s30, s18, $0xb8;
	[tilespmem:$0x13860] =	vst v63  }
0x181: {  	s9 =	sshll.u32 @!p0 s9, $0x5;
	_ =	swait.ge [sflag:s20], $0x1800  }
0x182: {  	s9 =	sand.u32 @!p0 $0x1FFFFFE0, s9;
	[sflag:s20] =	ssyncset.done $0x0  }
0x183: {  	s10 =	simm.s32 @!p0 $0x0;
	s9 =	sadd.s32 @!p0 s5, s9;
	[sflag:s20] =	ssyncadd.s32 $0xFFFFE800  }
0x184: {  	[tilespmem:s10], [sflag:$0x7] =	stream.linear.gather @!p0 [hbm4b:s9+s10], $0x100, $0x38;
	[tilespmem:$0x13860] =	vst v63  }
0x185: {  	s9 =	simm.s32 @!p0 $0x7  }
0x186: {  	_ =	swait.ge @!p0 [sflag:s9], $0x100  }
0x187: {  	[sflag:s9] =	ssyncset.done @!p0 $0x0  }
0x188: {  	s11 =	simm.s32 @!p0 $0x300;
	[sflag:s9] =	ssyncadd.s32 @!p0 $0xFFFFFF00;
	s9 =	simm.s32 @!p0 $0x80  }
0x189: {  	[tilespmem:s11], [sflag:$0x1] =	stream.indirect.gather @!p0 [hbm4b:s6+s9], $0x40, s10, s9, $0xb8;
	[tilespmem:$0x13860] =	vst v63  }
0x18a: {  	s10 =	simm.s32 @!p0 $0x6300  }
0x18b: {  	[tilespmem:s10], [sflag:$0x1] =	stream.indirect.gather @!p0 [hbm4b:s1+s9], $0x10, s9, s9, $0xb8;
	[tilespmem:$0x13860] =	vst v63  }
0x18c: {  	_ =	swait.ge [sflag:s21], $0x2000  }
0x18d: {  	[sflag:s21] =	ssyncset.done $0x0  }
0x18e: {  	[sflag:s21] =	ssyncadd.s32 $0xFFFFE000  }
0x18f: {  	_ =	swait.ge [sflag:s21], $0x800  }
0x190: {  	[sflag:s21] =	ssyncset.done $0x0  }
0x191: {  	s9 =	simm.s32 $0x4380;
	[sflag:s21] =	ssyncadd.s32 $0xFFFFF800  }
0x192: {  	s29 =	simm.s32 $0x0;
	v1 =	vld [tilespmem:s9+$0xFFFFFFB0]  }
0x193: {  	v2 =	vld [tilespmem:s29+$0x7300];
	_ =	sdelay $0x4  }
0x194: {  	v1 =	vadd.f32 v2, v1;
	_ =	sdelay $0x1  }
0x195: {  	v2 =	vmul.f32 $2.000000030e-01, v1;
	_ =	sdelay $0x1  }
0x196: {  	v1 =	vmax.f32 v1, v2  }
0x197: {  	v1 =	vmul.f32 $1.442695020e+00, v1;
	_ =	sdelay $0x1  }
0x198: {  	(erf) = vpow2.f32 v1;
	_ =	sdelay $0x4  }
0x199: {  	v1 =	vld [tilespmem:s9+$0xFFFFFF80];
	_ =	sdelay $0x3  }
0x19a: {  	v2 =	vpop (erf)  }
0x19b: {  	v1 =	vmul.f32 v2, v1  }
0x19c: {  	s10 =	simm.s32 $0xAB60  }
0x19d: {  	[tilespmem:s10+$0xFFFFFFA0] =	vst v1  }
0x19e: {  	v1 =	vld [tilespmem:s9+$0xFFFFFF90];
	_ =	sdelay $0x4  }
0x19f: {  	v1 =	vmul.f32 v2, v1;
	_ =	sdelay $0x1  }
0x1a0: {  	[tilespmem:s10+$0xFFFFFFB0] =	vst v1  }
0x1a1: {  	v1 =	vld [tilespmem:s9+$0xFFFFFFA0];
	_ =	sdelay $0x4  }
0x1a2: {  	v1 =	vmul.f32 v2, v1;
	_ =	sdelay $0x1  }
0x1a3: {  	[tilespmem:s10+$0xFFFFFFC0] =	vst v1  }
0x1a4: {  	v1 =	vld [tilespmem:s9+$0xFFFFFFF0]  }
0x1a5: {  	v2 =	vld [tilespmem:s29+$0x7310];
	_ =	sdelay $0x4  }
0x1a6: {  	v1 =	vadd.f32 v2, v1;
	_ =	sdelay $0x1  }
0x1a7: {  	v2 =	vmul.f32 $2.000000030e-01, v1;
	_ =	sdelay $0x1  }
0x1a8: {  	v1 =	vmax.f32 v1, v2  }
0x1a9: {  	v1 =	vmul.f32 $1.442695020e+00, v1;
	_ =	sdelay $0x1  }
0x1aa: {  	(erf) = vpow2.f32 v1;
	_ =	sdelay $0x4  }
0x1ab: {  	v1 =	vld [tilespmem:s9+$0xFFFFFFC0];
	_ =	sdelay $0x3  }
0x1ac: {  	v2 =	vpop (erf)  }
0x1ad: {  	v1 =	vmul.f32 v2, v1;
	_ =	sdelay $0x1  }
0x1ae: {  	[tilespmem:s10+$0xFFFFFFD0] =	vst v1  }
0x1af: {  	v1 =	vld [tilespmem:s9+$0xFFFFFFD0];
	_ =	sdelay $0x4  }
0x1b0: {  	v1 =	vmul.f32 v2, v1;
	_ =	sdelay $0x1  }
0x1b1: {  	[tilespmem:s10+$0xFFFFFFE0] =	vst v1  }
0x1b2: {  	v1 =	vld [tilespmem:s9+$0xFFFFFFE0];
	_ =	sdelay $0x4  }
0x1b3: {  	v1 =	vmul.f32 v2, v1;
	_ =	sdelay $0x1  }
0x1b4: {  	[tilespmem:s10+$0xFFFFFFF0] =	vst v1  }
0x1b5: {  	v1 =	vld [tilespmem:s9+$0x30]  }
0x1b6: {  	v2 =	vld [tilespmem:s29+$0x7320];
	_ =	sdelay $0x4  }
0x1b7: {  	v1 =	vadd.f32 v2, v1;
	_ =	sdelay $0x1  }
0x1b8: {  	v2 =	vmul.f32 $2.000000030e-01, v1;
	_ =	sdelay $0x1  }
0x1b9: {  	v1 =	vmax.f32 v1, v2  }
0x1ba: {  	v1 =	vmul.f32 $1.442695020e+00, v1;
	_ =	sdelay $0x1  }
0x1bb: {  	(erf) = vpow2.f32 v1;
	_ =	sdelay $0x4  }
0x1bc: {  	v1 =	vld [tilespmem:s9+$0x0];
	_ =	sdelay $0x3  }
0x1bd: {  	v2 =	vpop (erf)  }
0x1be: {  	v1 =	vmul.f32 v2, v1;
	_ =	sdelay $0x1  }
0x1bf: {  	[tilespmem:s10+$0x0] =	vst v1  }
0x1c0: {  	v1 =	vld [tilespmem:s9+$0x10];
	_ =	sdelay $0x4  }
0x1c1: {  	v1 =	vmul.f32 v2, v1;
	_ =	sdelay $0x1  }
0x1c2: {  	[tilespmem:s10+$0x10] =	vst v1  }
0x1c3: {  	v1 =	vld [tilespmem:s9+$0x20];
	_ =	sdelay $0x4  }
0x1c4: {  	v1 =	vmul.f32 v2, v1;
	_ =	sdelay $0x1  }
0x1c5: {  	[tilespmem:s10+$0x20] =	vst v1  }
0x1c6: {  	v1 =	vld [tilespmem:s9+$0x70]  }
0x1c7: {  	v2 =	vld [tilespmem:s29+$0x7330];
	_ =	sdelay $0x4  }
0x1c8: {  	v1 =	vadd.f32 v2, v1;
	_ =	sdelay $0x1  }
0x1c9: {  	v2 =	vmul.f32 $2.000000030e-01, v1;
	_ =	sdelay $0x1  }
0x1ca: {  	v1 =	vmax.f32 v1, v2  }
0x1cb: {  	v1 =	vmul.f32 $1.442695020e+00, v1;
	_ =	sdelay $0x1  }
0x1cc: {  	(erf) = vpow2.f32 v1;
	_ =	sdelay $0x4  }
0x1cd: {  	v2 =	vld [tilespmem:s9+$0x40];
	_ =	sdelay $0x3  }
0x1ce: {  	v1 =	vpop (erf)  }
0x1cf: {  	v2 =	vmul.f32 v1, v2;
	_ =	sdelay $0x1  }
0x1d0: {  	[tilespmem:s10+$0x30] =	vst v2  }
0x1d1: {  	v2 =	vld [tilespmem:s9+$0x50];
	_ =	sdelay $0x4  }
0x1d2: {  	v2 =	vmul.f32 v1, v2;
	_ =	sdelay $0x1  }
0x1d3: {  	[tilespmem:s10+$0x40] =	vst v2  }
0x1d4: {  	s12 =	simm.s32 $0xAB60;
	s11 =	simm.s32 $0x100;
	v2 =	vld [tilespmem:s9+$0x60]  }
.LBB2_9:
0x1d5: {  	_ =	sdelay $0x2  }
0x1d6: {  	p0 =	sne.s32 s11, $0x1F00;
	s10 =	sadd.s32 $0xC0, s10;
	s9 =	sadd.s32 $0x100, s9  }
0x1d7: {  	s23 =	smov.u32 s11;
	s11 =	sadd.s32 $0x100, s11;
	v1 =	vmul.f32 v1, v2;
	_ =	sdelay $0x1  }
0x1d8: {  	[tilespmem:s12+$0x50] =	vst v1;
	s12 =	smov.u32 s10  }
0x1d9: {  	s23 =	sshra.s32 s23, $0x2;
	v1 =	vld [tilespmem:s9+$0xFFFFFFB0]  }
0x1da: {  	v2 =	vld [tilespmem:s23+$0x7300];
	_ =	sdelay $0x4  }
0x1db: {  	v1 =	vadd.f32 v2, v1;
	_ =	sdelay $0x1  }
0x1dc: {  	v2 =	vmul.f32 $2.000000030e-01, v1;
	_ =	sdelay $0x1  }
0x1dd: {  	v1 =	vmax.f32 v1, v2  }
0x1de: {  	v1 =	vmul.f32 $1.442695020e+00, v1;
	_ =	sdelay $0x1  }
0x1df: {  	(erf) = vpow2.f32 v1;
	_ =	sdelay $0x4  }
0x1e0: {  	v1 =	vld [tilespmem:s9+$0xFFFFFF80];
	_ =	sdelay $0x3  }
0x1e1: {  	v2 =	vpop (erf)  }
0x1e2: {  	v1 =	vmul.f32 v2, v1;
	_ =	sdelay $0x1  }
0x1e3: {  	[tilespmem:s10+$0xFFFFFFA0] =	vst v1  }
0x1e4: {  	v1 =	vld [tilespmem:s9+$0xFFFFFF90];
	_ =	sdelay $0x4  }
0x1e5: {  	v1 =	vmul.f32 v2, v1;
	_ =	sdelay $0x1  }
0x1e6: {  	[tilespmem:s10+$0xFFFFFFB0] =	vst v1  }
0x1e7: {  	v1 =	vld [tilespmem:s9+$0xFFFFFFA0];
	_ =	sdelay $0x4  }
0x1e8: {  	v1 =	vmul.f32 v2, v1;
	_ =	sdelay $0x1  }
0x1e9: {  	[tilespmem:s10+$0xFFFFFFC0] =	vst v1  }
0x1ea: {  	v1 =	vld [tilespmem:s9+$0xFFFFFFF0]  }
0x1eb: {  	v2 =	vld [tilespmem:s23+$0x7310];
	_ =	sdelay $0x4  }
0x1ec: {  	v1 =	vadd.f32 v2, v1;
	_ =	sdelay $0x1  }
0x1ed: {  	v2 =	vmul.f32 $2.000000030e-01, v1;
	_ =	sdelay $0x1  }
0x1ee: {  	v1 =	vmax.f32 v1, v2  }
0x1ef: {  	v1 =	vmul.f32 $1.442695020e+00, v1;
	_ =	sdelay $0x1  }
0x1f0: {  	(erf) = vpow2.f32 v1;
	_ =	sdelay $0x3  }
0x1f1: {  	v1 =	vld [tilespmem:s9+$0xFFFFFFC0];
	_ =	sdelay $0x4  }
0x1f2: {  	v2 =	vpop (erf)  }
0x1f3: {  	v1 =	vmul.f32 v2, v1;
	_ =	sdelay $0x1  }
0x1f4: {  	[tilespmem:s10+$0xFFFFFFD0] =	vst v1  }
0x1f5: {  	v1 =	vld [tilespmem:s9+$0xFFFFFFD0];
	_ =	sdelay $0x4  }
0x1f6: {  	v1 =	vmul.f32 v2, v1;
	_ =	sdelay $0x1  }
0x1f7: {  	[tilespmem:s10+$0xFFFFFFE0] =	vst v1  }
0x1f8: {  	v1 =	vld [tilespmem:s9+$0xFFFFFFE0];
	_ =	sdelay $0x4  }
0x1f9: {  	v1 =	vmul.f32 v2, v1;
	_ =	sdelay $0x1  }
0x1fa: {  	[tilespmem:s10+$0xFFFFFFF0] =	vst v1  }
0x1fb: {  	v1 =	vld [tilespmem:s9+$0x30]  }
0x1fc: {  	v2 =	vld [tilespmem:s23+$0x7320];
	_ =	sdelay $0x4  }
0x1fd: {  	v1 =	vadd.f32 v2, v1;
	_ =	sdelay $0x1  }
0x1fe: {  	v2 =	vmul.f32 $2.000000030e-01, v1;
	_ =	sdelay $0x1  }
0x1ff: {  	v1 =	vmax.f32 v1, v2  }
0x200: {  	v1 =	vmul.f32 $1.442695020e+00, v1;
	_ =	sdelay $0x1  }
0x201: {  	(erf) = vpow2.f32 v1;
	_ =	sdelay $0x2  }
0x202: {  	v1 =	vld [tilespmem:s9+$0x0];
	_ =	sdelay $0x5  }
0x203: {  	v2 =	vpop (erf)  }
0x204: {  	v1 =	vmul.f32 v2, v1;
	_ =	sdelay $0x1  }
0x205: {  	[tilespmem:s10+$0x0] =	vst v1  }
0x206: {  	v1 =	vld [tilespmem:s9+$0x10];
	_ =	sdelay $0x4  }
0x207: {  	v1 =	vmul.f32 v2, v1;
	_ =	sdelay $0x1  }
0x208: {  	[tilespmem:s10+$0x10] =	vst v1  }
0x209: {  	v1 =	vld [tilespmem:s9+$0x20];
	_ =	sdelay $0x4  }
0x20a: {  	v1 =	vmul.f32 v2, v1;
	_ =	sdelay $0x1  }
0x20b: {  	[tilespmem:s10+$0x20] =	vst v1  }
0x20c: {  	v1 =	vld [tilespmem:s9+$0x70]  }
0x20d: {  	v2 =	vld [tilespmem:s23+$0x7330]  }
0x20e: {  	v3 =	vld [tilespmem:s9+$0x40];
	_ =	sdelay $0x3  }
0x20f: {  	v1 =	vadd.f32 v2, v1;
	_ =	sdelay $0x1  }
0x210: {  	v2 =	vmul.f32 $2.000000030e-01, v1;
	_ =	sdelay $0x1  }
0x211: {  	v1 =	vmax.f32 v1, v2  }
0x212: {  	v1 =	vmul.f32 $1.442695020e+00, v1;
	_ =	sdelay $0x1  }
0x213: {  	(erf) = vpow2.f32 v1;
	_ =	sdelay $0x8  }
0x214: {  	v1 =	vpop (erf)  }
0x215: {  	v2 =	vmul.f32 v1, v3;
	_ =	sdelay $0x1  }
0x216: {  	[tilespmem:s10+$0x30] =	vst v2  }
0x217: {  	v2 =	vld [tilespmem:s9+$0x50];
	_ =	sdelay $0x3  }
.Ltmp3:
0x218: {  	(pc) =	sbr.rel @p0 .LBB2_9-.Ltmp3, $3  }
0x219: {  	v2 =	vmul.f32 v1, v2;
	_ =	sdelay $0x1  }
0x21a: {  	[tilespmem:s10+$0x40] =	vst v2  }
0x21b: {  	v2 =	vld [tilespmem:s9+$0x60]  }
0x21c: {  	_ = 	snop  }
0x21d: {  	s8 =	sadd.s32 $0x1, s8  }
0x21e: {  	p0 =	sne.s32 s8, $0x1B  }
.Ltmp4:
0x21f: {  	_ = 	snop;
	(pc) =	sbr.rel @p0 .LBB2_4-.Ltmp4, $3  }
0x220: {  	v1 =	vmul.f32 v1, v2;
	_ =	sdelay $0x1  }
0x221: {  	[tilespmem:s12+$0x50] =	vst v1  }
0x222: {  	[spmem:s2] =	stream.indirect.scatter.add.f32 [tilespmem:s22], [sflag:$0x6], $0x30, s3, s18, $0xb8;
	[tilespmem:$0x13860] =	vst v63  }
0x223: {  	s8 =	simm.s32 $0x5  }
0x224: {  	_ =	swait.ge [sflag:s8], $0x1800  }
0x225: {  	[sflag:s8] =	ssyncset.done $0x0  }
0x226: {  	s12 =	simm.s32 $0x6;
	[sflag:s8] =	ssyncadd.s32 $0xFFFFE800  }
0x227: {  	_ =	swait.ge [sflag:s12], $0x1800  }
0x228: {  	[sflag:s12] =	ssyncset.done $0x0  }
0x229: {  	[sflag:s12] =	ssyncadd.s32 $0xFFFFE800  }
0x22a: {  	s23 =	stileid.u32;
	[bflag:$0x0] =	sbarrier.arrive $0xFFFF  }
0x22b: {  	s8 =	sshll.u32 s23, $0x6;
	s12 =	rddreg [dreg:$0x5]  }
0x22c: {  	s8 =	sor.u32 $0x1C07, s8;
	s10 =	rddreg [dreg:$0xb];
	s9 =	sshrl.u32 s12, $0x3  }
0x22d: {  	[hbm:s10], [sflag:s8] =	dma.local [spmem:s9], $0x300  }
0x22e: {  	_ =	swait.ge [sflag:s17], $0x300  }
0x22f: {  	[sflag:s17] =	ssyncset.done $0x0;
	s23 =	rddreg [dreg:$0x6]  }
0x230: {  	s29 =	rddreg [dreg:$0xc];
	[sflag:s17] =	ssyncadd.s32 $0xFFFFFD00;
	s24 =	sshrl.u32 s23, $0x3  }
0x231: {  	[hbm:s29], [sflag:s8] =	dma.local [spmem:s24], $0x300  }
0x232: {  	_ =	swait.ge [sflag:s17], $0x300  }
0x233: {  	[sflag:s17] =	ssyncset.done $0x0;
	s24 =	rddreg [dreg:$0x7]  }
0x234: {  	s29 =	rddreg [dreg:$0xd];
	[sflag:s17] =	ssyncadd.s32 $0xFFFFFD00;
	s11 =	sshrl.u32 s24, $0x3  }
0x235: {  	[hbm:s29], [sflag:s8] =	dma.local [spmem:s11], $0x300  }
0x236: {  	_ =	swait.ge [sflag:s17], $0x300  }
0x237: {  	[sflag:s17] =	ssyncset.done $0x0;
	s11 =	rddreg [dreg:$0x8]  }
0x238: {  	s29 =	rddreg [dreg:$0xe];
	[sflag:s17] =	ssyncadd.s32 $0xFFFFFD00;
	s9 =	sshrl.u32 s11, $0x3  }
0x239: {  	[hbm:s29], [sflag:s8] =	dma.local [spmem:s9], $0x300  }
0x23a: {  	_ =	swait.ge [sflag:s17], $0x300  }
0x23b: {  	[sflag:s17] =	ssyncset.done $0x0;
	s11 =	rddreg [dreg:$0x9]  }
0x23c: {  	s29 =	rddreg [dreg:$0xf];
	[sflag:s17] =	ssyncadd.s32 $0xFFFFFD00;
	s9 =	sshrl.u32 s11, $0x3  }
0x23d: {  	[hbm:s29], [sflag:s8] =	dma.local [spmem:s9], $0x2AC  }
0x23e: {  	_ =	swait.ge [sflag:s17], $0x2AC  }
0x23f: {  	s11 =	rddreg [dreg:$0x10]  }
0x240: {  	s29 =	rddreg [dreg:$0xa];
	s9 =	sadd.s32 $0x1, s11  }
0x241: {  	p0 =	sne.s32 s9, s29  }
.Ltmp5:
0x242: {  	_ = 	snop;
	(pc) =	sbr.rel @p0 .LBB2_1-.Ltmp5, $3  }
0x243: {  	_ =	sdelay $0x1  }
0x244: {  	[sflag:s17] =	ssyncset.done $0x0  }
0x245: {  	[sflag:s17] =	ssyncadd.s32 $0xFFFFFD54  }
0x246: {  	_ =	sfence.sel $0x180000  }
0x247: {  	[bflag:$0x0] =	sbarrier.arrive $0xFFFF  }
0x248: {  	_ =	strace $0x9000004A  }
0x249: {  	s0 =	stileid.u32;
	[bflag:$0x2] =	sbarrier.arrive $0xFFFF  }
0x24a: {  	p0 =	sne.s32 s0, $0x0;
	s0 =	rddreg [dreg:$0x3]  }
0x24b: {  	s0 =	sadd.s32 @!p0 $0x100000, s0  }
0x24c: {  	[sflag:s0] =	ssyncadd.tile.s32 @!p0 $0x1;
	_ =	shalt  }
.Lfunc_end2:
_tile_overlayer_lowered:
.L_overlay_start_2:
0x24d: {  	(tag) =	ssettag $0x2  }
0x24e: {  	s0 =	rddreg [dreg:$0x0];
	s2 =	stileid.u32  }
0x24f: {  	s1 =	rddreg [dreg:$0x1];
	p0 =	sne.s32 s2, $0x0  }
0x250: {  	s3 =	rddreg [dreg:$0x2];
	[bflag:$0x3] =	sbarrier.arrive $0xFFFF;
	s2 =	simm.s32 @!p0 $0x1C07  }
0x251: {  	[timem:s3], [sflag:s2] =	dma.local @!p0 [hbm:s0], s1  }
0x252: {  	s0 =	simm.s32 @!p0 $0x7  }
0x253: {  	_ =	swait.ge @!p0 [sflag:s0], s1  }
0x254: {  	s1 =	ssub.s32 @!p0 $0x0, s1;
	[sflag:s0] =	ssyncset.done @!p0 $0x0  }
0x255: {  	[sflag:s0] =	ssyncadd.s32 @!p0 s1  }
0x256: {  	[bflag:$0x3] =	sbarrier.arrive $0xFFFF  }
0x257: {  	_ =	shalt  }

// kernel: kernel.7.cloned.1.call-start
scs
__scs_entry_jumppad:
0x0: {  	(pc) =	sbr.rel $0x88, $3  }
0x1: {  	(tag) =	ssettag $0x0;
	lr =	simm.s32 $0x1  }
0x2: {  	[smem:$0x3F97] =	sst lr;
	_ =	strace $0xD0000000  }
0x3: {  	_ = 	snop  }
0x4: {  	_ = 	snop  }
0x5: {  	_ = 	snop  }
0x6: {  	_ = 	snop  }
0x7: {  	_ = 	snop  }
__scs_overlays_trampoline_lowered:
0x8: {  	[smem:$0x3FA6] =	sst s0  }
0x9: {  	[smem:$0x3FA7] =	sst s1  }
0xa: {  	[smem:$0x3FA8] =	sst s2  }
0xb: {  	[smem:$0x3FA9] =	sst s3  }
0xc: {  	[smem:$0x3FAA] =	sst s4  }
0xd: {  	[smem:$0x3FAB] =	sst s5  }
0xe: {  	[smem:$0x3FAC] =	sst s6  }
0xf: {  	[smem:$0x3FAD] =	sst s7  }
0x10: {  	[smem:$0x3FAE] =	sst s8  }
0x11: {  	[smem:$0x3FAF] =	sst s9;
	s0 =	simm.s32 @!p0 $0x0  }
0x12: {  	s1 =	sld [smem:$0x3F95];
	s0 =	simm.s32 @p0 $0x1  }
0x13: {  	[smem:$0x3FB0] =	sst s0;
	s0 =	simm.s32 @!p1 $0x0  }
0x14: {  	s2 =	sld [smem:$0x3F94];
	s0 =	simm.s32 @p1 $0x1  }
0x15: {  	[smem:$0x3FB1] =	sst s0;
	s0 =	simm.s32 @!p2 $0x0  }
0x16: {  	s3 =	sld [smem:$0x3FDB];
	s0 =	simm.s32 @p2 $0x1  }
0x17: {  	s4 =	simm.s32 $0x1BF5;
	[smem:$0x3FB3] =	sst s0  }
0x18: {  	s0 =	sld [smem:$0x3F96];
	_ =	swait.ge [sflag:s4], $0x0  }
0x19: {  	s7 =	sld [smem:$0x3F97]  }
0x1a: {  	s8 =	sadd.s32 $0xFFFFE003, lr  }
0x1b: {  	s9 =	sadd.s32 $0xFFFFFEF7, lr;
	s5 =	simm.s32 $0xFFFFFFFF;
	p2 =	slt.u32 s8, $0xFFFFF086  }
0x1c: {  	p1 =	slt.u32 s9, $0xF7A;
	s5 =	simm.s32 @!p2 $0x0  }
0x1d: {  	s5 =	simm.s32 @p1 $0x1;
	p0 =	seq.s32 s7, s2  }
0x1e: {  	s7 =	smul.u32 @!p0 $0xF7A, s2;
	p2 =	seq.s32 @!p0 s5, $0x0  }
0x1f: {  	s9 =	smul.u32 $0xF7A, s1;
	s8 =	simm.s32 @!p0 $0x1BF5;
	p2 =	por !p2, p0  }
0x20: {  	[sflag:s8] =	ssyncset.s32 @!p0 $0xFFFFF086;
	s6 =	sadd.s32 @!p0 s3, s7;
	s7 =	simm.s32 @!p0 $0x108  }
0x21: {  	s3 =	sadd.s32 s3, s9;
	s6 =	sadd.s32 @!p0 $0x88, s6;
	s7 =	simm.s32 @p2 $0x1082  }
0x22: {  	[simem:s7], [sflag:s8] =	dma.local @!p0 [hbm:s6], $0xF7A  }
0x23: {  	s9 =	sor.u32 $0xD0000000, s2;
	s6 =	simm.s32 $0x108;
	_ =	swait.ge @!p0 [sflag:s8], $0x0  }
0x24: {  	s3 =	sadd.s32 $0x88, s3;
	s6 =	simm.s32 @!p1 $0x1082;
	[sflag:s4] =	ssyncset.s32 $0xFFFFF086  }
0x25: {  	[simem:s6], [sflag:s4] =	dma.local [hbm:s3], $0xF7A  }
0x26: {  	[smem:$0x3F97] =	sst s1;
	(tag) =	ssettag s2;
	_ =	strace s9  }
0x27: {  	s1 =	sld [smem:$0x3FA7]  }
0x28: {  	s2 =	sld [smem:$0x3FA8]  }
0x29: {  	s4 =	sld [smem:$0x3FAA]  }
0x2a: {  	p0 =	seq.s32 s5, $0x0;
	s5 =	sld [smem:$0x3FAB]  }
0x2b: {  	s6 =	sld [smem:$0x3FAC]  }
0x2c: {  	s7 =	sld [smem:$0x3FAD]  }
0x2d: {  	s3 =	simm.s32 $0x108;
	s8 =	sld [smem:$0x3FAE]  }
0x2e: {  	s3 =	simm.s32 @!p0 $0x1082;
	s9 =	sld [smem:$0x3FAF]  }
0x2f: {  	lr =	sadd.s32 s0, s3;
	s0 =	sld [smem:$0x3FA6]  }
0x30: {  	s3 =	sld [smem:$0x3FA9]  }
0x31: {  	[smem:$0x3FB2] =	sst s10  }
0x32: {  	s10 =	sld [smem:$0x3FB0];
	_ =	sdelay $0x3  }
0x33: {  	p0 =	seq.s32 s10, $0x1;
	s10 =	sld [smem:$0x3FB2];
	_ =	sdelay $0x3  }
0x34: {  	[smem:$0x3FB2] =	sst s10  }
0x35: {  	s10 =	sld [smem:$0x3FB1];
	_ =	sdelay $0x3  }
0x36: {  	p1 =	seq.s32 s10, $0x1;
	s10 =	sld [smem:$0x3FB2];
	_ =	sdelay $0x3  }
0x37: {  	[smem:$0x3FB2] =	sst s10  }
0x38: {  	s10 =	sld [smem:$0x3FB3]  }
0x39: {  	_ = 	snop;
	(pc) =	sbr.ind lr, $3  }
0x3a: {  	_ = 	snop  }
0x3b: {  	_ = 	snop  }
0x3c: {  	p2 =	seq.s32 s10, $0x1;
	s10 =	sld [smem:$0x3FB2]  }
0x3d: {  	_ =	shalt  }
0x3e: {  	_ =	shalt  }
0x3f: {  	_ =	shalt  }
0x40: {  	_ =	shalt  }
0x41: {  	_ =	shalt  }
0x42: {  	_ =	shalt  }
0x43: {  	_ =	shalt  }
0x44: {  	_ =	shalt  }
0x45: {  	_ =	shalt  }
0x46: {  	_ =	shalt  }
0x47: {  	_ =	shalt  }
0x48: {  	_ =	shalt  }
0x49: {  	_ =	shalt  }
0x4a: {  	_ =	shalt  }
0x4b: {  	_ =	shalt  }
0x4c: {  	_ =	shalt  }
0x4d: {  	_ =	shalt  }
0x4e: {  	_ =	shalt  }
0x4f: {  	_ =	shalt  }
0x50: {  	_ =	shalt  }
0x51: {  	_ =	shalt  }
0x52: {  	_ =	shalt  }
0x53: {  	_ =	shalt  }
0x54: {  	_ =	shalt  }
0x55: {  	_ =	shalt  }
0x56: {  	_ =	shalt  }
0x57: {  	_ =	shalt  }
0x58: {  	_ =	shalt  }
0x59: {  	_ =	shalt  }
0x5a: {  	_ =	shalt  }
0x5b: {  	_ =	shalt  }
0x5c: {  	_ =	shalt  }
0x5d: {  	_ =	shalt  }
0x5e: {  	_ =	shalt  }
0x5f: {  	_ =	shalt  }
0x60: {  	_ =	shalt  }
0x61: {  	_ =	shalt  }
0x62: {  	_ =	shalt  }
0x63: {  	_ =	shalt  }
0x64: {  	_ =	shalt  }
0x65: {  	_ =	shalt  }
0x66: {  	_ =	shalt  }
0x67: {  	_ =	shalt  }
0x68: {  	_ =	shalt  }
0x69: {  	_ =	shalt  }
0x6a: {  	_ =	shalt  }
0x6b: {  	_ =	shalt  }
0x6c: {  	_ =	shalt  }
0x6d: {  	_ =	shalt  }
0x6e: {  	_ =	shalt  }
0x6f: {  	_ =	shalt  }
0x70: {  	_ =	shalt  }
0x71: {  	_ =	shalt  }
0x72: {  	_ =	shalt  }
0x73: {  	_ =	shalt  }
0x74: {  	_ =	shalt  }
0x75: {  	_ =	shalt  }
0x76: {  	_ =	shalt  }
0x77: {  	_ =	shalt  }
0x78: {  	_ =	shalt  }
0x79: {  	_ =	shalt  }
0x7a: {  	_ =	shalt  }
0x7b: {  	_ =	shalt  }
0x7c: {  	_ =	shalt  }
0x7d: {  	_ =	shalt  }
0x7e: {  	_ =	shalt  }
0x7f: {  	_ =	shalt  }
0x80: {  	_ =	shalt  }
0x81: {  	_ =	shalt  }
0x82: {  	_ =	shalt  }
0x83: {  	_ =	shalt  }
0x84: {  	_ =	shalt  }
0x85: {  	_ =	shalt  }
0x86: {  	_ =	shalt  }
0x87: {  	_ =	shalt  }
.Lfunc_end0:
.L_simem_size_0:
called_computation_lowered:
.L_overlay_start_0:
0x88: {  	s2 =	sld [smem:$0x3FD9]  }
0x89: {  	s3 =	sld [smem:$0x3FFE];
	_ =	sdelay $0x1  }
0x8a: {  	s1 =	srdreg.scid  }
0x8b: {  	s0 =	sand.u32 $0x1, s1  }
0x8c: {  	s14 =	sshll.u32 s0, $0xA;
	s2 =	sadd.s32 s3, s2  }
0x8d: {  	s2 =	sadd.s32 s2, s14  }
0x8e: {  	[smem:$0x3FBE] =	sst s2  }
0x8f: {  	_ = 	snop  }
0x90: {  	s2 =	sld [smem:$0x3FD0];
	_ =	sdelay $0x2  }
0x91: {  	s15 =	simm.s32 $0xA;
	s4 =	simm.s32 $0x10  }
0x92: {  	[smem:s4], [sflag:s15] =	dma.local [hbm:s2], $0x1  }
0x93: {  	_ =	swait.eq [sflag:s15], $0x1  }
0x94: {  	[sflag:s15] =	ssyncset.done $0x0  }
0x95: {  	[sflag:s15] =	ssyncadd.s32 $0xFFFFFFFF  }
0x96: {  	s16 =	sld [smem:$0x11];
	(tm) =	ssettm $0x1  }
0x97: {  	s17 =	sld [smem:$0x3FFB];
	_ =	sdelay $0x3  }
0x98: {  	_ =	strace s17  }
0x99: {  	s3 =	sld [smem:$0x3FFC];
	_ =	sdelay $0x3  }
0x9a: {  	_ =	strace s3  }
0x9b: {  	s3 =	sld [smem:$0x3FFD];
	_ =	sdelay $0x3  }
0x9c: {  	_ =	strace s3  }
0x9d: {  	_ =	strace $0x8FFFFFFF  }
0x9e: {  	s18 =	sld [smem:$0x3FDB];
	_ =	sdelay $0x1  }
0x9f: {  	s19 =	simm.s32 $_scs_section_size  }
0xa0: {  	s5 =	simm.s32 $_size__tile_overlayer_lowered;
	s6 =	simm.s32 $_tile_overlayer_lowered  }
0xa1: {  	s22 =	simm.s32 $0x1BFF;
	s21 =	sshll.u32 s6, $0x1;
	s3 =	sadd.s32 s19, s18  }
0xa2: {  	s7 =	simm.s32 $0x0;
	s20 =	sshll.u32 s5, $0x1;
	s5 =	sadd.s32 s21, s3  }
0xa3: {  	[timem:s7], [sflag:s22] =	dma.local [hbm:s5], s20  }
0xa4: {  	_ =	swait.ge [sflag:s22], s20  }
0xa5: {  	s4 =	ssub.s32 $0x0, s20;
	[sflag:s22] =	ssyncset.done $0x0  }
0xa6: {  	[sflag:s22] =	ssyncadd.s32 s4;
	_ =	sdelay $0x1  }
0xa7: {  	s23 =	simm.s32 $0x1B8B  }
0xa8: {  	_ =	swait.ge [sflag:s23], $0x1  }
0xa9: {  	[sflag:s23] =	ssyncset.done $0x0  }
0xaa: {  	s25 =	simm.s32 $0x1B8E;
	s24 =	sld [smem:$0x3FFE];
	[sflag:s23] =	ssyncadd.s32 $0xFFFFFFFF  }
0xab: {  	s26 =	simm.s32 $execute0_lowered;
	[smem:$0x3FD2] =	sst s25  }
0xac: {  	s5 =	sshll.u32 s26, $0x1;
	_ =	strace $0x80000046;
	[dreg:$0x1] =	wrdreg $0xFFFFFFFF  }
0xad: {  	s28 =	simm.s32 $_size_execute0_lowered;
	s3 =	sadd.s32 s3, s5;
	[dreg:$0x0] =	wrdreg $0x0  }
0xae: {  	s5 =	sshll.u32 s28, $0x1;
	[dreg:$0x2] =	wrdreg s3  }
0xaf: {  	[dreg:$0x3] =	wrdreg s5  }
0xb0: {  	[dreg:$0x4] =	wrdreg $0xC0  }
0xb1: {  	_ =	task [dreg:s7], $0x5FFFF  }
0xb2: {  	[dreg:$0x1] =	wrdreg $0xFFFFFFFF  }
0xb3: {  	[dreg:$0x0] =	wrdreg $0x60  }
0xb4: {  	[dreg:$0x2] =	wrdreg s24  }
0xb5: {  	[dreg:$0x3] =	wrdreg s16  }
0xb6: {  	[dreg:$0x4] =	wrdreg $0x10B400  }
0xb7: {  	[dreg:$0x5] =	wrdreg $0x9  }
0xb8: {  	_ =	task.clear_ibuf [dreg:s7], $0x6FFFF;
	_ =	strace $0x90000046  }
0xb9: {  	s29 =	simm.s32 $0x9;
	_ =	strace $0x80000048  }
0xba: {  	_ =	swait.ge [sflag:s29], $0x1  }
0xbb: {  	[sflag:s29] =	ssyncadd.s32 $0xFFFFFFFF  }
0xbc: {  	_ =	strace $0x90000048  }
0xbd: {  	_ =	sfence  }
0xbe: {  	s30 =	sld [smem:$0x0];
	_ =	sdelay $0x2  }
0xbf: {  	s31 =	sshll.u32 s1, $0xD;
	s1 =	sshrl.u32 s1, $0x2  }
0xc0: {  	s3 =	sand.u32 $0x4000, s31;
	s1 =	sadd.s32 s1, s30  }
0xc1: {  	s0 =	sor.u32 s3, s0;
	s1 =	sshll.u32 s1, $0x11  }
0xc2: {  	s0 =	sor.u32 s1, s0  }
0xc3: {  	s0 =	sadd.s32 $0x8F2B, s0  }
0xc4: {  	[sflag:s0] =	ssyncadd.remote.s32 $0x1  }
0xc5: {  	_ =	sfence.sel $0xFFFF  }
0xc6: {  	[dreg:$0x0] =	wrdreg $0xFFFFFFFF;
	(pc) =	sbr.abs _section_cstart, $3  }
0xc7: {  	[dreg:$0x1] =	wrdreg $0xFFFFFFFF  }
0xc8: {  	_ =	task.clear_ibuf [dreg:s7], $0x2FFFF;
	_ =	strace $0x9FFFFFFF  }
0xc9: {  	(tm) =	ssettm $0x7FFFFFFF  }
tec
execute0_lowered:
.L_overlay_start_1:
0x0: {  	(tag) =	ssettag $0x1  }
0x1: {  	s0 =	rddreg [dreg:$0x0]  }
0x2: {  	s1 =	rddreg [dreg:$0x1]  }
0x3: {  	s2 =	rddreg [dreg:$0x2];
	s3 =	srdreg.scid;
	s4 =	simm.s32 $0x0  }
0x4: {  	s10 =	stileid.u32;
	s28 =	simm.s32 $0x100;
	s30 =	simm.s32 $0x180  }
0x5: {  	s3 =	sand.u32 $0x1, s3;
	[smem:$0x7FF] =	sst s4;
	s5 =	sadd.s32 $0x19C00, s0  }
0x6: {  	s6 =	sadd.s32 $0x1400, s0;
	s15 =	sshll.u32 s3, $0x4;
	s7 =	smul.u32 $0x18740, s3  }
0x7: {  	s3 =	ssub.s32 $0x2, s3;
	s4 =	sor.u32 s10, s15;
	s10 =	smul.u32 $0xC3A0, s10  }
0x8: {  	_ =	strace $0x80000047;
	s9 =	sshrl.u32 s3, $0x1;
	s8 =	smul.u32 $0xA20, s4  }
0x9: {  	s0 =	sadd.s32 s7, s0;
	s3 =	ssub.s32 s3, s9;
	s4 =	smul.u32 $0x51, s4  }
0xa: {  	s12 =	sadd.s32 s10, s2;
	s17 =	sadd.s32 $0x2800, s10;
	s18 =	sadd.s32 $0x5000, s10  }
0xb: {  	s19 =	sadd.s32 $0x7800, s10;
	s20 =	sadd.s32 $0xA000, s10;
	s0 =	sadd.s32 $0x2E000, s0  }
0xc: {  	s21 =	sshrl.u32 s10, $0x3;
	s3 =	smax.u32 s3, $0x1;
	s16 =	sadd.s32 s5, s8  }
0xd: {  	s24 =	sadd.s32 s17, s2;
	s29 =	sadd.s32 s18, s2;
	s11 =	sadd.s32 s19, s2  }
0xe: {  	s13 =	sadd.s32 s20, s2;
	s14 =	sadd.s32 $0x2, s4;
	[dreg:$0xa] =	wrdreg s3  }
0xf: {  	s15 =	sadd.s32 $0x3, s4;
	s7 =	sshrl.u32 s17, $0x3;
	[dreg:$0x5] =	wrdreg s12  }
0x10: {  	s8 =	sshrl.u32 s18, $0x3;
	s9 =	sshrl.u32 s19, $0x3;
	[dreg:$0x4] =	wrdreg s16  }
0x11: {  	s22 =	sshrl.u32 s20, $0x3;
	s17 =	simm.s32 $0x7;
	[dreg:$0x8] =	wrdreg s11  }
0x12: {  	s18 =	simm.s32 $0x80;
	s23 =	sadd.s32 s21, s0;
	[dreg:$0x9] =	wrdreg s13  }
0x13: {  	s19 =	simm.s32 $0x9300;
	s20 =	simm.s32 $0xBB40;
	[dreg:$0xb] =	wrdreg s23  }
0x14: {  	v1 =	vlaneseq.u32;
	s21 =	simm.s32 $0x4;
	s13 =	sadd.s32 $0x1, s4;
	[dreg:$0x6] =	wrdreg s24  }
0x15: {  	v0 =	vimm.f32 $0.0e+00;
	v1 =	vshrl.u32 v1, $0x3;
	s25 =	sadd.s32 s7, s0;
	s26 =	sadd.s32 s8, s0;
	[dreg:$0x7] =	wrdreg s29  }
0x16: {  	v2 =	vor.u32 $0x2, v1;
	v3 =	vor.u32 $0x4, v1;
	v4 =	vor.u32 $0x6, v1;
	s31 =	sadd.s32 s9, s0;
	s0 =	sadd.s32 s22, s0;
	[dreg:$0xc] =	wrdreg s25  }
0x17: {  	v5 =	vor.u32 $0x10, v1;
	v6 =	vor.u32 $0x12, v1;
	v7 =	vor.u32 $0x14, v1;
	s4 =	simm.s32 $0x280;
	s7 =	simm.s32 $0x8B00;
	[dreg:$0xd] =	wrdreg s26  }
0x18: {  	v8 =	vor.u32 $0x16, v1;
	v9 =	vor.u32 $0x20, v1;
	v10 =	vor.u32 $0x22, v1;
	s16 =	simm.s32 $0x2;
	s22 =	simm.s32 $0x3;
	[dreg:$0xe] =	wrdreg s31  }
0x19: {  	v11 =	vor.u32 $0x24, v1;
	v12 =	vor.u32 $0x26, v1;
	v13 =	vor.u32 $0x30, v1;
	s23 =	simm.s32 $0xE340;
	s8 =	simm.s32 $0x0;
	[dreg:$0xf] =	wrdreg s0  }
0x1a: {  	v14 =	vor.u32 $0x32, v1;
	v15 =	vor.u32 $0x34, v1;
	v16 =	vor.u32 $0x36, v1;
	s26 =	simm.s32 $0x9340;
	s0 =	simm.s32 $0x1;
	s25 =	simm.s32 $0x200  }
.LBB2_1:
0x1b: {  	[dreg:$0x10] =	wrdreg s8  }
0x1c: {  	s3 =	simm.s32 $0x0;
	s10 =	rddreg [dreg:$0x4]  }
0x1d: {  	[tilespmem:s3], [sflag:$0x7] =	stream.linear.gather [hbm4b:s10+s3], $0x100, $0x38;
	[tilespmem:$0x1CEE0] =	vst v63  }
0x1e: {  	_ =	swait.ge [sflag:s17], $0x100  }
0x1f: {  	[sflag:s17] =	ssyncset.done $0x0  }
0x20: {  	s11 =	simm.s32 $0x300;
	[sflag:s17] =	ssyncadd.s32 $0xFFFFFF00  }
0x21: {  	[tilespmem:s11], [sflag:$0x1] =	stream.indirect.gather [hbm4b:s6+s18], $0x50, s3, s18, $0xb8;
	[tilespmem:$0x1CEE0] =	vst v63  }
0x22: {  	s31 =	simm.s32 $0x7B00;
	s9 =	simm.s32 $0x140;
	s8 =	simm.s32 $0x0  }
0x23: {  	[tilespmem:s31], [sflag:$0x1] =	stream.indirect.gather [hbm4b:s1+s18], $0x10, s18, s18, $0xb8;
	[tilespmem:$0x1CEE0] =	vst v63  }
.LBB2_2:
0x24: {  	p0 =	sne.s32 s9, $0x9EC0;
	[tilespmem:s8+$0x9380] =	vst v0;
	s10 =	smov.u32 s9;
	s9 =	sadd.s32 $0x140, s9  }
.Ltmp0:
0x25: {  	[tilespmem:s8+$0x9370] =	vst v0;
	(pc) =	sbr.rel @p0 .LBB2_2-.Ltmp0, $4  }
0x26: {  	[tilespmem:s8+$0x9360] =	vst v0  }
0x27: {  	[tilespmem:s8+$0x9340] =	vst v0  }
0x28: {  	[tilespmem:s8+$0x9350] =	vst v0  }
0x29: {  	s8 =	sshra.s32 s10, $0x2  }
0x2a: {  	[tilespmem:s8+$0x9380] =	vst v0  }
0x2b: {  	[tilespmem:s8+$0x9370] =	vst v0  }
0x2c: {  	[tilespmem:s8+$0x9360] =	vst v0  }
0x2d: {  	[tilespmem:s8+$0x9340] =	vst v0  }
0x2e: {  	[tilespmem:s8+$0x9350] =	vst v0  }
0x2f: {  	[spmem:s12] =	stream.linear.scatter [tilespmem:s26], [sflag:$0x7], $0x2800, $0x38;
	[tilespmem:$0x1CEE0] =	vst v63  }
0x30: {  	_ =	swait.ge [sflag:s17], $0x2800  }
0x31: {  	[sflag:s17] =	ssyncset.done $0x0  }
0x32: {  	[sflag:s17] =	ssyncadd.s32 $0xFFFFD800  }
0x33: {  	[spmem:s24] =	stream.linear.scatter [tilespmem:s26], [sflag:$0x7], $0x2800, $0x38;
	[tilespmem:$0x1CEE0] =	vst v63  }
0x34: {  	_ =	swait.ge [sflag:s17], $0x2800  }
0x35: {  	[sflag:s17] =	ssyncset.done $0x0  }
0x36: {  	[sflag:s17] =	ssyncadd.s32 $0xFFFFD800  }
0x37: {  	[spmem:s29] =	stream.linear.scatter [tilespmem:s26], [sflag:$0x7], $0x2800, $0x38;
	[tilespmem:$0x1CEE0] =	vst v63  }
0x38: {  	_ =	swait.ge [sflag:s17], $0x2800  }
0x39: {  	[sflag:s17] =	ssyncset.done $0x0  }
0x3a: {  	s3 =	rddreg [dreg:$0x8];
	[sflag:s17] =	ssyncadd.s32 $0xFFFFD800  }
0x3b: {  	[spmem:s3] =	stream.linear.scatter [tilespmem:s26], [sflag:$0x7], $0x2800, $0x38;
	[tilespmem:$0x1CEE0] =	vst v63  }
0x3c: {  	_ =	swait.ge [sflag:s17], $0x2800  }
0x3d: {  	[sflag:s17] =	ssyncset.done $0x0  }
0x3e: {  	s31 =	rddreg [dreg:$0x9];
	[sflag:s17] =	ssyncadd.s32 $0xFFFFD800  }
0x3f: {  	[spmem:s31] =	stream.linear.scatter [tilespmem:s26], [sflag:$0x7], $0x23A0, $0x38;
	[tilespmem:$0x1CEE0] =	vst v63  }
0x40: {  	_ =	swait.ge [sflag:s17], $0x23A0  }
0x41: {  	[sflag:s17] =	ssyncset.done $0x0  }
0x42: {  	[sflag:s17] =	ssyncadd.s32 $0xFFFFDC60  }
0x43: {  	s8 =	simm.s32 $0x0;
	s9 =	simm.s32 $0x0;
	[bflag:$0x0] =	sbarrier.arrive $0xFFFF  }
.LBB2_4:
0x44: {  	s10 =	smul.u32 $0x3, s9  }
0x45: {  	p0 =	seq.s32 s9, $0x0  }
0x46: {  	s11 =	simm.s32 @!p0 $0x5;
	s12 =	sadd.s32 s10, s13  }
0x47: {  	_ =	swait.ge @!p0 [sflag:s11], $0x2800;
	s12 =	sshll.u32 s12, $0x5  }
0x48: {  	[sflag:s11] =	ssyncset.done @!p0 $0x0;
	s12 =	sand.u32 $0x1FFFFFE0, s12  }
0x49: {  	[sflag:s11] =	ssyncadd.s32 @!p0 $0xFFFFD800;
	s24 =	sadd.s32 s5, s12  }
0x4a: {  	[tilespmem:s28], [sflag:$0x7] =	stream.linear.gather [hbm4b:s24+s8], $0x100, $0x38;
	[tilespmem:$0x1CEE0] =	vst v63  }
0x4b: {  	_ =	swait.ge [sflag:s17], $0x100  }
0x4c: {  	[sflag:s17] =	ssyncset.done $0x0  }
0x4d: {  	s3 =	simm.s32 $0x2B00;
	[sflag:s17] =	ssyncadd.s32 $0xFFFFFF00  }
0x4e: {  	[tilespmem:s3], [sflag:$0x2] =	stream.indirect.gather [hbm4b:s6+s18], $0x50, s28, s18, $0xb8;
	[tilespmem:$0x1CEE0] =	vst v63  }
0x4f: {  	s31 =	simm.s32 $0x8300  }
0x50: {  	[tilespmem:s31], [sflag:$0x2] =	stream.indirect.gather [hbm4b:s1+s18], $0x10, s30, s18, $0xb8;
	[tilespmem:$0x1CEE0] =	vst v63  }
0x51: {  	_ =	swait.ge [sflag:s0], $0x2800  }
0x52: {  	[sflag:s0] =	ssyncset.done $0x0  }
0x53: {  	[sflag:s0] =	ssyncadd.s32 $0xFFFFD800  }
0x54: {  	_ =	swait.ge [sflag:s0], $0x800  }
0x55: {  	[sflag:s0] =	ssyncset.done $0x0  }
0x56: {  	s11 =	simm.s32 $0x0;
	[sflag:s0] =	ssyncadd.s32 $0xFFFFF800  }
0x57: {  	s12 =	simm.s32 $0x7B20;
	v17 =	vld [tilespmem:s11+$0x340]  }
0x58: {  	v18 =	vld [tilespmem:s12+$0xFFFFFFE0];
	_ =	sdelay $0x4  }
0x59: {  	v17 =	vadd.f32 v18, v17;
	_ =	sdelay $0x1  }
0x5a: {  	v18 =	vmul.f32 $2.000000030e-01, v17;
	_ =	sdelay $0x1  }
0x5b: {  	v17 =	vmax.f32 v17, v18  }
0x5c: {  	v17 =	vmul.f32 $1.442695020e+00, v17;
	_ =	sdelay $0x1  }
0x5d: {  	(erf) = vpow2.f32 v17;
	_ =	sdelay $0x8  }
0x5e: {  	v17 =	vpop (erf)  }
0x5f: {  	[tilespmem:$0x9300] =	vst v17  }
0x60: {  	[tilespmem:s11+$0x9380] =	vst v17;
	v17 =	vld [tilespmem:s11+$0x390]  }
0x61: {  	v18 =	vld [tilespmem:s12+$0xFFFFFFF0];
	_ =	sdelay $0x4  }
0x62: {  	v17 =	vadd.f32 v18, v17;
	_ =	sdelay $0x1  }
0x63: {  	v18 =	vmul.f32 $2.000000030e-01, v17;
	_ =	sdelay $0x1  }
0x64: {  	v17 =	vmax.f32 v17, v18  }
0x65: {  	v17 =	vmul.f32 $1.442695020e+00, v17;
	_ =	sdelay $0x1  }
0x66: {  	(erf) = vpow2.f32 v17;
	_ =	sdelay $0x8  }
0x67: {  	v17 =	vpop (erf)  }
0x68: {  	[tilespmem:$0x9310] =	vst v17  }
0x69: {  	[tilespmem:s11+$0x93D0] =	vst v17;
	v17 =	vld [tilespmem:s11+$0x3E0]  }
0x6a: {  	v18 =	vld [tilespmem:s12+$0x0];
	_ =	sdelay $0x4  }
0x6b: {  	v17 =	vadd.f32 v18, v17;
	_ =	sdelay $0x1  }
0x6c: {  	v18 =	vmul.f32 $2.000000030e-01, v17;
	_ =	sdelay $0x1  }
0x6d: {  	v17 =	vmax.f32 v17, v18  }
0x6e: {  	v17 =	vmul.f32 $1.442695020e+00, v17;
	_ =	sdelay $0x1  }
0x6f: {  	(erf) = vpow2.f32 v17;
	_ =	sdelay $0x8  }
0x70: {  	v17 =	vpop (erf)  }
0x71: {  	[tilespmem:$0x9320] =	vst v17  }
0x72: {  	[tilespmem:s11+$0x9420] =	vst v17;
	v17 =	vld [tilespmem:s11+$0x430]  }
0x73: {  	v18 =	vld [tilespmem:s12+$0x10];
	_ =	sdelay $0x4  }
0x74: {  	v17 =	vadd.f32 v18, v17;
	_ =	sdelay $0x1  }
0x75: {  	v18 =	vmul.f32 $2.000000030e-01, v17;
	_ =	sdelay $0x1  }
0x76: {  	v17 =	vmax.f32 v17, v18  }
0x77: {  	v17 =	vmul.f32 $1.442695020e+00, v17;
	_ =	sdelay $0x1  }
0x78: {  	(erf) = vpow2.f32 v17;
	_ =	sdelay $0x8  }
0x79: {  	v17 =	vpop (erf)  }
0x7a: {  	[tilespmem:$0x9330] =	vst v17  }
0x7b: {  	[tilespmem:s11+$0x9470] =	vst v17;
	v17 =	vld [tilespmem:s11+$0x300]  }
0x7c: {  	v18 =	vld.idx.msk [tilespmem:v1+s19+$0x0], $0xffff;
	_ =	sdelay $0x4  }
0x7d: {  	v17 =	vmul.f32 v17, v18;
	_ =	sdelay $0x1  }
0x7e: {  	v19 =	vld [tilespmem:s11+$0x310];
	[tilespmem:s11+$0x9340] =	vst v17  }
0x7f: {  	v25 =	vld.idx.msk [tilespmem:v2+s19+$0x0], $0xffff;
	_ =	sdelay $0x4  }
0x80: {  	v19 =	vmul.f32 v19, v25;
	_ =	sdelay $0x1  }
0x81: {  	v20 =	vld [tilespmem:s11+$0x320];
	[tilespmem:s11+$0x9350] =	vst v19  }
0x82: {  	v19 =	vld.idx.msk [tilespmem:v3+s19+$0x0], $0xffff;
	_ =	sdelay $0x4  }
0x83: {  	v19 =	vmul.f32 v20, v19;
	_ =	sdelay $0x1  }
0x84: {  	v21 =	vld [tilespmem:s11+$0x330];
	[tilespmem:s11+$0x9360] =	vst v19  }
0x85: {  	v19 =	vld.idx.msk [tilespmem:v4+s19+$0x0], $0xffff;
	_ =	sdelay $0x4  }
0x86: {  	v19 =	vmul.f32 v21, v19;
	_ =	sdelay $0x1  }
0x87: {  	v22 =	vld [tilespmem:s11+$0x350];
	[tilespmem:s11+$0x9370] =	vst v19  }
0x88: {  	v19 =	vld.idx.msk [tilespmem:v5+s19+$0x0], $0xffff;
	_ =	sdelay $0x4  }
0x89: {  	v19 =	vmul.f32 v22, v19;
	_ =	sdelay $0x1  }
0x8a: {  	v23 =	vld [tilespmem:s11+$0x360];
	[tilespmem:s11+$0x9390] =	vst v19  }
0x8b: {  	v19 =	vld.idx.msk [tilespmem:v6+s19+$0x0], $0xffff;
	_ =	sdelay $0x4  }
0x8c: {  	v19 =	vmul.f32 v23, v19;
	_ =	sdelay $0x1  }
0x8d: {  	v18 =	vld [tilespmem:s11+$0x370];
	[tilespmem:s11+$0x93A0] =	vst v19  }
0x8e: {  	v19 =	vld.idx.msk [tilespmem:v7+s19+$0x0], $0xffff;
	_ =	sdelay $0x4  }
0x8f: {  	v18 =	vmul.f32 v18, v19;
	_ =	sdelay $0x1  }
0x90: {  	v24 =	vld [tilespmem:s11+$0x380];
	[tilespmem:s11+$0x93B0] =	vst v18  }
0x91: {  	v18 =	vld.idx.msk [tilespmem:v8+s19+$0x0], $0xffff;
	_ =	sdelay $0x4  }
0x92: {  	v18 =	vmul.f32 v24, v18;
	_ =	sdelay $0x1  }
0x93: {  	v17 =	vld [tilespmem:s11+$0x3A0];
	[tilespmem:s11+$0x93C0] =	vst v18  }
0x94: {  	v18 =	vld.idx.msk [tilespmem:v9+s19+$0x0], $0xffff;
	_ =	sdelay $0x4  }
0x95: {  	v17 =	vmul.f32 v17, v18;
	_ =	sdelay $0x1  }
0x96: {  	v26 =	vld [tilespmem:s11+$0x3B0];
	[tilespmem:s11+$0x93E0] =	vst v17  }
0x97: {  	v17 =	vld.idx.msk [tilespmem:v10+s19+$0x0], $0xffff;
	_ =	sdelay $0x4  }
0x98: {  	v17 =	vmul.f32 v26, v17;
	_ =	sdelay $0x1  }
0x99: {  	v27 =	vld [tilespmem:s11+$0x3C0];
	[tilespmem:s11+$0x93F0] =	vst v17  }
0x9a: {  	v17 =	vld.idx.msk [tilespmem:v11+s19+$0x0], $0xffff;
	_ =	sdelay $0x4  }
0x9b: {  	v17 =	vmul.f32 v27, v17;
	_ =	sdelay $0x1  }
0x9c: {  	v28 =	vld [tilespmem:s11+$0x3D0];
	[tilespmem:s11+$0x9400] =	vst v17  }
0x9d: {  	v17 =	vld.idx.msk [tilespmem:v12+s19+$0x0], $0xffff;
	_ =	sdelay $0x4  }
0x9e: {  	v17 =	vmul.f32 v28, v17;
	_ =	sdelay $0x1  }
0x9f: {  	v29 =	vld [tilespmem:s11+$0x3F0];
	[tilespmem:s11+$0x9410] =	vst v17  }
0xa0: {  	v17 =	vld.idx.msk [tilespmem:v13+s19+$0x0], $0xffff;
	_ =	sdelay $0x4  }
0xa1: {  	v17 =	vmul.f32 v29, v17;
	_ =	sdelay $0x1  }
0xa2: {  	v30 =	vld [tilespmem:s11+$0x400];
	[tilespmem:s11+$0x9430] =	vst v17  }
0xa3: {  	v17 =	vld.idx.msk [tilespmem:v14+s19+$0x0], $0xffff;
	_ =	sdelay $0x4  }
0xa4: {  	v17 =	vmul.f32 v30, v17;
	_ =	sdelay $0x1  }
0xa5: {  	v63 =	vld [tilespmem:s11+$0x410];
	[tilespmem:s11+$0x9440] =	vst v17  }
0xa6: {  	v17 =	vld.idx.msk [tilespmem:v15+s19+$0x0], $0xffff;
	_ =	sdelay $0x4  }
0xa7: {  	v17 =	vmul.f32 v63, v17;
	_ =	sdelay $0x1  }
0xa8: {  	v31 =	vld [tilespmem:s11+$0x420];
	[tilespmem:s11+$0x9450] =	vst v17  }
0xa9: {  	v17 =	vld.idx.msk [tilespmem:v16+s19+$0x0], $0xffff;
	_ =	sdelay $0x4  }
0xaa: {  	s29 =	simm.s32 $0xA00;
	s24 =	simm.s32 $0x500;
	v17 =	vmul.f32 v31, v17  }
.LBB2_5:
0xab: {  	s3 =	sshra.s32 s24, $0x2  }
0xac: {  	s12 =	sadd.s32 $0x40, s12;
	s24 =	smov.u32 s29;
	s31 =	sadd.s32 $0x500, s29  }
0xad: {  	p1 =	sne.s32 s29, $0x9B00;
	v18 =	vld [tilespmem:s3+$0x340];
	[tilespmem:s11+$0x9460] =	vst v17;
	s11 =	smov.u32 s3  }
0xae: {  	v17 =	vld [tilespmem:s12+$0xFFFFFFE0];
	_ =	sdelay $0x4  }
0xaf: {  	v17 =	vadd.f32 v17, v18;
	_ =	sdelay $0x1  }
0xb0: {  	v18 =	vmul.f32 $2.000000030e-01, v17;
	_ =	sdelay $0x1  }
0xb1: {  	v17 =	vmax.f32 v17, v18  }
0xb2: {  	v17 =	vmul.f32 $1.442695020e+00, v17;
	_ =	sdelay $0x1  }
0xb3: {  	(erf) = vpow2.f32 v17;
	_ =	sdelay $0x8  }
0xb4: {  	v17 =	vpop (erf)  }
0xb5: {  	[tilespmem:$0x9300] =	vst v17  }
0xb6: {  	[tilespmem:s11+$0x9380] =	vst v17;
	v17 =	vld [tilespmem:s11+$0x390]  }
0xb7: {  	v18 =	vld [tilespmem:s12+$0xFFFFFFF0];
	_ =	sdelay $0x4  }
0xb8: {  	v17 =	vadd.f32 v18, v17;
	_ =	sdelay $0x1  }
0xb9: {  	v18 =	vmul.f32 $2.000000030e-01, v17;
	_ =	sdelay $0x1  }
0xba: {  	v17 =	vmax.f32 v17, v18  }
0xbb: {  	v17 =	vmul.f32 $1.442695020e+00, v17;
	_ =	sdelay $0x1  }
0xbc: {  	(erf) = vpow2.f32 v17;
	_ =	sdelay $0x8  }
0xbd: {  	v17 =	vpop (erf)  }
0xbe: {  	[tilespmem:$0x9310] =	vst v17  }
0xbf: {  	[tilespmem:s11+$0x93D0] =	vst v17;
	v17 =	vld [tilespmem:s11+$0x3E0]  }
0xc0: {  	v18 =	vld [tilespmem:s12+$0x0];
	_ =	sdelay $0x4  }
0xc1: {  	v17 =	vadd.f32 v18, v17;
	_ =	sdelay $0x1  }
0xc2: {  	v18 =	vmul.f32 $2.000000030e-01, v17;
	_ =	sdelay $0x1  }
0xc3: {  	v17 =	vmax.f32 v17, v18  }
0xc4: {  	v17 =	vmul.f32 $1.442695020e+00, v17;
	_ =	sdelay $0x1  }
0xc5: {  	(erf) = vpow2.f32 v17;
	_ =	sdelay $0x8  }
0xc6: {  	v17 =	vpop (erf)  }
0xc7: {  	[tilespmem:$0x9320] =	vst v17  }
0xc8: {  	[tilespmem:s11+$0x9420] =	vst v17;
	v17 =	vld [tilespmem:s11+$0x430]  }
0xc9: {  	v18 =	vld [tilespmem:s12+$0x10];
	_ =	sdelay $0x4  }
0xca: {  	v17 =	vadd.f32 v18, v17;
	_ =	sdelay $0x1  }
0xcb: {  	v18 =	vmul.f32 $2.000000030e-01, v17;
	_ =	sdelay $0x1  }
0xcc: {  	v17 =	vmax.f32 v17, v18  }
0xcd: {  	v17 =	vmul.f32 $1.442695020e+00, v17;
	_ =	sdelay $0x1  }
0xce: {  	(erf) = vpow2.f32 v17;
	_ =	sdelay $0x8  }
0xcf: {  	v17 =	vpop (erf)  }
0xd0: {  	[tilespmem:$0x9330] =	vst v17  }
0xd1: {  	[tilespmem:s11+$0x9470] =	vst v17;
	v17 =	vld [tilespmem:s11+$0x300]  }
0xd2: {  	v18 =	vld.idx.msk [tilespmem:v1+s19+$0x0], $0xffff  }
0xd3: {  	v21 =	vld [tilespmem:s11+$0x310]  }
0xd4: {  	v22 =	vld [tilespmem:s11+$0x320]  }
0xd5: {  	v23 =	vld [tilespmem:s11+$0x330]  }
0xd6: {  	v24 =	vld [tilespmem:s11+$0x350]  }
0xd7: {  	v25 =	vld [tilespmem:s11+$0x360]  }
0xd8: {  	v17 =	vmul.f32 v17, v18;
	v26 =	vld [tilespmem:s11+$0x370]  }
0xd9: {  	v27 =	vld [tilespmem:s11+$0x380]  }
0xda: {  	[tilespmem:s11+$0x9340] =	vst v17;
	v28 =	vld [tilespmem:s11+$0x3A0]  }
0xdb: {  	v17 =	vld.idx.msk [tilespmem:v2+s19+$0x0], $0xffff  }
0xdc: {  	v29 =	vld [tilespmem:s11+$0x3B0]  }
0xdd: {  	v30 =	vld [tilespmem:s11+$0x3C0]  }
0xde: {  	v31 =	vld [tilespmem:s11+$0x3D0]  }
0xdf: {  	v20 =	vld [tilespmem:s11+$0x3F0]  }
0xe0: {  	v19 =	vld [tilespmem:s11+$0x400]  }
0xe1: {  	v21 =	vmul.f32 v21, v17;
	v18 =	vld [tilespmem:s11+$0x410]  }
0xe2: {  	v17 =	vld [tilespmem:s11+$0x420]  }
0xe3: {  	[tilespmem:s11+$0x9350] =	vst v21  }
0xe4: {  	v21 =	vld.idx.msk [tilespmem:v3+s19+$0x0], $0xffff;
	_ =	sdelay $0x5  }
0xe5: {  	v21 =	vmul.f32 v22, v21;
	_ =	sdelay $0x1  }
0xe6: {  	[tilespmem:s11+$0x9360] =	vst v21  }
0xe7: {  	v21 =	vld.idx.msk [tilespmem:v4+s19+$0x0], $0xffff;
	_ =	sdelay $0x5  }
0xe8: {  	v21 =	vmul.f32 v23, v21;
	_ =	sdelay $0x1  }
0xe9: {  	[tilespmem:s11+$0x9370] =	vst v21  }
0xea: {  	v21 =	vld.idx.msk [tilespmem:v5+s19+$0x0], $0xffff;
	_ =	sdelay $0x5  }
0xeb: {  	v21 =	vmul.f32 v24, v21;
	_ =	sdelay $0x1  }
0xec: {  	[tilespmem:s11+$0x9390] =	vst v21  }
0xed: {  	v21 =	vld.idx.msk [tilespmem:v6+s19+$0x0], $0xffff;
	_ =	sdelay $0x5  }
0xee: {  	v21 =	vmul.f32 v25, v21;
	_ =	sdelay $0x1  }
0xef: {  	[tilespmem:s11+$0x93A0] =	vst v21  }
0xf0: {  	v21 =	vld.idx.msk [tilespmem:v7+s19+$0x0], $0xffff;
	_ =	sdelay $0x5  }
0xf1: {  	v21 =	vmul.f32 v26, v21;
	_ =	sdelay $0x1  }
0xf2: {  	[tilespmem:s11+$0x93B0] =	vst v21  }
0xf3: {  	v21 =	vld.idx.msk [tilespmem:v8+s19+$0x0], $0xffff;
	_ =	sdelay $0x5  }
0xf4: {  	v21 =	vmul.f32 v27, v21;
	_ =	sdelay $0x1  }
0xf5: {  	[tilespmem:s11+$0x93C0] =	vst v21  }
0xf6: {  	v21 =	vld.idx.msk [tilespmem:v9+s19+$0x0], $0xffff;
	_ =	sdelay $0x5  }
0xf7: {  	v21 =	vmul.f32 v28, v21;
	_ =	sdelay $0x1  }
0xf8: {  	[tilespmem:s11+$0x93E0] =	vst v21  }
0xf9: {  	v21 =	vld.idx.msk [tilespmem:v10+s19+$0x0], $0xffff;
	_ =	sdelay $0x5  }
0xfa: {  	v21 =	vmul.f32 v29, v21;
	_ =	sdelay $0x1  }
0xfb: {  	[tilespmem:s11+$0x93F0] =	vst v21  }
0xfc: {  	v21 =	vld.idx.msk [tilespmem:v11+s19+$0x0], $0xffff;
	_ =	sdelay $0x5  }
0xfd: {  	v21 =	vmul.f32 v30, v21;
	_ =	sdelay $0x1  }
0xfe: {  	[tilespmem:s11+$0x9400] =	vst v21  }
0xff: {  	v21 =	vld.idx.msk [tilespmem:v12+s19+$0x0], $0xffff;
	_ =	sdelay $0x5  }
0x100: {  	v21 =	vmul.f32 v31, v21;
	_ =	sdelay $0x1  }
0x101: {  	[tilespmem:s11+$0x9410] =	vst v21  }
0x102: {  	v21 =	vld.idx.msk [tilespmem:v13+s19+$0x0], $0xffff;
	_ =	sdelay $0x5  }
0x103: {  	v20 =	vmul.f32 v20, v21;
	_ =	sdelay $0x1  }
0x104: {  	[tilespmem:s11+$0x9430] =	vst v20  }
0x105: {  	v20 =	vld.idx.msk [tilespmem:v14+s19+$0x0], $0xffff;
	_ =	sdelay $0x5  }
0x106: {  	v19 =	vmul.f32 v19, v20;
	_ =	sdelay $0x1  }
0x107: {  	[tilespmem:s11+$0x9440] =	vst v19  }
0x108: {  	v19 =	vld.idx.msk [tilespmem:v15+s19+$0x0], $0xffff;
	_ =	sdelay $0x5  }
0x109: {  	v18 =	vmul.f32 v18, v19;
	_ =	sdelay $0x1  }
0x10a: {  	[tilespmem:s11+$0x9450] =	vst v18  }
0x10b: {  	v18 =	vld.idx.msk [tilespmem:v16+s19+$0x0], $0xffff;
	_ =	sdelay $0x1  }
.Ltmp1:
0x10c: {  	(pc) =	sbr.rel @p1 .LBB2_5-.Ltmp1, $2  }
0x10d: {  	_ =	sdelay $0x2  }
0x10e: {  	s29 =	smov.u32 s31;
	v17 =	vmul.f32 v17, v18  }
0x10f: {  	s24 =	sshra.s32 s24, $0x2  }
0x110: {  	s3 =	sadd.s32 $0x40, s12;
	v18 =	vld [tilespmem:s24+$0x340];
	[tilespmem:s11+$0x9460] =	vst v17  }
0x111: {  	v17 =	vld [tilespmem:s3+$0xFFFFFFE0];
	_ =	sdelay $0x4  }
0x112: {  	v17 =	vadd.f32 v17, v18;
	_ =	sdelay $0x1  }
0x113: {  	v18 =	vmul.f32 $2.000000030e-01, v17;
	_ =	sdelay $0x1  }
0x114: {  	v17 =	vmax.f32 v17, v18  }
0x115: {  	v17 =	vmul.f32 $1.442695020e+00, v17;
	_ =	sdelay $0x1  }
0x116: {  	(erf) = vpow2.f32 v17;
	_ =	sdelay $0x8  }
0x117: {  	v17 =	vpop (erf)  }
0x118: {  	[tilespmem:$0x9300] =	vst v17  }
0x119: {  	[tilespmem:s24+$0x9380] =	vst v17;
	v17 =	vld [tilespmem:s24+$0x390]  }
0x11a: {  	v18 =	vld [tilespmem:s3+$0xFFFFFFF0];
	_ =	sdelay $0x4  }
0x11b: {  	v17 =	vadd.f32 v18, v17;
	_ =	sdelay $0x1  }
0x11c: {  	v18 =	vmul.f32 $2.000000030e-01, v17;
	_ =	sdelay $0x1  }
0x11d: {  	v17 =	vmax.f32 v17, v18  }
0x11e: {  	v17 =	vmul.f32 $1.442695020e+00, v17;
	_ =	sdelay $0x1  }
0x11f: {  	(erf) = vpow2.f32 v17;
	_ =	sdelay $0x8  }
0x120: {  	v17 =	vpop (erf)  }
0x121: {  	[tilespmem:$0x9310] =	vst v17  }
0x122: {  	[tilespmem:s24+$0x93D0] =	vst v17;
	v17 =	vld [tilespmem:s24+$0x3E0]  }
0x123: {  	v18 =	vld [tilespmem:s3+$0x0];
	_ =	sdelay $0x4  }
0x124: {  	v17 =	vadd.f32 v18, v17;
	_ =	sdelay $0x1  }
0x125: {  	v18 =	vmul.f32 $2.000000030e-01, v17;
	_ =	sdelay $0x1  }
0x126: {  	v17 =	vmax.f32 v17, v18  }
0x127: {  	v17 =	vmul.f32 $1.442695020e+00, v17;
	_ =	sdelay $0x1  }
0x128: {  	(erf) = vpow2.f32 v17;
	_ =	sdelay $0x8  }
0x129: {  	v17 =	vpop (erf)  }
0x12a: {  	[tilespmem:$0x9320] =	vst v17  }
0x12b: {  	[tilespmem:s24+$0x9420] =	vst v17;
	v17 =	vld [tilespmem:s24+$0x430]  }
0x12c: {  	v18 =	vld [tilespmem:s3+$0x10];
	_ =	sdelay $0x4  }
0x12d: {  	v17 =	vadd.f32 v18, v17;
	_ =	sdelay $0x1  }
0x12e: {  	v18 =	vmul.f32 $2.000000030e-01, v17;
	_ =	sdelay $0x1  }
0x12f: {  	v17 =	vmax.f32 v17, v18  }
0x130: {  	v17 =	vmul.f32 $1.442695020e+00, v17;
	_ =	sdelay $0x1  }
0x131: {  	(erf) = vpow2.f32 v17;
	_ =	sdelay $0x8  }
0x132: {  	v17 =	vpop (erf)  }
0x133: {  	[tilespmem:$0x9330] =	vst v17  }
0x134: {  	[tilespmem:s24+$0x9470] =	vst v17;
	v17 =	vld [tilespmem:s24+$0x300]  }
0x135: {  	v18 =	vld.idx.msk [tilespmem:v1+s19+$0x0], $0xffff;
	_ =	sdelay $0x4  }
0x136: {  	v17 =	vmul.f32 v17, v18;
	_ =	sdelay $0x1  }
0x137: {  	v18 =	vld [tilespmem:s24+$0x310];
	[tilespmem:s24+$0x9340] =	vst v17  }
0x138: {  	v17 =	vld.idx.msk [tilespmem:v2+s19+$0x0], $0xffff;
	_ =	sdelay $0x4  }
0x139: {  	v17 =	vmul.f32 v18, v17;
	_ =	sdelay $0x1  }
0x13a: {  	v18 =	vld [tilespmem:s24+$0x320];
	[tilespmem:s24+$0x9350] =	vst v17  }
0x13b: {  	v17 =	vld.idx.msk [tilespmem:v3+s19+$0x0], $0xffff;
	_ =	sdelay $0x4  }
0x13c: {  	v17 =	vmul.f32 v18, v17;
	_ =	sdelay $0x1  }
0x13d: {  	v18 =	vld [tilespmem:s24+$0x330];
	[tilespmem:s24+$0x9360] =	vst v17  }
0x13e: {  	v17 =	vld.idx.msk [tilespmem:v4+s19+$0x0], $0xffff;
	_ =	sdelay $0x4  }
0x13f: {  	v17 =	vmul.f32 v18, v17;
	_ =	sdelay $0x1  }
0x140: {  	v18 =	vld [tilespmem:s24+$0x350];
	[tilespmem:s24+$0x9370] =	vst v17  }
0x141: {  	v17 =	vld.idx.msk [tilespmem:v5+s19+$0x0], $0xffff;
	_ =	sdelay $0x4  }
0x142: {  	v17 =	vmul.f32 v18, v17;
	_ =	sdelay $0x1  }
0x143: {  	v18 =	vld [tilespmem:s24+$0x360];
	[tilespmem:s24+$0x9390] =	vst v17  }
0x144: {  	v17 =	vld.idx.msk [tilespmem:v6+s19+$0x0], $0xffff;
	_ =	sdelay $0x4  }
0x145: {  	v17 =	vmul.f32 v18, v17;
	_ =	sdelay $0x1  }
0x146: {  	v18 =	vld [tilespmem:s24+$0x370];
	[tilespmem:s24+$0x93A0] =	vst v17  }
0x147: {  	v17 =	vld.idx.msk [tilespmem:v7+s19+$0x0], $0xffff;
	_ =	sdelay $0x4  }
0x148: {  	v17 =	vmul.f32 v18, v17;
	_ =	sdelay $0x1  }
0x149: {  	v18 =	vld [tilespmem:s24+$0x380];
	[tilespmem:s24+$0x93B0] =	vst v17  }
0x14a: {  	v17 =	vld.idx.msk [tilespmem:v8+s19+$0x0], $0xffff;
	_ =	sdelay $0x4  }
0x14b: {  	v17 =	vmul.f32 v18, v17;
	_ =	sdelay $0x1  }
0x14c: {  	v18 =	vld [tilespmem:s24+$0x3A0];
	[tilespmem:s24+$0x93C0] =	vst v17  }
0x14d: {  	v17 =	vld.idx.msk [tilespmem:v9+s19+$0x0], $0xffff;
	_ =	sdelay $0x4  }
0x14e: {  	v17 =	vmul.f32 v18, v17;
	_ =	sdelay $0x1  }
0x14f: {  	v18 =	vld [tilespmem:s24+$0x3B0];
	[tilespmem:s24+$0x93E0] =	vst v17  }
0x150: {  	v17 =	vld.idx.msk [tilespmem:v10+s19+$0x0], $0xffff;
	_ =	sdelay $0x4  }
0x151: {  	v17 =	vmul.f32 v18, v17;
	_ =	sdelay $0x1  }
0x152: {  	v18 =	vld [tilespmem:s24+$0x3C0];
	[tilespmem:s24+$0x93F0] =	vst v17  }
0x153: {  	v17 =	vld.idx.msk [tilespmem:v11+s19+$0x0], $0xffff;
	_ =	sdelay $0x4  }
0x154: {  	v17 =	vmul.f32 v18, v17;
	_ =	sdelay $0x1  }
0x155: {  	v18 =	vld [tilespmem:s24+$0x3D0];
	[tilespmem:s24+$0x9400] =	vst v17  }
0x156: {  	v17 =	vld.idx.msk [tilespmem:v12+s19+$0x0], $0xffff;
	_ =	sdelay $0x4  }
0x157: {  	v17 =	vmul.f32 v18, v17;
	_ =	sdelay $0x1  }
0x158: {  	v18 =	vld [tilespmem:s24+$0x3F0];
	[tilespmem:s24+$0x9410] =	vst v17  }
0x159: {  	v17 =	vld.idx.msk [tilespmem:v13+s19+$0x0], $0xffff;
	_ =	sdelay $0x4  }
0x15a: {  	v17 =	vmul.f32 v18, v17;
	_ =	sdelay $0x1  }
0x15b: {  	v18 =	vld [tilespmem:s24+$0x400];
	[tilespmem:s24+$0x9430] =	vst v17  }
0x15c: {  	v17 =	vld.idx.msk [tilespmem:v14+s19+$0x0], $0xffff;
	_ =	sdelay $0x4  }
0x15d: {  	v17 =	vmul.f32 v18, v17;
	_ =	sdelay $0x1  }
0x15e: {  	v18 =	vld [tilespmem:s24+$0x410];
	[tilespmem:s24+$0x9440] =	vst v17  }
0x15f: {  	v17 =	vld.idx.msk [tilespmem:v15+s19+$0x0], $0xffff;
	_ =	sdelay $0x4  }
0x160: {  	v17 =	vmul.f32 v18, v17;
	_ =	sdelay $0x1  }
0x161: {  	v18 =	vld [tilespmem:s24+$0x420];
	[tilespmem:s24+$0x9450] =	vst v17  }
0x162: {  	v17 =	vld.idx.msk [tilespmem:v16+s19+$0x0], $0xffff;
	_ =	sdelay $0x4  }
0x163: {  	v17 =	vmul.f32 v18, v17;
	_ =	sdelay $0x1  }
0x164: {  	s29 =	sadd.s32 s10, s14;
	s3 =	simm.s32 @!p0 $0x6;
	[tilespmem:s24+$0x9460] =	vst v17  }
0x165: {  	[spmem:s2] =	stream.indirect.scatter.add.f32 [tilespmem:s26], [sflag:$0x4], $0x50, s18, s18, $0xb8;
	[tilespmem:$0x1CEE0] =	vst v63  }
0x166: {  	s11 =	sshll.u32 s29, $0x5;
	_ =	swait.ge @!p0 [sflag:s3], $0x2800  }
0x167: {  	s11 =	sand.u32 $0x1FFFFFE0, s11;
	[sflag:s3] =	ssyncset.done @!p0 $0x0  }
0x168: {  	s12 =	sadd.s32 s5, s11;
	s24 =	simm.s32 $0x0;
	[sflag:s3] =	ssyncadd.s32 @!p0 $0xFFFFD800  }
0x169: {  	[tilespmem:s25], [sflag:$0x7] =	stream.linear.gather [hbm4b:s12+s24], $0x100, $0x38;
	[tilespmem:$0x1CEE0] =	vst v63  }
0x16a: {  	_ =	swait.ge [sflag:s17], $0x100  }
0x16b: {  	[sflag:s17] =	ssyncset.done $0x0  }
0x16c: {  	s29 =	simm.s32 $0x5300;
	[sflag:s17] =	ssyncadd.s32 $0xFFFFFF00  }
0x16d: {  	[tilespmem:s29], [sflag:$0x3] =	stream.indirect.gather [hbm4b:s6+s18], $0x50, s25, s18, $0xb8;
	[tilespmem:$0x1CEE0] =	vst v63  }
0x16e: {  	_ = 	snop  }
0x16f: {  	[tilespmem:s7], [sflag:$0x3] =	stream.indirect.gather [hbm4b:s1+s18], $0x10, s4, s18, $0xb8;
	[tilespmem:$0x1CEE0] =	vst v63  }
0x170: {  	_ =	swait.ge [sflag:s16], $0x2800  }
0x171: {  	[sflag:s16] =	ssyncset.done $0x0  }
0x172: {  	[sflag:s16] =	ssyncadd.s32 $0xFFFFD800  }
0x173: {  	_ =	swait.ge [sflag:s16], $0x800  }
0x174: {  	[sflag:s16] =	ssyncset.done $0x0  }
0x175: {  	s11 =	simm.s32 $0x0;
	[sflag:s16] =	ssyncadd.s32 $0xFFFFF800  }
0x176: {  	s12 =	simm.s32 $0x8320;
	v17 =	vld [tilespmem:s11+$0x2B40]  }
0x177: {  	v18 =	vld [tilespmem:s12+$0xFFFFFFE0];
	_ =	sdelay $0x4  }
0x178: {  	v17 =	vadd.f32 v18, v17;
	_ =	sdelay $0x1  }
0x179: {  	v18 =	vmul.f32 $2.000000030e-01, v17;
	_ =	sdelay $0x1  }
0x17a: {  	v17 =	vmax.f32 v17, v18  }
0x17b: {  	v17 =	vmul.f32 $1.442695020e+00, v17;
	_ =	sdelay $0x1  }
0x17c: {  	(erf) = vpow2.f32 v17;
	_ =	sdelay $0x8  }
0x17d: {  	v17 =	vpop (erf)  }
0x17e: {  	[tilespmem:$0x9300] =	vst v17  }
0x17f: {  	[tilespmem:s11+$0xBB80] =	vst v17;
	v17 =	vld [tilespmem:s11+$0x2B90]  }
0x180: {  	v18 =	vld [tilespmem:s12+$0xFFFFFFF0];
	_ =	sdelay $0x4  }
0x181: {  	v17 =	vadd.f32 v18, v17;
	_ =	sdelay $0x1  }
0x182: {  	v18 =	vmul.f32 $2.000000030e-01, v17;
	_ =	sdelay $0x1  }
0x183: {  	v17 =	vmax.f32 v17, v18  }
0x184: {  	v17 =	vmul.f32 $1.442695020e+00, v17;
	_ =	sdelay $0x1  }
0x185: {  	(erf) = vpow2.f32 v17;
	_ =	sdelay $0x8  }
0x186: {  	v17 =	vpop (erf)  }
0x187: {  	[tilespmem:$0x9310] =	vst v17  }
0x188: {  	[tilespmem:s11+$0xBBD0] =	vst v17;
	v17 =	vld [tilespmem:s11+$0x2BE0]  }
0x189: {  	v18 =	vld [tilespmem:s12+$0x0];
	_ =	sdelay $0x4  }
0x18a: {  	v17 =	vadd.f32 v18, v17;
	_ =	sdelay $0x1  }
0x18b: {  	v18 =	vmul.f32 $2.000000030e-01, v17;
	_ =	sdelay $0x1  }
0x18c: {  	v17 =	vmax.f32 v17, v18  }
0x18d: {  	v17 =	vmul.f32 $1.442695020e+00, v17;
	_ =	sdelay $0x1  }
0x18e: {  	(erf) = vpow2.f32 v17;
	_ =	sdelay $0x8  }
0x18f: {  	v17 =	vpop (erf)  }
0x190: {  	[tilespmem:$0x9320] =	vst v17  }
0x191: {  	[tilespmem:s11+$0xBC20] =	vst v17;
	v17 =	vld [tilespmem:s11+$0x2C30]  }
0x192: {  	v18 =	vld [tilespmem:s12+$0x10];
	_ =	sdelay $0x4  }
0x193: {  	v17 =	vadd.f32 v18, v17;
	_ =	sdelay $0x1  }
0x194: {  	v18 =	vmul.f32 $2.000000030e-01, v17;
	_ =	sdelay $0x1  }
0x195: {  	v17 =	vmax.f32 v17, v18  }
0x196: {  	v17 =	vmul.f32 $1.442695020e+00, v17;
	_ =	sdelay $0x1  }
0x197: {  	(erf) = vpow2.f32 v17;
	_ =	sdelay $0x8  }
0x198: {  	v17 =	vpop (erf)  }
0x199: {  	[tilespmem:$0x9330] =	vst v17  }
0x19a: {  	[tilespmem:s11+$0xBC70] =	vst v17;
	v17 =	vld [tilespmem:s11+$0x2B00]  }
0x19b: {  	v18 =	vld.idx.msk [tilespmem:v1+s19+$0x0], $0xffff;
	_ =	sdelay $0x4  }
0x19c: {  	v17 =	vmul.f32 v17, v18;
	_ =	sdelay $0x1  }
0x19d: {  	v19 =	vld [tilespmem:s11+$0x2B10];
	[tilespmem:s11+$0xBB40] =	vst v17  }
0x19e: {  	v25 =	vld.idx.msk [tilespmem:v2+s19+$0x0], $0xffff;
	_ =	sdelay $0x4  }
0x19f: {  	v19 =	vmul.f32 v19, v25;
	_ =	sdelay $0x1  }
0x1a0: {  	v20 =	vld [tilespmem:s11+$0x2B20];
	[tilespmem:s11+$0xBB50] =	vst v19  }
0x1a1: {  	v19 =	vld.idx.msk [tilespmem:v3+s19+$0x0], $0xffff;
	_ =	sdelay $0x4  }
0x1a2: {  	v19 =	vmul.f32 v20, v19;
	_ =	sdelay $0x1  }
0x1a3: {  	v21 =	vld [tilespmem:s11+$0x2B30];
	[tilespmem:s11+$0xBB60] =	vst v19  }
0x1a4: {  	v19 =	vld.idx.msk [tilespmem:v4+s19+$0x0], $0xffff;
	_ =	sdelay $0x4  }
0x1a5: {  	v19 =	vmul.f32 v21, v19;
	_ =	sdelay $0x1  }
0x1a6: {  	v22 =	vld [tilespmem:s11+$0x2B50];
	[tilespmem:s11+$0xBB70] =	vst v19  }
0x1a7: {  	v19 =	vld.idx.msk [tilespmem:v5+s19+$0x0], $0xffff;
	_ =	sdelay $0x4  }
0x1a8: {  	v19 =	vmul.f32 v22, v19;
	_ =	sdelay $0x1  }
0x1a9: {  	v23 =	vld [tilespmem:s11+$0x2B60];
	[tilespmem:s11+$0xBB90] =	vst v19  }
0x1aa: {  	v19 =	vld.idx.msk [tilespmem:v6+s19+$0x0], $0xffff;
	_ =	sdelay $0x4  }
0x1ab: {  	v19 =	vmul.f32 v23, v19;
	_ =	sdelay $0x1  }
0x1ac: {  	v18 =	vld [tilespmem:s11+$0x2B70];
	[tilespmem:s11+$0xBBA0] =	vst v19  }
0x1ad: {  	v19 =	vld.idx.msk [tilespmem:v7+s19+$0x0], $0xffff;
	_ =	sdelay $0x4  }
0x1ae: {  	v18 =	vmul.f32 v18, v19;
	_ =	sdelay $0x1  }
0x1af: {  	v24 =	vld [tilespmem:s11+$0x2B80];
	[tilespmem:s11+$0xBBB0] =	vst v18  }
0x1b0: {  	v18 =	vld.idx.msk [tilespmem:v8+s19+$0x0], $0xffff;
	_ =	sdelay $0x4  }
0x1b1: {  	v18 =	vmul.f32 v24, v18;
	_ =	sdelay $0x1  }
0x1b2: {  	v17 =	vld [tilespmem:s11+$0x2BA0];
	[tilespmem:s11+$0xBBC0] =	vst v18  }
0x1b3: {  	v18 =	vld.idx.msk [tilespmem:v9+s19+$0x0], $0xffff;
	_ =	sdelay $0x4  }
0x1b4: {  	v17 =	vmul.f32 v17, v18;
	_ =	sdelay $0x1  }
0x1b5: {  	v26 =	vld [tilespmem:s11+$0x2BB0];
	[tilespmem:s11+$0xBBE0] =	vst v17  }
0x1b6: {  	v17 =	vld.idx.msk [tilespmem:v10+s19+$0x0], $0xffff;
	_ =	sdelay $0x4  }
0x1b7: {  	v17 =	vmul.f32 v26, v17;
	_ =	sdelay $0x1  }
0x1b8: {  	v27 =	vld [tilespmem:s11+$0x2BC0];
	[tilespmem:s11+$0xBBF0] =	vst v17  }
0x1b9: {  	v17 =	vld.idx.msk [tilespmem:v11+s19+$0x0], $0xffff;
	_ =	sdelay $0x4  }
0x1ba: {  	v17 =	vmul.f32 v27, v17;
	_ =	sdelay $0x1  }
0x1bb: {  	v28 =	vld [tilespmem:s11+$0x2BD0];
	[tilespmem:s11+$0xBC00] =	vst v17  }
0x1bc: {  	v17 =	vld.idx.msk [tilespmem:v12+s19+$0x0], $0xffff;
	_ =	sdelay $0x4  }
0x1bd: {  	v17 =	vmul.f32 v28, v17;
	_ =	sdelay $0x1  }
0x1be: {  	v29 =	vld [tilespmem:s11+$0x2BF0];
	[tilespmem:s11+$0xBC10] =	vst v17  }
0x1bf: {  	v17 =	vld.idx.msk [tilespmem:v13+s19+$0x0], $0xffff;
	_ =	sdelay $0x4  }
0x1c0: {  	v17 =	vmul.f32 v29, v17;
	_ =	sdelay $0x1  }
0x1c1: {  	v30 =	vld [tilespmem:s11+$0x2C00];
	[tilespmem:s11+$0xBC30] =	vst v17  }
0x1c2: {  	v17 =	vld.idx.msk [tilespmem:v14+s19+$0x0], $0xffff;
	_ =	sdelay $0x4  }
0x1c3: {  	v17 =	vmul.f32 v30, v17;
	_ =	sdelay $0x1  }
0x1c4: {  	v63 =	vld [tilespmem:s11+$0x2C10];
	[tilespmem:s11+$0xBC40] =	vst v17  }
0x1c5: {  	v17 =	vld.idx.msk [tilespmem:v15+s19+$0x0], $0xffff;
	_ =	sdelay $0x4  }
0x1c6: {  	v17 =	vmul.f32 v63, v17;
	_ =	sdelay $0x1  }
0x1c7: {  	v31 =	vld [tilespmem:s11+$0x2C20];
	[tilespmem:s11+$0xBC50] =	vst v17  }
0x1c8: {  	v17 =	vld.idx.msk [tilespmem:v16+s19+$0x0], $0xffff;
	_ =	sdelay $0x4  }
0x1c9: {  	s31 =	simm.s32 $0xA00;
	s24 =	simm.s32 $0x500;
	v17 =	vmul.f32 v31, v17  }
.LBB2_7:
0x1ca: {  	s3 =	sshra.s32 s24, $0x2  }
0x1cb: {  	s12 =	sadd.s32 $0x40, s12;
	s24 =	smov.u32 s31;
	s29 =	sadd.s32 $0x500, s31  }
0x1cc: {  	p0 =	sne.s32 s31, $0x9B00;
	v18 =	vld [tilespmem:s3+$0x2B40];
	[tilespmem:s11+$0xBC60] =	vst v17;
	s11 =	smov.u32 s3  }
0x1cd: {  	v17 =	vld [tilespmem:s12+$0xFFFFFFE0];
	_ =	sdelay $0x4  }
0x1ce: {  	v17 =	vadd.f32 v17, v18;
	_ =	sdelay $0x1  }
0x1cf: {  	v18 =	vmul.f32 $2.000000030e-01, v17;
	_ =	sdelay $0x1  }
0x1d0: {  	v17 =	vmax.f32 v17, v18  }
0x1d1: {  	v17 =	vmul.f32 $1.442695020e+00, v17;
	_ =	sdelay $0x1  }
0x1d2: {  	(erf) = vpow2.f32 v17;
	_ =	sdelay $0x8  }
0x1d3: {  	v17 =	vpop (erf)  }
0x1d4: {  	[tilespmem:$0x9300] =	vst v17  }
0x1d5: {  	[tilespmem:s11+$0xBB80] =	vst v17;
	v17 =	vld [tilespmem:s11+$0x2B90]  }
0x1d6: {  	v18 =	vld [tilespmem:s12+$0xFFFFFFF0];
	_ =	sdelay $0x4  }
0x1d7: {  	v17 =	vadd.f32 v18, v17;
	_ =	sdelay $0x1  }
0x1d8: {  	v18 =	vmul.f32 $2.000000030e-01, v17;
	_ =	sdelay $0x1  }
0x1d9: {  	v17 =	vmax.f32 v17, v18  }
0x1da: {  	v17 =	vmul.f32 $1.442695020e+00, v17;
	_ =	sdelay $0x1  }
0x1db: {  	(erf) = vpow2.f32 v17;
	_ =	sdelay $0x8  }
0x1dc: {  	v17 =	vpop (erf)  }
0x1dd: {  	[tilespmem:$0x9310] =	vst v17  }
0x1de: {  	[tilespmem:s11+$0xBBD0] =	vst v17;
	v17 =	vld [tilespmem:s11+$0x2BE0]  }
0x1df: {  	v18 =	vld [tilespmem:s12+$0x0];
	_ =	sdelay $0x4  }
0x1e0: {  	v17 =	vadd.f32 v18, v17;
	_ =	sdelay $0x1  }
0x1e1: {  	v18 =	vmul.f32 $2.000000030e-01, v17;
	_ =	sdelay $0x1  }
0x1e2: {  	v17 =	vmax.f32 v17, v18  }
0x1e3: {  	v17 =	vmul.f32 $1.442695020e+00, v17;
	_ =	sdelay $0x1  }
0x1e4: {  	(erf) = vpow2.f32 v17;
	_ =	sdelay $0x8  }
0x1e5: {  	v17 =	vpop (erf)  }
0x1e6: {  	[tilespmem:$0x9320] =	vst v17  }
0x1e7: {  	[tilespmem:s11+$0xBC20] =	vst v17;
	v17 =	vld [tilespmem:s11+$0x2C30]  }
0x1e8: {  	v18 =	vld [tilespmem:s12+$0x10];
	_ =	sdelay $0x4  }
0x1e9: {  	v17 =	vadd.f32 v18, v17;
	_ =	sdelay $0x1  }
0x1ea: {  	v18 =	vmul.f32 $2.000000030e-01, v17;
	_ =	sdelay $0x1  }
0x1eb: {  	v17 =	vmax.f32 v17, v18  }
0x1ec: {  	v17 =	vmul.f32 $1.442695020e+00, v17;
	_ =	sdelay $0x1  }
0x1ed: {  	(erf) = vpow2.f32 v17;
	_ =	sdelay $0x8  }
0x1ee: {  	v17 =	vpop (erf)  }
0x1ef: {  	[tilespmem:$0x9330] =	vst v17  }
0x1f0: {  	[tilespmem:s11+$0xBC70] =	vst v17;
	v17 =	vld [tilespmem:s11+$0x2B00]  }
0x1f1: {  	v18 =	vld.idx.msk [tilespmem:v1+s19+$0x0], $0xffff  }
0x1f2: {  	v21 =	vld [tilespmem:s11+$0x2B10]  }
0x1f3: {  	v22 =	vld [tilespmem:s11+$0x2B20]  }
0x1f4: {  	v23 =	vld [tilespmem:s11+$0x2B30]  }
0x1f5: {  	v24 =	vld [tilespmem:s11+$0x2B50]  }
0x1f6: {  	v25 =	vld [tilespmem:s11+$0x2B60]  }
0x1f7: {  	v17 =	vmul.f32 v17, v18;
	v26 =	vld [tilespmem:s11+$0x2B70]  }
0x1f8: {  	v27 =	vld [tilespmem:s11+$0x2B80]  }
0x1f9: {  	[tilespmem:s11+$0xBB40] =	vst v17;
	v28 =	vld [tilespmem:s11+$0x2BA0]  }
0x1fa: {  	v17 =	vld.idx.msk [tilespmem:v2+s19+$0x0], $0xffff  }
0x1fb: {  	v29 =	vld [tilespmem:s11+$0x2BB0]  }
0x1fc: {  	v30 =	vld [tilespmem:s11+$0x2BC0]  }
0x1fd: {  	v31 =	vld [tilespmem:s11+$0x2BD0]  }
0x1fe: {  	v20 =	vld [tilespmem:s11+$0x2BF0]  }
0x1ff: {  	v19 =	vld [tilespmem:s11+$0x2C00]  }
0x200: {  	v21 =	vmul.f32 v21, v17;
	v18 =	vld [tilespmem:s11+$0x2C10]  }
0x201: {  	v17 =	vld [tilespmem:s11+$0x2C20]  }
0x202: {  	[tilespmem:s11+$0xBB50] =	vst v21  }
0x203: {  	v21 =	vld.idx.msk [tilespmem:v3+s19+$0x0], $0xffff;
	_ =	sdelay $0x5  }
0x204: {  	v21 =	vmul.f32 v22, v21;
	_ =	sdelay $0x1  }
0x205: {  	[tilespmem:s11+$0xBB60] =	vst v21  }
0x206: {  	v21 =	vld.idx.msk [tilespmem:v4+s19+$0x0], $0xffff;
	_ =	sdelay $0x5  }
0x207: {  	v21 =	vmul.f32 v23, v21;
	_ =	sdelay $0x1  }
0x208: {  	[tilespmem:s11+$0xBB70] =	vst v21  }
0x209: {  	v21 =	vld.idx.msk [tilespmem:v5+s19+$0x0], $0xffff;
	_ =	sdelay $0x5  }
0x20a: {  	v21 =	vmul.f32 v24, v21;
	_ =	sdelay $0x1  }
0x20b: {  	[tilespmem:s11+$0xBB90] =	vst v21  }
0x20c: {  	v21 =	vld.idx.msk [tilespmem:v6+s19+$0x0], $0xffff;
	_ =	sdelay $0x5  }
0x20d: {  	v21 =	vmul.f32 v25, v21;
	_ =	sdelay $0x1  }
0x20e: {  	[tilespmem:s11+$0xBBA0] =	vst v21  }
0x20f: {  	v21 =	vld.idx.msk [tilespmem:v7+s19+$0x0], $0xffff;
	_ =	sdelay $0x5  }
0x210: {  	v21 =	vmul.f32 v26, v21;
	_ =	sdelay $0x1  }
0x211: {  	[tilespmem:s11+$0xBBB0] =	vst v21  }
0x212: {  	v21 =	vld.idx.msk [tilespmem:v8+s19+$0x0], $0xffff;
	_ =	sdelay $0x5  }
0x213: {  	v21 =	vmul.f32 v27, v21;
	_ =	sdelay $0x1  }
0x214: {  	[tilespmem:s11+$0xBBC0] =	vst v21  }
0x215: {  	v21 =	vld.idx.msk [tilespmem:v9+s19+$0x0], $0xffff;
	_ =	sdelay $0x5  }
0x216: {  	v21 =	vmul.f32 v28, v21;
	_ =	sdelay $0x1  }
0x217: {  	[tilespmem:s11+$0xBBE0] =	vst v21  }
0x218: {  	v21 =	vld.idx.msk [tilespmem:v10+s19+$0x0], $0xffff;
	_ =	sdelay $0x5  }
0x219: {  	v21 =	vmul.f32 v29, v21;
	_ =	sdelay $0x1  }
0x21a: {  	[tilespmem:s11+$0xBBF0] =	vst v21  }
0x21b: {  	v21 =	vld.idx.msk [tilespmem:v11+s19+$0x0], $0xffff;
	_ =	sdelay $0x5  }
0x21c: {  	v21 =	vmul.f32 v30, v21;
	_ =	sdelay $0x1  }
0x21d: {  	[tilespmem:s11+$0xBC00] =	vst v21  }
0x21e: {  	v21 =	vld.idx.msk [tilespmem:v12+s19+$0x0], $0xffff;
	_ =	sdelay $0x5  }
0x21f: {  	v21 =	vmul.f32 v31, v21;
	_ =	sdelay $0x1  }
0x220: {  	[tilespmem:s11+$0xBC10] =	vst v21  }
0x221: {  	v21 =	vld.idx.msk [tilespmem:v13+s19+$0x0], $0xffff;
	_ =	sdelay $0x5  }
0x222: {  	v20 =	vmul.f32 v20, v21;
	_ =	sdelay $0x1  }
0x223: {  	[tilespmem:s11+$0xBC30] =	vst v20  }
0x224: {  	v20 =	vld.idx.msk [tilespmem:v14+s19+$0x0], $0xffff;
	_ =	sdelay $0x5  }
0x225: {  	v19 =	vmul.f32 v19, v20;
	_ =	sdelay $0x1  }
0x226: {  	[tilespmem:s11+$0xBC40] =	vst v19  }
0x227: {  	v19 =	vld.idx.msk [tilespmem:v15+s19+$0x0], $0xffff;
	_ =	sdelay $0x5  }
0x228: {  	v18 =	vmul.f32 v18, v19;
	_ =	sdelay $0x1  }
0x229: {  	[tilespmem:s11+$0xBC50] =	vst v18  }
0x22a: {  	v18 =	vld.idx.msk [tilespmem:v16+s19+$0x0], $0xffff;
	_ =	sdelay $0x1  }
.Ltmp2:
0x22b: {  	(pc) =	sbr.rel @p0 .LBB2_7-.Ltmp2, $2  }
0x22c: {  	_ =	sdelay $0x2  }
0x22d: {  	s31 =	smov.u32 s29;
	v17 =	vmul.f32 v17, v18  }
0x22e: {  	s24 =	sshra.s32 s24, $0x2  }
0x22f: {  	s3 =	sadd.s32 $0x40, s12;
	v18 =	vld [tilespmem:s24+$0x2B40];
	[tilespmem:s11+$0xBC60] =	vst v17  }
0x230: {  	v17 =	vld [tilespmem:s3+$0xFFFFFFE0];
	_ =	sdelay $0x4  }
0x231: {  	v17 =	vadd.f32 v17, v18;
	_ =	sdelay $0x1  }
0x232: {  	v18 =	vmul.f32 $2.000000030e-01, v17;
	_ =	sdelay $0x1  }
0x233: {  	v17 =	vmax.f32 v17, v18  }
0x234: {  	v17 =	vmul.f32 $1.442695020e+00, v17;
	_ =	sdelay $0x1  }
0x235: {  	(erf) = vpow2.f32 v17;
	_ =	sdelay $0x8  }
0x236: {  	v17 =	vpop (erf)  }
0x237: {  	[tilespmem:$0x9300] =	vst v17  }
0x238: {  	[tilespmem:s24+$0xBB80] =	vst v17;
	v17 =	vld [tilespmem:s24+$0x2B90]  }
0x239: {  	v18 =	vld [tilespmem:s3+$0xFFFFFFF0];
	_ =	sdelay $0x4  }
0x23a: {  	v17 =	vadd.f32 v18, v17;
	_ =	sdelay $0x1  }
0x23b: {  	v18 =	vmul.f32 $2.000000030e-01, v17;
	_ =	sdelay $0x1  }
0x23c: {  	v17 =	vmax.f32 v17, v18  }
0x23d: {  	v17 =	vmul.f32 $1.442695020e+00, v17;
	_ =	sdelay $0x1  }
0x23e: {  	(erf) = vpow2.f32 v17;
	_ =	sdelay $0x8  }
0x23f: {  	v17 =	vpop (erf)  }
0x240: {  	[tilespmem:$0x9310] =	vst v17  }
0x241: {  	[tilespmem:s24+$0xBBD0] =	vst v17;
	v17 =	vld [tilespmem:s24+$0x2BE0]  }
0x242: {  	v18 =	vld [tilespmem:s3+$0x0];
	_ =	sdelay $0x4  }
0x243: {  	v17 =	vadd.f32 v18, v17;
	_ =	sdelay $0x1  }
0x244: {  	v18 =	vmul.f32 $2.000000030e-01, v17;
	_ =	sdelay $0x1  }
0x245: {  	v17 =	vmax.f32 v17, v18  }
0x246: {  	v17 =	vmul.f32 $1.442695020e+00, v17;
	_ =	sdelay $0x1  }
0x247: {  	(erf) = vpow2.f32 v17;
	_ =	sdelay $0x8  }
0x248: {  	v17 =	vpop (erf)  }
0x249: {  	[tilespmem:$0x9320] =	vst v17  }
0x24a: {  	[tilespmem:s24+$0xBC20] =	vst v17;
	v17 =	vld [tilespmem:s24+$0x2C30]  }
0x24b: {  	v18 =	vld [tilespmem:s3+$0x10];
	_ =	sdelay $0x4  }
0x24c: {  	v17 =	vadd.f32 v18, v17;
	_ =	sdelay $0x1  }
0x24d: {  	v18 =	vmul.f32 $2.000000030e-01, v17;
	_ =	sdelay $0x1  }
0x24e: {  	v17 =	vmax.f32 v17, v18  }
0x24f: {  	v17 =	vmul.f32 $1.442695020e+00, v17;
	_ =	sdelay $0x1  }
0x250: {  	(erf) = vpow2.f32 v17;
	_ =	sdelay $0x8  }
0x251: {  	v17 =	vpop (erf)  }
0x252: {  	[tilespmem:$0x9330] =	vst v17  }
0x253: {  	[tilespmem:s24+$0xBC70] =	vst v17;
	v17 =	vld [tilespmem:s24+$0x2B00]  }
0x254: {  	v18 =	vld.idx.msk [tilespmem:v1+s19+$0x0], $0xffff;
	_ =	sdelay $0x4  }
0x255: {  	v17 =	vmul.f32 v17, v18;
	_ =	sdelay $0x1  }
0x256: {  	v18 =	vld [tilespmem:s24+$0x2B10];
	[tilespmem:s24+$0xBB40] =	vst v17  }
0x257: {  	v17 =	vld.idx.msk [tilespmem:v2+s19+$0x0], $0xffff;
	_ =	sdelay $0x4  }
0x258: {  	v17 =	vmul.f32 v18, v17;
	_ =	sdelay $0x1  }
0x259: {  	v18 =	vld [tilespmem:s24+$0x2B20];
	[tilespmem:s24+$0xBB50] =	vst v17  }
0x25a: {  	v17 =	vld.idx.msk [tilespmem:v3+s19+$0x0], $0xffff;
	_ =	sdelay $0x4  }
0x25b: {  	v17 =	vmul.f32 v18, v17;
	_ =	sdelay $0x1  }
0x25c: {  	v18 =	vld [tilespmem:s24+$0x2B30];
	[tilespmem:s24+$0xBB60] =	vst v17  }
0x25d: {  	v17 =	vld.idx.msk [tilespmem:v4+s19+$0x0], $0xffff;
	_ =	sdelay $0x4  }
0x25e: {  	v17 =	vmul.f32 v18, v17;
	_ =	sdelay $0x1  }
0x25f: {  	v18 =	vld [tilespmem:s24+$0x2B50];
	[tilespmem:s24+$0xBB70] =	vst v17  }
0x260: {  	v17 =	vld.idx.msk [tilespmem:v5+s19+$0x0], $0xffff;
	_ =	sdelay $0x4  }
0x261: {  	v17 =	vmul.f32 v18, v17;
	_ =	sdelay $0x1  }
0x262: {  	v18 =	vld [tilespmem:s24+$0x2B60];
	[tilespmem:s24+$0xBB90] =	vst v17  }
0x263: {  	v17 =	vld.idx.msk [tilespmem:v6+s19+$0x0], $0xffff;
	_ =	sdelay $0x4  }
0x264: {  	v17 =	vmul.f32 v18, v17;
	_ =	sdelay $0x1  }
0x265: {  	v18 =	vld [tilespmem:s24+$0x2B70];
	[tilespmem:s24+$0xBBA0] =	vst v17  }
0x266: {  	v17 =	vld.idx.msk [tilespmem:v7+s19+$0x0], $0xffff;
	_ =	sdelay $0x4  }
0x267: {  	v17 =	vmul.f32 v18, v17;
	_ =	sdelay $0x1  }
0x268: {  	v18 =	vld [tilespmem:s24+$0x2B80];
	[tilespmem:s24+$0xBBB0] =	vst v17  }
0x269: {  	v17 =	vld.idx.msk [tilespmem:v8+s19+$0x0], $0xffff;
	_ =	sdelay $0x4  }
0x26a: {  	v17 =	vmul.f32 v18, v17;
	_ =	sdelay $0x1  }
0x26b: {  	v18 =	vld [tilespmem:s24+$0x2BA0];
	[tilespmem:s24+$0xBBC0] =	vst v17  }
0x26c: {  	v17 =	vld.idx.msk [tilespmem:v9+s19+$0x0], $0xffff;
	_ =	sdelay $0x4  }
0x26d: {  	v17 =	vmul.f32 v18, v17;
	_ =	sdelay $0x1  }
0x26e: {  	v18 =	vld [tilespmem:s24+$0x2BB0];
	[tilespmem:s24+$0xBBE0] =	vst v17  }
0x26f: {  	v17 =	vld.idx.msk [tilespmem:v10+s19+$0x0], $0xffff;
	_ =	sdelay $0x4  }
0x270: {  	v17 =	vmul.f32 v18, v17;
	_ =	sdelay $0x1  }
0x271: {  	v18 =	vld [tilespmem:s24+$0x2BC0];
	[tilespmem:s24+$0xBBF0] =	vst v17  }
0x272: {  	v17 =	vld.idx.msk [tilespmem:v11+s19+$0x0], $0xffff;
	_ =	sdelay $0x4  }
0x273: {  	v17 =	vmul.f32 v18, v17;
	_ =	sdelay $0x1  }
0x274: {  	v18 =	vld [tilespmem:s24+$0x2BD0];
	[tilespmem:s24+$0xBC00] =	vst v17  }
0x275: {  	v17 =	vld.idx.msk [tilespmem:v12+s19+$0x0], $0xffff;
	_ =	sdelay $0x4  }
0x276: {  	v17 =	vmul.f32 v18, v17;
	_ =	sdelay $0x1  }
0x277: {  	v18 =	vld [tilespmem:s24+$0x2BF0];
	[tilespmem:s24+$0xBC10] =	vst v17  }
0x278: {  	v17 =	vld.idx.msk [tilespmem:v13+s19+$0x0], $0xffff;
	_ =	sdelay $0x4  }
0x279: {  	v17 =	vmul.f32 v18, v17;
	_ =	sdelay $0x1  }
0x27a: {  	v18 =	vld [tilespmem:s24+$0x2C00];
	[tilespmem:s24+$0xBC30] =	vst v17  }
0x27b: {  	v17 =	vld.idx.msk [tilespmem:v14+s19+$0x0], $0xffff;
	_ =	sdelay $0x4  }
0x27c: {  	v17 =	vmul.f32 v18, v17;
	_ =	sdelay $0x1  }
0x27d: {  	v18 =	vld [tilespmem:s24+$0x2C10];
	[tilespmem:s24+$0xBC40] =	vst v17  }
0x27e: {  	v17 =	vld.idx.msk [tilespmem:v15+s19+$0x0], $0xffff;
	_ =	sdelay $0x4  }
0x27f: {  	v17 =	vmul.f32 v18, v17;
	_ =	sdelay $0x1  }
0x280: {  	v18 =	vld [tilespmem:s24+$0x2C20];
	[tilespmem:s24+$0xBC50] =	vst v17  }
0x281: {  	v17 =	vld.idx.msk [tilespmem:v16+s19+$0x0], $0xffff;
	_ =	sdelay $0x4  }
0x282: {  	v17 =	vmul.f32 v18, v17  }
0x283: {  	p0 =	seq.s32 s9, $0x1A  }
0x284: {  	s3 =	sadd.s32 @!p0 s10, s15;
	[tilespmem:s24+$0xBC60] =	vst v17  }
0x285: {  	[spmem:s2] =	stream.indirect.scatter.add.f32 [tilespmem:s20], [sflag:$0x5], $0x50, s30, s18, $0xb8;
	[tilespmem:$0x1CEE0] =	vst v63  }
0x286: {  	s3 =	sshll.u32 @!p0 s3, $0x5;
	_ =	swait.ge [sflag:s21], $0x2800  }
0x287: {  	s3 =	sand.u32 @!p0 $0x1FFFFFE0, s3;
	[sflag:s21] =	ssyncset.done $0x0  }
0x288: {  	s10 =	simm.s32 @!p0 $0x0;
	s3 =	sadd.s32 @!p0 s5, s3;
	[sflag:s21] =	ssyncadd.s32 $0xFFFFD800  }
0x289: {  	[tilespmem:s10], [sflag:$0x7] =	stream.linear.gather @!p0 [hbm4b:s3+s10], $0x100, $0x38;
	[tilespmem:$0x1CEE0] =	vst v63  }
0x28a: {  	s3 =	simm.s32 @!p0 $0x7  }
0x28b: {  	_ =	swait.ge @!p0 [sflag:s3], $0x100  }
0x28c: {  	[sflag:s3] =	ssyncset.done @!p0 $0x0  }
0x28d: {  	s11 =	simm.s32 @!p0 $0x300;
	[sflag:s3] =	ssyncadd.s32 @!p0 $0xFFFFFF00;
	s3 =	simm.s32 @!p0 $0x80  }
0x28e: {  	[tilespmem:s11], [sflag:$0x1] =	stream.indirect.gather @!p0 [hbm4b:s6+s3], $0x50, s10, s3, $0xb8;
	[tilespmem:$0x1CEE0] =	vst v63  }
0x28f: {  	s10 =	simm.s32 @!p0 $0x7B00  }
0x290: {  	[tilespmem:s10], [sflag:$0x1] =	stream.indirect.gather @!p0 [hbm4b:s1+s3], $0x10, s3, s3, $0xb8;
	[tilespmem:$0x1CEE0] =	vst v63  }
0x291: {  	_ =	swait.ge [sflag:s22], $0x2800  }
0x292: {  	[sflag:s22] =	ssyncset.done $0x0  }
0x293: {  	[sflag:s22] =	ssyncadd.s32 $0xFFFFD800  }
0x294: {  	_ =	swait.ge [sflag:s22], $0x800  }
0x295: {  	[sflag:s22] =	ssyncset.done $0x0  }
0x296: {  	s10 =	simm.s32 $0x0;
	[sflag:s22] =	ssyncadd.s32 $0xFFFFF800  }
0x297: {  	s11 =	simm.s32 $0x8B20;
	v17 =	vld [tilespmem:s10+$0x5340]  }
0x298: {  	v18 =	vld [tilespmem:s11+$0xFFFFFFE0];
	_ =	sdelay $0x4  }
0x299: {  	v17 =	vadd.f32 v18, v17;
	_ =	sdelay $0x1  }
0x29a: {  	v18 =	vmul.f32 $2.000000030e-01, v17;
	_ =	sdelay $0x1  }
0x29b: {  	v17 =	vmax.f32 v17, v18  }
0x29c: {  	v17 =	vmul.f32 $1.442695020e+00, v17;
	_ =	sdelay $0x1  }
0x29d: {  	(erf) = vpow2.f32 v17;
	_ =	sdelay $0x8  }
0x29e: {  	v17 =	vpop (erf)  }
0x29f: {  	[tilespmem:$0x9300] =	vst v17  }
0x2a0: {  	[tilespmem:s10+$0xE380] =	vst v17;
	v17 =	vld [tilespmem:s10+$0x5390]  }
0x2a1: {  	v18 =	vld [tilespmem:s11+$0xFFFFFFF0];
	_ =	sdelay $0x4  }
0x2a2: {  	v17 =	vadd.f32 v18, v17;
	_ =	sdelay $0x1  }
0x2a3: {  	v18 =	vmul.f32 $2.000000030e-01, v17;
	_ =	sdelay $0x1  }
0x2a4: {  	v17 =	vmax.f32 v17, v18  }
0x2a5: {  	v17 =	vmul.f32 $1.442695020e+00, v17;
	_ =	sdelay $0x1  }
0x2a6: {  	(erf) = vpow2.f32 v17;
	_ =	sdelay $0x8  }
0x2a7: {  	v17 =	vpop (erf)  }
0x2a8: {  	[tilespmem:$0x9310] =	vst v17  }
0x2a9: {  	[tilespmem:s10+$0xE3D0] =	vst v17;
	v17 =	vld [tilespmem:s10+$0x53E0]  }
0x2aa: {  	v18 =	vld [tilespmem:s11+$0x0];
	_ =	sdelay $0x4  }
0x2ab: {  	v17 =	vadd.f32 v18, v17;
	_ =	sdelay $0x1  }
0x2ac: {  	v18 =	vmul.f32 $2.000000030e-01, v17;
	_ =	sdelay $0x1  }
0x2ad: {  	v17 =	vmax.f32 v17, v18  }
0x2ae: {  	v17 =	vmul.f32 $1.442695020e+00, v17;
	_ =	sdelay $0x1  }
0x2af: {  	(erf) = vpow2.f32 v17;
	_ =	sdelay $0x8  }
0x2b0: {  	v17 =	vpop (erf)  }
0x2b1: {  	[tilespmem:$0x9320] =	vst v17  }
0x2b2: {  	[tilespmem:s10+$0xE420] =	vst v17;
	v17 =	vld [tilespmem:s10+$0x5430]  }
0x2b3: {  	v18 =	vld [tilespmem:s11+$0x10];
	_ =	sdelay $0x4  }
0x2b4: {  	v17 =	vadd.f32 v18, v17;
	_ =	sdelay $0x1  }
0x2b5: {  	v18 =	vmul.f32 $2.000000030e-01, v17;
	_ =	sdelay $0x1  }
0x2b6: {  	v17 =	vmax.f32 v17, v18  }
0x2b7: {  	v17 =	vmul.f32 $1.442695020e+00, v17;
	_ =	sdelay $0x1  }
0x2b8: {  	(erf) = vpow2.f32 v17;
	_ =	sdelay $0x8  }
0x2b9: {  	v17 =	vpop (erf)  }
0x2ba: {  	[tilespmem:$0x9330] =	vst v17  }
0x2bb: {  	[tilespmem:s10+$0xE470] =	vst v17;
	v17 =	vld [tilespmem:s10+$0x5300]  }
0x2bc: {  	v18 =	vld.idx.msk [tilespmem:v1+s19+$0x0], $0xffff;
	_ =	sdelay $0x4  }
0x2bd: {  	v17 =	vmul.f32 v17, v18;
	_ =	sdelay $0x1  }
0x2be: {  	v19 =	vld [tilespmem:s10+$0x5310];
	[tilespmem:s10+$0xE340] =	vst v17  }
0x2bf: {  	v25 =	vld.idx.msk [tilespmem:v2+s19+$0x0], $0xffff;
	_ =	sdelay $0x4  }
0x2c0: {  	v19 =	vmul.f32 v19, v25;
	_ =	sdelay $0x1  }
0x2c1: {  	v20 =	vld [tilespmem:s10+$0x5320];
	[tilespmem:s10+$0xE350] =	vst v19  }
0x2c2: {  	v19 =	vld.idx.msk [tilespmem:v3+s19+$0x0], $0xffff;
	_ =	sdelay $0x4  }
0x2c3: {  	v19 =	vmul.f32 v20, v19;
	_ =	sdelay $0x1  }
0x2c4: {  	v21 =	vld [tilespmem:s10+$0x5330];
	[tilespmem:s10+$0xE360] =	vst v19  }
0x2c5: {  	v19 =	vld.idx.msk [tilespmem:v4+s19+$0x0], $0xffff;
	_ =	sdelay $0x4  }
0x2c6: {  	v19 =	vmul.f32 v21, v19;
	_ =	sdelay $0x1  }
0x2c7: {  	v22 =	vld [tilespmem:s10+$0x5350];
	[tilespmem:s10+$0xE370] =	vst v19  }
0x2c8: {  	v19 =	vld.idx.msk [tilespmem:v5+s19+$0x0], $0xffff;
	_ =	sdelay $0x4  }
0x2c9: {  	v19 =	vmul.f32 v22, v19;
	_ =	sdelay $0x1  }
0x2ca: {  	v23 =	vld [tilespmem:s10+$0x5360];
	[tilespmem:s10+$0xE390] =	vst v19  }
0x2cb: {  	v19 =	vld.idx.msk [tilespmem:v6+s19+$0x0], $0xffff;
	_ =	sdelay $0x4  }
0x2cc: {  	v19 =	vmul.f32 v23, v19;
	_ =	sdelay $0x1  }
0x2cd: {  	v18 =	vld [tilespmem:s10+$0x5370];
	[tilespmem:s10+$0xE3A0] =	vst v19  }
0x2ce: {  	v19 =	vld.idx.msk [tilespmem:v7+s19+$0x0], $0xffff;
	_ =	sdelay $0x4  }
0x2cf: {  	v18 =	vmul.f32 v18, v19;
	_ =	sdelay $0x1  }
0x2d0: {  	v24 =	vld [tilespmem:s10+$0x5380];
	[tilespmem:s10+$0xE3B0] =	vst v18  }
0x2d1: {  	v18 =	vld.idx.msk [tilespmem:v8+s19+$0x0], $0xffff;
	_ =	sdelay $0x4  }
0x2d2: {  	v18 =	vmul.f32 v24, v18;
	_ =	sdelay $0x1  }
0x2d3: {  	v17 =	vld [tilespmem:s10+$0x53A0];
	[tilespmem:s10+$0xE3C0] =	vst v18  }
0x2d4: {  	v18 =	vld.idx.msk [tilespmem:v9+s19+$0x0], $0xffff;
	_ =	sdelay $0x4  }
0x2d5: {  	v17 =	vmul.f32 v17, v18;
	_ =	sdelay $0x1  }
0x2d6: {  	v26 =	vld [tilespmem:s10+$0x53B0];
	[tilespmem:s10+$0xE3E0] =	vst v17  }
0x2d7: {  	v17 =	vld.idx.msk [tilespmem:v10+s19+$0x0], $0xffff;
	_ =	sdelay $0x4  }
0x2d8: {  	v17 =	vmul.f32 v26, v17;
	_ =	sdelay $0x1  }
0x2d9: {  	v27 =	vld [tilespmem:s10+$0x53C0];
	[tilespmem:s10+$0xE3F0] =	vst v17  }
0x2da: {  	v17 =	vld.idx.msk [tilespmem:v11+s19+$0x0], $0xffff;
	_ =	sdelay $0x4  }
0x2db: {  	v17 =	vmul.f32 v27, v17;
	_ =	sdelay $0x1  }
0x2dc: {  	v28 =	vld [tilespmem:s10+$0x53D0];
	[tilespmem:s10+$0xE400] =	vst v17  }
0x2dd: {  	v17 =	vld.idx.msk [tilespmem:v12+s19+$0x0], $0xffff;
	_ =	sdelay $0x4  }
0x2de: {  	v17 =	vmul.f32 v28, v17;
	_ =	sdelay $0x1  }
0x2df: {  	v29 =	vld [tilespmem:s10+$0x53F0];
	[tilespmem:s10+$0xE410] =	vst v17  }
0x2e0: {  	v17 =	vld.idx.msk [tilespmem:v13+s19+$0x0], $0xffff;
	_ =	sdelay $0x4  }
0x2e1: {  	v17 =	vmul.f32 v29, v17;
	_ =	sdelay $0x1  }
0x2e2: {  	v30 =	vld [tilespmem:s10+$0x5400];
	[tilespmem:s10+$0xE430] =	vst v17  }
0x2e3: {  	v17 =	vld.idx.msk [tilespmem:v14+s19+$0x0], $0xffff;
	_ =	sdelay $0x4  }
0x2e4: {  	v17 =	vmul.f32 v30, v17;
	_ =	sdelay $0x1  }
0x2e5: {  	v63 =	vld [tilespmem:s10+$0x5410];
	[tilespmem:s10+$0xE440] =	vst v17  }
0x2e6: {  	v17 =	vld.idx.msk [tilespmem:v15+s19+$0x0], $0xffff;
	_ =	sdelay $0x4  }
0x2e7: {  	v17 =	vmul.f32 v63, v17;
	_ =	sdelay $0x1  }
0x2e8: {  	v31 =	vld [tilespmem:s10+$0x5420];
	[tilespmem:s10+$0xE450] =	vst v17  }
0x2e9: {  	v17 =	vld.idx.msk [tilespmem:v16+s19+$0x0], $0xffff;
	_ =	sdelay $0x4  }
0x2ea: {  	s12 =	simm.s32 $0x500;
	s29 =	simm.s32 $0xA00;
	v17 =	vmul.f32 v31, v17  }
.LBB2_9:
0x2eb: {  	s3 =	sshra.s32 s12, $0x2  }
0x2ec: {  	s11 =	sadd.s32 $0x40, s11;
	s12 =	smov.u32 s29;
	s24 =	sadd.s32 $0x500, s29  }
0x2ed: {  	p0 =	sne.s32 s29, $0x9B00;
	v18 =	vld [tilespmem:s3+$0x5340];
	[tilespmem:s10+$0xE460] =	vst v17;
	s10 =	smov.u32 s3  }
0x2ee: {  	v17 =	vld [tilespmem:s11+$0xFFFFFFE0];
	_ =	sdelay $0x4  }
0x2ef: {  	v17 =	vadd.f32 v17, v18;
	_ =	sdelay $0x1  }
0x2f0: {  	v18 =	vmul.f32 $2.000000030e-01, v17;
	_ =	sdelay $0x1  }
0x2f1: {  	v17 =	vmax.f32 v17, v18  }
0x2f2: {  	v17 =	vmul.f32 $1.442695020e+00, v17;
	_ =	sdelay $0x1  }
0x2f3: {  	(erf) = vpow2.f32 v17;
	_ =	sdelay $0x8  }
0x2f4: {  	v17 =	vpop (erf)  }
0x2f5: {  	[tilespmem:$0x9300] =	vst v17  }
0x2f6: {  	[tilespmem:s10+$0xE380] =	vst v17;
	v17 =	vld [tilespmem:s10+$0x5390]  }
0x2f7: {  	v18 =	vld [tilespmem:s11+$0xFFFFFFF0];
	_ =	sdelay $0x4  }
0x2f8: {  	v17 =	vadd.f32 v18, v17;
	_ =	sdelay $0x1  }
0x2f9: {  	v18 =	vmul.f32 $2.000000030e-01, v17;
	_ =	sdelay $0x1  }
0x2fa: {  	v17 =	vmax.f32 v17, v18  }
0x2fb: {  	v17 =	vmul.f32 $1.442695020e+00, v17;
	_ =	sdelay $0x1  }
0x2fc: {  	(erf) = vpow2.f32 v17;
	_ =	sdelay $0x8  }
0x2fd: {  	v17 =	vpop (erf)  }
0x2fe: {  	[tilespmem:$0x9310] =	vst v17  }
0x2ff: {  	[tilespmem:s10+$0xE3D0] =	vst v17;
	v17 =	vld [tilespmem:s10+$0x53E0]  }
0x300: {  	v18 =	vld [tilespmem:s11+$0x0];
	_ =	sdelay $0x4  }
0x301: {  	v17 =	vadd.f32 v18, v17;
	_ =	sdelay $0x1  }
0x302: {  	v18 =	vmul.f32 $2.000000030e-01, v17;
	_ =	sdelay $0x1  }
0x303: {  	v17 =	vmax.f32 v17, v18  }
0x304: {  	v17 =	vmul.f32 $1.442695020e+00, v17;
	_ =	sdelay $0x1  }
0x305: {  	(erf) = vpow2.f32 v17;
	_ =	sdelay $0x8  }
0x306: {  	v17 =	vpop (erf)  }
0x307: {  	[tilespmem:$0x9320] =	vst v17  }
0x308: {  	[tilespmem:s10+$0xE420] =	vst v17;
	v17 =	vld [tilespmem:s10+$0x5430]  }
0x309: {  	v18 =	vld [tilespmem:s11+$0x10];
	_ =	sdelay $0x4  }
0x30a: {  	v17 =	vadd.f32 v18, v17;
	_ =	sdelay $0x1  }
0x30b: {  	v18 =	vmul.f32 $2.000000030e-01, v17;
	_ =	sdelay $0x1  }
0x30c: {  	v17 =	vmax.f32 v17, v18  }
0x30d: {  	v17 =	vmul.f32 $1.442695020e+00, v17;
	_ =	sdelay $0x1  }
0x30e: {  	(erf) = vpow2.f32 v17;
	_ =	sdelay $0x8  }
0x30f: {  	v17 =	vpop (erf)  }
0x310: {  	[tilespmem:$0x9330] =	vst v17  }
0x311: {  	[tilespmem:s10+$0xE470] =	vst v17;
	v17 =	vld [tilespmem:s10+$0x5300]  }
0x312: {  	v18 =	vld.idx.msk [tilespmem:v1+s19+$0x0], $0xffff  }
0x313: {  	v21 =	vld [tilespmem:s10+$0x5310]  }
0x314: {  	v22 =	vld [tilespmem:s10+$0x5320]  }
0x315: {  	v23 =	vld [tilespmem:s10+$0x5330]  }
0x316: {  	v24 =	vld [tilespmem:s10+$0x5350]  }
0x317: {  	v25 =	vld [tilespmem:s10+$0x5360]  }
0x318: {  	v17 =	vmul.f32 v17, v18;
	v26 =	vld [tilespmem:s10+$0x5370]  }
0x319: {  	v27 =	vld [tilespmem:s10+$0x5380]  }
0x31a: {  	[tilespmem:s10+$0xE340] =	vst v17;
	v28 =	vld [tilespmem:s10+$0x53A0]  }
0x31b: {  	v17 =	vld.idx.msk [tilespmem:v2+s19+$0x0], $0xffff  }
0x31c: {  	v29 =	vld [tilespmem:s10+$0x53B0]  }
0x31d: {  	v30 =	vld [tilespmem:s10+$0x53C0]  }
0x31e: {  	v31 =	vld [tilespmem:s10+$0x53D0]  }
0x31f: {  	v20 =	vld [tilespmem:s10+$0x53F0]  }
0x320: {  	v19 =	vld [tilespmem:s10+$0x5400]  }
0x321: {  	v21 =	vmul.f32 v21, v17;
	v18 =	vld [tilespmem:s10+$0x5410]  }
0x322: {  	v17 =	vld [tilespmem:s10+$0x5420]  }
0x323: {  	[tilespmem:s10+$0xE350] =	vst v21  }
0x324: {  	v21 =	vld.idx.msk [tilespmem:v3+s19+$0x0], $0xffff;
	_ =	sdelay $0x5  }
0x325: {  	v21 =	vmul.f32 v22, v21;
	_ =	sdelay $0x1  }
0x326: {  	[tilespmem:s10+$0xE360] =	vst v21  }
0x327: {  	v21 =	vld.idx.msk [tilespmem:v4+s19+$0x0], $0xffff;
	_ =	sdelay $0x5  }
0x328: {  	v21 =	vmul.f32 v23, v21;
	_ =	sdelay $0x1  }
0x329: {  	[tilespmem:s10+$0xE370] =	vst v21  }
0x32a: {  	v21 =	vld.idx.msk [tilespmem:v5+s19+$0x0], $0xffff;
	_ =	sdelay $0x5  }
0x32b: {  	v21 =	vmul.f32 v24, v21;
	_ =	sdelay $0x1  }
0x32c: {  	[tilespmem:s10+$0xE390] =	vst v21  }
0x32d: {  	v21 =	vld.idx.msk [tilespmem:v6+s19+$0x0], $0xffff;
	_ =	sdelay $0x5  }
0x32e: {  	v21 =	vmul.f32 v25, v21;
	_ =	sdelay $0x1  }
0x32f: {  	[tilespmem:s10+$0xE3A0] =	vst v21  }
0x330: {  	v21 =	vld.idx.msk [tilespmem:v7+s19+$0x0], $0xffff;
	_ =	sdelay $0x5  }
0x331: {  	v21 =	vmul.f32 v26, v21;
	_ =	sdelay $0x1  }
0x332: {  	[tilespmem:s10+$0xE3B0] =	vst v21  }
0x333: {  	v21 =	vld.idx.msk [tilespmem:v8+s19+$0x0], $0xffff;
	_ =	sdelay $0x5  }
0x334: {  	v21 =	vmul.f32 v27, v21;
	_ =	sdelay $0x1  }
0x335: {  	[tilespmem:s10+$0xE3C0] =	vst v21  }
0x336: {  	v21 =	vld.idx.msk [tilespmem:v9+s19+$0x0], $0xffff;
	_ =	sdelay $0x5  }
0x337: {  	v21 =	vmul.f32 v28, v21;
	_ =	sdelay $0x1  }
0x338: {  	[tilespmem:s10+$0xE3E0] =	vst v21  }
0x339: {  	v21 =	vld.idx.msk [tilespmem:v10+s19+$0x0], $0xffff;
	_ =	sdelay $0x5  }
0x33a: {  	v21 =	vmul.f32 v29, v21;
	_ =	sdelay $0x1  }
0x33b: {  	[tilespmem:s10+$0xE3F0] =	vst v21  }
0x33c: {  	v21 =	vld.idx.msk [tilespmem:v11+s19+$0x0], $0xffff;
	_ =	sdelay $0x5  }
0x33d: {  	v21 =	vmul.f32 v30, v21;
	_ =	sdelay $0x1  }
0x33e: {  	[tilespmem:s10+$0xE400] =	vst v21  }
0x33f: {  	v21 =	vld.idx.msk [tilespmem:v12+s19+$0x0], $0xffff;
	_ =	sdelay $0x5  }
0x340: {  	v21 =	vmul.f32 v31, v21;
	_ =	sdelay $0x1  }
0x341: {  	[tilespmem:s10+$0xE410] =	vst v21  }
0x342: {  	v21 =	vld.idx.msk [tilespmem:v13+s19+$0x0], $0xffff;
	_ =	sdelay $0x5  }
0x343: {  	v20 =	vmul.f32 v20, v21;
	_ =	sdelay $0x1  }
0x344: {  	[tilespmem:s10+$0xE430] =	vst v20  }
0x345: {  	v20 =	vld.idx.msk [tilespmem:v14+s19+$0x0], $0xffff;
	_ =	sdelay $0x5  }
0x346: {  	v19 =	vmul.f32 v19, v20;
	_ =	sdelay $0x1  }
0x347: {  	[tilespmem:s10+$0xE440] =	vst v19  }
0x348: {  	v19 =	vld.idx.msk [tilespmem:v15+s19+$0x0], $0xffff;
	_ =	sdelay $0x5  }
0x349: {  	v18 =	vmul.f32 v18, v19;
	_ =	sdelay $0x1  }
0x34a: {  	[tilespmem:s10+$0xE450] =	vst v18  }
0x34b: {  	v18 =	vld.idx.msk [tilespmem:v16+s19+$0x0], $0xffff;
	_ =	sdelay $0x1  }
.Ltmp3:
0x34c: {  	(pc) =	sbr.rel @p0 .LBB2_9-.Ltmp3, $2  }
0x34d: {  	_ =	sdelay $0x2  }
0x34e: {  	s29 =	smov.u32 s24;
	v17 =	vmul.f32 v17, v18  }
0x34f: {  	s12 =	sshra.s32 s12, $0x2  }
0x350: {  	s3 =	sadd.s32 $0x40, s11;
	v18 =	vld [tilespmem:s12+$0x5340];
	[tilespmem:s10+$0xE460] =	vst v17  }
0x351: {  	v17 =	vld [tilespmem:s3+$0xFFFFFFE0];
	_ =	sdelay $0x4  }
0x352: {  	v17 =	vadd.f32 v17, v18;
	_ =	sdelay $0x1  }
0x353: {  	v18 =	vmul.f32 $2.000000030e-01, v17;
	_ =	sdelay $0x1  }
0x354: {  	v17 =	vmax.f32 v17, v18  }
0x355: {  	v17 =	vmul.f32 $1.442695020e+00, v17;
	_ =	sdelay $0x1  }
0x356: {  	(erf) = vpow2.f32 v17;
	_ =	sdelay $0x8  }
0x357: {  	v17 =	vpop (erf)  }
0x358: {  	[tilespmem:$0x9300] =	vst v17  }
0x359: {  	[tilespmem:s12+$0xE380] =	vst v17;
	v17 =	vld [tilespmem:s12+$0x5390]  }
0x35a: {  	v18 =	vld [tilespmem:s3+$0xFFFFFFF0];
	_ =	sdelay $0x4  }
0x35b: {  	v17 =	vadd.f32 v18, v17;
	_ =	sdelay $0x1  }
0x35c: {  	v18 =	vmul.f32 $2.000000030e-01, v17;
	_ =	sdelay $0x1  }
0x35d: {  	v17 =	vmax.f32 v17, v18  }
0x35e: {  	v17 =	vmul.f32 $1.442695020e+00, v17;
	_ =	sdelay $0x1  }
0x35f: {  	(erf) = vpow2.f32 v17;
	_ =	sdelay $0x8  }
0x360: {  	v17 =	vpop (erf)  }
0x361: {  	[tilespmem:$0x9310] =	vst v17  }
0x362: {  	[tilespmem:s12+$0xE3D0] =	vst v17;
	v17 =	vld [tilespmem:s12+$0x53E0]  }
0x363: {  	v18 =	vld [tilespmem:s3+$0x0];
	_ =	sdelay $0x4  }
0x364: {  	v17 =	vadd.f32 v18, v17;
	_ =	sdelay $0x1  }
0x365: {  	v18 =	vmul.f32 $2.000000030e-01, v17;
	_ =	sdelay $0x1  }
0x366: {  	v17 =	vmax.f32 v17, v18  }
0x367: {  	v17 =	vmul.f32 $1.442695020e+00, v17;
	_ =	sdelay $0x1  }
0x368: {  	(erf) = vpow2.f32 v17;
	_ =	sdelay $0x8  }
0x369: {  	v17 =	vpop (erf)  }
0x36a: {  	[tilespmem:$0x9320] =	vst v17  }
0x36b: {  	[tilespmem:s12+$0xE420] =	vst v17;
	v17 =	vld [tilespmem:s12+$0x5430]  }
0x36c: {  	v18 =	vld [tilespmem:s3+$0x10];
	_ =	sdelay $0x4  }
0x36d: {  	v17 =	vadd.f32 v18, v17;
	_ =	sdelay $0x1  }
0x36e: {  	v18 =	vmul.f32 $2.000000030e-01, v17;
	_ =	sdelay $0x1  }
0x36f: {  	v17 =	vmax.f32 v17, v18  }
0x370: {  	v17 =	vmul.f32 $1.442695020e+00, v17;
	_ =	sdelay $0x1  }
0x371: {  	(erf) = vpow2.f32 v17;
	_ =	sdelay $0x8  }
0x372: {  	v17 =	vpop (erf)  }
0x373: {  	[tilespmem:$0x9330] =	vst v17  }
0x374: {  	[tilespmem:s12+$0xE470] =	vst v17;
	v17 =	vld [tilespmem:s12+$0x5300]  }
0x375: {  	v18 =	vld.idx.msk [tilespmem:v1+s19+$0x0], $0xffff;
	_ =	sdelay $0x4  }
0x376: {  	v17 =	vmul.f32 v17, v18;
	_ =	sdelay $0x1  }
0x377: {  	v18 =	vld [tilespmem:s12+$0x5310];
	[tilespmem:s12+$0xE340] =	vst v17  }
0x378: {  	v17 =	vld.idx.msk [tilespmem:v2+s19+$0x0], $0xffff;
	_ =	sdelay $0x4  }
0x379: {  	v17 =	vmul.f32 v18, v17;
	_ =	sdelay $0x1  }
0x37a: {  	v18 =	vld [tilespmem:s12+$0x5320];
	[tilespmem:s12+$0xE350] =	vst v17  }
0x37b: {  	v17 =	vld.idx.msk [tilespmem:v3+s19+$0x0], $0xffff;
	_ =	sdelay $0x4  }
0x37c: {  	v17 =	vmul.f32 v18, v17;
	_ =	sdelay $0x1  }
0x37d: {  	v18 =	vld [tilespmem:s12+$0x5330];
	[tilespmem:s12+$0xE360] =	vst v17  }
0x37e: {  	v17 =	vld.idx.msk [tilespmem:v4+s19+$0x0], $0xffff;
	_ =	sdelay $0x4  }
0x37f: {  	v17 =	vmul.f32 v18, v17;
	_ =	sdelay $0x1  }
0x380: {  	v18 =	vld [tilespmem:s12+$0x5350];
	[tilespmem:s12+$0xE370] =	vst v17  }
0x381: {  	v17 =	vld.idx.msk [tilespmem:v5+s19+$0x0], $0xffff;
	_ =	sdelay $0x4  }
0x382: {  	v17 =	vmul.f32 v18, v17;
	_ =	sdelay $0x1  }
0x383: {  	v18 =	vld [tilespmem:s12+$0x5360];
	[tilespmem:s12+$0xE390] =	vst v17  }
0x384: {  	v17 =	vld.idx.msk [tilespmem:v6+s19+$0x0], $0xffff;
	_ =	sdelay $0x4  }
0x385: {  	v17 =	vmul.f32 v18, v17;
	_ =	sdelay $0x1  }
0x386: {  	v18 =	vld [tilespmem:s12+$0x5370];
	[tilespmem:s12+$0xE3A0] =	vst v17  }
0x387: {  	v17 =	vld.idx.msk [tilespmem:v7+s19+$0x0], $0xffff;
	_ =	sdelay $0x4  }
0x388: {  	v17 =	vmul.f32 v18, v17;
	_ =	sdelay $0x1  }
0x389: {  	v18 =	vld [tilespmem:s12+$0x5380];
	[tilespmem:s12+$0xE3B0] =	vst v17  }
0x38a: {  	v17 =	vld.idx.msk [tilespmem:v8+s19+$0x0], $0xffff;
	_ =	sdelay $0x4  }
0x38b: {  	v17 =	vmul.f32 v18, v17;
	_ =	sdelay $0x1  }
0x38c: {  	v18 =	vld [tilespmem:s12+$0x53A0];
	[tilespmem:s12+$0xE3C0] =	vst v17  }
0x38d: {  	v17 =	vld.idx.msk [tilespmem:v9+s19+$0x0], $0xffff;
	_ =	sdelay $0x4  }
0x38e: {  	v17 =	vmul.f32 v18, v17;
	_ =	sdelay $0x1  }
0x38f: {  	v18 =	vld [tilespmem:s12+$0x53B0];
	[tilespmem:s12+$0xE3E0] =	vst v17  }
0x390: {  	v17 =	vld.idx.msk [tilespmem:v10+s19+$0x0], $0xffff;
	_ =	sdelay $0x4  }
0x391: {  	v17 =	vmul.f32 v18, v17;
	_ =	sdelay $0x1  }
0x392: {  	v18 =	vld [tilespmem:s12+$0x53C0];
	[tilespmem:s12+$0xE3F0] =	vst v17  }
0x393: {  	v17 =	vld.idx.msk [tilespmem:v11+s19+$0x0], $0xffff;
	_ =	sdelay $0x4  }
0x394: {  	v17 =	vmul.f32 v18, v17;
	_ =	sdelay $0x1  }
0x395: {  	v18 =	vld [tilespmem:s12+$0x53D0];
	[tilespmem:s12+$0xE400] =	vst v17  }
0x396: {  	v17 =	vld.idx.msk [tilespmem:v12+s19+$0x0], $0xffff;
	_ =	sdelay $0x4  }
0x397: {  	v17 =	vmul.f32 v18, v17;
	_ =	sdelay $0x1  }
0x398: {  	v18 =	vld [tilespmem:s12+$0x53F0];
	[tilespmem:s12+$0xE410] =	vst v17  }
0x399: {  	v17 =	vld.idx.msk [tilespmem:v13+s19+$0x0], $0xffff;
	_ =	sdelay $0x4  }
0x39a: {  	v17 =	vmul.f32 v18, v17;
	_ =	sdelay $0x1  }
0x39b: {  	v18 =	vld [tilespmem:s12+$0x5400];
	[tilespmem:s12+$0xE430] =	vst v17  }
0x39c: {  	v17 =	vld.idx.msk [tilespmem:v14+s19+$0x0], $0xffff;
	_ =	sdelay $0x4  }
0x39d: {  	v17 =	vmul.f32 v18, v17;
	_ =	sdelay $0x1  }
0x39e: {  	v18 =	vld [tilespmem:s12+$0x5410];
	[tilespmem:s12+$0xE440] =	vst v17  }
0x39f: {  	v17 =	vld.idx.msk [tilespmem:v15+s19+$0x0], $0xffff;
	_ =	sdelay $0x4  }
0x3a0: {  	v17 =	vmul.f32 v18, v17;
	_ =	sdelay $0x1  }
0x3a1: {  	v18 =	vld [tilespmem:s12+$0x5420];
	[tilespmem:s12+$0xE450] =	vst v17  }
0x3a2: {  	v17 =	vld.idx.msk [tilespmem:v16+s19+$0x0], $0xffff;
	_ =	sdelay $0x1  }
0x3a3: {  	s9 =	sadd.s32 $0x1, s9  }
0x3a4: {  	p0 =	sne.s32 s9, $0x1B  }
.Ltmp4:
0x3a5: {  	_ = 	snop;
	(pc) =	sbr.rel @p0 .LBB2_4-.Ltmp4, $3  }
0x3a6: {  	v17 =	vmul.f32 v18, v17;
	_ =	sdelay $0x1  }
0x3a7: {  	[tilespmem:s12+$0xE460] =	vst v17  }
0x3a8: {  	[spmem:s2] =	stream.indirect.scatter.add.f32 [tilespmem:s23], [sflag:$0x6], $0x50, s4, s18, $0xb8;
	[tilespmem:$0x1CEE0] =	vst v63  }
0x3a9: {  	s3 =	simm.s32 $0x5  }
0x3aa: {  	_ =	swait.ge [sflag:s3], $0x2800  }
0x3ab: {  	[sflag:s3] =	ssyncset.done $0x0  }
0x3ac: {  	s9 =	simm.s32 $0x6;
	[sflag:s3] =	ssyncadd.s32 $0xFFFFD800  }
0x3ad: {  	_ =	swait.ge [sflag:s9], $0x2800  }
0x3ae: {  	[sflag:s9] =	ssyncset.done $0x0  }
0x3af: {  	[sflag:s9] =	ssyncadd.s32 $0xFFFFD800  }
0x3b0: {  	s10 =	stileid.u32;
	[bflag:$0x0] =	sbarrier.arrive $0xFFFF  }
0x3b1: {  	s3 =	sshll.u32 s10, $0x6;
	s12 =	rddreg [dreg:$0x5]  }
0x3b2: {  	s3 =	sor.u32 $0x1C07, s3;
	s9 =	rddreg [dreg:$0xb];
	s8 =	sshrl.u32 s12, $0x3  }
0x3b3: {  	[hbm:s9], [sflag:s3] =	dma.local [spmem:s8], $0x500  }
0x3b4: {  	_ =	swait.ge [sflag:s17], $0x500  }
0x3b5: {  	[sflag:s17] =	ssyncset.done $0x0;
	s24 =	rddreg [dreg:$0x6]  }
0x3b6: {  	s31 =	rddreg [dreg:$0xc];
	[sflag:s17] =	ssyncadd.s32 $0xFFFFFB00;
	s11 =	sshrl.u32 s24, $0x3  }
0x3b7: {  	[hbm:s31], [sflag:s3] =	dma.local [spmem:s11], $0x500  }
0x3b8: {  	_ =	swait.ge [sflag:s17], $0x500  }
0x3b9: {  	[sflag:s17] =	ssyncset.done $0x0;
	s29 =	rddreg [dreg:$0x7]  }
0x3ba: {  	s10 =	rddreg [dreg:$0xd];
	[sflag:s17] =	ssyncadd.s32 $0xFFFFFB00;
	s9 =	sshrl.u32 s29, $0x3  }
0x3bb: {  	[hbm:s10], [sflag:s3] =	dma.local [spmem:s9], $0x500  }
0x3bc: {  	_ =	swait.ge [sflag:s17], $0x500  }
0x3bd: {  	[sflag:s17] =	ssyncset.done $0x0;
	s11 =	rddreg [dreg:$0x8]  }
0x3be: {  	s31 =	rddreg [dreg:$0xe];
	[sflag:s17] =	ssyncadd.s32 $0xFFFFFB00;
	s8 =	sshrl.u32 s11, $0x3  }
0x3bf: {  	[hbm:s31], [sflag:s3] =	dma.local [spmem:s8], $0x500  }
0x3c0: {  	_ =	swait.ge [sflag:s17], $0x500  }
0x3c1: {  	[sflag:s17] =	ssyncset.done $0x0;
	s9 =	rddreg [dreg:$0x9]  }
0x3c2: {  	s10 =	rddreg [dreg:$0xf];
	[sflag:s17] =	ssyncadd.s32 $0xFFFFFB00;
	s8 =	sshrl.u32 s9, $0x3  }
0x3c3: {  	[hbm:s10], [sflag:s3] =	dma.local [spmem:s8], $0x474  }
0x3c4: {  	_ =	swait.ge [sflag:s17], $0x474  }
0x3c5: {  	s11 =	rddreg [dreg:$0x10]  }
0x3c6: {  	s31 =	rddreg [dreg:$0xa];
	s8 =	sadd.s32 $0x1, s11  }
0x3c7: {  	p0 =	sne.s32 s8, s31  }
.Ltmp5:
0x3c8: {  	_ = 	snop;
	(pc) =	sbr.rel @p0 .LBB2_1-.Ltmp5, $3  }
0x3c9: {  	_ =	sdelay $0x1  }
0x3ca: {  	[sflag:s17] =	ssyncset.done $0x0  }
0x3cb: {  	[sflag:s17] =	ssyncadd.s32 $0xFFFFFB8C  }
0x3cc: {  	_ =	sfence.sel $0x180000  }
0x3cd: {  	[bflag:$0x0] =	sbarrier.arrive $0xFFFF  }
0x3ce: {  	_ =	strace $0x90000047  }
0x3cf: {  	s0 =	stileid.u32;
	[bflag:$0x2] =	sbarrier.arrive $0xFFFF  }
0x3d0: {  	p0 =	sne.s32 s0, $0x0;
	s0 =	rddreg [dreg:$0x3]  }
0x3d1: {  	s0 =	sadd.s32 @!p0 $0x100000, s0  }
0x3d2: {  	[sflag:s0] =	ssyncadd.tile.s32 @!p0 $0x1;
	_ =	shalt  }
.Lfunc_end2:
_tile_overlayer_lowered:
.L_overlay_start_2:
0x3d3: {  	(tag) =	ssettag $0x2  }
0x3d4: {  	s0 =	rddreg [dreg:$0x0];
	s2 =	stileid.u32  }
0x3d5: {  	s1 =	rddreg [dreg:$0x1];
	p0 =	sne.s32 s2, $0x0  }
0x3d6: {  	s3 =	rddreg [dreg:$0x2];
	[bflag:$0x3] =	sbarrier.arrive $0xFFFF;
	s2 =	simm.s32 @!p0 $0x1C07  }
0x3d7: {  	[timem:s3], [sflag:s2] =	dma.local @!p0 [hbm:s0], s1  }
0x3d8: {  	s0 =	simm.s32 @!p0 $0x7  }
0x3d9: {  	_ =	swait.ge @!p0 [sflag:s0], s1  }
0x3da: {  	s1 =	ssub.s32 @!p0 $0x0, s1;
	[sflag:s0] =	ssyncset.done @!p0 $0x0  }
0x3db: {  	[sflag:s0] =	ssyncadd.s32 @!p0 s1  }
0x3dc: {  	[bflag:$0x3] =	sbarrier.arrive $0xFFFF  }
0x3dd: {  	_ =	shalt  }

</sc_bundles>
